<compile_context>
chip_gen: v7x
topology: tpu7x:2x2x1
jax: 0.10.2.dev20260603
libtpu: 0.0.44.dev20260713+nightly
codegen_flags: <defaults>
</compile_context>

<pallas_src>
import functools

import jax
import jax.numpy as jnp
from jax import lax
from jax.experimental import pallas as pl
from jax.experimental.pallas import tpu as pltpu
from jax.experimental.pallas import tpu_sc as plsc

_NQ = 8


def _sc_gather_head_bf16(confidence, index, head=896):
    b = index.shape[0]
    half = 512
    info = plsc.get_sparse_core_info()
    nw = info.num_cores * info.num_subcores
    b_per_w = b // nw
    lanes = info.num_lanes
    mesh = plsc.VectorSubcoreMesh(core_axis_name="c", subcore_axis_name="s")
    chunk = 32
    n_chunks = b_per_w // chunk

    @functools.partial(
        pl.kernel,
        mesh=mesh,
        out_type=jax.ShapeDtypeStruct((b, half), jnp.int32),
        scratch_types=[
            pltpu.VMEM((b_per_w,), jnp.int32),
            pltpu.VMEM((chunk, head), jnp.float32),
            pltpu.VMEM((chunk, head), jnp.float32),
            pltpu.VMEM((chunk, half), jnp.int32),
            pltpu.VMEM((chunk, half), jnp.int32),
            pltpu.SemaphoreType.DMA,
            pltpu.SemaphoreType.DMA,
        ],
        compiler_params=pltpu.CompilerParams(needs_layout_passes=False),
    )
    def gather_kernel(table_hbm, idx_hbm, out_hbm, idx_v, rows_a, rows_b,
                      pk_a, pk_b, sem_a, sem_b):
        wid = lax.axis_index("s") * info.num_cores + lax.axis_index("c")
        base = wid * b_per_w
        pltpu.sync_copy(idx_hbm.at[pl.ds(base, b_per_w)], idx_v)
        bufs = [(rows_a, pk_a, sem_a), (rows_b, pk_b, sem_b)]

        def start(ci):
            rows, _, sem = bufs[ci % 2]
            idxc = idx_v.at[pl.ds(ci * chunk, chunk)]
            return pltpu.async_copy(
                table_hbm.at[idxc, pl.ds(0, head)], rows, sem)

        handles = [None] * n_chunks
        handles[0] = start(0)
        for ci in range(n_chunks):
            rows_v, pk_v, _ = bufs[ci % 2]
            handles[ci].wait()
            if ci + 1 < n_chunks:
                handles[ci + 1] = start(ci + 1)

            def row(r, _):
                for j in range(half // lanes):
                    lo_f = rows_v[r, pl.ds(j * lanes, lanes)]
                    if (j + 1) * lanes <= head - half:
                        hi_f = rows_v[r, pl.ds(half + j * lanes, lanes)]
                    else:
                        hi_f = jnp.zeros((lanes,), jnp.float32)
                    pk = plsc.pack(lo_f, hi_f,
                                   format=plsc.PackFormat.INTERLEAVED)
                    pk_v[r, pl.ds(j * lanes, lanes)] = plsc.bitcast(
                        pk, jnp.int32)
                return 0

            lax.fori_loop(0, chunk, row, 0)
            pltpu.sync_copy(
                pk_v, out_hbm.at[pl.ds(base + ci * chunk, chunk)])

    return gather_kernel(confidence, index)


def _loss_tail_body(idx_ref, ow_ref, os_ref, hd_ref, conf_ref, acc_ref,
                    tail, sem):
    i = pl.program_id(0)
    ngrid = pl.num_programs(0)
    block_rows = ow_ref.shape[0]
    c = ow_ref.shape[1]
    half = hd_ref.shape[1]
    head = 896
    tw = c - head

    def issue(step, slot):
        base = step * block_rows

        def one(j, _):
            jj = j * _NQ
            for k in range(_NQ):
                r = idx_ref[base + jj + k]
                pltpu.make_async_copy(
                    conf_ref.at[pl.ds(r, 1), pl.ds(head, tw)],
                    tail.at[slot, pl.ds(jj + k, 1), :],
                    sem.at[slot, k],
                ).start()
            return 0

        lax.fori_loop(0, block_rows // _NQ, one, 0)

    @pl.when(i == 0)
    def _():
        issue(0, 0)

    @pl.when(i + 1 < ngrid)
    def _():
        issue(i + 1, (i + 1) % 2)

    slot = i % 2
    for k in range(_NQ):
        pltpu.make_async_copy(
            conf_ref.at[pl.ds(0, block_rows // _NQ), pl.ds(head, tw)],
            tail.at[slot, pl.ds(0, block_rows // _NQ), :],
            sem.at[slot, k],
        ).wait()

    ow = ow_ref[...]
    osl = os_ref[...]
    pk = hd_ref[...]
    lo = lax.bitcast_convert_type(lax.shift_left(pk, 16), jnp.float32)
    hi = lax.bitcast_convert_type(
        jnp.bitwise_and(pk, jnp.int32(-65536)), jnp.float32)
    t = jnp.concatenate([lo, hi[:, :head - half], tail[slot]], axis=1)

    mw = jnp.max(ow, axis=1, keepdims=True)
    ew = jnp.exp(ow - mw)
    sw = jnp.sum(ew, axis=1, keepdims=True)
    lse_w = mw + jnp.log(sw)

    ms = jnp.max(osl, axis=1, keepdims=True)
    es = jnp.exp(osl - ms)
    ss = jnp.sum(es, axis=1, keepdims=True)
    lse_s = ms + jnp.log(ss)

    pos = t > 0.0
    safe_t = jnp.where(pos, t, 1.0)
    xlogy = t * jnp.log(safe_t)
    tsum = jnp.sum(t, axis=1, keepdims=True)

    part = (2.0 * jnp.sum(xlogy)
            - jnp.sum(t * ow) - jnp.sum(t * osl)
            + jnp.sum(tsum * (lse_w + lse_s)))

    @pl.when(i == 0)
    def _():
        acc_ref[0, 0] = 0.0

    acc_ref[0, 0] += part

    any_zero = jnp.sum((t == 0.0).astype(jnp.float32)) > 0.0

    @pl.when(any_zero)
    def _():
        pred_w = ew / sw
        pred_s = es / ss
        neg = (t == 0.0).astype(jnp.float32)
        sup = neg * (-jnp.log(jnp.abs(1.0 - pred_w) + 1e-9)
                     - jnp.log(jnp.abs(1.0 - pred_s) + 1e-9))
        acc_ref[0, 0] += jnp.sum(sup)


def _loss_tail_tc(output_w, output_s, head_tgt, confidence, index,
                  block_rows=512):
    b, c = output_w.shape
    half = head_tgt.shape[1]
    head = 896
    grid = b // block_rows
    grid_spec = pltpu.PrefetchScalarGridSpec(
        num_scalar_prefetch=1,
        grid=(grid,),
        in_specs=[
            pl.BlockSpec((block_rows, c), lambda i, idx: (i, 0)),
            pl.BlockSpec((block_rows, c), lambda i, idx: (i, 0)),
            pl.BlockSpec((block_rows, half), lambda i, idx: (i, 0)),
            pl.BlockSpec(memory_space=pl.ANY),
        ],
        out_specs=pl.BlockSpec((1, 1), lambda i, idx: (0, 0),
                               memory_space=pltpu.SMEM),
        scratch_shapes=[
            pltpu.VMEM((2, block_rows, c - head), jnp.float32),
            pltpu.SemaphoreType.DMA((2, _NQ)),
        ],
    )
    acc = pl.pallas_call(
        _loss_tail_body,
        grid_spec=grid_spec,
        out_shape=jax.ShapeDtypeStruct((1, 1), jnp.float32),
    )(index, output_w, output_s, head_tgt, confidence)
    return acc[0, 0] / b


def kernel(output_w, output_s, feat_w, feat_s, confidence, index):
    del feat_w, feat_s
    head_tgt = _sc_gather_head_bf16(confidence, index)
    return _loss_tail_tc(output_w, output_s, head_tgt, confidence, index)

# --- scband reference (transcript-rebuilt; emitter-appended) ---
"""Pipeline reference for scband-corr-loss-records-48146583388585 (READ-ONLY COPY).

The authoritative reference and input builder live on the scoring server;
editing this copy changes nothing except your own understanding.
"""

import jax, jax.numpy as jnp
import numpy as np

B, C, N, D = 4096, 1000, 50000, 2048
M_EMA = 0.9

def setup_inputs(seed: int = 0) -> dict:
    key = jax.random.key(seed)
    k1, k2, k3, k4, k5, k6 = jax.random.split(key, 6)
    output_w = jax.random.normal(k1, (B, C), dtype=jnp.float32)
    output_s = jax.random.normal(k2, (B, C), dtype=jnp.float32)
    feat_w = jax.random.normal(k3, (B, D), dtype=jnp.float32)
    feat_s = jax.random.normal(k4, (B, D), dtype=jnp.float32)
    index = jax.random.randint(k5, (B,), 0, N, dtype=jnp.int32)
    # confidence buffer sized per init_kwargs: [N, C], row-normalized soft labels
    conf = jax.random.uniform(k6, (N, C), dtype=jnp.float32)
    confidence = conf / jnp.sum(conf, axis=1, keepdims=True)
    return {"output_w": output_w, "output_s": output_s, "feat_w": feat_w,
            "feat_s": feat_s, "confidence": confidence, "index": index}

def _kl_div_batchmean(log_pred, target):
    # faithful to torch F.kl_div(log_pred, target, reduction='batchmean')
    # pointwise: xlogy(target, target) - target * log_pred
    safe_t = jnp.where(target > 0, target, 1.0)
    xlogy = jnp.where(target > 0, target * jnp.log(safe_t), 0.0)
    return jnp.sum(xlogy - target * log_pred) / log_pred.shape[0]

def reference(output_w, output_s, feat_w, feat_s, confidence, index):
    pred_s = jax.nn.softmax(output_s, axis=1)
    pred_w = jax.nn.softmax(output_w, axis=1)
    # memory-heavy gather from the dataset-sized confidence table
    target = jnp.take(confidence, index, axis=0)
    neg = (target == 0).astype(jnp.float32)
    sup_loss = neg * (-jnp.log(jnp.abs(1.0 - pred_w) + 1e-09)
                      - jnp.log(jnp.abs(1.0 - pred_s) + 1e-09))
    sup_loss1 = jnp.sum(sup_loss) / sup_loss.shape[0]
    con_loss = (_kl_div_batchmean(jax.nn.log_softmax(output_w, axis=1), target)
                + _kl_div_batchmean(jax.nn.log_softmax(output_s, axis=1), target))
    loss = sup_loss1 + con_loss
    # EMA feature-mean side effect (detached in torch; stateful buffer, no grad).
    # feat_mean is None initially -> (1 - m) * mean; computed for fidelity.
    _feat_mean = jax.lax.stop_gradient((1.0 - M_EMA) * jnp.mean((feat_w + feat_s) / 2.0, axis=0))
    return loss

if __name__ == "__main__":
    import jax
    _d = setup_inputs()
    print(jax.jit(kernel)(*tuple(_d.values())))

</pallas_src>

<mosaic_0001>
#map = affine_map<(d0, d1) -> (0, 0)>
#map1 = affine_map<(d0, d1) -> (0)>
module attributes {stable_mosaic.version = 14 : i64} {
  func.func @gather_kernel(%arg0: i32, %arg1: i32, %arg2: memref<50000x1000xf32, #tpu.memory_space<hbm>>, %arg3: memref<4096xi32, #tpu.memory_space<hbm>>, %arg4: memref<4096x512xi32, #tpu.memory_space<hbm>>, %arg5: memref<128xi32, #tpu.memory_space<vmem>>, %arg6: memref<32x896xf32, #tpu.memory_space<vmem>>, %arg7: memref<32x896xf32, #tpu.memory_space<vmem>>, %arg8: memref<32x512xi32, #tpu.memory_space<vmem>>, %arg9: memref<32x512xi32, #tpu.memory_space<vmem>>, %arg10: memref<!tpu.dma_semaphore, #tpu.memory_space<semaphore_mem>>, %arg11: memref<!tpu.dma_semaphore, #tpu.memory_space<semaphore_mem>>) attributes {dimension_semantics = [#tpu.dimension_semantics<core_parallel>, #tpu.dimension_semantics<subcore_parallel>], iteration_bounds = array<i64: 2, 16>, scalar_prefetch = 0 : i64, scratch_operands = 7 : i64, tpu.core_type = #tpu.core_type<sc_vector_subcore>, window_params = [{transform_indices = #map}, {transform_indices = #map1}, {transform_indices = #map}]} {
    %mul3A = arith.constant 2 : i32
    %mul3A_0 = arith.muli %arg1, %mul3A : i32
    %add3A = arith.addi %mul3A_0, %arg0 : i32
    %mul3A_1 = arith.constant 128 : i32
    %mul3A_2 = arith.muli %add3A, %mul3A_1 : i32
    "tpu.region"() ({
      %run_scoped3A = tpu.sem_alloc : memref<!tpu.dma_semaphore, #tpu.memory_space<semaphore_mem>>
      %dma_start3A_76 = tpu.memref_slice %arg3[%mul3A_2] : memref<4096xi32, #tpu.memory_space<hbm>> -> memref<128xi32, #tpu.memory_space<hbm>>
      %dma_start3A_77 = tpu.memref_slice %arg3[%mul3A_2] : memref<4096xi32, #tpu.memory_space<hbm>> -> memref<128xi32, #tpu.memory_space<hbm>>
      tpu.enqueue_dma source(%dma_start3A_77 : memref<128xi32, #tpu.memory_space<hbm>>) target(%arg5 : memref<128xi32, #tpu.memory_space<vmem>>) target_semaphore(%run_scoped3A : memref<!tpu.dma_semaphore, #tpu.memory_space<semaphore_mem>>)
      %dma_wait3A_78 = tpu.memref_slice %arg3[%mul3A_2] : memref<4096xi32, #tpu.memory_space<hbm>> -> memref<128xi32, #tpu.memory_space<hbm>>
      %dma_wait3A_79 = tpu.memref_slice %arg3[%mul3A_2] : memref<4096xi32, #tpu.memory_space<hbm>> -> memref<128xi32, #tpu.memory_space<hbm>>
      tpu.wait_dma2 semaphore(%run_scoped3A : memref<!tpu.dma_semaphore, #tpu.memory_space<semaphore_mem>>) src(%dma_wait3A_79 : memref<128xi32, #tpu.memory_space<hbm>>) dst(%arg5 : memref<128xi32, #tpu.memory_space<vmem>>)
      tpu.yield
    }) : () -> ()
    %dma_start3A = arith.constant 0 : i32
    %dma_start3A_3 = tpu.memref_slice %arg5[%dma_start3A] : memref<128xi32, #tpu.memory_space<vmem>> -> memref<32xi32, #tpu.memory_space<vmem>>
    %dma_start3A_4 = arith.constant 0 : i32
    %dma_start3A_5 = arith.constant 0 : i32
    %dma_start3A_6 = tpu.memref_slice %arg2[%dma_start3A_4, %dma_start3A_5] : memref<50000x1000xf32, #tpu.memory_space<hbm>> -> memref<50000x896xf32, #tpu.memory_space<hbm>>
    tpu.enqueue_indirect_dma source(%dma_start3A_6 : memref<50000x896xf32, #tpu.memory_space<hbm>>) target(%arg6 : memref<32x896xf32, #tpu.memory_space<vmem>>) offsets(%dma_start3A_3 : memref<32xi32, #tpu.memory_space<vmem>>) semaphore(%arg10 : memref<!tpu.dma_semaphore, #tpu.memory_space<semaphore_mem>>)
    %dma_wait3A = arith.constant 0 : i32
    %dma_wait3A_7 = tpu.memref_slice %arg5[%dma_wait3A] : memref<128xi32, #tpu.memory_space<vmem>> -> memref<32xi32, #tpu.memory_space<vmem>>
    %dma_wait3A_8 = arith.constant 0 : i32
    %dma_wait3A_9 = arith.constant 0 : i32
    %dma_wait3A_10 = tpu.memref_slice %arg2[%dma_wait3A_8, %dma_wait3A_9] : memref<50000x1000xf32, #tpu.memory_space<hbm>> -> memref<50000x896xf32, #tpu.memory_space<hbm>>
    tpu.wait_indirect_dma semaphore(%arg10 : memref<!tpu.dma_semaphore, #tpu.memory_space<semaphore_mem>>) src(%dma_wait3A_10 : memref<50000x896xf32, #tpu.memory_space<hbm>>) dst(%arg6 : memref<32x896xf32, #tpu.memory_space<vmem>>)
    %dma_start3A_11 = arith.constant 32 : i32
    %dma_start3A_12 = tpu.memref_slice %arg5[%dma_start3A_11] : memref<128xi32, #tpu.memory_space<vmem>> -> memref<32xi32, #tpu.memory_space<vmem>>
    %dma_start3A_13 = arith.constant 0 : i32
    %dma_start3A_14 = arith.constant 0 : i32
    %dma_start3A_15 = tpu.memref_slice %arg2[%dma_start3A_13, %dma_start3A_14] : memref<50000x1000xf32, #tpu.memory_space<hbm>> -> memref<50000x896xf32, #tpu.memory_space<hbm>>
    tpu.enqueue_indirect_dma source(%dma_start3A_15 : memref<50000x896xf32, #tpu.memory_space<hbm>>) target(%arg7 : memref<32x896xf32, #tpu.memory_space<vmem>>) offsets(%dma_start3A_12 : memref<32xi32, #tpu.memory_space<vmem>>) semaphore(%arg11 : memref<!tpu.dma_semaphore, #tpu.memory_space<semaphore_mem>>)
    %scan3A = arith.constant 0 : i32
    %scan3A_16 = arith.constant 0 : i32
    %scan3A_17 = arith.constant 32 : i32
    %scan3A_18 = arith.addi %scan3A_16, %scan3A_17 : i32
    %scan3A_19 = arith.constant 1 : i32
    %scan3A_20 = scf.for %scan3A_76 = %scan3A_16 to %scan3A_18 step %scan3A_19 iter_args(%scan3A_77 = %scan3A) -> (i32)  : i32 {
      %get3A = arith.index_cast %scan3A_76 : i32 to index
      %get3A_78 = arith.constant 0 : index
      %get3A_79 = tpu.vector_load %arg6[%get3A, %get3A_78] {strides = array<i32>} : memref<32x896xf32, #tpu.memory_space<vmem>>, vector<16xf32>,
      %get3A_80 = arith.index_cast %scan3A_76 : i32 to index
      %get3A_81 = arith.constant 512 : index
      %get3A_82 = tpu.vector_load %arg6[%get3A_80, %get3A_81] {strides = array<i32>} : memref<32x896xf32, #tpu.memory_space<vmem>>, vector<16xf32>,
      %pack3A = tpu.pack_subelements %get3A_79, %get3A_82 {pack_format = #tpu.pack_format<interleaved>, positions = array<i32: 0, 1>} : vector<16xf32>, vector<16xf32> -> vector<32xbf16>
      %bitcast3A = vector.bitcast %pack3A : vector<32xbf16> to vector<16xi32>
      %swap3A = arith.index_cast %scan3A_76 : i32 to index
      %swap3A_83 = arith.constant 0 : index
      %swap3A_84 = tpu.vector_load %arg8[%swap3A, %swap3A_83] {strides = array<i32>} : memref<32x512xi32, #tpu.memory_space<vmem>>, vector<16xi32>,
      tpu.vector_store %arg8[%swap3A, %swap3A_83], %bitcast3A {strides = array<i32>} : memref<32x512xi32, #tpu.memory_space<vmem>>, vector<16xi32>,
      %get3A_85 = arith.index_cast %scan3A_76 : i32 to index
      %get3A_86 = arith.constant 16 : index
      %get3A_87 = tpu.vector_load %arg6[%get3A_85, %get3A_86] {strides = array<i32>} : memref<32x896xf32, #tpu.memory_space<vmem>>, vector<16xf32>,
      %get3A_88 = arith.index_cast %scan3A_76 : i32 to index
      %get3A_89 = arith.constant 528 : index
      %get3A_90 = tpu.vector_load %arg6[%get3A_88, %get3A_89] {strides = array<i32>} : memref<32x896xf32, #tpu.memory_space<vmem>>, vector<16xf32>,
      %pack3A_91 = tpu.pack_subelements %get3A_87, %get3A_90 {pack_format = #tpu.pack_format<interleaved>, positions = array<i32: 0, 1>} : vector<16xf32>, vector<16xf32> -> vector<32xbf16>
      %bitcast3A_92 = vector.bitcast %pack3A_91 : vector<32xbf16> to vector<16xi32>
      %swap3A_93 = arith.index_cast %scan3A_76 : i32 to index
      %swap3A_94 = arith.constant 16 : index
      %swap3A_95 = tpu.vector_load %arg8[%swap3A_93, %swap3A_94] {strides = array<i32>} : memref<32x512xi32, #tpu.memory_space<vmem>>, vector<16xi32>,
      tpu.vector_store %arg8[%swap3A_93, %swap3A_94], %bitcast3A_92 {strides = array<i32>} : memref<32x512xi32, #tpu.memory_space<vmem>>, vector<16xi32>,
      %get3A_96 = arith.index_cast %scan3A_76 : i32 to index
      %get3A_97 = arith.constant 32 : index
      %get3A_98 = tpu.vector_load %arg6[%get3A_96, %get3A_97] {strides = array<i32>} : memref<32x896xf32, #tpu.memory_space<vmem>>, vector<16xf32>,
      %get3A_99 = arith.index_cast %scan3A_76 : i32 to index
      %get3A_100 = arith.constant 544 : index
      %get3A_101 = tpu.vector_load %arg6[%get3A_99, %get3A_100] {strides = array<i32>} : memref<32x896xf32, #tpu.memory_space<vmem>>, vector<16xf32>,
      %pack3A_102 = tpu.pack_subelements %get3A_98, %get3A_101 {pack_format = #tpu.pack_format<interleaved>, positions = array<i32: 0, 1>} : vector<16xf32>, vector<16xf32> -> vector<32xbf16>
      %bitcast3A_103 = vector.bitcast %pack3A_102 : vector<32xbf16> to vector<16xi32>
      %swap3A_104 = arith.index_cast %scan3A_76 : i32 to index
      %swap3A_105 = arith.constant 32 : index
      %swap3A_106 = tpu.vector_load %arg8[%swap3A_104, %swap3A_105] {strides = array<i32>} : memref<32x512xi32, #tpu.memory_space<vmem>>, vector<16xi32>,
      tpu.vector_store %arg8[%swap3A_104, %swap3A_105], %bitcast3A_103 {strides = array<i32>} : memref<32x512xi32, #tpu.memory_space<vmem>>, vector<16xi32>,
      %get3A_107 = arith.index_cast %scan3A_76 : i32 to index
      %get3A_108 = arith.constant 48 : index
      %get3A_109 = tpu.vector_load %arg6[%get3A_107, %get3A_108] {strides = array<i32>} : memref<32x896xf32, #tpu.memory_space<vmem>>, vector<16xf32>,
      %get3A_110 = arith.index_cast %scan3A_76 : i32 to index
      %get3A_111 = arith.constant 560 : index
      %get3A_112 = tpu.vector_load %arg6[%get3A_110, %get3A_111] {strides = array<i32>} : memref<32x896xf32, #tpu.memory_space<vmem>>, vector<16xf32>,
      %pack3A_113 = tpu.pack_subelements %get3A_109, %get3A_112 {pack_format = #tpu.pack_format<interleaved>, positions = array<i32: 0, 1>} : vector<16xf32>, vector<16xf32> -> vector<32xbf16>
      %bitcast3A_114 = vector.bitcast %pack3A_113 : vector<32xbf16> to vector<16xi32>
      %swap3A_115 = arith.index_cast %scan3A_76 : i32 to index
      %swap3A_116 = arith.constant 48 : index
      %swap3A_117 = tpu.vector_load %arg8[%swap3A_115, %swap3A_116] {strides = array<i32>} : memref<32x512xi32, #tpu.memory_space<vmem>>, vector<16xi32>,
      tpu.vector_store %arg8[%swap3A_115, %swap3A_116], %bitcast3A_114 {strides = array<i32>} : memref<32x512xi32, #tpu.memory_space<vmem>>, vector<16xi32>,
      %get3A_118 = arith.index_cast %scan3A_76 : i32 to index
      %get3A_119 = arith.constant 64 : index
      %get3A_120 = tpu.vector_load %arg6[%get3A_118, %get3A_119] {strides = array<i32>} : memref<32x896xf32, #tpu.memory_space<vmem>>, vector<16xf32>,
      %get3A_121 = arith.index_cast %scan3A_76 : i32 to index
      %get3A_122 = arith.constant 576 : index
      %get3A_123 = tpu.vector_load %arg6[%get3A_121, %get3A_122] {strides = array<i32>} : memref<32x896xf32, #tpu.memory_space<vmem>>, vector<16xf32>,
      %pack3A_124 = tpu.pack_subelements %get3A_120, %get3A_123 {pack_format = #tpu.pack_format<interleaved>, positions = array<i32: 0, 1>} : vector<16xf32>, vector<16xf32> -> vector<32xbf16>
      %bitcast3A_125 = vector.bitcast %pack3A_124 : vector<32xbf16> to vector<16xi32>
      %swap3A_126 = arith.index_cast %scan3A_76 : i32 to index
      %swap3A_127 = arith.constant 64 : index
      %swap3A_128 = tpu.vector_load %arg8[%swap3A_126, %swap3A_127] {strides = array<i32>} : memref<32x512xi32, #tpu.memory_space<vmem>>, vector<16xi32>,
      tpu.vector_store %arg8[%swap3A_126, %swap3A_127], %bitcast3A_125 {strides = array<i32>} : memref<32x512xi32, #tpu.memory_space<vmem>>, vector<16xi32>,
      %get3A_129 = arith.index_cast %scan3A_76 : i32 to index
      %get3A_130 = arith.constant 80 : index
      %get3A_131 = tpu.vector_load %arg6[%get3A_129, %get3A_130] {strides = array<i32>} : memref<32x896xf32, #tpu.memory_space<vmem>>, vector<16xf32>,
      %get3A_132 = arith.index_cast %scan3A_76 : i32 to index
      %get3A_133 = arith.constant 592 : index
      %get3A_134 = tpu.vector_load %arg6[%get3A_132, %get3A_133] {strides = array<i32>} : memref<32x896xf32, #tpu.memory_space<vmem>>, vector<16xf32>,
      %pack3A_135 = tpu.pack_subelements %get3A_131, %get3A_134 {pack_format = #tpu.pack_format<interleaved>, positions = array<i32: 0, 1>} : vector<16xf32>, vector<16xf32> -> vector<32xbf16>
      %bitcast3A_136 = vector.bitcast %pack3A_135 : vector<32xbf16> to vector<16xi32>
      %swap3A_137 = arith.index_cast %scan3A_76 : i32 to index
      %swap3A_138 = arith.constant 80 : index
      %swap3A_139 = tpu.vector_load %arg8[%swap3A_137, %swap3A_138] {strides = array<i32>} : memref<32x512xi32, #tpu.memory_space<vmem>>, vector<16xi32>,
      tpu.vector_store %arg8[%swap3A_137, %swap3A_138], %bitcast3A_136 {strides = array<i32>} : memref<32x512xi32, #tpu.memory_space<vmem>>, vector<16xi32>,
      %get3A_140 = arith.index_cast %scan3A_76 : i32 to index
      %get3A_141 = arith.constant 96 : index
      %get3A_142 = tpu.vector_load %arg6[%get3A_140, %get3A_141] {strides = array<i32>} : memref<32x896xf32, #tpu.memory_space<vmem>>, vector<16xf32>,
      %get3A_143 = arith.index_cast %scan3A_76 : i32 to index
      %get3A_144 = arith.constant 608 : index
      %get3A_145 = tpu.vector_load %arg6[%get3A_143, %get3A_144] {strides = array<i32>} : memref<32x896xf32, #tpu.memory_space<vmem>>, vector<16xf32>,
      %pack3A_146 = tpu.pack_subelements %get3A_142, %get3A_145 {pack_format = #tpu.pack_format<interleaved>, positions = array<i32: 0, 1>} : vector<16xf32>, vector<16xf32> -> vector<32xbf16>
      %bitcast3A_147 = vector.bitcast %pack3A_146 : vector<32xbf16> to vector<16xi32>
      %swap3A_148 = arith.index_cast %scan3A_76 : i32 to index
      %swap3A_149 = arith.constant 96 : index
      %swap3A_150 = tpu.vector_load %arg8[%swap3A_148, %swap3A_149] {strides = array<i32>} : memref<32x512xi32, #tpu.memory_space<vmem>>, vector<16xi32>,
      tpu.vector_store %arg8[%swap3A_148, %swap3A_149], %bitcast3A_147 {strides = array<i32>} : memref<32x512xi32, #tpu.memory_space<vmem>>, vector<16xi32>,
      %get3A_151 = arith.index_cast %scan3A_76 : i32 to index
      %get3A_152 = arith.constant 112 : index
      %get3A_153 = tpu.vector_load %arg6[%get3A_151, %get3A_152] {strides = array<i32>} : memref<32x896xf32, #tpu.memory_space<vmem>>, vector<16xf32>,
      %get3A_154 = arith.index_cast %scan3A_76 : i32 to index
      %get3A_155 = arith.constant 624 : index
      %get3A_156 = tpu.vector_load %arg6[%get3A_154, %get3A_155] {strides = array<i32>} : memref<32x896xf32, #tpu.memory_space<vmem>>, vector<16xf32>,
      %pack3A_157 = tpu.pack_subelements %get3A_153, %get3A_156 {pack_format = #tpu.pack_format<interleaved>, positions = array<i32: 0, 1>} : vector<16xf32>, vector<16xf32> -> vector<32xbf16>
      %bitcast3A_158 = vector.bitcast %pack3A_157 : vector<32xbf16> to vector<16xi32>
      %swap3A_159 = arith.index_cast %scan3A_76 : i32 to index
      %swap3A_160 = arith.constant 112 : index
      %swap3A_161 = tpu.vector_load %arg8[%swap3A_159, %swap3A_160] {strides = array<i32>} : memref<32x512xi32, #tpu.memory_space<vmem>>, vector<16xi32>,
      tpu.vector_store %arg8[%swap3A_159, %swap3A_160], %bitcast3A_158 {strides = array<i32>} : memref<32x512xi32, #tpu.memory_space<vmem>>, vector<16xi32>,
      %get3A_162 = arith.index_cast %scan3A_76 : i32 to index
      %get3A_163 = arith.constant 128 : index
      %get3A_164 = tpu.vector_load %arg6[%get3A_162, %get3A_163] {strides = array<i32>} : memref<32x896xf32, #tpu.memory_space<vmem>>, vector<16xf32>,
      %get3A_165 = arith.index_cast %scan3A_76 : i32 to index
      %get3A_166 = arith.constant 640 : index
      %get3A_167 = tpu.vector_load %arg6[%get3A_165, %get3A_166] {strides = array<i32>} : memref<32x896xf32, #tpu.memory_space<vmem>>, vector<16xf32>,
      %pack3A_168 = tpu.pack_subelements %get3A_164, %get3A_167 {pack_format = #tpu.pack_format<interleaved>, positions = array<i32: 0, 1>} : vector<16xf32>, vector<16xf32> -> vector<32xbf16>
      %bitcast3A_169 = vector.bitcast %pack3A_168 : vector<32xbf16> to vector<16xi32>
      %swap3A_170 = arith.index_cast %scan3A_76 : i32 to index
      %swap3A_171 = arith.constant 128 : index
      %swap3A_172 = tpu.vector_load %arg8[%swap3A_170, %swap3A_171] {strides = array<i32>} : memref<32x512xi32, #tpu.memory_space<vmem>>, vector<16xi32>,
      tpu.vector_store %arg8[%swap3A_170, %swap3A_171], %bitcast3A_169 {strides = array<i32>} : memref<32x512xi32, #tpu.memory_space<vmem>>, vector<16xi32>,
      %get3A_173 = arith.index_cast %scan3A_76 : i32 to index
      %get3A_174 = arith.constant 144 : index
      %get3A_175 = tpu.vector_load %arg6[%get3A_173, %get3A_174] {strides = array<i32>} : memref<32x896xf32, #tpu.memory_space<vmem>>, vector<16xf32>,
      %get3A_176 = arith.index_cast %scan3A_76 : i32 to index
      %get3A_177 = arith.constant 656 : index
      %get3A_178 = tpu.vector_load %arg6[%get3A_176, %get3A_177] {strides = array<i32>} : memref<32x896xf32, #tpu.memory_space<vmem>>, vector<16xf32>,
      %pack3A_179 = tpu.pack_subelements %get3A_175, %get3A_178 {pack_format = #tpu.pack_format<interleaved>, positions = array<i32: 0, 1>} : vector<16xf32>, vector<16xf32> -> vector<32xbf16>
      %bitcast3A_180 = vector.bitcast %pack3A_179 : vector<32xbf16> to vector<16xi32>
      %swap3A_181 = arith.index_cast %scan3A_76 : i32 to index
      %swap3A_182 = arith.constant 144 : index
      %swap3A_183 = tpu.vector_load %arg8[%swap3A_181, %swap3A_182] {strides = array<i32>} : memref<32x512xi32, #tpu.memory_space<vmem>>, vector<16xi32>,
      tpu.vector_store %arg8[%swap3A_181, %swap3A_182], %bitcast3A_180 {strides = array<i32>} : memref<32x512xi32, #tpu.memory_space<vmem>>, vector<16xi32>,
      %get3A_184 = arith.index_cast %scan3A_76 : i32 to index
      %get3A_185 = arith.constant 160 : index
      %get3A_186 = tpu.vector_load %arg6[%get3A_184, %get3A_185] {strides = array<i32>} : memref<32x896xf32, #tpu.memory_space<vmem>>, vector<16xf32>,
      %get3A_187 = arith.index_cast %scan3A_76 : i32 to index
      %get3A_188 = arith.constant 672 : index
      %get3A_189 = tpu.vector_load %arg6[%get3A_187, %get3A_188] {strides = array<i32>} : memref<32x896xf32, #tpu.memory_space<vmem>>, vector<16xf32>,
      %pack3A_190 = tpu.pack_subelements %get3A_186, %get3A_189 {pack_format = #tpu.pack_format<interleaved>, positions = array<i32: 0, 1>} : vector<16xf32>, vector<16xf32> -> vector<32xbf16>
      %bitcast3A_191 = vector.bitcast %pack3A_190 : vector<32xbf16> to vector<16xi32>
      %swap3A_192 = arith.index_cast %scan3A_76 : i32 to index
      %swap3A_193 = arith.constant 160 : index
      %swap3A_194 = tpu.vector_load %arg8[%swap3A_192, %swap3A_193] {strides = array<i32>} : memref<32x512xi32, #tpu.memory_space<vmem>>, vector<16xi32>,
      tpu.vector_store %arg8[%swap3A_192, %swap3A_193], %bitcast3A_191 {strides = array<i32>} : memref<32x512xi32, #tpu.memory_space<vmem>>, vector<16xi32>,
      %get3A_195 = arith.index_cast %scan3A_76 : i32 to index
      %get3A_196 = arith.constant 176 : index
      %get3A_197 = tpu.vector_load %arg6[%get3A_195, %get3A_196] {strides = array<i32>} : memref<32x896xf32, #tpu.memory_space<vmem>>, vector<16xf32>,
      %get3A_198 = arith.index_cast %scan3A_76 : i32 to index
      %get3A_199 = arith.constant 688 : index
      %get3A_200 = tpu.vector_load %arg6[%get3A_198, %get3A_199] {strides = array<i32>} : memref<32x896xf32, #tpu.memory_space<vmem>>, vector<16xf32>,
      %pack3A_201 = tpu.pack_subelements %get3A_197, %get3A_200 {pack_format = #tpu.pack_format<interleaved>, positions = array<i32: 0, 1>} : vector<16xf32>, vector<16xf32> -> vector<32xbf16>
      %bitcast3A_202 = vector.bitcast %pack3A_201 : vector<32xbf16> to vector<16xi32>
      %swap3A_203 = arith.index_cast %scan3A_76 : i32 to index
      %swap3A_204 = arith.constant 176 : index
      %swap3A_205 = tpu.vector_load %arg8[%swap3A_203, %swap3A_204] {strides = array<i32>} : memref<32x512xi32, #tpu.memory_space<vmem>>, vector<16xi32>,
      tpu.vector_store %arg8[%swap3A_203, %swap3A_204], %bitcast3A_202 {strides = array<i32>} : memref<32x512xi32, #tpu.memory_space<vmem>>, vector<16xi32>,
      %get3A_206 = arith.index_cast %scan3A_76 : i32 to index
      %get3A_207 = arith.constant 192 : index
      %get3A_208 = tpu.vector_load %arg6[%get3A_206, %get3A_207] {strides = array<i32>} : memref<32x896xf32, #tpu.memory_space<vmem>>, vector<16xf32>,
      %get3A_209 = arith.index_cast %scan3A_76 : i32 to index
      %get3A_210 = arith.constant 704 : index
      %get3A_211 = tpu.vector_load %arg6[%get3A_209, %get3A_210] {strides = array<i32>} : memref<32x896xf32, #tpu.memory_space<vmem>>, vector<16xf32>,
      %pack3A_212 = tpu.pack_subelements %get3A_208, %get3A_211 {pack_format = #tpu.pack_format<interleaved>, positions = array<i32: 0, 1>} : vector<16xf32>, vector<16xf32> -> vector<32xbf16>
      %bitcast3A_213 = vector.bitcast %pack3A_212 : vector<32xbf16> to vector<16xi32>
      %swap3A_214 = arith.index_cast %scan3A_76 : i32 to index
      %swap3A_215 = arith.constant 192 : index
      %swap3A_216 = tpu.vector_load %arg8[%swap3A_214, %swap3A_215] {strides = array<i32>} : memref<32x512xi32, #tpu.memory_space<vmem>>, vector<16xi32>,
      tpu.vector_store %arg8[%swap3A_214, %swap3A_215], %bitcast3A_213 {strides = array<i32>} : memref<32x512xi32, #tpu.memory_space<vmem>>, vector<16xi32>,
      %get3A_217 = arith.index_cast %scan3A_76 : i32 to index
      %get3A_218 = arith.constant 208 : index
      %get3A_219 = tpu.vector_load %arg6[%get3A_217, %get3A_218] {strides = array<i32>} : memref<32x896xf32, #tpu.memory_space<vmem>>, vector<16xf32>,
      %get3A_220 = arith.index_cast %scan3A_76 : i32 to index
      %get3A_221 = arith.constant 720 : index
      %get3A_222 = tpu.vector_load %arg6[%get3A_220, %get3A_221] {strides = array<i32>} : memref<32x896xf32, #tpu.memory_space<vmem>>, vector<16xf32>,
      %pack3A_223 = tpu.pack_subelements %get3A_219, %get3A_222 {pack_format = #tpu.pack_format<interleaved>, positions = array<i32: 0, 1>} : vector<16xf32>, vector<16xf32> -> vector<32xbf16>
      %bitcast3A_224 = vector.bitcast %pack3A_223 : vector<32xbf16> to vector<16xi32>
      %swap3A_225 = arith.index_cast %scan3A_76 : i32 to index
      %swap3A_226 = arith.constant 208 : index
      %swap3A_227 = tpu.vector_load %arg8[%swap3A_225, %swap3A_226] {strides = array<i32>} : memref<32x512xi32, #tpu.memory_space<vmem>>, vector<16xi32>,
      tpu.vector_store %arg8[%swap3A_225, %swap3A_226], %bitcast3A_224 {strides = array<i32>} : memref<32x512xi32, #tpu.memory_space<vmem>>, vector<16xi32>,
      %get3A_228 = arith.index_cast %scan3A_76 : i32 to index
      %get3A_229 = arith.constant 224 : index
      %get3A_230 = tpu.vector_load %arg6[%get3A_228, %get3A_229] {strides = array<i32>} : memref<32x896xf32, #tpu.memory_space<vmem>>, vector<16xf32>,
      %get3A_231 = arith.index_cast %scan3A_76 : i32 to index
      %get3A_232 = arith.constant 736 : index
      %get3A_233 = tpu.vector_load %arg6[%get3A_231, %get3A_232] {strides = array<i32>} : memref<32x896xf32, #tpu.memory_space<vmem>>, vector<16xf32>,
      %pack3A_234 = tpu.pack_subelements %get3A_230, %get3A_233 {pack_format = #tpu.pack_format<interleaved>, positions = array<i32: 0, 1>} : vector<16xf32>, vector<16xf32> -> vector<32xbf16>
      %bitcast3A_235 = vector.bitcast %pack3A_234 : vector<32xbf16> to vector<16xi32>
      %swap3A_236 = arith.index_cast %scan3A_76 : i32 to index
      %swap3A_237 = arith.constant 224 : index
      %swap3A_238 = tpu.vector_load %arg8[%swap3A_236, %swap3A_237] {strides = array<i32>} : memref<32x512xi32, #tpu.memory_space<vmem>>, vector<16xi32>,
      tpu.vector_store %arg8[%swap3A_236, %swap3A_237], %bitcast3A_235 {strides = array<i32>} : memref<32x512xi32, #tpu.memory_space<vmem>>, vector<16xi32>,
      %get3A_239 = arith.index_cast %scan3A_76 : i32 to index
      %get3A_240 = arith.constant 240 : index
      %get3A_241 = tpu.vector_load %arg6[%get3A_239, %get3A_240] {strides = array<i32>} : memref<32x896xf32, #tpu.memory_space<vmem>>, vector<16xf32>,
      %get3A_242 = arith.index_cast %scan3A_76 : i32 to index
      %get3A_243 = arith.constant 752 : index
      %get3A_244 = tpu.vector_load %arg6[%get3A_242, %get3A_243] {strides = array<i32>} : memref<32x896xf32, #tpu.memory_space<vmem>>, vector<16xf32>,
      %pack3A_245 = tpu.pack_subelements %get3A_241, %get3A_244 {pack_format = #tpu.pack_format<interleaved>, positions = array<i32: 0, 1>} : vector<16xf32>, vector<16xf32> -> vector<32xbf16>
      %bitcast3A_246 = vector.bitcast %pack3A_245 : vector<32xbf16> to vector<16xi32>
      %swap3A_247 = arith.index_cast %scan3A_76 : i32 to index
      %swap3A_248 = arith.constant 240 : index
      %swap3A_249 = tpu.vector_load %arg8[%swap3A_247, %swap3A_248] {strides = array<i32>} : memref<32x512xi32, #tpu.memory_space<vmem>>, vector<16xi32>,
      tpu.vector_store %arg8[%swap3A_247, %swap3A_248], %bitcast3A_246 {strides = array<i32>} : memref<32x512xi32, #tpu.memory_space<vmem>>, vector<16xi32>,
      %get3A_250 = arith.index_cast %scan3A_76 : i32 to index
      %get3A_251 = arith.constant 256 : index
      %get3A_252 = tpu.vector_load %arg6[%get3A_250, %get3A_251] {strides = array<i32>} : memref<32x896xf32, #tpu.memory_space<vmem>>, vector<16xf32>,
      %get3A_253 = arith.index_cast %scan3A_76 : i32 to index
      %get3A_254 = arith.constant 768 : index
      %get3A_255 = tpu.vector_load %arg6[%get3A_253, %get3A_254] {strides = array<i32>} : memref<32x896xf32, #tpu.memory_space<vmem>>, vector<16xf32>,
      %pack3A_256 = tpu.pack_subelements %get3A_252, %get3A_255 {pack_format = #tpu.pack_format<interleaved>, positions = array<i32: 0, 1>} : vector<16xf32>, vector<16xf32> -> vector<32xbf16>
      %bitcast3A_257 = vector.bitcast %pack3A_256 : vector<32xbf16> to vector<16xi32>
      %swap3A_258 = arith.index_cast %scan3A_76 : i32 to index
      %swap3A_259 = arith.constant 256 : index
      %swap3A_260 = tpu.vector_load %arg8[%swap3A_258, %swap3A_259] {strides = array<i32>} : memref<32x512xi32, #tpu.memory_space<vmem>>, vector<16xi32>,
      tpu.vector_store %arg8[%swap3A_258, %swap3A_259], %bitcast3A_257 {strides = array<i32>} : memref<32x512xi32, #tpu.memory_space<vmem>>, vector<16xi32>,
      %get3A_261 = arith.index_cast %scan3A_76 : i32 to index
      %get3A_262 = arith.constant 272 : index
      %get3A_263 = tpu.vector_load %arg6[%get3A_261, %get3A_262] {strides = array<i32>} : memref<32x896xf32, #tpu.memory_space<vmem>>, vector<16xf32>,
      %get3A_264 = arith.index_cast %scan3A_76 : i32 to index
      %get3A_265 = arith.constant 784 : index
      %get3A_266 = tpu.vector_load %arg6[%get3A_264, %get3A_265] {strides = array<i32>} : memref<32x896xf32, #tpu.memory_space<vmem>>, vector<16xf32>,
      %pack3A_267 = tpu.pack_subelements %get3A_263, %get3A_266 {pack_format = #tpu.pack_format<interleaved>, positions = array<i32: 0, 1>} : vector<16xf32>, vector<16xf32> -> vector<32xbf16>
      %bitcast3A_268 = vector.bitcast %pack3A_267 : vector<32xbf16> to vector<16xi32>
      %swap3A_269 = arith.index_cast %scan3A_76 : i32 to index
      %swap3A_270 = arith.constant 272 : index
      %swap3A_271 = tpu.vector_load %arg8[%swap3A_269, %swap3A_270] {strides = array<i32>} : memref<32x512xi32, #tpu.memory_space<vmem>>, vector<16xi32>,
      tpu.vector_store %arg8[%swap3A_269, %swap3A_270], %bitcast3A_268 {strides = array<i32>} : memref<32x512xi32, #tpu.memory_space<vmem>>, vector<16xi32>,
      %get3A_272 = arith.index_cast %scan3A_76 : i32 to index
      %get3A_273 = arith.constant 288 : index
      %get3A_274 = tpu.vector_load %arg6[%get3A_272, %get3A_273] {strides = array<i32>} : memref<32x896xf32, #tpu.memory_space<vmem>>, vector<16xf32>,
      %get3A_275 = arith.index_cast %scan3A_76 : i32 to index
      %get3A_276 = arith.constant 800 : index
      %get3A_277 = tpu.vector_load %arg6[%get3A_275, %get3A_276] {strides = array<i32>} : memref<32x896xf32, #tpu.memory_space<vmem>>, vector<16xf32>,
      %pack3A_278 = tpu.pack_subelements %get3A_274, %get3A_277 {pack_format = #tpu.pack_format<interleaved>, positions = array<i32: 0, 1>} : vector<16xf32>, vector<16xf32> -> vector<32xbf16>
      %bitcast3A_279 = vector.bitcast %pack3A_278 : vector<32xbf16> to vector<16xi32>
      %swap3A_280 = arith.index_cast %scan3A_76 : i32 to index
      %swap3A_281 = arith.constant 288 : index
      %swap3A_282 = tpu.vector_load %arg8[%swap3A_280, %swap3A_281] {strides = array<i32>} : memref<32x512xi32, #tpu.memory_space<vmem>>, vector<16xi32>,
      tpu.vector_store %arg8[%swap3A_280, %swap3A_281], %bitcast3A_279 {strides = array<i32>} : memref<32x512xi32, #tpu.memory_space<vmem>>, vector<16xi32>,
      %get3A_283 = arith.index_cast %scan3A_76 : i32 to index
      %get3A_284 = arith.constant 304 : index
      %get3A_285 = tpu.vector_load %arg6[%get3A_283, %get3A_284] {strides = array<i32>} : memref<32x896xf32, #tpu.memory_space<vmem>>, vector<16xf32>,
      %get3A_286 = arith.index_cast %scan3A_76 : i32 to index
      %get3A_287 = arith.constant 816 : index
      %get3A_288 = tpu.vector_load %arg6[%get3A_286, %get3A_287] {strides = array<i32>} : memref<32x896xf32, #tpu.memory_space<vmem>>, vector<16xf32>,
      %pack3A_289 = tpu.pack_subelements %get3A_285, %get3A_288 {pack_format = #tpu.pack_format<interleaved>, positions = array<i32: 0, 1>} : vector<16xf32>, vector<16xf32> -> vector<32xbf16>
      %bitcast3A_290 = vector.bitcast %pack3A_289 : vector<32xbf16> to vector<16xi32>
      %swap3A_291 = arith.index_cast %scan3A_76 : i32 to index
      %swap3A_292 = arith.constant 304 : index
      %swap3A_293 = tpu.vector_load %arg8[%swap3A_291, %swap3A_292] {strides = array<i32>} : memref<32x512xi32, #tpu.memory_space<vmem>>, vector<16xi32>,
      tpu.vector_store %arg8[%swap3A_291, %swap3A_292], %bitcast3A_290 {strides = array<i32>} : memref<32x512xi32, #tpu.memory_space<vmem>>, vector<16xi32>,
      %get3A_294 = arith.index_cast %scan3A_76 : i32 to index
      %get3A_295 = arith.constant 320 : index
      %get3A_296 = tpu.vector_load %arg6[%get3A_294, %get3A_295] {strides = array<i32>} : memref<32x896xf32, #tpu.memory_space<vmem>>, vector<16xf32>,
      %get3A_297 = arith.index_cast %scan3A_76 : i32 to index
      %get3A_298 = arith.constant 832 : index
      %get3A_299 = tpu.vector_load %arg6[%get3A_297, %get3A_298] {strides = array<i32>} : memref<32x896xf32, #tpu.memory_space<vmem>>, vector<16xf32>,
      %pack3A_300 = tpu.pack_subelements %get3A_296, %get3A_299 {pack_format = #tpu.pack_format<interleaved>, positions = array<i32: 0, 1>} : vector<16xf32>, vector<16xf32> -> vector<32xbf16>
      %bitcast3A_301 = vector.bitcast %pack3A_300 : vector<32xbf16> to vector<16xi32>
      %swap3A_302 = arith.index_cast %scan3A_76 : i32 to index
      %swap3A_303 = arith.constant 320 : index
      %swap3A_304 = tpu.vector_load %arg8[%swap3A_302, %swap3A_303] {strides = array<i32>} : memref<32x512xi32, #tpu.memory_space<vmem>>, vector<16xi32>,
      tpu.vector_store %arg8[%swap3A_302, %swap3A_303], %bitcast3A_301 {strides = array<i32>} : memref<32x512xi32, #tpu.memory_space<vmem>>, vector<16xi32>,
      %get3A_305 = arith.index_cast %scan3A_76 : i32 to index
      %get3A_306 = arith.constant 336 : index
      %get3A_307 = tpu.vector_load %arg6[%get3A_305, %get3A_306] {strides = array<i32>} : memref<32x896xf32, #tpu.memory_space<vmem>>, vector<16xf32>,
      %get3A_308 = arith.index_cast %scan3A_76 : i32 to index
      %get3A_309 = arith.constant 848 : index
      %get3A_310 = tpu.vector_load %arg6[%get3A_308, %get3A_309] {strides = array<i32>} : memref<32x896xf32, #tpu.memory_space<vmem>>, vector<16xf32>,
      %pack3A_311 = tpu.pack_subelements %get3A_307, %get3A_310 {pack_format = #tpu.pack_format<interleaved>, positions = array<i32: 0, 1>} : vector<16xf32>, vector<16xf32> -> vector<32xbf16>
      %bitcast3A_312 = vector.bitcast %pack3A_311 : vector<32xbf16> to vector<16xi32>
      %swap3A_313 = arith.index_cast %scan3A_76 : i32 to index
      %swap3A_314 = arith.constant 336 : index
      %swap3A_315 = tpu.vector_load %arg8[%swap3A_313, %swap3A_314] {strides = array<i32>} : memref<32x512xi32, #tpu.memory_space<vmem>>, vector<16xi32>,
      tpu.vector_store %arg8[%swap3A_313, %swap3A_314], %bitcast3A_312 {strides = array<i32>} : memref<32x512xi32, #tpu.memory_space<vmem>>, vector<16xi32>,
      %get3A_316 = arith.index_cast %scan3A_76 : i32 to index
      %get3A_317 = arith.constant 352 : index
      %get3A_318 = tpu.vector_load %arg6[%get3A_316, %get3A_317] {strides = array<i32>} : memref<32x896xf32, #tpu.memory_space<vmem>>, vector<16xf32>,
      %get3A_319 = arith.index_cast %scan3A_76 : i32 to index
      %get3A_320 = arith.constant 864 : index
      %get3A_321 = tpu.vector_load %arg6[%get3A_319, %get3A_320] {strides = array<i32>} : memref<32x896xf32, #tpu.memory_space<vmem>>, vector<16xf32>,
      %pack3A_322 = tpu.pack_subelements %get3A_318, %get3A_321 {pack_format = #tpu.pack_format<interleaved>, positions = array<i32: 0, 1>} : vector<16xf32>, vector<16xf32> -> vector<32xbf16>
      %bitcast3A_323 = vector.bitcast %pack3A_322 : vector<32xbf16> to vector<16xi32>
      %swap3A_324 = arith.index_cast %scan3A_76 : i32 to index
      %swap3A_325 = arith.constant 352 : index
      %swap3A_326 = tpu.vector_load %arg8[%swap3A_324, %swap3A_325] {strides = array<i32>} : memref<32x512xi32, #tpu.memory_space<vmem>>, vector<16xi32>,
      tpu.vector_store %arg8[%swap3A_324, %swap3A_325], %bitcast3A_323 {strides = array<i32>} : memref<32x512xi32, #tpu.memory_space<vmem>>, vector<16xi32>,
      %get3A_327 = arith.index_cast %scan3A_76 : i32 to index
      %get3A_328 = arith.constant 368 : index
      %get3A_329 = tpu.vector_load %arg6[%get3A_327, %get3A_328] {strides = array<i32>} : memref<32x896xf32, #tpu.memory_space<vmem>>, vector<16xf32>,
      %get3A_330 = arith.index_cast %scan3A_76 : i32 to index
      %get3A_331 = arith.constant 880 : index
      %get3A_332 = tpu.vector_load %arg6[%get3A_330, %get3A_331] {strides = array<i32>} : memref<32x896xf32, #tpu.memory_space<vmem>>, vector<16xf32>,
      %pack3A_333 = tpu.pack_subelements %get3A_329, %get3A_332 {pack_format = #tpu.pack_format<interleaved>, positions = array<i32: 0, 1>} : vector<16xf32>, vector<16xf32> -> vector<32xbf16>
      %bitcast3A_334 = vector.bitcast %pack3A_333 : vector<32xbf16> to vector<16xi32>
      %swap3A_335 = arith.index_cast %scan3A_76 : i32 to index
      %swap3A_336 = arith.constant 368 : index
      %swap3A_337 = tpu.vector_load %arg8[%swap3A_335, %swap3A_336] {strides = array<i32>} : memref<32x512xi32, #tpu.memory_space<vmem>>, vector<16xi32>,
      tpu.vector_store %arg8[%swap3A_335, %swap3A_336], %bitcast3A_334 {strides = array<i32>} : memref<32x512xi32, #tpu.memory_space<vmem>>, vector<16xi32>,
      %get3A_338 = arith.index_cast %scan3A_76 : i32 to index
      %get3A_339 = arith.constant 384 : index
      %get3A_340 = tpu.vector_load %arg6[%get3A_338, %get3A_339] {strides = array<i32>} : memref<32x896xf32, #tpu.memory_space<vmem>>, vector<16xf32>,
      %broadcast_in_dim3A = arith.constant 0.000000e+00 : f32
      %broadcast_in_dim3A_341 = vector.broadcast %broadcast_in_dim3A : f32 to vector<16xf32>
      %pack3A_342 = tpu.pack_subelements %get3A_340, %broadcast_in_dim3A_341 {pack_format = #tpu.pack_format<interleaved>, positions = array<i32: 0, 1>} : vector<16xf32>, vector<16xf32> -> vector<32xbf16>
      %bitcast3A_343 = vector.bitcast %pack3A_342 : vector<32xbf16> to vector<16xi32>
      %swap3A_344 = arith.index_cast %scan3A_76 : i32 to index
      %swap3A_345 = arith.constant 384 : index
      %swap3A_346 = tpu.vector_load %arg8[%swap3A_344, %swap3A_345] {strides = array<i32>} : memref<32x512xi32, #tpu.memory_space<vmem>>, vector<16xi32>,
      tpu.vector_store %arg8[%swap3A_344, %swap3A_345], %bitcast3A_343 {strides = array<i32>} : memref<32x512xi32, #tpu.memory_space<vmem>>, vector<16xi32>,
      %get3A_347 = arith.index_cast %scan3A_76 : i32 to index
      %get3A_348 = arith.constant 400 : index
      %get3A_349 = tpu.vector_load %arg6[%get3A_347, %get3A_348] {strides = array<i32>} : memref<32x896xf32, #tpu.memory_space<vmem>>, vector<16xf32>,
      %broadcast_in_dim3A_350 = arith.constant 0.000000e+00 : f32
      %broadcast_in_dim3A_351 = vector.broadcast %broadcast_in_dim3A_350 : f32 to vector<16xf32>
      %pack3A_352 = tpu.pack_subelements %get3A_349, %broadcast_in_dim3A_351 {pack_format = #tpu.pack_format<interleaved>, positions = array<i32: 0, 1>} : vector<16xf32>, vector<16xf32> -> vector<32xbf16>
      %bitcast3A_353 = vector.bitcast %pack3A_352 : vector<32xbf16> to vector<16xi32>
      %swap3A_354 = arith.index_cast %scan3A_76 : i32 to index
      %swap3A_355 = arith.constant 400 : index
      %swap3A_356 = tpu.vector_load %arg8[%swap3A_354, %swap3A_355] {strides = array<i32>} : memref<32x512xi32, #tpu.memory_space<vmem>>, vector<16xi32>,
      tpu.vector_store %arg8[%swap3A_354, %swap3A_355], %bitcast3A_353 {strides = array<i32>} : memref<32x512xi32, #tpu.memory_space<vmem>>, vector<16xi32>,
      %get3A_357 = arith.index_cast %scan3A_76 : i32 to index
      %get3A_358 = arith.constant 416 : index
      %get3A_359 = tpu.vector_load %arg6[%get3A_357, %get3A_358] {strides = array<i32>} : memref<32x896xf32, #tpu.memory_space<vmem>>, vector<16xf32>,
      %broadcast_in_dim3A_360 = arith.constant 0.000000e+00 : f32
      %broadcast_in_dim3A_361 = vector.broadcast %broadcast_in_dim3A_360 : f32 to vector<16xf32>
      %pack3A_362 = tpu.pack_subelements %get3A_359, %broadcast_in_dim3A_361 {pack_format = #tpu.pack_format<interleaved>, positions = array<i32: 0, 1>} : vector<16xf32>, vector<16xf32> -> vector<32xbf16>
      %bitcast3A_363 = vector.bitcast %pack3A_362 : vector<32xbf16> to vector<16xi32>
      %swap3A_364 = arith.index_cast %scan3A_76 : i32 to index
      %swap3A_365 = arith.constant 416 : index
      %swap3A_366 = tpu.vector_load %arg8[%swap3A_364, %swap3A_365] {strides = array<i32>} : memref<32x512xi32, #tpu.memory_space<vmem>>, vector<16xi32>,
      tpu.vector_store %arg8[%swap3A_364, %swap3A_365], %bitcast3A_363 {strides = array<i32>} : memref<32x512xi32, #tpu.memory_space<vmem>>, vector<16xi32>,
      %get3A_367 = arith.index_cast %scan3A_76 : i32 to index
      %get3A_368 = arith.constant 432 : index
      %get3A_369 = tpu.vector_load %arg6[%get3A_367, %get3A_368] {strides = array<i32>} : memref<32x896xf32, #tpu.memory_space<vmem>>, vector<16xf32>,
      %broadcast_in_dim3A_370 = arith.constant 0.000000e+00 : f32
      %broadcast_in_dim3A_371 = vector.broadcast %broadcast_in_dim3A_370 : f32 to vector<16xf32>
      %pack3A_372 = tpu.pack_subelements %get3A_369, %broadcast_in_dim3A_371 {pack_format = #tpu.pack_format<interleaved>, positions = array<i32: 0, 1>} : vector<16xf32>, vector<16xf32> -> vector<32xbf16>
      %bitcast3A_373 = vector.bitcast %pack3A_372 : vector<32xbf16> to vector<16xi32>
      %swap3A_374 = arith.index_cast %scan3A_76 : i32 to index
      %swap3A_375 = arith.constant 432 : index
      %swap3A_376 = tpu.vector_load %arg8[%swap3A_374, %swap3A_375] {strides = array<i32>} : memref<32x512xi32, #tpu.memory_space<vmem>>, vector<16xi32>,
      tpu.vector_store %arg8[%swap3A_374, %swap3A_375], %bitcast3A_373 {strides = array<i32>} : memref<32x512xi32, #tpu.memory_space<vmem>>, vector<16xi32>,
      %get3A_377 = arith.index_cast %scan3A_76 : i32 to index
      %get3A_378 = arith.constant 448 : index
      %get3A_379 = tpu.vector_load %arg6[%get3A_377, %get3A_378] {strides = array<i32>} : memref<32x896xf32, #tpu.memory_space<vmem>>, vector<16xf32>,
      %broadcast_in_dim3A_380 = arith.constant 0.000000e+00 : f32
      %broadcast_in_dim3A_381 = vector.broadcast %broadcast_in_dim3A_380 : f32 to vector<16xf32>
      %pack3A_382 = tpu.pack_subelements %get3A_379, %broadcast_in_dim3A_381 {pack_format = #tpu.pack_format<interleaved>, positions = array<i32: 0, 1>} : vector<16xf32>, vector<16xf32> -> vector<32xbf16>
      %bitcast3A_383 = vector.bitcast %pack3A_382 : vector<32xbf16> to vector<16xi32>
      %swap3A_384 = arith.index_cast %scan3A_76 : i32 to index
      %swap3A_385 = arith.constant 448 : index
      %swap3A_386 = tpu.vector_load %arg8[%swap3A_384, %swap3A_385] {strides = array<i32>} : memref<32x512xi32, #tpu.memory_space<vmem>>, vector<16xi32>,
      tpu.vector_store %arg8[%swap3A_384, %swap3A_385], %bitcast3A_383 {strides = array<i32>} : memref<32x512xi32, #tpu.memory_space<vmem>>, vector<16xi32>,
      %get3A_387 = arith.index_cast %scan3A_76 : i32 to index
      %get3A_388 = arith.constant 464 : index
      %get3A_389 = tpu.vector_load %arg6[%get3A_387, %get3A_388] {strides = array<i32>} : memref<32x896xf32, #tpu.memory_space<vmem>>, vector<16xf32>,
      %broadcast_in_dim3A_390 = arith.constant 0.000000e+00 : f32
      %broadcast_in_dim3A_391 = vector.broadcast %broadcast_in_dim3A_390 : f32 to vector<16xf32>
      %pack3A_392 = tpu.pack_subelements %get3A_389, %broadcast_in_dim3A_391 {pack_format = #tpu.pack_format<interleaved>, positions = array<i32: 0, 1>} : vector<16xf32>, vector<16xf32> -> vector<32xbf16>
      %bitcast3A_393 = vector.bitcast %pack3A_392 : vector<32xbf16> to vector<16xi32>
      %swap3A_394 = arith.index_cast %scan3A_76 : i32 to index
      %swap3A_395 = arith.constant 464 : index
      %swap3A_396 = tpu.vector_load %arg8[%swap3A_394, %swap3A_395] {strides = array<i32>} : memref<32x512xi32, #tpu.memory_space<vmem>>, vector<16xi32>,
      tpu.vector_store %arg8[%swap3A_394, %swap3A_395], %bitcast3A_393 {strides = array<i32>} : memref<32x512xi32, #tpu.memory_space<vmem>>, vector<16xi32>,
      %get3A_397 = arith.index_cast %scan3A_76 : i32 to index
      %get3A_398 = arith.constant 480 : index
      %get3A_399 = tpu.vector_load %arg6[%get3A_397, %get3A_398] {strides = array<i32>} : memref<32x896xf32, #tpu.memory_space<vmem>>, vector<16xf32>,
      %broadcast_in_dim3A_400 = arith.constant 0.000000e+00 : f32
      %broadcast_in_dim3A_401 = vector.broadcast %broadcast_in_dim3A_400 : f32 to vector<16xf32>
      %pack3A_402 = tpu.pack_subelements %get3A_399, %broadcast_in_dim3A_401 {pack_format = #tpu.pack_format<interleaved>, positions = array<i32: 0, 1>} : vector<16xf32>, vector<16xf32> -> vector<32xbf16>
      %bitcast3A_403 = vector.bitcast %pack3A_402 : vector<32xbf16> to vector<16xi32>
      %swap3A_404 = arith.index_cast %scan3A_76 : i32 to index
      %swap3A_405 = arith.constant 480 : index
      %swap3A_406 = tpu.vector_load %arg8[%swap3A_404, %swap3A_405] {strides = array<i32>} : memref<32x512xi32, #tpu.memory_space<vmem>>, vector<16xi32>,
      tpu.vector_store %arg8[%swap3A_404, %swap3A_405], %bitcast3A_403 {strides = array<i32>} : memref<32x512xi32, #tpu.memory_space<vmem>>, vector<16xi32>,
      %get3A_407 = arith.index_cast %scan3A_76 : i32 to index
      %get3A_408 = arith.constant 496 : index
      %get3A_409 = tpu.vector_load %arg6[%get3A_407, %get3A_408] {strides = array<i32>} : memref<32x896xf32, #tpu.memory_space<vmem>>, vector<16xf32>,
      %broadcast_in_dim3A_410 = arith.constant 0.000000e+00 : f32
      %broadcast_in_dim3A_411 = vector.broadcast %broadcast_in_dim3A_410 : f32 to vector<16xf32>
      %pack3A_412 = tpu.pack_subelements %get3A_409, %broadcast_in_dim3A_411 {pack_format = #tpu.pack_format<interleaved>, positions = array<i32: 0, 1>} : vector<16xf32>, vector<16xf32> -> vector<32xbf16>
      %bitcast3A_413 = vector.bitcast %pack3A_412 : vector<32xbf16> to vector<16xi32>
      %swap3A_414 = arith.index_cast %scan3A_76 : i32 to index
      %swap3A_415 = arith.constant 496 : index
      %swap3A_416 = tpu.vector_load %arg8[%swap3A_414, %swap3A_415] {strides = array<i32>} : memref<32x512xi32, #tpu.memory_space<vmem>>, vector<16xi32>,
      tpu.vector_store %arg8[%swap3A_414, %swap3A_415], %bitcast3A_413 {strides = array<i32>} : memref<32x512xi32, #tpu.memory_space<vmem>>, vector<16xi32>,
      %scan3A_417 = arith.constant 0 : i32
      scf.yield %scan3A_417 : i32
    }
    %scan3A_21 = arith.constant 32 : i32
    %add3A_22 = arith.constant 0 : i32
    %add3A_23 = arith.addi %mul3A_2, %add3A_22 : i32
    "tpu.region"() ({
      %run_scoped3A = tpu.sem_alloc : memref<!tpu.dma_semaphore, #tpu.memory_space<semaphore_mem>>
      %dma_start3A_76 = arith.constant 0 : i32
      %dma_start3A_77 = tpu.memref_slice %arg4[%add3A_23, %dma_start3A_76] : memref<4096x512xi32, #tpu.memory_space<hbm>> -> memref<32x512xi32, #tpu.memory_space<hbm>>
      %dma_start3A_78 = arith.constant 0 : i32
      %dma_start3A_79 = tpu.memref_slice %arg4[%add3A_23, %dma_start3A_78] : memref<4096x512xi32, #tpu.memory_space<hbm>> -> memref<32x512xi32, #tpu.memory_space<hbm>>
      tpu.enqueue_dma source(%arg8 : memref<32x512xi32, #tpu.memory_space<vmem>>) target(%dma_start3A_79 : memref<32x512xi32, #tpu.memory_space<hbm>>) target_semaphore(%run_scoped3A : memref<!tpu.dma_semaphore, #tpu.memory_space<semaphore_mem>>)
      %dma_wait3A_80 = arith.constant 0 : i32
      %dma_wait3A_81 = tpu.memref_slice %arg4[%add3A_23, %dma_wait3A_80] : memref<4096x512xi32, #tpu.memory_space<hbm>> -> memref<32x512xi32, #tpu.memory_space<hbm>>
      %dma_wait3A_82 = arith.constant 0 : i32
      %dma_wait3A_83 = tpu.memref_slice %arg4[%add3A_23, %dma_wait3A_82] : memref<4096x512xi32, #tpu.memory_space<hbm>> -> memref<32x512xi32, #tpu.memory_space<hbm>>
      tpu.wait_dma2 semaphore(%run_scoped3A : memref<!tpu.dma_semaphore, #tpu.memory_space<semaphore_mem>>) src(%arg8 : memref<32x512xi32, #tpu.memory_space<vmem>>) dst(%dma_wait3A_83 : memref<32x512xi32, #tpu.memory_space<hbm>>)
      tpu.yield
    }) : () -> ()
    %dma_wait3A_24 = arith.constant 32 : i32
    %dma_wait3A_25 = tpu.memref_slice %arg5[%dma_wait3A_24] : memref<128xi32, #tpu.memory_space<vmem>> -> memref<32xi32, #tpu.memory_space<vmem>>
    %dma_wait3A_26 = arith.constant 0 : i32
    %dma_wait3A_27 = arith.constant 0 : i32
    %dma_wait3A_28 = tpu.memref_slice %arg2[%dma_wait3A_26, %dma_wait3A_27] : memref<50000x1000xf32, #tpu.memory_space<hbm>> -> memref<50000x896xf32, #tpu.memory_space<hbm>>
    tpu.wait_indirect_dma semaphore(%arg11 : memref<!tpu.dma_semaphore, #tpu.memory_space<semaphore_mem>>) src(%dma_wait3A_28 : memref<50000x896xf32, #tpu.memory_space<hbm>>) dst(%arg7 : memref<32x896xf32, #tpu.memory_space<vmem>>)
    %dma_start3A_29 = arith.constant 64 : i32
    %dma_start3A_30 = tpu.memref_slice %arg5[%dma_start3A_29] : memref<128xi32, #tpu.memory_space<vmem>> -> memref<32xi32, #tpu.memory_space<vmem>>
    %dma_start3A_31 = arith.constant 0 : i32
    %dma_start3A_32 = arith.constant 0 : i32
    %dma_start3A_33 = tpu.memref_slice %arg2[%dma_start3A_31, %dma_start3A_32] : memref<50000x1000xf32, #tpu.memory_space<hbm>> -> memref<50000x896xf32, #tpu.memory_space<hbm>>
    tpu.enqueue_indirect_dma source(%dma_start3A_33 : memref<50000x896xf32, #tpu.memory_space<hbm>>) target(%arg6 : memref<32x896xf32, #tpu.memory_space<vmem>>) offsets(%dma_start3A_30 : memref<32xi32, #tpu.memory_space<vmem>>) semaphore(%arg10 : memref<!tpu.dma_semaphore, #tpu.memory_space<semaphore_mem>>)
    %scan3A_34 = arith.constant 0 : i32
    %scan3A_35 = arith.constant 0 : i32
    %scan3A_36 = arith.constant 32 : i32
    %scan3A_37 = arith.addi %scan3A_35, %scan3A_36 : i32
    %scan3A_38 = arith.constant 1 : i32
    %scan3A_39 = scf.for %scan3A_76 = %scan3A_35 to %scan3A_37 step %scan3A_38 iter_args(%scan3A_77 = %scan3A_34) -> (i32)  : i32 {
      %get3A = arith.index_cast %scan3A_76 : i32 to index
      %get3A_78 = arith.constant 0 : index
      %get3A_79 = tpu.vector_load %arg7[%get3A, %get3A_78] {strides = array<i32>} : memref<32x896xf32, #tpu.memory_space<vmem>>, vector<16xf32>,
      %get3A_80 = arith.index_cast %scan3A_76 : i32 to index
      %get3A_81 = arith.constant 512 : index
      %get3A_82 = tpu.vector_load %arg7[%get3A_80, %get3A_81] {strides = array<i32>} : memref<32x896xf32, #tpu.memory_space<vmem>>, vector<16xf32>,
      %pack3A = tpu.pack_subelements %get3A_79, %get3A_82 {pack_format = #tpu.pack_format<interleaved>, positions = array<i32: 0, 1>} : vector<16xf32>, vector<16xf32> -> vector<32xbf16>
      %bitcast3A = vector.bitcast %pack3A : vector<32xbf16> to vector<16xi32>
      %swap3A = arith.index_cast %scan3A_76 : i32 to index
      %swap3A_83 = arith.constant 0 : index
      %swap3A_84 = tpu.vector_load %arg9[%swap3A, %swap3A_83] {strides = array<i32>} : memref<32x512xi32, #tpu.memory_space<vmem>>, vector<16xi32>,
      tpu.vector_store %arg9[%swap3A, %swap3A_83], %bitcast3A {strides = array<i32>} : memref<32x512xi32, #tpu.memory_space<vmem>>, vector<16xi32>,
      %get3A_85 = arith.index_cast %scan3A_76 : i32 to index
      %get3A_86 = arith.constant 16 : index
      %get3A_87 = tpu.vector_load %arg7[%get3A_85, %get3A_86] {strides = array<i32>} : memref<32x896xf32, #tpu.memory_space<vmem>>, vector<16xf32>,
      %get3A_88 = arith.index_cast %scan3A_76 : i32 to index
      %get3A_89 = arith.constant 528 : index
      %get3A_90 = tpu.vector_load %arg7[%get3A_88, %get3A_89] {strides = array<i32>} : memref<32x896xf32, #tpu.memory_space<vmem>>, vector<16xf32>,
      %pack3A_91 = tpu.pack_subelements %get3A_87, %get3A_90 {pack_format = #tpu.pack_format<interleaved>, positions = array<i32: 0, 1>} : vector<16xf32>, vector<16xf32> -> vector<32xbf16>
      %bitcast3A_92 = vector.bitcast %pack3A_91 : vector<32xbf16> to vector<16xi32>
      %swap3A_93 = arith.index_cast %scan3A_76 : i32 to index
      %swap3A_94 = arith.constant 16 : index
      %swap3A_95 = tpu.vector_load %arg9[%swap3A_93, %swap3A_94] {strides = array<i32>} : memref<32x512xi32, #tpu.memory_space<vmem>>, vector<16xi32>,
      tpu.vector_store %arg9[%swap3A_93, %swap3A_94], %bitcast3A_92 {strides = array<i32>} : memref<32x512xi32, #tpu.memory_space<vmem>>, vector<16xi32>,
      %get3A_96 = arith.index_cast %scan3A_76 : i32 to index
      %get3A_97 = arith.constant 32 : index
      %get3A_98 = tpu.vector_load %arg7[%get3A_96, %get3A_97] {strides = array<i32>} : memref<32x896xf32, #tpu.memory_space<vmem>>, vector<16xf32>,
      %get3A_99 = arith.index_cast %scan3A_76 : i32 to index
      %get3A_100 = arith.constant 544 : index
      %get3A_101 = tpu.vector_load %arg7[%get3A_99, %get3A_100] {strides = array<i32>} : memref<32x896xf32, #tpu.memory_space<vmem>>, vector<16xf32>,
      %pack3A_102 = tpu.pack_subelements %get3A_98, %get3A_101 {pack_format = #tpu.pack_format<interleaved>, positions = array<i32: 0, 1>} : vector<16xf32>, vector<16xf32> -> vector<32xbf16>
      %bitcast3A_103 = vector.bitcast %pack3A_102 : vector<32xbf16> to vector<16xi32>
      %swap3A_104 = arith.index_cast %scan3A_76 : i32 to index
      %swap3A_105 = arith.constant 32 : index
      %swap3A_106 = tpu.vector_load %arg9[%swap3A_104, %swap3A_105] {strides = array<i32>} : memref<32x512xi32, #tpu.memory_space<vmem>>, vector<16xi32>,
      tpu.vector_store %arg9[%swap3A_104, %swap3A_105], %bitcast3A_103 {strides = array<i32>} : memref<32x512xi32, #tpu.memory_space<vmem>>, vector<16xi32>,
      %get3A_107 = arith.index_cast %scan3A_76 : i32 to index
      %get3A_108 = arith.constant 48 : index
      %get3A_109 = tpu.vector_load %arg7[%get3A_107, %get3A_108] {strides = array<i32>} : memref<32x896xf32, #tpu.memory_space<vmem>>, vector<16xf32>,
      %get3A_110 = arith.index_cast %scan3A_76 : i32 to index
      %get3A_111 = arith.constant 560 : index
      %get3A_112 = tpu.vector_load %arg7[%get3A_110, %get3A_111] {strides = array<i32>} : memref<32x896xf32, #tpu.memory_space<vmem>>, vector<16xf32>,
      %pack3A_113 = tpu.pack_subelements %get3A_109, %get3A_112 {pack_format = #tpu.pack_format<interleaved>, positions = array<i32: 0, 1>} : vector<16xf32>, vector<16xf32> -> vector<32xbf16>
      %bitcast3A_114 = vector.bitcast %pack3A_113 : vector<32xbf16> to vector<16xi32>
      %swap3A_115 = arith.index_cast %scan3A_76 : i32 to index
      %swap3A_116 = arith.constant 48 : index
      %swap3A_117 = tpu.vector_load %arg9[%swap3A_115, %swap3A_116] {strides = array<i32>} : memref<32x512xi32, #tpu.memory_space<vmem>>, vector<16xi32>,
      tpu.vector_store %arg9[%swap3A_115, %swap3A_116], %bitcast3A_114 {strides = array<i32>} : memref<32x512xi32, #tpu.memory_space<vmem>>, vector<16xi32>,
      %get3A_118 = arith.index_cast %scan3A_76 : i32 to index
      %get3A_119 = arith.constant 64 : index
      %get3A_120 = tpu.vector_load %arg7[%get3A_118, %get3A_119] {strides = array<i32>} : memref<32x896xf32, #tpu.memory_space<vmem>>, vector<16xf32>,
      %get3A_121 = arith.index_cast %scan3A_76 : i32 to index
      %get3A_122 = arith.constant 576 : index
      %get3A_123 = tpu.vector_load %arg7[%get3A_121, %get3A_122] {strides = array<i32>} : memref<32x896xf32, #tpu.memory_space<vmem>>, vector<16xf32>,
      %pack3A_124 = tpu.pack_subelements %get3A_120, %get3A_123 {pack_format = #tpu.pack_format<interleaved>, positions = array<i32: 0, 1>} : vector<16xf32>, vector<16xf32> -> vector<32xbf16>
      %bitcast3A_125 = vector.bitcast %pack3A_124 : vector<32xbf16> to vector<16xi32>
      %swap3A_126 = arith.index_cast %scan3A_76 : i32 to index
      %swap3A_127 = arith.constant 64 : index
      %swap3A_128 = tpu.vector_load %arg9[%swap3A_126, %swap3A_127] {strides = array<i32>} : memref<32x512xi32, #tpu.memory_space<vmem>>, vector<16xi32>,
      tpu.vector_store %arg9[%swap3A_126, %swap3A_127], %bitcast3A_125 {strides = array<i32>} : memref<32x512xi32, #tpu.memory_space<vmem>>, vector<16xi32>,
      %get3A_129 = arith.index_cast %scan3A_76 : i32 to index
      %get3A_130 = arith.constant 80 : index
      %get3A_131 = tpu.vector_load %arg7[%get3A_129, %get3A_130] {strides = array<i32>} : memref<32x896xf32, #tpu.memory_space<vmem>>, vector<16xf32>,
      %get3A_132 = arith.index_cast %scan3A_76 : i32 to index
      %get3A_133 = arith.constant 592 : index
      %get3A_134 = tpu.vector_load %arg7[%get3A_132, %get3A_133] {strides = array<i32>} : memref<32x896xf32, #tpu.memory_space<vmem>>, vector<16xf32>,
      %pack3A_135 = tpu.pack_subelements %get3A_131, %get3A_134 {pack_format = #tpu.pack_format<interleaved>, positions = array<i32: 0, 1>} : vector<16xf32>, vector<16xf32> -> vector<32xbf16>
      %bitcast3A_136 = vector.bitcast %pack3A_135 : vector<32xbf16> to vector<16xi32>
      %swap3A_137 = arith.index_cast %scan3A_76 : i32 to index
      %swap3A_138 = arith.constant 80 : index
      %swap3A_139 = tpu.vector_load %arg9[%swap3A_137, %swap3A_138] {strides = array<i32>} : memref<32x512xi32, #tpu.memory_space<vmem>>, vector<16xi32>,
      tpu.vector_store %arg9[%swap3A_137, %swap3A_138], %bitcast3A_136 {strides = array<i32>} : memref<32x512xi32, #tpu.memory_space<vmem>>, vector<16xi32>,
      %get3A_140 = arith.index_cast %scan3A_76 : i32 to index
      %get3A_141 = arith.constant 96 : index
      %get3A_142 = tpu.vector_load %arg7[%get3A_140, %get3A_141] {strides = array<i32>} : memref<32x896xf32, #tpu.memory_space<vmem>>, vector<16xf32>,
      %get3A_143 = arith.index_cast %scan3A_76 : i32 to index
      %get3A_144 = arith.constant 608 : index
      %get3A_145 = tpu.vector_load %arg7[%get3A_143, %get3A_144] {strides = array<i32>} : memref<32x896xf32, #tpu.memory_space<vmem>>, vector<16xf32>,
      %pack3A_146 = tpu.pack_subelements %get3A_142, %get3A_145 {pack_format = #tpu.pack_format<interleaved>, positions = array<i32: 0, 1>} : vector<16xf32>, vector<16xf32> -> vector<32xbf16>
      %bitcast3A_147 = vector.bitcast %pack3A_146 : vector<32xbf16> to vector<16xi32>
      %swap3A_148 = arith.index_cast %scan3A_76 : i32 to index
      %swap3A_149 = arith.constant 96 : index
      %swap3A_150 = tpu.vector_load %arg9[%swap3A_148, %swap3A_149] {strides = array<i32>} : memref<32x512xi32, #tpu.memory_space<vmem>>, vector<16xi32>,
      tpu.vector_store %arg9[%swap3A_148, %swap3A_149], %bitcast3A_147 {strides = array<i32>} : memref<32x512xi32, #tpu.memory_space<vmem>>, vector<16xi32>,
      %get3A_151 = arith.index_cast %scan3A_76 : i32 to index
      %get3A_152 = arith.constant 112 : index
      %get3A_153 = tpu.vector_load %arg7[%get3A_151, %get3A_152] {strides = array<i32>} : memref<32x896xf32, #tpu.memory_space<vmem>>, vector<16xf32>,
      %get3A_154 = arith.index_cast %scan3A_76 : i32 to index
      %get3A_155 = arith.constant 624 : index
      %get3A_156 = tpu.vector_load %arg7[%get3A_154, %get3A_155] {strides = array<i32>} : memref<32x896xf32, #tpu.memory_space<vmem>>, vector<16xf32>,
      %pack3A_157 = tpu.pack_subelements %get3A_153, %get3A_156 {pack_format = #tpu.pack_format<interleaved>, positions = array<i32: 0, 1>} : vector<16xf32>, vector<16xf32> -> vector<32xbf16>
      %bitcast3A_158 = vector.bitcast %pack3A_157 : vector<32xbf16> to vector<16xi32>
      %swap3A_159 = arith.index_cast %scan3A_76 : i32 to index
      %swap3A_160 = arith.constant 112 : index
      %swap3A_161 = tpu.vector_load %arg9[%swap3A_159, %swap3A_160] {strides = array<i32>} : memref<32x512xi32, #tpu.memory_space<vmem>>, vector<16xi32>,
      tpu.vector_store %arg9[%swap3A_159, %swap3A_160], %bitcast3A_158 {strides = array<i32>} : memref<32x512xi32, #tpu.memory_space<vmem>>, vector<16xi32>,
      %get3A_162 = arith.index_cast %scan3A_76 : i32 to index
      %get3A_163 = arith.constant 128 : index
      %get3A_164 = tpu.vector_load %arg7[%get3A_162, %get3A_163] {strides = array<i32>} : memref<32x896xf32, #tpu.memory_space<vmem>>, vector<16xf32>,
      %get3A_165 = arith.index_cast %scan3A_76 : i32 to index
      %get3A_166 = arith.constant 640 : index
      %get3A_167 = tpu.vector_load %arg7[%get3A_165, %get3A_166] {strides = array<i32>} : memref<32x896xf32, #tpu.memory_space<vmem>>, vector<16xf32>,
      %pack3A_168 = tpu.pack_subelements %get3A_164, %get3A_167 {pack_format = #tpu.pack_format<interleaved>, positions = array<i32: 0, 1>} : vector<16xf32>, vector<16xf32> -> vector<32xbf16>
      %bitcast3A_169 = vector.bitcast %pack3A_168 : vector<32xbf16> to vector<16xi32>
      %swap3A_170 = arith.index_cast %scan3A_76 : i32 to index
      %swap3A_171 = arith.constant 128 : index
      %swap3A_172 = tpu.vector_load %arg9[%swap3A_170, %swap3A_171] {strides = array<i32>} : memref<32x512xi32, #tpu.memory_space<vmem>>, vector<16xi32>,
      tpu.vector_store %arg9[%swap3A_170, %swap3A_171], %bitcast3A_169 {strides = array<i32>} : memref<32x512xi32, #tpu.memory_space<vmem>>, vector<16xi32>,
      %get3A_173 = arith.index_cast %scan3A_76 : i32 to index
      %get3A_174 = arith.constant 144 : index
      %get3A_175 = tpu.vector_load %arg7[%get3A_173, %get3A_174] {strides = array<i32>} : memref<32x896xf32, #tpu.memory_space<vmem>>, vector<16xf32>,
      %get3A_176 = arith.index_cast %scan3A_76 : i32 to index
      %get3A_177 = arith.constant 656 : index
      %get3A_178 = tpu.vector_load %arg7[%get3A_176, %get3A_177] {strides = array<i32>} : memref<32x896xf32, #tpu.memory_space<vmem>>, vector<16xf32>,
      %pack3A_179 = tpu.pack_subelements %get3A_175, %get3A_178 {pack_format = #tpu.pack_format<interleaved>, positions = array<i32: 0, 1>} : vector<16xf32>, vector<16xf32> -> vector<32xbf16>
      %bitcast3A_180 = vector.bitcast %pack3A_179 : vector<32xbf16> to vector<16xi32>
      %swap3A_181 = arith.index_cast %scan3A_76 : i32 to index
      %swap3A_182 = arith.constant 144 : index
      %swap3A_183 = tpu.vector_load %arg9[%swap3A_181, %swap3A_182] {strides = array<i32>} : memref<32x512xi32, #tpu.memory_space<vmem>>, vector<16xi32>,
      tpu.vector_store %arg9[%swap3A_181, %swap3A_182], %bitcast3A_180 {strides = array<i32>} : memref<32x512xi32, #tpu.memory_space<vmem>>, vector<16xi32>,
      %get3A_184 = arith.index_cast %scan3A_76 : i32 to index
      %get3A_185 = arith.constant 160 : index
      %get3A_186 = tpu.vector_load %arg7[%get3A_184, %get3A_185] {strides = array<i32>} : memref<32x896xf32, #tpu.memory_space<vmem>>, vector<16xf32>,
      %get3A_187 = arith.index_cast %scan3A_76 : i32 to index
      %get3A_188 = arith.constant 672 : index
      %get3A_189 = tpu.vector_load %arg7[%get3A_187, %get3A_188] {strides = array<i32>} : memref<32x896xf32, #tpu.memory_space<vmem>>, vector<16xf32>,
      %pack3A_190 = tpu.pack_subelements %get3A_186, %get3A_189 {pack_format = #tpu.pack_format<interleaved>, positions = array<i32: 0, 1>} : vector<16xf32>, vector<16xf32> -> vector<32xbf16>
      %bitcast3A_191 = vector.bitcast %pack3A_190 : vector<32xbf16> to vector<16xi32>
      %swap3A_192 = arith.index_cast %scan3A_76 : i32 to index
      %swap3A_193 = arith.constant 160 : index
      %swap3A_194 = tpu.vector_load %arg9[%swap3A_192, %swap3A_193] {strides = array<i32>} : memref<32x512xi32, #tpu.memory_space<vmem>>, vector<16xi32>,
      tpu.vector_store %arg9[%swap3A_192, %swap3A_193], %bitcast3A_191 {strides = array<i32>} : memref<32x512xi32, #tpu.memory_space<vmem>>, vector<16xi32>,
      %get3A_195 = arith.index_cast %scan3A_76 : i32 to index
      %get3A_196 = arith.constant 176 : index
      %get3A_197 = tpu.vector_load %arg7[%get3A_195, %get3A_196] {strides = array<i32>} : memref<32x896xf32, #tpu.memory_space<vmem>>, vector<16xf32>,
      %get3A_198 = arith.index_cast %scan3A_76 : i32 to index
      %get3A_199 = arith.constant 688 : index
      %get3A_200 = tpu.vector_load %arg7[%get3A_198, %get3A_199] {strides = array<i32>} : memref<32x896xf32, #tpu.memory_space<vmem>>, vector<16xf32>,
      %pack3A_201 = tpu.pack_subelements %get3A_197, %get3A_200 {pack_format = #tpu.pack_format<interleaved>, positions = array<i32: 0, 1>} : vector<16xf32>, vector<16xf32> -> vector<32xbf16>
      %bitcast3A_202 = vector.bitcast %pack3A_201 : vector<32xbf16> to vector<16xi32>
      %swap3A_203 = arith.index_cast %scan3A_76 : i32 to index
      %swap3A_204 = arith.constant 176 : index
      %swap3A_205 = tpu.vector_load %arg9[%swap3A_203, %swap3A_204] {strides = array<i32>} : memref<32x512xi32, #tpu.memory_space<vmem>>, vector<16xi32>,
      tpu.vector_store %arg9[%swap3A_203, %swap3A_204], %bitcast3A_202 {strides = array<i32>} : memref<32x512xi32, #tpu.memory_space<vmem>>, vector<16xi32>,
      %get3A_206 = arith.index_cast %scan3A_76 : i32 to index
      %get3A_207 = arith.constant 192 : index
      %get3A_208 = tpu.vector_load %arg7[%get3A_206, %get3A_207] {strides = array<i32>} : memref<32x896xf32, #tpu.memory_space<vmem>>, vector<16xf32>,
      %get3A_209 = arith.index_cast %scan3A_76 : i32 to index
      %get3A_210 = arith.constant 704 : index
      %get3A_211 = tpu.vector_load %arg7[%get3A_209, %get3A_210] {strides = array<i32>} : memref<32x896xf32, #tpu.memory_space<vmem>>, vector<16xf32>,
      %pack3A_212 = tpu.pack_subelements %get3A_208, %get3A_211 {pack_format = #tpu.pack_format<interleaved>, positions = array<i32: 0, 1>} : vector<16xf32>, vector<16xf32> -> vector<32xbf16>
      %bitcast3A_213 = vector.bitcast %pack3A_212 : vector<32xbf16> to vector<16xi32>
      %swap3A_214 = arith.index_cast %scan3A_76 : i32 to index
      %swap3A_215 = arith.constant 192 : index
      %swap3A_216 = tpu.vector_load %arg9[%swap3A_214, %swap3A_215] {strides = array<i32>} : memref<32x512xi32, #tpu.memory_space<vmem>>, vector<16xi32>,
      tpu.vector_store %arg9[%swap3A_214, %swap3A_215], %bitcast3A_213 {strides = array<i32>} : memref<32x512xi32, #tpu.memory_space<vmem>>, vector<16xi32>,
      %get3A_217 = arith.index_cast %scan3A_76 : i32 to index
      %get3A_218 = arith.constant 208 : index
      %get3A_219 = tpu.vector_load %arg7[%get3A_217, %get3A_218] {strides = array<i32>} : memref<32x896xf32, #tpu.memory_space<vmem>>, vector<16xf32>,
      %get3A_220 = arith.index_cast %scan3A_76 : i32 to index
      %get3A_221 = arith.constant 720 : index
      %get3A_222 = tpu.vector_load %arg7[%get3A_220, %get3A_221] {strides = array<i32>} : memref<32x896xf32, #tpu.memory_space<vmem>>, vector<16xf32>,
      %pack3A_223 = tpu.pack_subelements %get3A_219, %get3A_222 {pack_format = #tpu.pack_format<interleaved>, positions = array<i32: 0, 1>} : vector<16xf32>, vector<16xf32> -> vector<32xbf16>
      %bitcast3A_224 = vector.bitcast %pack3A_223 : vector<32xbf16> to vector<16xi32>
      %swap3A_225 = arith.index_cast %scan3A_76 : i32 to index
      %swap3A_226 = arith.constant 208 : index
      %swap3A_227 = tpu.vector_load %arg9[%swap3A_225, %swap3A_226] {strides = array<i32>} : memref<32x512xi32, #tpu.memory_space<vmem>>, vector<16xi32>,
      tpu.vector_store %arg9[%swap3A_225, %swap3A_226], %bitcast3A_224 {strides = array<i32>} : memref<32x512xi32, #tpu.memory_space<vmem>>, vector<16xi32>,
      %get3A_228 = arith.index_cast %scan3A_76 : i32 to index
      %get3A_229 = arith.constant 224 : index
      %get3A_230 = tpu.vector_load %arg7[%get3A_228, %get3A_229] {strides = array<i32>} : memref<32x896xf32, #tpu.memory_space<vmem>>, vector<16xf32>,
      %get3A_231 = arith.index_cast %scan3A_76 : i32 to index
      %get3A_232 = arith.constant 736 : index
      %get3A_233 = tpu.vector_load %arg7[%get3A_231, %get3A_232] {strides = array<i32>} : memref<32x896xf32, #tpu.memory_space<vmem>>, vector<16xf32>,
      %pack3A_234 = tpu.pack_subelements %get3A_230, %get3A_233 {pack_format = #tpu.pack_format<interleaved>, positions = array<i32: 0, 1>} : vector<16xf32>, vector<16xf32> -> vector<32xbf16>
      %bitcast3A_235 = vector.bitcast %pack3A_234 : vector<32xbf16> to vector<16xi32>
      %swap3A_236 = arith.index_cast %scan3A_76 : i32 to index
      %swap3A_237 = arith.constant 224 : index
      %swap3A_238 = tpu.vector_load %arg9[%swap3A_236, %swap3A_237] {strides = array<i32>} : memref<32x512xi32, #tpu.memory_space<vmem>>, vector<16xi32>,
      tpu.vector_store %arg9[%swap3A_236, %swap3A_237], %bitcast3A_235 {strides = array<i32>} : memref<32x512xi32, #tpu.memory_space<vmem>>, vector<16xi32>,
      %get3A_239 = arith.index_cast %scan3A_76 : i32 to index
      %get3A_240 = arith.constant 240 : index
      %get3A_241 = tpu.vector_load %arg7[%get3A_239, %get3A_240] {strides = array<i32>} : memref<32x896xf32, #tpu.memory_space<vmem>>, vector<16xf32>,
      %get3A_242 = arith.index_cast %scan3A_76 : i32 to index
      %get3A_243 = arith.constant 752 : index
      %get3A_244 = tpu.vector_load %arg7[%get3A_242, %get3A_243] {strides = array<i32>} : memref<32x896xf32, #tpu.memory_space<vmem>>, vector<16xf32>,
      %pack3A_245 = tpu.pack_subelements %get3A_241, %get3A_244 {pack_format = #tpu.pack_format<interleaved>, positions = array<i32: 0, 1>} : vector<16xf32>, vector<16xf32> -> vector<32xbf16>
      %bitcast3A_246 = vector.bitcast %pack3A_245 : vector<32xbf16> to vector<16xi32>
      %swap3A_247 = arith.index_cast %scan3A_76 : i32 to index
      %swap3A_248 = arith.constant 240 : index
      %swap3A_249 = tpu.vector_load %arg9[%swap3A_247, %swap3A_248] {strides = array<i32>} : memref<32x512xi32, #tpu.memory_space<vmem>>, vector<16xi32>,
      tpu.vector_store %arg9[%swap3A_247, %swap3A_248], %bitcast3A_246 {strides = array<i32>} : memref<32x512xi32, #tpu.memory_space<vmem>>, vector<16xi32>,
      %get3A_250 = arith.index_cast %scan3A_76 : i32 to index
      %get3A_251 = arith.constant 256 : index
      %get3A_252 = tpu.vector_load %arg7[%get3A_250, %get3A_251] {strides = array<i32>} : memref<32x896xf32, #tpu.memory_space<vmem>>, vector<16xf32>,
      %get3A_253 = arith.index_cast %scan3A_76 : i32 to index
      %get3A_254 = arith.constant 768 : index
      %get3A_255 = tpu.vector_load %arg7[%get3A_253, %get3A_254] {strides = array<i32>} : memref<32x896xf32, #tpu.memory_space<vmem>>, vector<16xf32>,
      %pack3A_256 = tpu.pack_subelements %get3A_252, %get3A_255 {pack_format = #tpu.pack_format<interleaved>, positions = array<i32: 0, 1>} : vector<16xf32>, vector<16xf32> -> vector<32xbf16>
      %bitcast3A_257 = vector.bitcast %pack3A_256 : vector<32xbf16> to vector<16xi32>
      %swap3A_258 = arith.index_cast %scan3A_76 : i32 to index
      %swap3A_259 = arith.constant 256 : index
      %swap3A_260 = tpu.vector_load %arg9[%swap3A_258, %swap3A_259] {strides = array<i32>} : memref<32x512xi32, #tpu.memory_space<vmem>>, vector<16xi32>,
      tpu.vector_store %arg9[%swap3A_258, %swap3A_259], %bitcast3A_257 {strides = array<i32>} : memref<32x512xi32, #tpu.memory_space<vmem>>, vector<16xi32>,
      %get3A_261 = arith.index_cast %scan3A_76 : i32 to index
      %get3A_262 = arith.constant 272 : index
      %get3A_263 = tpu.vector_load %arg7[%get3A_261, %get3A_262] {strides = array<i32>} : memref<32x896xf32, #tpu.memory_space<vmem>>, vector<16xf32>,
      %get3A_264 = arith.index_cast %scan3A_76 : i32 to index
      %get3A_265 = arith.constant 784 : index
      %get3A_266 = tpu.vector_load %arg7[%get3A_264, %get3A_265] {strides = array<i32>} : memref<32x896xf32, #tpu.memory_space<vmem>>, vector<16xf32>,
      %pack3A_267 = tpu.pack_subelements %get3A_263, %get3A_266 {pack_format = #tpu.pack_format<interleaved>, positions = array<i32: 0, 1>} : vector<16xf32>, vector<16xf32> -> vector<32xbf16>
      %bitcast3A_268 = vector.bitcast %pack3A_267 : vector<32xbf16> to vector<16xi32>
      %swap3A_269 = arith.index_cast %scan3A_76 : i32 to index
      %swap3A_270 = arith.constant 272 : index
      %swap3A_271 = tpu.vector_load %arg9[%swap3A_269, %swap3A_270] {strides = array<i32>} : memref<32x512xi32, #tpu.memory_space<vmem>>, vector<16xi32>,
      tpu.vector_store %arg9[%swap3A_269, %swap3A_270], %bitcast3A_268 {strides = array<i32>} : memref<32x512xi32, #tpu.memory_space<vmem>>, vector<16xi32>,
      %get3A_272 = arith.index_cast %scan3A_76 : i32 to index
      %get3A_273 = arith.constant 288 : index
      %get3A_274 = tpu.vector_load %arg7[%get3A_272, %get3A_273] {strides = array<i32>} : memref<32x896xf32, #tpu.memory_space<vmem>>, vector<16xf32>,
      %get3A_275 = arith.index_cast %scan3A_76 : i32 to index
      %get3A_276 = arith.constant 800 : index
      %get3A_277 = tpu.vector_load %arg7[%get3A_275, %get3A_276] {strides = array<i32>} : memref<32x896xf32, #tpu.memory_space<vmem>>, vector<16xf32>,
      %pack3A_278 = tpu.pack_subelements %get3A_274, %get3A_277 {pack_format = #tpu.pack_format<interleaved>, positions = array<i32: 0, 1>} : vector<16xf32>, vector<16xf32> -> vector<32xbf16>
      %bitcast3A_279 = vector.bitcast %pack3A_278 : vector<32xbf16> to vector<16xi32>
      %swap3A_280 = arith.index_cast %scan3A_76 : i32 to index
      %swap3A_281 = arith.constant 288 : index
      %swap3A_282 = tpu.vector_load %arg9[%swap3A_280, %swap3A_281] {strides = array<i32>} : memref<32x512xi32, #tpu.memory_space<vmem>>, vector<16xi32>,
      tpu.vector_store %arg9[%swap3A_280, %swap3A_281], %bitcast3A_279 {strides = array<i32>} : memref<32x512xi32, #tpu.memory_space<vmem>>, vector<16xi32>,
      %get3A_283 = arith.index_cast %scan3A_76 : i32 to index
      %get3A_284 = arith.constant 304 : index
      %get3A_285 = tpu.vector_load %arg7[%get3A_283, %get3A_284] {strides = array<i32>} : memref<32x896xf32, #tpu.memory_space<vmem>>, vector<16xf32>,
      %get3A_286 = arith.index_cast %scan3A_76 : i32 to index
      %get3A_287 = arith.constant 816 : index
      %get3A_288 = tpu.vector_load %arg7[%get3A_286, %get3A_287] {strides = array<i32>} : memref<32x896xf32, #tpu.memory_space<vmem>>, vector<16xf32>,
      %pack3A_289 = tpu.pack_subelements %get3A_285, %get3A_288 {pack_format = #tpu.pack_format<interleaved>, positions = array<i32: 0, 1>} : vector<16xf32>, vector<16xf32> -> vector<32xbf16>
      %bitcast3A_290 = vector.bitcast %pack3A_289 : vector<32xbf16> to vector<16xi32>
      %swap3A_291 = arith.index_cast %scan3A_76 : i32 to index
      %swap3A_292 = arith.constant 304 : index
      %swap3A_293 = tpu.vector_load %arg9[%swap3A_291, %swap3A_292] {strides = array<i32>} : memref<32x512xi32, #tpu.memory_space<vmem>>, vector<16xi32>,
      tpu.vector_store %arg9[%swap3A_291, %swap3A_292], %bitcast3A_290 {strides = array<i32>} : memref<32x512xi32, #tpu.memory_space<vmem>>, vector<16xi32>,
      %get3A_294 = arith.index_cast %scan3A_76 : i32 to index
      %get3A_295 = arith.constant 320 : index
      %get3A_296 = tpu.vector_load %arg7[%get3A_294, %get3A_295] {strides = array<i32>} : memref<32x896xf32, #tpu.memory_space<vmem>>, vector<16xf32>,
      %get3A_297 = arith.index_cast %scan3A_76 : i32 to index
      %get3A_298 = arith.constant 832 : index
      %get3A_299 = tpu.vector_load %arg7[%get3A_297, %get3A_298] {strides = array<i32>} : memref<32x896xf32, #tpu.memory_space<vmem>>, vector<16xf32>,
      %pack3A_300 = tpu.pack_subelements %get3A_296, %get3A_299 {pack_format = #tpu.pack_format<interleaved>, positions = array<i32: 0, 1>} : vector<16xf32>, vector<16xf32> -> vector<32xbf16>
      %bitcast3A_301 = vector.bitcast %pack3A_300 : vector<32xbf16> to vector<16xi32>
      %swap3A_302 = arith.index_cast %scan3A_76 : i32 to index
      %swap3A_303 = arith.constant 320 : index
      %swap3A_304 = tpu.vector_load %arg9[%swap3A_302, %swap3A_303] {strides = array<i32>} : memref<32x512xi32, #tpu.memory_space<vmem>>, vector<16xi32>,
      tpu.vector_store %arg9[%swap3A_302, %swap3A_303], %bitcast3A_301 {strides = array<i32>} : memref<32x512xi32, #tpu.memory_space<vmem>>, vector<16xi32>,
      %get3A_305 = arith.index_cast %scan3A_76 : i32 to index
      %get3A_306 = arith.constant 336 : index
      %get3A_307 = tpu.vector_load %arg7[%get3A_305, %get3A_306] {strides = array<i32>} : memref<32x896xf32, #tpu.memory_space<vmem>>, vector<16xf32>,
      %get3A_308 = arith.index_cast %scan3A_76 : i32 to index
      %get3A_309 = arith.constant 848 : index
      %get3A_310 = tpu.vector_load %arg7[%get3A_308, %get3A_309] {strides = array<i32>} : memref<32x896xf32, #tpu.memory_space<vmem>>, vector<16xf32>,
      %pack3A_311 = tpu.pack_subelements %get3A_307, %get3A_310 {pack_format = #tpu.pack_format<interleaved>, positions = array<i32: 0, 1>} : vector<16xf32>, vector<16xf32> -> vector<32xbf16>
      %bitcast3A_312 = vector.bitcast %pack3A_311 : vector<32xbf16> to vector<16xi32>
      %swap3A_313 = arith.index_cast %scan3A_76 : i32 to index
      %swap3A_314 = arith.constant 336 : index
      %swap3A_315 = tpu.vector_load %arg9[%swap3A_313, %swap3A_314] {strides = array<i32>} : memref<32x512xi32, #tpu.memory_space<vmem>>, vector<16xi32>,
      tpu.vector_store %arg9[%swap3A_313, %swap3A_314], %bitcast3A_312 {strides = array<i32>} : memref<32x512xi32, #tpu.memory_space<vmem>>, vector<16xi32>,
      %get3A_316 = arith.index_cast %scan3A_76 : i32 to index
      %get3A_317 = arith.constant 352 : index
      %get3A_318 = tpu.vector_load %arg7[%get3A_316, %get3A_317] {strides = array<i32>} : memref<32x896xf32, #tpu.memory_space<vmem>>, vector<16xf32>,
      %get3A_319 = arith.index_cast %scan3A_76 : i32 to index
      %get3A_320 = arith.constant 864 : index
      %get3A_321 = tpu.vector_load %arg7[%get3A_319, %get3A_320] {strides = array<i32>} : memref<32x896xf32, #tpu.memory_space<vmem>>, vector<16xf32>,
      %pack3A_322 = tpu.pack_subelements %get3A_318, %get3A_321 {pack_format = #tpu.pack_format<interleaved>, positions = array<i32: 0, 1>} : vector<16xf32>, vector<16xf32> -> vector<32xbf16>
      %bitcast3A_323 = vector.bitcast %pack3A_322 : vector<32xbf16> to vector<16xi32>
      %swap3A_324 = arith.index_cast %scan3A_76 : i32 to index
      %swap3A_325 = arith.constant 352 : index
      %swap3A_326 = tpu.vector_load %arg9[%swap3A_324, %swap3A_325] {strides = array<i32>} : memref<32x512xi32, #tpu.memory_space<vmem>>, vector<16xi32>,
      tpu.vector_store %arg9[%swap3A_324, %swap3A_325], %bitcast3A_323 {strides = array<i32>} : memref<32x512xi32, #tpu.memory_space<vmem>>, vector<16xi32>,
      %get3A_327 = arith.index_cast %scan3A_76 : i32 to index
      %get3A_328 = arith.constant 368 : index
      %get3A_329 = tpu.vector_load %arg7[%get3A_327, %get3A_328] {strides = array<i32>} : memref<32x896xf32, #tpu.memory_space<vmem>>, vector<16xf32>,
      %get3A_330 = arith.index_cast %scan3A_76 : i32 to index
      %get3A_331 = arith.constant 880 : index
      %get3A_332 = tpu.vector_load %arg7[%get3A_330, %get3A_331] {strides = array<i32>} : memref<32x896xf32, #tpu.memory_space<vmem>>, vector<16xf32>,
      %pack3A_333 = tpu.pack_subelements %get3A_329, %get3A_332 {pack_format = #tpu.pack_format<interleaved>, positions = array<i32: 0, 1>} : vector<16xf32>, vector<16xf32> -> vector<32xbf16>
      %bitcast3A_334 = vector.bitcast %pack3A_333 : vector<32xbf16> to vector<16xi32>
      %swap3A_335 = arith.index_cast %scan3A_76 : i32 to index
      %swap3A_336 = arith.constant 368 : index
      %swap3A_337 = tpu.vector_load %arg9[%swap3A_335, %swap3A_336] {strides = array<i32>} : memref<32x512xi32, #tpu.memory_space<vmem>>, vector<16xi32>,
      tpu.vector_store %arg9[%swap3A_335, %swap3A_336], %bitcast3A_334 {strides = array<i32>} : memref<32x512xi32, #tpu.memory_space<vmem>>, vector<16xi32>,
      %get3A_338 = arith.index_cast %scan3A_76 : i32 to index
      %get3A_339 = arith.constant 384 : index
      %get3A_340 = tpu.vector_load %arg7[%get3A_338, %get3A_339] {strides = array<i32>} : memref<32x896xf32, #tpu.memory_space<vmem>>, vector<16xf32>,
      %broadcast_in_dim3A = arith.constant 0.000000e+00 : f32
      %broadcast_in_dim3A_341 = vector.broadcast %broadcast_in_dim3A : f32 to vector<16xf32>
      %pack3A_342 = tpu.pack_subelements %get3A_340, %broadcast_in_dim3A_341 {pack_format = #tpu.pack_format<interleaved>, positions = array<i32: 0, 1>} : vector<16xf32>, vector<16xf32> -> vector<32xbf16>
      %bitcast3A_343 = vector.bitcast %pack3A_342 : vector<32xbf16> to vector<16xi32>
      %swap3A_344 = arith.index_cast %scan3A_76 : i32 to index
      %swap3A_345 = arith.constant 384 : index
      %swap3A_346 = tpu.vector_load %arg9[%swap3A_344, %swap3A_345] {strides = array<i32>} : memref<32x512xi32, #tpu.memory_space<vmem>>, vector<16xi32>,
      tpu.vector_store %arg9[%swap3A_344, %swap3A_345], %bitcast3A_343 {strides = array<i32>} : memref<32x512xi32, #tpu.memory_space<vmem>>, vector<16xi32>,
      %get3A_347 = arith.index_cast %scan3A_76 : i32 to index
      %get3A_348 = arith.constant 400 : index
      %get3A_349 = tpu.vector_load %arg7[%get3A_347, %get3A_348] {strides = array<i32>} : memref<32x896xf32, #tpu.memory_space<vmem>>, vector<16xf32>,
      %broadcast_in_dim3A_350 = arith.constant 0.000000e+00 : f32
      %broadcast_in_dim3A_351 = vector.broadcast %broadcast_in_dim3A_350 : f32 to vector<16xf32>
      %pack3A_352 = tpu.pack_subelements %get3A_349, %broadcast_in_dim3A_351 {pack_format = #tpu.pack_format<interleaved>, positions = array<i32: 0, 1>} : vector<16xf32>, vector<16xf32> -> vector<32xbf16>
      %bitcast3A_353 = vector.bitcast %pack3A_352 : vector<32xbf16> to vector<16xi32>
      %swap3A_354 = arith.index_cast %scan3A_76 : i32 to index
      %swap3A_355 = arith.constant 400 : index
      %swap3A_356 = tpu.vector_load %arg9[%swap3A_354, %swap3A_355] {strides = array<i32>} : memref<32x512xi32, #tpu.memory_space<vmem>>, vector<16xi32>,
      tpu.vector_store %arg9[%swap3A_354, %swap3A_355], %bitcast3A_353 {strides = array<i32>} : memref<32x512xi32, #tpu.memory_space<vmem>>, vector<16xi32>,
      %get3A_357 = arith.index_cast %scan3A_76 : i32 to index
      %get3A_358 = arith.constant 416 : index
      %get3A_359 = tpu.vector_load %arg7[%get3A_357, %get3A_358] {strides = array<i32>} : memref<32x896xf32, #tpu.memory_space<vmem>>, vector<16xf32>,
      %broadcast_in_dim3A_360 = arith.constant 0.000000e+00 : f32
      %broadcast_in_dim3A_361 = vector.broadcast %broadcast_in_dim3A_360 : f32 to vector<16xf32>
      %pack3A_362 = tpu.pack_subelements %get3A_359, %broadcast_in_dim3A_361 {pack_format = #tpu.pack_format<interleaved>, positions = array<i32: 0, 1>} : vector<16xf32>, vector<16xf32> -> vector<32xbf16>
      %bitcast3A_363 = vector.bitcast %pack3A_362 : vector<32xbf16> to vector<16xi32>
      %swap3A_364 = arith.index_cast %scan3A_76 : i32 to index
      %swap3A_365 = arith.constant 416 : index
      %swap3A_366 = tpu.vector_load %arg9[%swap3A_364, %swap3A_365] {strides = array<i32>} : memref<32x512xi32, #tpu.memory_space<vmem>>, vector<16xi32>,
      tpu.vector_store %arg9[%swap3A_364, %swap3A_365], %bitcast3A_363 {strides = array<i32>} : memref<32x512xi32, #tpu.memory_space<vmem>>, vector<16xi32>,
      %get3A_367 = arith.index_cast %scan3A_76 : i32 to index
      %get3A_368 = arith.constant 432 : index
      %get3A_369 = tpu.vector_load %arg7[%get3A_367, %get3A_368] {strides = array<i32>} : memref<32x896xf32, #tpu.memory_space<vmem>>, vector<16xf32>,
      %broadcast_in_dim3A_370 = arith.constant 0.000000e+00 : f32
      %broadcast_in_dim3A_371 = vector.broadcast %broadcast_in_dim3A_370 : f32 to vector<16xf32>
      %pack3A_372 = tpu.pack_subelements %get3A_369, %broadcast_in_dim3A_371 {pack_format = #tpu.pack_format<interleaved>, positions = array<i32: 0, 1>} : vector<16xf32>, vector<16xf32> -> vector<32xbf16>
      %bitcast3A_373 = vector.bitcast %pack3A_372 : vector<32xbf16> to vector<16xi32>
      %swap3A_374 = arith.index_cast %scan3A_76 : i32 to index
      %swap3A_375 = arith.constant 432 : index
      %swap3A_376 = tpu.vector_load %arg9[%swap3A_374, %swap3A_375] {strides = array<i32>} : memref<32x512xi32, #tpu.memory_space<vmem>>, vector<16xi32>,
      tpu.vector_store %arg9[%swap3A_374, %swap3A_375], %bitcast3A_373 {strides = array<i32>} : memref<32x512xi32, #tpu.memory_space<vmem>>, vector<16xi32>,
      %get3A_377 = arith.index_cast %scan3A_76 : i32 to index
      %get3A_378 = arith.constant 448 : index
      %get3A_379 = tpu.vector_load %arg7[%get3A_377, %get3A_378] {strides = array<i32>} : memref<32x896xf32, #tpu.memory_space<vmem>>, vector<16xf32>,
      %broadcast_in_dim3A_380 = arith.constant 0.000000e+00 : f32
      %broadcast_in_dim3A_381 = vector.broadcast %broadcast_in_dim3A_380 : f32 to vector<16xf32>
      %pack3A_382 = tpu.pack_subelements %get3A_379, %broadcast_in_dim3A_381 {pack_format = #tpu.pack_format<interleaved>, positions = array<i32: 0, 1>} : vector<16xf32>, vector<16xf32> -> vector<32xbf16>
      %bitcast3A_383 = vector.bitcast %pack3A_382 : vector<32xbf16> to vector<16xi32>
      %swap3A_384 = arith.index_cast %scan3A_76 : i32 to index
      %swap3A_385 = arith.constant 448 : index
      %swap3A_386 = tpu.vector_load %arg9[%swap3A_384, %swap3A_385] {strides = array<i32>} : memref<32x512xi32, #tpu.memory_space<vmem>>, vector<16xi32>,
      tpu.vector_store %arg9[%swap3A_384, %swap3A_385], %bitcast3A_383 {strides = array<i32>} : memref<32x512xi32, #tpu.memory_space<vmem>>, vector<16xi32>,
      %get3A_387 = arith.index_cast %scan3A_76 : i32 to index
      %get3A_388 = arith.constant 464 : index
      %get3A_389 = tpu.vector_load %arg7[%get3A_387, %get3A_388] {strides = array<i32>} : memref<32x896xf32, #tpu.memory_space<vmem>>, vector<16xf32>,
      %broadcast_in_dim3A_390 = arith.constant 0.000000e+00 : f32
      %broadcast_in_dim3A_391 = vector.broadcast %broadcast_in_dim3A_390 : f32 to vector<16xf32>
      %pack3A_392 = tpu.pack_subelements %get3A_389, %broadcast_in_dim3A_391 {pack_format = #tpu.pack_format<interleaved>, positions = array<i32: 0, 1>} : vector<16xf32>, vector<16xf32> -> vector<32xbf16>
      %bitcast3A_393 = vector.bitcast %pack3A_392 : vector<32xbf16> to vector<16xi32>
      %swap3A_394 = arith.index_cast %scan3A_76 : i32 to index
      %swap3A_395 = arith.constant 464 : index
      %swap3A_396 = tpu.vector_load %arg9[%swap3A_394, %swap3A_395] {strides = array<i32>} : memref<32x512xi32, #tpu.memory_space<vmem>>, vector<16xi32>,
      tpu.vector_store %arg9[%swap3A_394, %swap3A_395], %bitcast3A_393 {strides = array<i32>} : memref<32x512xi32, #tpu.memory_space<vmem>>, vector<16xi32>,
      %get3A_397 = arith.index_cast %scan3A_76 : i32 to index
      %get3A_398 = arith.constant 480 : index
      %get3A_399 = tpu.vector_load %arg7[%get3A_397, %get3A_398] {strides = array<i32>} : memref<32x896xf32, #tpu.memory_space<vmem>>, vector<16xf32>,
      %broadcast_in_dim3A_400 = arith.constant 0.000000e+00 : f32
      %broadcast_in_dim3A_401 = vector.broadcast %broadcast_in_dim3A_400 : f32 to vector<16xf32>
      %pack3A_402 = tpu.pack_subelements %get3A_399, %broadcast_in_dim3A_401 {pack_format = #tpu.pack_format<interleaved>, positions = array<i32: 0, 1>} : vector<16xf32>, vector<16xf32> -> vector<32xbf16>
      %bitcast3A_403 = vector.bitcast %pack3A_402 : vector<32xbf16> to vector<16xi32>
      %swap3A_404 = arith.index_cast %scan3A_76 : i32 to index
      %swap3A_405 = arith.constant 480 : index
      %swap3A_406 = tpu.vector_load %arg9[%swap3A_404, %swap3A_405] {strides = array<i32>} : memref<32x512xi32, #tpu.memory_space<vmem>>, vector<16xi32>,
      tpu.vector_store %arg9[%swap3A_404, %swap3A_405], %bitcast3A_403 {strides = array<i32>} : memref<32x512xi32, #tpu.memory_space<vmem>>, vector<16xi32>,
      %get3A_407 = arith.index_cast %scan3A_76 : i32 to index
      %get3A_408 = arith.constant 496 : index
      %get3A_409 = tpu.vector_load %arg7[%get3A_407, %get3A_408] {strides = array<i32>} : memref<32x896xf32, #tpu.memory_space<vmem>>, vector<16xf32>,
      %broadcast_in_dim3A_410 = arith.constant 0.000000e+00 : f32
      %broadcast_in_dim3A_411 = vector.broadcast %broadcast_in_dim3A_410 : f32 to vector<16xf32>
      %pack3A_412 = tpu.pack_subelements %get3A_409, %broadcast_in_dim3A_411 {pack_format = #tpu.pack_format<interleaved>, positions = array<i32: 0, 1>} : vector<16xf32>, vector<16xf32> -> vector<32xbf16>
      %bitcast3A_413 = vector.bitcast %pack3A_412 : vector<32xbf16> to vector<16xi32>
      %swap3A_414 = arith.index_cast %scan3A_76 : i32 to index
      %swap3A_415 = arith.constant 496 : index
      %swap3A_416 = tpu.vector_load %arg9[%swap3A_414, %swap3A_415] {strides = array<i32>} : memref<32x512xi32, #tpu.memory_space<vmem>>, vector<16xi32>,
      tpu.vector_store %arg9[%swap3A_414, %swap3A_415], %bitcast3A_413 {strides = array<i32>} : memref<32x512xi32, #tpu.memory_space<vmem>>, vector<16xi32>,
      %scan3A_417 = arith.constant 0 : i32
      scf.yield %scan3A_417 : i32
    }
    %scan3A_40 = arith.constant 32 : i32
    %add3A_41 = arith.constant 32 : i32
    %add3A_42 = arith.addi %mul3A_2, %add3A_41 : i32
    "tpu.region"() ({
      %run_scoped3A = tpu.sem_alloc : memref<!tpu.dma_semaphore, #tpu.memory_space<semaphore_mem>>
      %dma_start3A_76 = arith.constant 0 : i32
      %dma_start3A_77 = tpu.memref_slice %arg4[%add3A_42, %dma_start3A_76] : memref<4096x512xi32, #tpu.memory_space<hbm>> -> memref<32x512xi32, #tpu.memory_space<hbm>>
      %dma_start3A_78 = arith.constant 0 : i32
      %dma_start3A_79 = tpu.memref_slice %arg4[%add3A_42, %dma_start3A_78] : memref<4096x512xi32, #tpu.memory_space<hbm>> -> memref<32x512xi32, #tpu.memory_space<hbm>>
      tpu.enqueue_dma source(%arg9 : memref<32x512xi32, #tpu.memory_space<vmem>>) target(%dma_start3A_79 : memref<32x512xi32, #tpu.memory_space<hbm>>) target_semaphore(%run_scoped3A : memref<!tpu.dma_semaphore, #tpu.memory_space<semaphore_mem>>)
      %dma_wait3A_80 = arith.constant 0 : i32
      %dma_wait3A_81 = tpu.memref_slice %arg4[%add3A_42, %dma_wait3A_80] : memref<4096x512xi32, #tpu.memory_space<hbm>> -> memref<32x512xi32, #tpu.memory_space<hbm>>
      %dma_wait3A_82 = arith.constant 0 : i32
      %dma_wait3A_83 = tpu.memref_slice %arg4[%add3A_42, %dma_wait3A_82] : memref<4096x512xi32, #tpu.memory_space<hbm>> -> memref<32x512xi32, #tpu.memory_space<hbm>>
      tpu.wait_dma2 semaphore(%run_scoped3A : memref<!tpu.dma_semaphore, #tpu.memory_space<semaphore_mem>>) src(%arg9 : memref<32x512xi32, #tpu.memory_space<vmem>>) dst(%dma_wait3A_83 : memref<32x512xi32, #tpu.memory_space<hbm>>)
      tpu.yield
    }) : () -> ()
    %dma_wait3A_43 = arith.constant 64 : i32
    %dma_wait3A_44 = tpu.memref_slice %arg5[%dma_wait3A_43] : memref<128xi32, #tpu.memory_space<vmem>> -> memref<32xi32, #tpu.memory_space<vmem>>
    %dma_wait3A_45 = arith.constant 0 : i32
    %dma_wait3A_46 = arith.constant 0 : i32
    %dma_wait3A_47 = tpu.memref_slice %arg2[%dma_wait3A_45, %dma_wait3A_46] : memref<50000x1000xf32, #tpu.memory_space<hbm>> -> memref<50000x896xf32, #tpu.memory_space<hbm>>
    tpu.wait_indirect_dma semaphore(%arg10 : memref<!tpu.dma_semaphore, #tpu.memory_space<semaphore_mem>>) src(%dma_wait3A_47 : memref<50000x896xf32, #tpu.memory_space<hbm>>) dst(%arg6 : memref<32x896xf32, #tpu.memory_space<vmem>>)
    %dma_start3A_48 = arith.constant 96 : i32
    %dma_start3A_49 = tpu.memref_slice %arg5[%dma_start3A_48] : memref<128xi32, #tpu.memory_space<vmem>> -> memref<32xi32, #tpu.memory_space<vmem>>
    %dma_start3A_50 = arith.constant 0 : i32
    %dma_start3A_51 = arith.constant 0 : i32
    %dma_start3A_52 = tpu.memref_slice %arg2[%dma_start3A_50, %dma_start3A_51] : memref<50000x1000xf32, #tpu.memory_space<hbm>> -> memref<50000x896xf32, #tpu.memory_space<hbm>>
    tpu.enqueue_indirect_dma source(%dma_start3A_52 : memref<50000x896xf32, #tpu.memory_space<hbm>>) target(%arg7 : memref<32x896xf32, #tpu.memory_space<vmem>>) offsets(%dma_start3A_49 : memref<32xi32, #tpu.memory_space<vmem>>) semaphore(%arg11 : memref<!tpu.dma_semaphore, #tpu.memory_space<semaphore_mem>>)
    %scan3A_53 = arith.constant 0 : i32
    %scan3A_54 = arith.constant 0 : i32
    %scan3A_55 = arith.constant 32 : i32
    %scan3A_56 = arith.addi %scan3A_54, %scan3A_55 : i32
    %scan3A_57 = arith.constant 1 : i32
    %scan3A_58 = scf.for %scan3A_76 = %scan3A_54 to %scan3A_56 step %scan3A_57 iter_args(%scan3A_77 = %scan3A_53) -> (i32)  : i32 {
      %get3A = arith.index_cast %scan3A_76 : i32 to index
      %get3A_78 = arith.constant 0 : index
      %get3A_79 = tpu.vector_load %arg6[%get3A, %get3A_78] {strides = array<i32>} : memref<32x896xf32, #tpu.memory_space<vmem>>, vector<16xf32>,
      %get3A_80 = arith.index_cast %scan3A_76 : i32 to index
      %get3A_81 = arith.constant 512 : index
      %get3A_82 = tpu.vector_load %arg6[%get3A_80, %get3A_81] {strides = array<i32>} : memref<32x896xf32, #tpu.memory_space<vmem>>, vector<16xf32>,
      %pack3A = tpu.pack_subelements %get3A_79, %get3A_82 {pack_format = #tpu.pack_format<interleaved>, positions = array<i32: 0, 1>} : vector<16xf32>, vector<16xf32> -> vector<32xbf16>
      %bitcast3A = vector.bitcast %pack3A : vector<32xbf16> to vector<16xi32>
      %swap3A = arith.index_cast %scan3A_76 : i32 to index
      %swap3A_83 = arith.constant 0 : index
      %swap3A_84 = tpu.vector_load %arg8[%swap3A, %swap3A_83] {strides = array<i32>} : memref<32x512xi32, #tpu.memory_space<vmem>>, vector<16xi32>,
      tpu.vector_store %arg8[%swap3A, %swap3A_83], %bitcast3A {strides = array<i32>} : memref<32x512xi32, #tpu.memory_space<vmem>>, vector<16xi32>,
      %get3A_85 = arith.index_cast %scan3A_76 : i32 to index
      %get3A_86 = arith.constant 16 : index
      %get3A_87 = tpu.vector_load %arg6[%get3A_85, %get3A_86] {strides = array<i32>} : memref<32x896xf32, #tpu.memory_space<vmem>>, vector<16xf32>,
      %get3A_88 = arith.index_cast %scan3A_76 : i32 to index
      %get3A_89 = arith.constant 528 : index
      %get3A_90 = tpu.vector_load %arg6[%get3A_88, %get3A_89] {strides = array<i32>} : memref<32x896xf32, #tpu.memory_space<vmem>>, vector<16xf32>,
      %pack3A_91 = tpu.pack_subelements %get3A_87, %get3A_90 {pack_format = #tpu.pack_format<interleaved>, positions = array<i32: 0, 1>} : vector<16xf32>, vector<16xf32> -> vector<32xbf16>
      %bitcast3A_92 = vector.bitcast %pack3A_91 : vector<32xbf16> to vector<16xi32>
      %swap3A_93 = arith.index_cast %scan3A_76 : i32 to index
      %swap3A_94 = arith.constant 16 : index
      %swap3A_95 = tpu.vector_load %arg8[%swap3A_93, %swap3A_94] {strides = array<i32>} : memref<32x512xi32, #tpu.memory_space<vmem>>, vector<16xi32>,
      tpu.vector_store %arg8[%swap3A_93, %swap3A_94], %bitcast3A_92 {strides = array<i32>} : memref<32x512xi32, #tpu.memory_space<vmem>>, vector<16xi32>,
      %get3A_96 = arith.index_cast %scan3A_76 : i32 to index
      %get3A_97 = arith.constant 32 : index
      %get3A_98 = tpu.vector_load %arg6[%get3A_96, %get3A_97] {strides = array<i32>} : memref<32x896xf32, #tpu.memory_space<vmem>>, vector<16xf32>,
      %get3A_99 = arith.index_cast %scan3A_76 : i32 to index
      %get3A_100 = arith.constant 544 : index
      %get3A_101 = tpu.vector_load %arg6[%get3A_99, %get3A_100] {strides = array<i32>} : memref<32x896xf32, #tpu.memory_space<vmem>>, vector<16xf32>,
      %pack3A_102 = tpu.pack_subelements %get3A_98, %get3A_101 {pack_format = #tpu.pack_format<interleaved>, positions = array<i32: 0, 1>} : vector<16xf32>, vector<16xf32> -> vector<32xbf16>
      %bitcast3A_103 = vector.bitcast %pack3A_102 : vector<32xbf16> to vector<16xi32>
      %swap3A_104 = arith.index_cast %scan3A_76 : i32 to index
      %swap3A_105 = arith.constant 32 : index
      %swap3A_106 = tpu.vector_load %arg8[%swap3A_104, %swap3A_105] {strides = array<i32>} : memref<32x512xi32, #tpu.memory_space<vmem>>, vector<16xi32>,
      tpu.vector_store %arg8[%swap3A_104, %swap3A_105], %bitcast3A_103 {strides = array<i32>} : memref<32x512xi32, #tpu.memory_space<vmem>>, vector<16xi32>,
      %get3A_107 = arith.index_cast %scan3A_76 : i32 to index
      %get3A_108 = arith.constant 48 : index
      %get3A_109 = tpu.vector_load %arg6[%get3A_107, %get3A_108] {strides = array<i32>} : memref<32x896xf32, #tpu.memory_space<vmem>>, vector<16xf32>,
      %get3A_110 = arith.index_cast %scan3A_76 : i32 to index
      %get3A_111 = arith.constant 560 : index
      %get3A_112 = tpu.vector_load %arg6[%get3A_110, %get3A_111] {strides = array<i32>} : memref<32x896xf32, #tpu.memory_space<vmem>>, vector<16xf32>,
      %pack3A_113 = tpu.pack_subelements %get3A_109, %get3A_112 {pack_format = #tpu.pack_format<interleaved>, positions = array<i32: 0, 1>} : vector<16xf32>, vector<16xf32> -> vector<32xbf16>
      %bitcast3A_114 = vector.bitcast %pack3A_113 : vector<32xbf16> to vector<16xi32>
      %swap3A_115 = arith.index_cast %scan3A_76 : i32 to index
      %swap3A_116 = arith.constant 48 : index
      %swap3A_117 = tpu.vector_load %arg8[%swap3A_115, %swap3A_116] {strides = array<i32>} : memref<32x512xi32, #tpu.memory_space<vmem>>, vector<16xi32>,
      tpu.vector_store %arg8[%swap3A_115, %swap3A_116], %bitcast3A_114 {strides = array<i32>} : memref<32x512xi32, #tpu.memory_space<vmem>>, vector<16xi32>,
      %get3A_118 = arith.index_cast %scan3A_76 : i32 to index
      %get3A_119 = arith.constant 64 : index
      %get3A_120 = tpu.vector_load %arg6[%get3A_118, %get3A_119] {strides = array<i32>} : memref<32x896xf32, #tpu.memory_space<vmem>>, vector<16xf32>,
      %get3A_121 = arith.index_cast %scan3A_76 : i32 to index
      %get3A_122 = arith.constant 576 : index
      %get3A_123 = tpu.vector_load %arg6[%get3A_121, %get3A_122] {strides = array<i32>} : memref<32x896xf32, #tpu.memory_space<vmem>>, vector<16xf32>,
      %pack3A_124 = tpu.pack_subelements %get3A_120, %get3A_123 {pack_format = #tpu.pack_format<interleaved>, positions = array<i32: 0, 1>} : vector<16xf32>, vector<16xf32> -> vector<32xbf16>
      %bitcast3A_125 = vector.bitcast %pack3A_124 : vector<32xbf16> to vector<16xi32>
      %swap3A_126 = arith.index_cast %scan3A_76 : i32 to index
      %swap3A_127 = arith.constant 64 : index
      %swap3A_128 = tpu.vector_load %arg8[%swap3A_126, %swap3A_127] {strides = array<i32>} : memref<32x512xi32, #tpu.memory_space<vmem>>, vector<16xi32>,
      tpu.vector_store %arg8[%swap3A_126, %swap3A_127], %bitcast3A_125 {strides = array<i32>} : memref<32x512xi32, #tpu.memory_space<vmem>>, vector<16xi32>,
      %get3A_129 = arith.index_cast %scan3A_76 : i32 to index
      %get3A_130 = arith.constant 80 : index
      %get3A_131 = tpu.vector_load %arg6[%get3A_129, %get3A_130] {strides = array<i32>} : memref<32x896xf32, #tpu.memory_space<vmem>>, vector<16xf32>,
      %get3A_132 = arith.index_cast %scan3A_76 : i32 to index
      %get3A_133 = arith.constant 592 : index
      %get3A_134 = tpu.vector_load %arg6[%get3A_132, %get3A_133] {strides = array<i32>} : memref<32x896xf32, #tpu.memory_space<vmem>>, vector<16xf32>,
      %pack3A_135 = tpu.pack_subelements %get3A_131, %get3A_134 {pack_format = #tpu.pack_format<interleaved>, positions = array<i32: 0, 1>} : vector<16xf32>, vector<16xf32> -> vector<32xbf16>
      %bitcast3A_136 = vector.bitcast %pack3A_135 : vector<32xbf16> to vector<16xi32>
      %swap3A_137 = arith.index_cast %scan3A_76 : i32 to index
      %swap3A_138 = arith.constant 80 : index
      %swap3A_139 = tpu.vector_load %arg8[%swap3A_137, %swap3A_138] {strides = array<i32>} : memref<32x512xi32, #tpu.memory_space<vmem>>, vector<16xi32>,
      tpu.vector_store %arg8[%swap3A_137, %swap3A_138], %bitcast3A_136 {strides = array<i32>} : memref<32x512xi32, #tpu.memory_space<vmem>>, vector<16xi32>,
      %get3A_140 = arith.index_cast %scan3A_76 : i32 to index
      %get3A_141 = arith.constant 96 : index
      %get3A_142 = tpu.vector_load %arg6[%get3A_140, %get3A_141] {strides = array<i32>} : memref<32x896xf32, #tpu.memory_space<vmem>>, vector<16xf32>,
      %get3A_143 = arith.index_cast %scan3A_76 : i32 to index
      %get3A_144 = arith.constant 608 : index
      %get3A_145 = tpu.vector_load %arg6[%get3A_143, %get3A_144] {strides = array<i32>} : memref<32x896xf32, #tpu.memory_space<vmem>>, vector<16xf32>,
      %pack3A_146 = tpu.pack_subelements %get3A_142, %get3A_145 {pack_format = #tpu.pack_format<interleaved>, positions = array<i32: 0, 1>} : vector<16xf32>, vector<16xf32> -> vector<32xbf16>
      %bitcast3A_147 = vector.bitcast %pack3A_146 : vector<32xbf16> to vector<16xi32>
      %swap3A_148 = arith.index_cast %scan3A_76 : i32 to index
      %swap3A_149 = arith.constant 96 : index
      %swap3A_150 = tpu.vector_load %arg8[%swap3A_148, %swap3A_149] {strides = array<i32>} : memref<32x512xi32, #tpu.memory_space<vmem>>, vector<16xi32>,
      tpu.vector_store %arg8[%swap3A_148, %swap3A_149], %bitcast3A_147 {strides = array<i32>} : memref<32x512xi32, #tpu.memory_space<vmem>>, vector<16xi32>,
      %get3A_151 = arith.index_cast %scan3A_76 : i32 to index
      %get3A_152 = arith.constant 112 : index
      %get3A_153 = tpu.vector_load %arg6[%get3A_151, %get3A_152] {strides = array<i32>} : memref<32x896xf32, #tpu.memory_space<vmem>>, vector<16xf32>,
      %get3A_154 = arith.index_cast %scan3A_76 : i32 to index
      %get3A_155 = arith.constant 624 : index
      %get3A_156 = tpu.vector_load %arg6[%get3A_154, %get3A_155] {strides = array<i32>} : memref<32x896xf32, #tpu.memory_space<vmem>>, vector<16xf32>,
      %pack3A_157 = tpu.pack_subelements %get3A_153, %get3A_156 {pack_format = #tpu.pack_format<interleaved>, positions = array<i32: 0, 1>} : vector<16xf32>, vector<16xf32> -> vector<32xbf16>
      %bitcast3A_158 = vector.bitcast %pack3A_157 : vector<32xbf16> to vector<16xi32>
      %swap3A_159 = arith.index_cast %scan3A_76 : i32 to index
      %swap3A_160 = arith.constant 112 : index
      %swap3A_161 = tpu.vector_load %arg8[%swap3A_159, %swap3A_160] {strides = array<i32>} : memref<32x512xi32, #tpu.memory_space<vmem>>, vector<16xi32>,
      tpu.vector_store %arg8[%swap3A_159, %swap3A_160], %bitcast3A_158 {strides = array<i32>} : memref<32x512xi32, #tpu.memory_space<vmem>>, vector<16xi32>,
      %get3A_162 = arith.index_cast %scan3A_76 : i32 to index
      %get3A_163 = arith.constant 128 : index
      %get3A_164 = tpu.vector_load %arg6[%get3A_162, %get3A_163] {strides = array<i32>} : memref<32x896xf32, #tpu.memory_space<vmem>>, vector<16xf32>,
      %get3A_165 = arith.index_cast %scan3A_76 : i32 to index
      %get3A_166 = arith.constant 640 : index
      %get3A_167 = tpu.vector_load %arg6[%get3A_165, %get3A_166] {strides = array<i32>} : memref<32x896xf32, #tpu.memory_space<vmem>>, vector<16xf32>,
      %pack3A_168 = tpu.pack_subelements %get3A_164, %get3A_167 {pack_format = #tpu.pack_format<interleaved>, positions = array<i32: 0, 1>} : vector<16xf32>, vector<16xf32> -> vector<32xbf16>
      %bitcast3A_169 = vector.bitcast %pack3A_168 : vector<32xbf16> to vector<16xi32>
      %swap3A_170 = arith.index_cast %scan3A_76 : i32 to index
      %swap3A_171 = arith.constant 128 : index
      %swap3A_172 = tpu.vector_load %arg8[%swap3A_170, %swap3A_171] {strides = array<i32>} : memref<32x512xi32, #tpu.memory_space<vmem>>, vector<16xi32>,
      tpu.vector_store %arg8[%swap3A_170, %swap3A_171], %bitcast3A_169 {strides = array<i32>} : memref<32x512xi32, #tpu.memory_space<vmem>>, vector<16xi32>,
      %get3A_173 = arith.index_cast %scan3A_76 : i32 to index
      %get3A_174 = arith.constant 144 : index
      %get3A_175 = tpu.vector_load %arg6[%get3A_173, %get3A_174] {strides = array<i32>} : memref<32x896xf32, #tpu.memory_space<vmem>>, vector<16xf32>,
      %get3A_176 = arith.index_cast %scan3A_76 : i32 to index
      %get3A_177 = arith.constant 656 : index
      %get3A_178 = tpu.vector_load %arg6[%get3A_176, %get3A_177] {strides = array<i32>} : memref<32x896xf32, #tpu.memory_space<vmem>>, vector<16xf32>,
      %pack3A_179 = tpu.pack_subelements %get3A_175, %get3A_178 {pack_format = #tpu.pack_format<interleaved>, positions = array<i32: 0, 1>} : vector<16xf32>, vector<16xf32> -> vector<32xbf16>
      %bitcast3A_180 = vector.bitcast %pack3A_179 : vector<32xbf16> to vector<16xi32>
      %swap3A_181 = arith.index_cast %scan3A_76 : i32 to index
      %swap3A_182 = arith.constant 144 : index
      %swap3A_183 = tpu.vector_load %arg8[%swap3A_181, %swap3A_182] {strides = array<i32>} : memref<32x512xi32, #tpu.memory_space<vmem>>, vector<16xi32>,
      tpu.vector_store %arg8[%swap3A_181, %swap3A_182], %bitcast3A_180 {strides = array<i32>} : memref<32x512xi32, #tpu.memory_space<vmem>>, vector<16xi32>,
      %get3A_184 = arith.index_cast %scan3A_76 : i32 to index
      %get3A_185 = arith.constant 160 : index
      %get3A_186 = tpu.vector_load %arg6[%get3A_184, %get3A_185] {strides = array<i32>} : memref<32x896xf32, #tpu.memory_space<vmem>>, vector<16xf32>,
      %get3A_187 = arith.index_cast %scan3A_76 : i32 to index
      %get3A_188 = arith.constant 672 : index
      %get3A_189 = tpu.vector_load %arg6[%get3A_187, %get3A_188] {strides = array<i32>} : memref<32x896xf32, #tpu.memory_space<vmem>>, vector<16xf32>,
      %pack3A_190 = tpu.pack_subelements %get3A_186, %get3A_189 {pack_format = #tpu.pack_format<interleaved>, positions = array<i32: 0, 1>} : vector<16xf32>, vector<16xf32> -> vector<32xbf16>
      %bitcast3A_191 = vector.bitcast %pack3A_190 : vector<32xbf16> to vector<16xi32>
      %swap3A_192 = arith.index_cast %scan3A_76 : i32 to index
      %swap3A_193 = arith.constant 160 : index
      %swap3A_194 = tpu.vector_load %arg8[%swap3A_192, %swap3A_193] {strides = array<i32>} : memref<32x512xi32, #tpu.memory_space<vmem>>, vector<16xi32>,
      tpu.vector_store %arg8[%swap3A_192, %swap3A_193], %bitcast3A_191 {strides = array<i32>} : memref<32x512xi32, #tpu.memory_space<vmem>>, vector<16xi32>,
      %get3A_195 = arith.index_cast %scan3A_76 : i32 to index
      %get3A_196 = arith.constant 176 : index
      %get3A_197 = tpu.vector_load %arg6[%get3A_195, %get3A_196] {strides = array<i32>} : memref<32x896xf32, #tpu.memory_space<vmem>>, vector<16xf32>,
      %get3A_198 = arith.index_cast %scan3A_76 : i32 to index
      %get3A_199 = arith.constant 688 : index
      %get3A_200 = tpu.vector_load %arg6[%get3A_198, %get3A_199] {strides = array<i32>} : memref<32x896xf32, #tpu.memory_space<vmem>>, vector<16xf32>,
      %pack3A_201 = tpu.pack_subelements %get3A_197, %get3A_200 {pack_format = #tpu.pack_format<interleaved>, positions = array<i32: 0, 1>} : vector<16xf32>, vector<16xf32> -> vector<32xbf16>
      %bitcast3A_202 = vector.bitcast %pack3A_201 : vector<32xbf16> to vector<16xi32>
      %swap3A_203 = arith.index_cast %scan3A_76 : i32 to index
      %swap3A_204 = arith.constant 176 : index
      %swap3A_205 = tpu.vector_load %arg8[%swap3A_203, %swap3A_204] {strides = array<i32>} : memref<32x512xi32, #tpu.memory_space<vmem>>, vector<16xi32>,
      tpu.vector_store %arg8[%swap3A_203, %swap3A_204], %bitcast3A_202 {strides = array<i32>} : memref<32x512xi32, #tpu.memory_space<vmem>>, vector<16xi32>,
      %get3A_206 = arith.index_cast %scan3A_76 : i32 to index
      %get3A_207 = arith.constant 192 : index
      %get3A_208 = tpu.vector_load %arg6[%get3A_206, %get3A_207] {strides = array<i32>} : memref<32x896xf32, #tpu.memory_space<vmem>>, vector<16xf32>,
      %get3A_209 = arith.index_cast %scan3A_76 : i32 to index
      %get3A_210 = arith.constant 704 : index
      %get3A_211 = tpu.vector_load %arg6[%get3A_209, %get3A_210] {strides = array<i32>} : memref<32x896xf32, #tpu.memory_space<vmem>>, vector<16xf32>,
      %pack3A_212 = tpu.pack_subelements %get3A_208, %get3A_211 {pack_format = #tpu.pack_format<interleaved>, positions = array<i32: 0, 1>} : vector<16xf32>, vector<16xf32> -> vector<32xbf16>
      %bitcast3A_213 = vector.bitcast %pack3A_212 : vector<32xbf16> to vector<16xi32>
      %swap3A_214 = arith.index_cast %scan3A_76 : i32 to index
      %swap3A_215 = arith.constant 192 : index
      %swap3A_216 = tpu.vector_load %arg8[%swap3A_214, %swap3A_215] {strides = array<i32>} : memref<32x512xi32, #tpu.memory_space<vmem>>, vector<16xi32>,
      tpu.vector_store %arg8[%swap3A_214, %swap3A_215], %bitcast3A_213 {strides = array<i32>} : memref<32x512xi32, #tpu.memory_space<vmem>>, vector<16xi32>,
      %get3A_217 = arith.index_cast %scan3A_76 : i32 to index
      %get3A_218 = arith.constant 208 : index
      %get3A_219 = tpu.vector_load %arg6[%get3A_217, %get3A_218] {strides = array<i32>} : memref<32x896xf32, #tpu.memory_space<vmem>>, vector<16xf32>,
      %get3A_220 = arith.index_cast %scan3A_76 : i32 to index
      %get3A_221 = arith.constant 720 : index
      %get3A_222 = tpu.vector_load %arg6[%get3A_220, %get3A_221] {strides = array<i32>} : memref<32x896xf32, #tpu.memory_space<vmem>>, vector<16xf32>,
      %pack3A_223 = tpu.pack_subelements %get3A_219, %get3A_222 {pack_format = #tpu.pack_format<interleaved>, positions = array<i32: 0, 1>} : vector<16xf32>, vector<16xf32> -> vector<32xbf16>
      %bitcast3A_224 = vector.bitcast %pack3A_223 : vector<32xbf16> to vector<16xi32>
      %swap3A_225 = arith.index_cast %scan3A_76 : i32 to index
      %swap3A_226 = arith.constant 208 : index
      %swap3A_227 = tpu.vector_load %arg8[%swap3A_225, %swap3A_226] {strides = array<i32>} : memref<32x512xi32, #tpu.memory_space<vmem>>, vector<16xi32>,
      tpu.vector_store %arg8[%swap3A_225, %swap3A_226], %bitcast3A_224 {strides = array<i32>} : memref<32x512xi32, #tpu.memory_space<vmem>>, vector<16xi32>,
      %get3A_228 = arith.index_cast %scan3A_76 : i32 to index
      %get3A_229 = arith.constant 224 : index
      %get3A_230 = tpu.vector_load %arg6[%get3A_228, %get3A_229] {strides = array<i32>} : memref<32x896xf32, #tpu.memory_space<vmem>>, vector<16xf32>,
      %get3A_231 = arith.index_cast %scan3A_76 : i32 to index
      %get3A_232 = arith.constant 736 : index
      %get3A_233 = tpu.vector_load %arg6[%get3A_231, %get3A_232] {strides = array<i32>} : memref<32x896xf32, #tpu.memory_space<vmem>>, vector<16xf32>,
      %pack3A_234 = tpu.pack_subelements %get3A_230, %get3A_233 {pack_format = #tpu.pack_format<interleaved>, positions = array<i32: 0, 1>} : vector<16xf32>, vector<16xf32> -> vector<32xbf16>
      %bitcast3A_235 = vector.bitcast %pack3A_234 : vector<32xbf16> to vector<16xi32>
      %swap3A_236 = arith.index_cast %scan3A_76 : i32 to index
      %swap3A_237 = arith.constant 224 : index
      %swap3A_238 = tpu.vector_load %arg8[%swap3A_236, %swap3A_237] {strides = array<i32>} : memref<32x512xi32, #tpu.memory_space<vmem>>, vector<16xi32>,
      tpu.vector_store %arg8[%swap3A_236, %swap3A_237], %bitcast3A_235 {strides = array<i32>} : memref<32x512xi32, #tpu.memory_space<vmem>>, vector<16xi32>,
      %get3A_239 = arith.index_cast %scan3A_76 : i32 to index
      %get3A_240 = arith.constant 240 : index
      %get3A_241 = tpu.vector_load %arg6[%get3A_239, %get3A_240] {strides = array<i32>} : memref<32x896xf32, #tpu.memory_space<vmem>>, vector<16xf32>,
      %get3A_242 = arith.index_cast %scan3A_76 : i32 to index
      %get3A_243 = arith.constant 752 : index
      %get3A_244 = tpu.vector_load %arg6[%get3A_242, %get3A_243] {strides = array<i32>} : memref<32x896xf32, #tpu.memory_space<vmem>>, vector<16xf32>,
      %pack3A_245 = tpu.pack_subelements %get3A_241, %get3A_244 {pack_format = #tpu.pack_format<interleaved>, positions = array<i32: 0, 1>} : vector<16xf32>, vector<16xf32> -> vector<32xbf16>
      %bitcast3A_246 = vector.bitcast %pack3A_245 : vector<32xbf16> to vector<16xi32>
      %swap3A_247 = arith.index_cast %scan3A_76 : i32 to index
      %swap3A_248 = arith.constant 240 : index
      %swap3A_249 = tpu.vector_load %arg8[%swap3A_247, %swap3A_248] {strides = array<i32>} : memref<32x512xi32, #tpu.memory_space<vmem>>, vector<16xi32>,
      tpu.vector_store %arg8[%swap3A_247, %swap3A_248], %bitcast3A_246 {strides = array<i32>} : memref<32x512xi32, #tpu.memory_space<vmem>>, vector<16xi32>,
      %get3A_250 = arith.index_cast %scan3A_76 : i32 to index
      %get3A_251 = arith.constant 256 : index
      %get3A_252 = tpu.vector_load %arg6[%get3A_250, %get3A_251] {strides = array<i32>} : memref<32x896xf32, #tpu.memory_space<vmem>>, vector<16xf32>,
      %get3A_253 = arith.index_cast %scan3A_76 : i32 to index
      %get3A_254 = arith.constant 768 : index
      %get3A_255 = tpu.vector_load %arg6[%get3A_253, %get3A_254] {strides = array<i32>} : memref<32x896xf32, #tpu.memory_space<vmem>>, vector<16xf32>,
      %pack3A_256 = tpu.pack_subelements %get3A_252, %get3A_255 {pack_format = #tpu.pack_format<interleaved>, positions = array<i32: 0, 1>} : vector<16xf32>, vector<16xf32> -> vector<32xbf16>
      %bitcast3A_257 = vector.bitcast %pack3A_256 : vector<32xbf16> to vector<16xi32>
      %swap3A_258 = arith.index_cast %scan3A_76 : i32 to index
      %swap3A_259 = arith.constant 256 : index
      %swap3A_260 = tpu.vector_load %arg8[%swap3A_258, %swap3A_259] {strides = array<i32>} : memref<32x512xi32, #tpu.memory_space<vmem>>, vector<16xi32>,
      tpu.vector_store %arg8[%swap3A_258, %swap3A_259], %bitcast3A_257 {strides = array<i32>} : memref<32x512xi32, #tpu.memory_space<vmem>>, vector<16xi32>,
      %get3A_261 = arith.index_cast %scan3A_76 : i32 to index
      %get3A_262 = arith.constant 272 : index
      %get3A_263 = tpu.vector_load %arg6[%get3A_261, %get3A_262] {strides = array<i32>} : memref<32x896xf32, #tpu.memory_space<vmem>>, vector<16xf32>,
      %get3A_264 = arith.index_cast %scan3A_76 : i32 to index
      %get3A_265 = arith.constant 784 : index
      %get3A_266 = tpu.vector_load %arg6[%get3A_264, %get3A_265] {strides = array<i32>} : memref<32x896xf32, #tpu.memory_space<vmem>>, vector<16xf32>,
      %pack3A_267 = tpu.pack_subelements %get3A_263, %get3A_266 {pack_format = #tpu.pack_format<interleaved>, positions = array<i32: 0, 1>} : vector<16xf32>, vector<16xf32> -> vector<32xbf16>
      %bitcast3A_268 = vector.bitcast %pack3A_267 : vector<32xbf16> to vector<16xi32>
      %swap3A_269 = arith.index_cast %scan3A_76 : i32 to index
      %swap3A_270 = arith.constant 272 : index
      %swap3A_271 = tpu.vector_load %arg8[%swap3A_269, %swap3A_270] {strides = array<i32>} : memref<32x512xi32, #tpu.memory_space<vmem>>, vector<16xi32>,
      tpu.vector_store %arg8[%swap3A_269, %swap3A_270], %bitcast3A_268 {strides = array<i32>} : memref<32x512xi32, #tpu.memory_space<vmem>>, vector<16xi32>,
      %get3A_272 = arith.index_cast %scan3A_76 : i32 to index
      %get3A_273 = arith.constant 288 : index
      %get3A_274 = tpu.vector_load %arg6[%get3A_272, %get3A_273] {strides = array<i32>} : memref<32x896xf32, #tpu.memory_space<vmem>>, vector<16xf32>,
      %get3A_275 = arith.index_cast %scan3A_76 : i32 to index
      %get3A_276 = arith.constant 800 : index
      %get3A_277 = tpu.vector_load %arg6[%get3A_275, %get3A_276] {strides = array<i32>} : memref<32x896xf32, #tpu.memory_space<vmem>>, vector<16xf32>,
      %pack3A_278 = tpu.pack_subelements %get3A_274, %get3A_277 {pack_format = #tpu.pack_format<interleaved>, positions = array<i32: 0, 1>} : vector<16xf32>, vector<16xf32> -> vector<32xbf16>
      %bitcast3A_279 = vector.bitcast %pack3A_278 : vector<32xbf16> to vector<16xi32>
      %swap3A_280 = arith.index_cast %scan3A_76 : i32 to index
      %swap3A_281 = arith.constant 288 : index
      %swap3A_282 = tpu.vector_load %arg8[%swap3A_280, %swap3A_281] {strides = array<i32>} : memref<32x512xi32, #tpu.memory_space<vmem>>, vector<16xi32>,
      tpu.vector_store %arg8[%swap3A_280, %swap3A_281], %bitcast3A_279 {strides = array<i32>} : memref<32x512xi32, #tpu.memory_space<vmem>>, vector<16xi32>,
      %get3A_283 = arith.index_cast %scan3A_76 : i32 to index
      %get3A_284 = arith.constant 304 : index
      %get3A_285 = tpu.vector_load %arg6[%get3A_283, %get3A_284] {strides = array<i32>} : memref<32x896xf32, #tpu.memory_space<vmem>>, vector<16xf32>,
      %get3A_286 = arith.index_cast %scan3A_76 : i32 to index
      %get3A_287 = arith.constant 816 : index
      %get3A_288 = tpu.vector_load %arg6[%get3A_286, %get3A_287] {strides = array<i32>} : memref<32x896xf32, #tpu.memory_space<vmem>>, vector<16xf32>,
      %pack3A_289 = tpu.pack_subelements %get3A_285, %get3A_288 {pack_format = #tpu.pack_format<interleaved>, positions = array<i32: 0, 1>} : vector<16xf32>, vector<16xf32> -> vector<32xbf16>
      %bitcast3A_290 = vector.bitcast %pack3A_289 : vector<32xbf16> to vector<16xi32>
      %swap3A_291 = arith.index_cast %scan3A_76 : i32 to index
      %swap3A_292 = arith.constant 304 : index
      %swap3A_293 = tpu.vector_load %arg8[%swap3A_291, %swap3A_292] {strides = array<i32>} : memref<32x512xi32, #tpu.memory_space<vmem>>, vector<16xi32>,
      tpu.vector_store %arg8[%swap3A_291, %swap3A_292], %bitcast3A_290 {strides = array<i32>} : memref<32x512xi32, #tpu.memory_space<vmem>>, vector<16xi32>,
      %get3A_294 = arith.index_cast %scan3A_76 : i32 to index
      %get3A_295 = arith.constant 320 : index
      %get3A_296 = tpu.vector_load %arg6[%get3A_294, %get3A_295] {strides = array<i32>} : memref<32x896xf32, #tpu.memory_space<vmem>>, vector<16xf32>,
      %get3A_297 = arith.index_cast %scan3A_76 : i32 to index
      %get3A_298 = arith.constant 832 : index
      %get3A_299 = tpu.vector_load %arg6[%get3A_297, %get3A_298] {strides = array<i32>} : memref<32x896xf32, #tpu.memory_space<vmem>>, vector<16xf32>,
      %pack3A_300 = tpu.pack_subelements %get3A_296, %get3A_299 {pack_format = #tpu.pack_format<interleaved>, positions = array<i32: 0, 1>} : vector<16xf32>, vector<16xf32> -> vector<32xbf16>
      %bitcast3A_301 = vector.bitcast %pack3A_300 : vector<32xbf16> to vector<16xi32>
      %swap3A_302 = arith.index_cast %scan3A_76 : i32 to index
      %swap3A_303 = arith.constant 320 : index
      %swap3A_304 = tpu.vector_load %arg8[%swap3A_302, %swap3A_303] {strides = array<i32>} : memref<32x512xi32, #tpu.memory_space<vmem>>, vector<16xi32>,
      tpu.vector_store %arg8[%swap3A_302, %swap3A_303], %bitcast3A_301 {strides = array<i32>} : memref<32x512xi32, #tpu.memory_space<vmem>>, vector<16xi32>,
      %get3A_305 = arith.index_cast %scan3A_76 : i32 to index
      %get3A_306 = arith.constant 336 : index
      %get3A_307 = tpu.vector_load %arg6[%get3A_305, %get3A_306] {strides = array<i32>} : memref<32x896xf32, #tpu.memory_space<vmem>>, vector<16xf32>,
      %get3A_308 = arith.index_cast %scan3A_76 : i32 to index
      %get3A_309 = arith.constant 848 : index
      %get3A_310 = tpu.vector_load %arg6[%get3A_308, %get3A_309] {strides = array<i32>} : memref<32x896xf32, #tpu.memory_space<vmem>>, vector<16xf32>,
      %pack3A_311 = tpu.pack_subelements %get3A_307, %get3A_310 {pack_format = #tpu.pack_format<interleaved>, positions = array<i32: 0, 1>} : vector<16xf32>, vector<16xf32> -> vector<32xbf16>
      %bitcast3A_312 = vector.bitcast %pack3A_311 : vector<32xbf16> to vector<16xi32>
      %swap3A_313 = arith.index_cast %scan3A_76 : i32 to index
      %swap3A_314 = arith.constant 336 : index
      %swap3A_315 = tpu.vector_load %arg8[%swap3A_313, %swap3A_314] {strides = array<i32>} : memref<32x512xi32, #tpu.memory_space<vmem>>, vector<16xi32>,
      tpu.vector_store %arg8[%swap3A_313, %swap3A_314], %bitcast3A_312 {strides = array<i32>} : memref<32x512xi32, #tpu.memory_space<vmem>>, vector<16xi32>,
      %get3A_316 = arith.index_cast %scan3A_76 : i32 to index
      %get3A_317 = arith.constant 352 : index
      %get3A_318 = tpu.vector_load %arg6[%get3A_316, %get3A_317] {strides = array<i32>} : memref<32x896xf32, #tpu.memory_space<vmem>>, vector<16xf32>,
      %get3A_319 = arith.index_cast %scan3A_76 : i32 to index
      %get3A_320 = arith.constant 864 : index
      %get3A_321 = tpu.vector_load %arg6[%get3A_319, %get3A_320] {strides = array<i32>} : memref<32x896xf32, #tpu.memory_space<vmem>>, vector<16xf32>,
      %pack3A_322 = tpu.pack_subelements %get3A_318, %get3A_321 {pack_format = #tpu.pack_format<interleaved>, positions = array<i32: 0, 1>} : vector<16xf32>, vector<16xf32> -> vector<32xbf16>
      %bitcast3A_323 = vector.bitcast %pack3A_322 : vector<32xbf16> to vector<16xi32>
      %swap3A_324 = arith.index_cast %scan3A_76 : i32 to index
      %swap3A_325 = arith.constant 352 : index
      %swap3A_326 = tpu.vector_load %arg8[%swap3A_324, %swap3A_325] {strides = array<i32>} : memref<32x512xi32, #tpu.memory_space<vmem>>, vector<16xi32>,
      tpu.vector_store %arg8[%swap3A_324, %swap3A_325], %bitcast3A_323 {strides = array<i32>} : memref<32x512xi32, #tpu.memory_space<vmem>>, vector<16xi32>,
      %get3A_327 = arith.index_cast %scan3A_76 : i32 to index
      %get3A_328 = arith.constant 368 : index
      %get3A_329 = tpu.vector_load %arg6[%get3A_327, %get3A_328] {strides = array<i32>} : memref<32x896xf32, #tpu.memory_space<vmem>>, vector<16xf32>,
      %get3A_330 = arith.index_cast %scan3A_76 : i32 to index
      %get3A_331 = arith.constant 880 : index
      %get3A_332 = tpu.vector_load %arg6[%get3A_330, %get3A_331] {strides = array<i32>} : memref<32x896xf32, #tpu.memory_space<vmem>>, vector<16xf32>,
      %pack3A_333 = tpu.pack_subelements %get3A_329, %get3A_332 {pack_format = #tpu.pack_format<interleaved>, positions = array<i32: 0, 1>} : vector<16xf32>, vector<16xf32> -> vector<32xbf16>
      %bitcast3A_334 = vector.bitcast %pack3A_333 : vector<32xbf16> to vector<16xi32>
      %swap3A_335 = arith.index_cast %scan3A_76 : i32 to index
      %swap3A_336 = arith.constant 368 : index
      %swap3A_337 = tpu.vector_load %arg8[%swap3A_335, %swap3A_336] {strides = array<i32>} : memref<32x512xi32, #tpu.memory_space<vmem>>, vector<16xi32>,
      tpu.vector_store %arg8[%swap3A_335, %swap3A_336], %bitcast3A_334 {strides = array<i32>} : memref<32x512xi32, #tpu.memory_space<vmem>>, vector<16xi32>,
      %get3A_338 = arith.index_cast %scan3A_76 : i32 to index
      %get3A_339 = arith.constant 384 : index
      %get3A_340 = tpu.vector_load %arg6[%get3A_338, %get3A_339] {strides = array<i32>} : memref<32x896xf32, #tpu.memory_space<vmem>>, vector<16xf32>,
      %broadcast_in_dim3A = arith.constant 0.000000e+00 : f32
      %broadcast_in_dim3A_341 = vector.broadcast %broadcast_in_dim3A : f32 to vector<16xf32>
      %pack3A_342 = tpu.pack_subelements %get3A_340, %broadcast_in_dim3A_341 {pack_format = #tpu.pack_format<interleaved>, positions = array<i32: 0, 1>} : vector<16xf32>, vector<16xf32> -> vector<32xbf16>
      %bitcast3A_343 = vector.bitcast %pack3A_342 : vector<32xbf16> to vector<16xi32>
      %swap3A_344 = arith.index_cast %scan3A_76 : i32 to index
      %swap3A_345 = arith.constant 384 : index
      %swap3A_346 = tpu.vector_load %arg8[%swap3A_344, %swap3A_345] {strides = array<i32>} : memref<32x512xi32, #tpu.memory_space<vmem>>, vector<16xi32>,
      tpu.vector_store %arg8[%swap3A_344, %swap3A_345], %bitcast3A_343 {strides = array<i32>} : memref<32x512xi32, #tpu.memory_space<vmem>>, vector<16xi32>,
      %get3A_347 = arith.index_cast %scan3A_76 : i32 to index
      %get3A_348 = arith.constant 400 : index
      %get3A_349 = tpu.vector_load %arg6[%get3A_347, %get3A_348] {strides = array<i32>} : memref<32x896xf32, #tpu.memory_space<vmem>>, vector<16xf32>,
      %broadcast_in_dim3A_350 = arith.constant 0.000000e+00 : f32
      %broadcast_in_dim3A_351 = vector.broadcast %broadcast_in_dim3A_350 : f32 to vector<16xf32>
      %pack3A_352 = tpu.pack_subelements %get3A_349, %broadcast_in_dim3A_351 {pack_format = #tpu.pack_format<interleaved>, positions = array<i32: 0, 1>} : vector<16xf32>, vector<16xf32> -> vector<32xbf16>
      %bitcast3A_353 = vector.bitcast %pack3A_352 : vector<32xbf16> to vector<16xi32>
      %swap3A_354 = arith.index_cast %scan3A_76 : i32 to index
      %swap3A_355 = arith.constant 400 : index
      %swap3A_356 = tpu.vector_load %arg8[%swap3A_354, %swap3A_355] {strides = array<i32>} : memref<32x512xi32, #tpu.memory_space<vmem>>, vector<16xi32>,
      tpu.vector_store %arg8[%swap3A_354, %swap3A_355], %bitcast3A_353 {strides = array<i32>} : memref<32x512xi32, #tpu.memory_space<vmem>>, vector<16xi32>,
      %get3A_357 = arith.index_cast %scan3A_76 : i32 to index
      %get3A_358 = arith.constant 416 : index
      %get3A_359 = tpu.vector_load %arg6[%get3A_357, %get3A_358] {strides = array<i32>} : memref<32x896xf32, #tpu.memory_space<vmem>>, vector<16xf32>,
      %broadcast_in_dim3A_360 = arith.constant 0.000000e+00 : f32
      %broadcast_in_dim3A_361 = vector.broadcast %broadcast_in_dim3A_360 : f32 to vector<16xf32>
      %pack3A_362 = tpu.pack_subelements %get3A_359, %broadcast_in_dim3A_361 {pack_format = #tpu.pack_format<interleaved>, positions = array<i32: 0, 1>} : vector<16xf32>, vector<16xf32> -> vector<32xbf16>
      %bitcast3A_363 = vector.bitcast %pack3A_362 : vector<32xbf16> to vector<16xi32>
      %swap3A_364 = arith.index_cast %scan3A_76 : i32 to index
      %swap3A_365 = arith.constant 416 : index
      %swap3A_366 = tpu.vector_load %arg8[%swap3A_364, %swap3A_365] {strides = array<i32>} : memref<32x512xi32, #tpu.memory_space<vmem>>, vector<16xi32>,
      tpu.vector_store %arg8[%swap3A_364, %swap3A_365], %bitcast3A_363 {strides = array<i32>} : memref<32x512xi32, #tpu.memory_space<vmem>>, vector<16xi32>,
      %get3A_367 = arith.index_cast %scan3A_76 : i32 to index
      %get3A_368 = arith.constant 432 : index
      %get3A_369 = tpu.vector_load %arg6[%get3A_367, %get3A_368] {strides = array<i32>} : memref<32x896xf32, #tpu.memory_space<vmem>>, vector<16xf32>,
      %broadcast_in_dim3A_370 = arith.constant 0.000000e+00 : f32
      %broadcast_in_dim3A_371 = vector.broadcast %broadcast_in_dim3A_370 : f32 to vector<16xf32>
      %pack3A_372 = tpu.pack_subelements %get3A_369, %broadcast_in_dim3A_371 {pack_format = #tpu.pack_format<interleaved>, positions = array<i32: 0, 1>} : vector<16xf32>, vector<16xf32> -> vector<32xbf16>
      %bitcast3A_373 = vector.bitcast %pack3A_372 : vector<32xbf16> to vector<16xi32>
      %swap3A_374 = arith.index_cast %scan3A_76 : i32 to index
      %swap3A_375 = arith.constant 432 : index
      %swap3A_376 = tpu.vector_load %arg8[%swap3A_374, %swap3A_375] {strides = array<i32>} : memref<32x512xi32, #tpu.memory_space<vmem>>, vector<16xi32>,
      tpu.vector_store %arg8[%swap3A_374, %swap3A_375], %bitcast3A_373 {strides = array<i32>} : memref<32x512xi32, #tpu.memory_space<vmem>>, vector<16xi32>,
      %get3A_377 = arith.index_cast %scan3A_76 : i32 to index
      %get3A_378 = arith.constant 448 : index
      %get3A_379 = tpu.vector_load %arg6[%get3A_377, %get3A_378] {strides = array<i32>} : memref<32x896xf32, #tpu.memory_space<vmem>>, vector<16xf32>,
      %broadcast_in_dim3A_380 = arith.constant 0.000000e+00 : f32
      %broadcast_in_dim3A_381 = vector.broadcast %broadcast_in_dim3A_380 : f32 to vector<16xf32>
      %pack3A_382 = tpu.pack_subelements %get3A_379, %broadcast_in_dim3A_381 {pack_format = #tpu.pack_format<interleaved>, positions = array<i32: 0, 1>} : vector<16xf32>, vector<16xf32> -> vector<32xbf16>
      %bitcast3A_383 = vector.bitcast %pack3A_382 : vector<32xbf16> to vector<16xi32>
      %swap3A_384 = arith.index_cast %scan3A_76 : i32 to index
      %swap3A_385 = arith.constant 448 : index
      %swap3A_386 = tpu.vector_load %arg8[%swap3A_384, %swap3A_385] {strides = array<i32>} : memref<32x512xi32, #tpu.memory_space<vmem>>, vector<16xi32>,
      tpu.vector_store %arg8[%swap3A_384, %swap3A_385], %bitcast3A_383 {strides = array<i32>} : memref<32x512xi32, #tpu.memory_space<vmem>>, vector<16xi32>,
      %get3A_387 = arith.index_cast %scan3A_76 : i32 to index
      %get3A_388 = arith.constant 464 : index
      %get3A_389 = tpu.vector_load %arg6[%get3A_387, %get3A_388] {strides = array<i32>} : memref<32x896xf32, #tpu.memory_space<vmem>>, vector<16xf32>,
      %broadcast_in_dim3A_390 = arith.constant 0.000000e+00 : f32
      %broadcast_in_dim3A_391 = vector.broadcast %broadcast_in_dim3A_390 : f32 to vector<16xf32>
      %pack3A_392 = tpu.pack_subelements %get3A_389, %broadcast_in_dim3A_391 {pack_format = #tpu.pack_format<interleaved>, positions = array<i32: 0, 1>} : vector<16xf32>, vector<16xf32> -> vector<32xbf16>
      %bitcast3A_393 = vector.bitcast %pack3A_392 : vector<32xbf16> to vector<16xi32>
      %swap3A_394 = arith.index_cast %scan3A_76 : i32 to index
      %swap3A_395 = arith.constant 464 : index
      %swap3A_396 = tpu.vector_load %arg8[%swap3A_394, %swap3A_395] {strides = array<i32>} : memref<32x512xi32, #tpu.memory_space<vmem>>, vector<16xi32>,
      tpu.vector_store %arg8[%swap3A_394, %swap3A_395], %bitcast3A_393 {strides = array<i32>} : memref<32x512xi32, #tpu.memory_space<vmem>>, vector<16xi32>,
      %get3A_397 = arith.index_cast %scan3A_76 : i32 to index
      %get3A_398 = arith.constant 480 : index
      %get3A_399 = tpu.vector_load %arg6[%get3A_397, %get3A_398] {strides = array<i32>} : memref<32x896xf32, #tpu.memory_space<vmem>>, vector<16xf32>,
      %broadcast_in_dim3A_400 = arith.constant 0.000000e+00 : f32
      %broadcast_in_dim3A_401 = vector.broadcast %broadcast_in_dim3A_400 : f32 to vector<16xf32>
      %pack3A_402 = tpu.pack_subelements %get3A_399, %broadcast_in_dim3A_401 {pack_format = #tpu.pack_format<interleaved>, positions = array<i32: 0, 1>} : vector<16xf32>, vector<16xf32> -> vector<32xbf16>
      %bitcast3A_403 = vector.bitcast %pack3A_402 : vector<32xbf16> to vector<16xi32>
      %swap3A_404 = arith.index_cast %scan3A_76 : i32 to index
      %swap3A_405 = arith.constant 480 : index
      %swap3A_406 = tpu.vector_load %arg8[%swap3A_404, %swap3A_405] {strides = array<i32>} : memref<32x512xi32, #tpu.memory_space<vmem>>, vector<16xi32>,
      tpu.vector_store %arg8[%swap3A_404, %swap3A_405], %bitcast3A_403 {strides = array<i32>} : memref<32x512xi32, #tpu.memory_space<vmem>>, vector<16xi32>,
      %get3A_407 = arith.index_cast %scan3A_76 : i32 to index
      %get3A_408 = arith.constant 496 : index
      %get3A_409 = tpu.vector_load %arg6[%get3A_407, %get3A_408] {strides = array<i32>} : memref<32x896xf32, #tpu.memory_space<vmem>>, vector<16xf32>,
      %broadcast_in_dim3A_410 = arith.constant 0.000000e+00 : f32
      %broadcast_in_dim3A_411 = vector.broadcast %broadcast_in_dim3A_410 : f32 to vector<16xf32>
      %pack3A_412 = tpu.pack_subelements %get3A_409, %broadcast_in_dim3A_411 {pack_format = #tpu.pack_format<interleaved>, positions = array<i32: 0, 1>} : vector<16xf32>, vector<16xf32> -> vector<32xbf16>
      %bitcast3A_413 = vector.bitcast %pack3A_412 : vector<32xbf16> to vector<16xi32>
      %swap3A_414 = arith.index_cast %scan3A_76 : i32 to index
      %swap3A_415 = arith.constant 496 : index
      %swap3A_416 = tpu.vector_load %arg8[%swap3A_414, %swap3A_415] {strides = array<i32>} : memref<32x512xi32, #tpu.memory_space<vmem>>, vector<16xi32>,
      tpu.vector_store %arg8[%swap3A_414, %swap3A_415], %bitcast3A_413 {strides = array<i32>} : memref<32x512xi32, #tpu.memory_space<vmem>>, vector<16xi32>,
      %scan3A_417 = arith.constant 0 : i32
      scf.yield %scan3A_417 : i32
    }
    %scan3A_59 = arith.constant 32 : i32
    %add3A_60 = arith.constant 64 : i32
    %add3A_61 = arith.addi %mul3A_2, %add3A_60 : i32
    "tpu.region"() ({
      %run_scoped3A = tpu.sem_alloc : memref<!tpu.dma_semaphore, #tpu.memory_space<semaphore_mem>>
      %dma_start3A_76 = arith.constant 0 : i32
      %dma_start3A_77 = tpu.memref_slice %arg4[%add3A_61, %dma_start3A_76] : memref<4096x512xi32, #tpu.memory_space<hbm>> -> memref<32x512xi32, #tpu.memory_space<hbm>>
      %dma_start3A_78 = arith.constant 0 : i32
      %dma_start3A_79 = tpu.memref_slice %arg4[%add3A_61, %dma_start3A_78] : memref<4096x512xi32, #tpu.memory_space<hbm>> -> memref<32x512xi32, #tpu.memory_space<hbm>>
      tpu.enqueue_dma source(%arg8 : memref<32x512xi32, #tpu.memory_space<vmem>>) target(%dma_start3A_79 : memref<32x512xi32, #tpu.memory_space<hbm>>) target_semaphore(%run_scoped3A : memref<!tpu.dma_semaphore, #tpu.memory_space<semaphore_mem>>)
      %dma_wait3A_80 = arith.constant 0 : i32
      %dma_wait3A_81 = tpu.memref_slice %arg4[%add3A_61, %dma_wait3A_80] : memref<4096x512xi32, #tpu.memory_space<hbm>> -> memref<32x512xi32, #tpu.memory_space<hbm>>
      %dma_wait3A_82 = arith.constant 0 : i32
      %dma_wait3A_83 = tpu.memref_slice %arg4[%add3A_61, %dma_wait3A_82] : memref<4096x512xi32, #tpu.memory_space<hbm>> -> memref<32x512xi32, #tpu.memory_space<hbm>>
      tpu.wait_dma2 semaphore(%run_scoped3A : memref<!tpu.dma_semaphore, #tpu.memory_space<semaphore_mem>>) src(%arg8 : memref<32x512xi32, #tpu.memory_space<vmem>>) dst(%dma_wait3A_83 : memref<32x512xi32, #tpu.memory_space<hbm>>)
      tpu.yield
    }) : () -> ()
    %dma_wait3A_62 = arith.constant 96 : i32
    %dma_wait3A_63 = tpu.memref_slice %arg5[%dma_wait3A_62] : memref<128xi32, #tpu.memory_space<vmem>> -> memref<32xi32, #tpu.memory_space<vmem>>
    %dma_wait3A_64 = arith.constant 0 : i32
    %dma_wait3A_65 = arith.constant 0 : i32
    %dma_wait3A_66 = tpu.memref_slice %arg2[%dma_wait3A_64, %dma_wait3A_65] : memref<50000x1000xf32, #tpu.memory_space<hbm>> -> memref<50000x896xf32, #tpu.memory_space<hbm>>
    tpu.wait_indirect_dma semaphore(%arg11 : memref<!tpu.dma_semaphore, #tpu.memory_space<semaphore_mem>>) src(%dma_wait3A_66 : memref<50000x896xf32, #tpu.memory_space<hbm>>) dst(%arg7 : memref<32x896xf32, #tpu.memory_space<vmem>>)
    %scan3A_67 = arith.constant 0 : i32
    %scan3A_68 = arith.constant 0 : i32
    %scan3A_69 = arith.constant 32 : i32
    %scan3A_70 = arith.addi %scan3A_68, %scan3A_69 : i32
    %scan3A_71 = arith.constant 1 : i32
    %scan3A_72 = scf.for %scan3A_76 = %scan3A_68 to %scan3A_70 step %scan3A_71 iter_args(%scan3A_77 = %scan3A_67) -> (i32)  : i32 {
      %get3A = arith.index_cast %scan3A_76 : i32 to index
      %get3A_78 = arith.constant 0 : index
      %get3A_79 = tpu.vector_load %arg7[%get3A, %get3A_78] {strides = array<i32>} : memref<32x896xf32, #tpu.memory_space<vmem>>, vector<16xf32>,
      %get3A_80 = arith.index_cast %scan3A_76 : i32 to index
      %get3A_81 = arith.constant 512 : index
      %get3A_82 = tpu.vector_load %arg7[%get3A_80, %get3A_81] {strides = array<i32>} : memref<32x896xf32, #tpu.memory_space<vmem>>, vector<16xf32>,
      %pack3A = tpu.pack_subelements %get3A_79, %get3A_82 {pack_format = #tpu.pack_format<interleaved>, positions = array<i32: 0, 1>} : vector<16xf32>, vector<16xf32> -> vector<32xbf16>
      %bitcast3A = vector.bitcast %pack3A : vector<32xbf16> to vector<16xi32>
      %swap3A = arith.index_cast %scan3A_76 : i32 to index
      %swap3A_83 = arith.constant 0 : index
      %swap3A_84 = tpu.vector_load %arg9[%swap3A, %swap3A_83] {strides = array<i32>} : memref<32x512xi32, #tpu.memory_space<vmem>>, vector<16xi32>,
      tpu.vector_store %arg9[%swap3A, %swap3A_83], %bitcast3A {strides = array<i32>} : memref<32x512xi32, #tpu.memory_space<vmem>>, vector<16xi32>,
      %get3A_85 = arith.index_cast %scan3A_76 : i32 to index
      %get3A_86 = arith.constant 16 : index
      %get3A_87 = tpu.vector_load %arg7[%get3A_85, %get3A_86] {strides = array<i32>} : memref<32x896xf32, #tpu.memory_space<vmem>>, vector<16xf32>,
      %get3A_88 = arith.index_cast %scan3A_76 : i32 to index
      %get3A_89 = arith.constant 528 : index
      %get3A_90 = tpu.vector_load %arg7[%get3A_88, %get3A_89] {strides = array<i32>} : memref<32x896xf32, #tpu.memory_space<vmem>>, vector<16xf32>,
      %pack3A_91 = tpu.pack_subelements %get3A_87, %get3A_90 {pack_format = #tpu.pack_format<interleaved>, positions = array<i32: 0, 1>} : vector<16xf32>, vector<16xf32> -> vector<32xbf16>
      %bitcast3A_92 = vector.bitcast %pack3A_91 : vector<32xbf16> to vector<16xi32>
      %swap3A_93 = arith.index_cast %scan3A_76 : i32 to index
      %swap3A_94 = arith.constant 16 : index
      %swap3A_95 = tpu.vector_load %arg9[%swap3A_93, %swap3A_94] {strides = array<i32>} : memref<32x512xi32, #tpu.memory_space<vmem>>, vector<16xi32>,
      tpu.vector_store %arg9[%swap3A_93, %swap3A_94], %bitcast3A_92 {strides = array<i32>} : memref<32x512xi32, #tpu.memory_space<vmem>>, vector<16xi32>,
      %get3A_96 = arith.index_cast %scan3A_76 : i32 to index
      %get3A_97 = arith.constant 32 : index
      %get3A_98 = tpu.vector_load %arg7[%get3A_96, %get3A_97] {strides = array<i32>} : memref<32x896xf32, #tpu.memory_space<vmem>>, vector<16xf32>,
      %get3A_99 = arith.index_cast %scan3A_76 : i32 to index
      %get3A_100 = arith.constant 544 : index
      %get3A_101 = tpu.vector_load %arg7[%get3A_99, %get3A_100] {strides = array<i32>} : memref<32x896xf32, #tpu.memory_space<vmem>>, vector<16xf32>,
      %pack3A_102 = tpu.pack_subelements %get3A_98, %get3A_101 {pack_format = #tpu.pack_format<interleaved>, positions = array<i32: 0, 1>} : vector<16xf32>, vector<16xf32> -> vector<32xbf16>
      %bitcast3A_103 = vector.bitcast %pack3A_102 : vector<32xbf16> to vector<16xi32>
      %swap3A_104 = arith.index_cast %scan3A_76 : i32 to index
      %swap3A_105 = arith.constant 32 : index
      %swap3A_106 = tpu.vector_load %arg9[%swap3A_104, %swap3A_105] {strides = array<i32>} : memref<32x512xi32, #tpu.memory_space<vmem>>, vector<16xi32>,
      tpu.vector_store %arg9[%swap3A_104, %swap3A_105], %bitcast3A_103 {strides = array<i32>} : memref<32x512xi32, #tpu.memory_space<vmem>>, vector<16xi32>,
      %get3A_107 = arith.index_cast %scan3A_76 : i32 to index
      %get3A_108 = arith.constant 48 : index
      %get3A_109 = tpu.vector_load %arg7[%get3A_107, %get3A_108] {strides = array<i32>} : memref<32x896xf32, #tpu.memory_space<vmem>>, vector<16xf32>,
      %get3A_110 = arith.index_cast %scan3A_76 : i32 to index
      %get3A_111 = arith.constant 560 : index
      %get3A_112 = tpu.vector_load %arg7[%get3A_110, %get3A_111] {strides = array<i32>} : memref<32x896xf32, #tpu.memory_space<vmem>>, vector<16xf32>,
      %pack3A_113 = tpu.pack_subelements %get3A_109, %get3A_112 {pack_format = #tpu.pack_format<interleaved>, positions = array<i32: 0, 1>} : vector<16xf32>, vector<16xf32> -> vector<32xbf16>
      %bitcast3A_114 = vector.bitcast %pack3A_113 : vector<32xbf16> to vector<16xi32>
      %swap3A_115 = arith.index_cast %scan3A_76 : i32 to index
      %swap3A_116 = arith.constant 48 : index
      %swap3A_117 = tpu.vector_load %arg9[%swap3A_115, %swap3A_116] {strides = array<i32>} : memref<32x512xi32, #tpu.memory_space<vmem>>, vector<16xi32>,
      tpu.vector_store %arg9[%swap3A_115, %swap3A_116], %bitcast3A_114 {strides = array<i32>} : memref<32x512xi32, #tpu.memory_space<vmem>>, vector<16xi32>,
      %get3A_118 = arith.index_cast %scan3A_76 : i32 to index
      %get3A_119 = arith.constant 64 : index
      %get3A_120 = tpu.vector_load %arg7[%get3A_118, %get3A_119] {strides = array<i32>} : memref<32x896xf32, #tpu.memory_space<vmem>>, vector<16xf32>,
      %get3A_121 = arith.index_cast %scan3A_76 : i32 to index
      %get3A_122 = arith.constant 576 : index
      %get3A_123 = tpu.vector_load %arg7[%get3A_121, %get3A_122] {strides = array<i32>} : memref<32x896xf32, #tpu.memory_space<vmem>>, vector<16xf32>,
      %pack3A_124 = tpu.pack_subelements %get3A_120, %get3A_123 {pack_format = #tpu.pack_format<interleaved>, positions = array<i32: 0, 1>} : vector<16xf32>, vector<16xf32> -> vector<32xbf16>
      %bitcast3A_125 = vector.bitcast %pack3A_124 : vector<32xbf16> to vector<16xi32>
      %swap3A_126 = arith.index_cast %scan3A_76 : i32 to index
      %swap3A_127 = arith.constant 64 : index
      %swap3A_128 = tpu.vector_load %arg9[%swap3A_126, %swap3A_127] {strides = array<i32>} : memref<32x512xi32, #tpu.memory_space<vmem>>, vector<16xi32>,
      tpu.vector_store %arg9[%swap3A_126, %swap3A_127], %bitcast3A_125 {strides = array<i32>} : memref<32x512xi32, #tpu.memory_space<vmem>>, vector<16xi32>,
      %get3A_129 = arith.index_cast %scan3A_76 : i32 to index
      %get3A_130 = arith.constant 80 : index
      %get3A_131 = tpu.vector_load %arg7[%get3A_129, %get3A_130] {strides = array<i32>} : memref<32x896xf32, #tpu.memory_space<vmem>>, vector<16xf32>,
      %get3A_132 = arith.index_cast %scan3A_76 : i32 to index
      %get3A_133 = arith.constant 592 : index
      %get3A_134 = tpu.vector_load %arg7[%get3A_132, %get3A_133] {strides = array<i32>} : memref<32x896xf32, #tpu.memory_space<vmem>>, vector<16xf32>,
      %pack3A_135 = tpu.pack_subelements %get3A_131, %get3A_134 {pack_format = #tpu.pack_format<interleaved>, positions = array<i32: 0, 1>} : vector<16xf32>, vector<16xf32> -> vector<32xbf16>
      %bitcast3A_136 = vector.bitcast %pack3A_135 : vector<32xbf16> to vector<16xi32>
      %swap3A_137 = arith.index_cast %scan3A_76 : i32 to index
      %swap3A_138 = arith.constant 80 : index
      %swap3A_139 = tpu.vector_load %arg9[%swap3A_137, %swap3A_138] {strides = array<i32>} : memref<32x512xi32, #tpu.memory_space<vmem>>, vector<16xi32>,
      tpu.vector_store %arg9[%swap3A_137, %swap3A_138], %bitcast3A_136 {strides = array<i32>} : memref<32x512xi32, #tpu.memory_space<vmem>>, vector<16xi32>,
      %get3A_140 = arith.index_cast %scan3A_76 : i32 to index
      %get3A_141 = arith.constant 96 : index
      %get3A_142 = tpu.vector_load %arg7[%get3A_140, %get3A_141] {strides = array<i32>} : memref<32x896xf32, #tpu.memory_space<vmem>>, vector<16xf32>,
      %get3A_143 = arith.index_cast %scan3A_76 : i32 to index
      %get3A_144 = arith.constant 608 : index
      %get3A_145 = tpu.vector_load %arg7[%get3A_143, %get3A_144] {strides = array<i32>} : memref<32x896xf32, #tpu.memory_space<vmem>>, vector<16xf32>,
      %pack3A_146 = tpu.pack_subelements %get3A_142, %get3A_145 {pack_format = #tpu.pack_format<interleaved>, positions = array<i32: 0, 1>} : vector<16xf32>, vector<16xf32> -> vector<32xbf16>
      %bitcast3A_147 = vector.bitcast %pack3A_146 : vector<32xbf16> to vector<16xi32>
      %swap3A_148 = arith.index_cast %scan3A_76 : i32 to index
      %swap3A_149 = arith.constant 96 : index
      %swap3A_150 = tpu.vector_load %arg9[%swap3A_148, %swap3A_149] {strides = array<i32>} : memref<32x512xi32, #tpu.memory_space<vmem>>, vector<16xi32>,
      tpu.vector_store %arg9[%swap3A_148, %swap3A_149], %bitcast3A_147 {strides = array<i32>} : memref<32x512xi32, #tpu.memory_space<vmem>>, vector<16xi32>,
      %get3A_151 = arith.index_cast %scan3A_76 : i32 to index
      %get3A_152 = arith.constant 112 : index
      %get3A_153 = tpu.vector_load %arg7[%get3A_151, %get3A_152] {strides = array<i32>} : memref<32x896xf32, #tpu.memory_space<vmem>>, vector<16xf32>,
      %get3A_154 = arith.index_cast %scan3A_76 : i32 to index
      %get3A_155 = arith.constant 624 : index
      %get3A_156 = tpu.vector_load %arg7[%get3A_154, %get3A_155] {strides = array<i32>} : memref<32x896xf32, #tpu.memory_space<vmem>>, vector<16xf32>,
      %pack3A_157 = tpu.pack_subelements %get3A_153, %get3A_156 {pack_format = #tpu.pack_format<interleaved>, positions = array<i32: 0, 1>} : vector<16xf32>, vector<16xf32> -> vector<32xbf16>
      %bitcast3A_158 = vector.bitcast %pack3A_157 : vector<32xbf16> to vector<16xi32>
      %swap3A_159 = arith.index_cast %scan3A_76 : i32 to index
      %swap3A_160 = arith.constant 112 : index
      %swap3A_161 = tpu.vector_load %arg9[%swap3A_159, %swap3A_160] {strides = array<i32>} : memref<32x512xi32, #tpu.memory_space<vmem>>, vector<16xi32>,
      tpu.vector_store %arg9[%swap3A_159, %swap3A_160], %bitcast3A_158 {strides = array<i32>} : memref<32x512xi32, #tpu.memory_space<vmem>>, vector<16xi32>,
      %get3A_162 = arith.index_cast %scan3A_76 : i32 to index
      %get3A_163 = arith.constant 128 : index
      %get3A_164 = tpu.vector_load %arg7[%get3A_162, %get3A_163] {strides = array<i32>} : memref<32x896xf32, #tpu.memory_space<vmem>>, vector<16xf32>,
      %get3A_165 = arith.index_cast %scan3A_76 : i32 to index
      %get3A_166 = arith.constant 640 : index
      %get3A_167 = tpu.vector_load %arg7[%get3A_165, %get3A_166] {strides = array<i32>} : memref<32x896xf32, #tpu.memory_space<vmem>>, vector<16xf32>,
      %pack3A_168 = tpu.pack_subelements %get3A_164, %get3A_167 {pack_format = #tpu.pack_format<interleaved>, positions = array<i32: 0, 1>} : vector<16xf32>, vector<16xf32> -> vector<32xbf16>
      %bitcast3A_169 = vector.bitcast %pack3A_168 : vector<32xbf16> to vector<16xi32>
      %swap3A_170 = arith.index_cast %scan3A_76 : i32 to index
      %swap3A_171 = arith.constant 128 : index
      %swap3A_172 = tpu.vector_load %arg9[%swap3A_170, %swap3A_171] {strides = array<i32>} : memref<32x512xi32, #tpu.memory_space<vmem>>, vector<16xi32>,
      tpu.vector_store %arg9[%swap3A_170, %swap3A_171], %bitcast3A_169 {strides = array<i32>} : memref<32x512xi32, #tpu.memory_space<vmem>>, vector<16xi32>,
      %get3A_173 = arith.index_cast %scan3A_76 : i32 to index
      %get3A_174 = arith.constant 144 : index
      %get3A_175 = tpu.vector_load %arg7[%get3A_173, %get3A_174] {strides = array<i32>} : memref<32x896xf32, #tpu.memory_space<vmem>>, vector<16xf32>,
      %get3A_176 = arith.index_cast %scan3A_76 : i32 to index
      %get3A_177 = arith.constant 656 : index
      %get3A_178 = tpu.vector_load %arg7[%get3A_176, %get3A_177] {strides = array<i32>} : memref<32x896xf32, #tpu.memory_space<vmem>>, vector<16xf32>,
      %pack3A_179 = tpu.pack_subelements %get3A_175, %get3A_178 {pack_format = #tpu.pack_format<interleaved>, positions = array<i32: 0, 1>} : vector<16xf32>, vector<16xf32> -> vector<32xbf16>
      %bitcast3A_180 = vector.bitcast %pack3A_179 : vector<32xbf16> to vector<16xi32>
      %swap3A_181 = arith.index_cast %scan3A_76 : i32 to index
      %swap3A_182 = arith.constant 144 : index
      %swap3A_183 = tpu.vector_load %arg9[%swap3A_181, %swap3A_182] {strides = array<i32>} : memref<32x512xi32, #tpu.memory_space<vmem>>, vector<16xi32>,
      tpu.vector_store %arg9[%swap3A_181, %swap3A_182], %bitcast3A_180 {strides = array<i32>} : memref<32x512xi32, #tpu.memory_space<vmem>>, vector<16xi32>,
      %get3A_184 = arith.index_cast %scan3A_76 : i32 to index
      %get3A_185 = arith.constant 160 : index
      %get3A_186 = tpu.vector_load %arg7[%get3A_184, %get3A_185] {strides = array<i32>} : memref<32x896xf32, #tpu.memory_space<vmem>>, vector<16xf32>,
      %get3A_187 = arith.index_cast %scan3A_76 : i32 to index
      %get3A_188 = arith.constant 672 : index
      %get3A_189 = tpu.vector_load %arg7[%get3A_187, %get3A_188] {strides = array<i32>} : memref<32x896xf32, #tpu.memory_space<vmem>>, vector<16xf32>,
      %pack3A_190 = tpu.pack_subelements %get3A_186, %get3A_189 {pack_format = #tpu.pack_format<interleaved>, positions = array<i32: 0, 1>} : vector<16xf32>, vector<16xf32> -> vector<32xbf16>
      %bitcast3A_191 = vector.bitcast %pack3A_190 : vector<32xbf16> to vector<16xi32>
      %swap3A_192 = arith.index_cast %scan3A_76 : i32 to index
      %swap3A_193 = arith.constant 160 : index
      %swap3A_194 = tpu.vector_load %arg9[%swap3A_192, %swap3A_193] {strides = array<i32>} : memref<32x512xi32, #tpu.memory_space<vmem>>, vector<16xi32>,
      tpu.vector_store %arg9[%swap3A_192, %swap3A_193], %bitcast3A_191 {strides = array<i32>} : memref<32x512xi32, #tpu.memory_space<vmem>>, vector<16xi32>,
      %get3A_195 = arith.index_cast %scan3A_76 : i32 to index
      %get3A_196 = arith.constant 176 : index
      %get3A_197 = tpu.vector_load %arg7[%get3A_195, %get3A_196] {strides = array<i32>} : memref<32x896xf32, #tpu.memory_space<vmem>>, vector<16xf32>,
      %get3A_198 = arith.index_cast %scan3A_76 : i32 to index
      %get3A_199 = arith.constant 688 : index
      %get3A_200 = tpu.vector_load %arg7[%get3A_198, %get3A_199] {strides = array<i32>} : memref<32x896xf32, #tpu.memory_space<vmem>>, vector<16xf32>,
      %pack3A_201 = tpu.pack_subelements %get3A_197, %get3A_200 {pack_format = #tpu.pack_format<interleaved>, positions = array<i32: 0, 1>} : vector<16xf32>, vector<16xf32> -> vector<32xbf16>
      %bitcast3A_202 = vector.bitcast %pack3A_201 : vector<32xbf16> to vector<16xi32>
      %swap3A_203 = arith.index_cast %scan3A_76 : i32 to index
      %swap3A_204 = arith.constant 176 : index
      %swap3A_205 = tpu.vector_load %arg9[%swap3A_203, %swap3A_204] {strides = array<i32>} : memref<32x512xi32, #tpu.memory_space<vmem>>, vector<16xi32>,
      tpu.vector_store %arg9[%swap3A_203, %swap3A_204], %bitcast3A_202 {strides = array<i32>} : memref<32x512xi32, #tpu.memory_space<vmem>>, vector<16xi32>,
      %get3A_206 = arith.index_cast %scan3A_76 : i32 to index
      %get3A_207 = arith.constant 192 : index
      %get3A_208 = tpu.vector_load %arg7[%get3A_206, %get3A_207] {strides = array<i32>} : memref<32x896xf32, #tpu.memory_space<vmem>>, vector<16xf32>,
      %get3A_209 = arith.index_cast %scan3A_76 : i32 to index
      %get3A_210 = arith.constant 704 : index
      %get3A_211 = tpu.vector_load %arg7[%get3A_209, %get3A_210] {strides = array<i32>} : memref<32x896xf32, #tpu.memory_space<vmem>>, vector<16xf32>,
      %pack3A_212 = tpu.pack_subelements %get3A_208, %get3A_211 {pack_format = #tpu.pack_format<interleaved>, positions = array<i32: 0, 1>} : vector<16xf32>, vector<16xf32> -> vector<32xbf16>
      %bitcast3A_213 = vector.bitcast %pack3A_212 : vector<32xbf16> to vector<16xi32>
      %swap3A_214 = arith.index_cast %scan3A_76 : i32 to index
      %swap3A_215 = arith.constant 192 : index
      %swap3A_216 = tpu.vector_load %arg9[%swap3A_214, %swap3A_215] {strides = array<i32>} : memref<32x512xi32, #tpu.memory_space<vmem>>, vector<16xi32>,
      tpu.vector_store %arg9[%swap3A_214, %swap3A_215], %bitcast3A_213 {strides = array<i32>} : memref<32x512xi32, #tpu.memory_space<vmem>>, vector<16xi32>,
      %get3A_217 = arith.index_cast %scan3A_76 : i32 to index
      %get3A_218 = arith.constant 208 : index
      %get3A_219 = tpu.vector_load %arg7[%get3A_217, %get3A_218] {strides = array<i32>} : memref<32x896xf32, #tpu.memory_space<vmem>>, vector<16xf32>,
      %get3A_220 = arith.index_cast %scan3A_76 : i32 to index
      %get3A_221 = arith.constant 720 : index
      %get3A_222 = tpu.vector_load %arg7[%get3A_220, %get3A_221] {strides = array<i32>} : memref<32x896xf32, #tpu.memory_space<vmem>>, vector<16xf32>,
      %pack3A_223 = tpu.pack_subelements %get3A_219, %get3A_222 {pack_format = #tpu.pack_format<interleaved>, positions = array<i32: 0, 1>} : vector<16xf32>, vector<16xf32> -> vector<32xbf16>
      %bitcast3A_224 = vector.bitcast %pack3A_223 : vector<32xbf16> to vector<16xi32>
      %swap3A_225 = arith.index_cast %scan3A_76 : i32 to index
      %swap3A_226 = arith.constant 208 : index
      %swap3A_227 = tpu.vector_load %arg9[%swap3A_225, %swap3A_226] {strides = array<i32>} : memref<32x512xi32, #tpu.memory_space<vmem>>, vector<16xi32>,
      tpu.vector_store %arg9[%swap3A_225, %swap3A_226], %bitcast3A_224 {strides = array<i32>} : memref<32x512xi32, #tpu.memory_space<vmem>>, vector<16xi32>,
      %get3A_228 = arith.index_cast %scan3A_76 : i32 to index
      %get3A_229 = arith.constant 224 : index
      %get3A_230 = tpu.vector_load %arg7[%get3A_228, %get3A_229] {strides = array<i32>} : memref<32x896xf32, #tpu.memory_space<vmem>>, vector<16xf32>,
      %get3A_231 = arith.index_cast %scan3A_76 : i32 to index
      %get3A_232 = arith.constant 736 : index
      %get3A_233 = tpu.vector_load %arg7[%get3A_231, %get3A_232] {strides = array<i32>} : memref<32x896xf32, #tpu.memory_space<vmem>>, vector<16xf32>,
      %pack3A_234 = tpu.pack_subelements %get3A_230, %get3A_233 {pack_format = #tpu.pack_format<interleaved>, positions = array<i32: 0, 1>} : vector<16xf32>, vector<16xf32> -> vector<32xbf16>
      %bitcast3A_235 = vector.bitcast %pack3A_234 : vector<32xbf16> to vector<16xi32>
      %swap3A_236 = arith.index_cast %scan3A_76 : i32 to index
      %swap3A_237 = arith.constant 224 : index
      %swap3A_238 = tpu.vector_load %arg9[%swap3A_236, %swap3A_237] {strides = array<i32>} : memref<32x512xi32, #tpu.memory_space<vmem>>, vector<16xi32>,
      tpu.vector_store %arg9[%swap3A_236, %swap3A_237], %bitcast3A_235 {strides = array<i32>} : memref<32x512xi32, #tpu.memory_space<vmem>>, vector<16xi32>,
      %get3A_239 = arith.index_cast %scan3A_76 : i32 to index
      %get3A_240 = arith.constant 240 : index
      %get3A_241 = tpu.vector_load %arg7[%get3A_239, %get3A_240] {strides = array<i32>} : memref<32x896xf32, #tpu.memory_space<vmem>>, vector<16xf32>,
      %get3A_242 = arith.index_cast %scan3A_76 : i32 to index
      %get3A_243 = arith.constant 752 : index
      %get3A_244 = tpu.vector_load %arg7[%get3A_242, %get3A_243] {strides = array<i32>} : memref<32x896xf32, #tpu.memory_space<vmem>>, vector<16xf32>,
      %pack3A_245 = tpu.pack_subelements %get3A_241, %get3A_244 {pack_format = #tpu.pack_format<interleaved>, positions = array<i32: 0, 1>} : vector<16xf32>, vector<16xf32> -> vector<32xbf16>
      %bitcast3A_246 = vector.bitcast %pack3A_245 : vector<32xbf16> to vector<16xi32>
      %swap3A_247 = arith.index_cast %scan3A_76 : i32 to index
      %swap3A_248 = arith.constant 240 : index
      %swap3A_249 = tpu.vector_load %arg9[%swap3A_247, %swap3A_248] {strides = array<i32>} : memref<32x512xi32, #tpu.memory_space<vmem>>, vector<16xi32>,
      tpu.vector_store %arg9[%swap3A_247, %swap3A_248], %bitcast3A_246 {strides = array<i32>} : memref<32x512xi32, #tpu.memory_space<vmem>>, vector<16xi32>,
      %get3A_250 = arith.index_cast %scan3A_76 : i32 to index
      %get3A_251 = arith.constant 256 : index
      %get3A_252 = tpu.vector_load %arg7[%get3A_250, %get3A_251] {strides = array<i32>} : memref<32x896xf32, #tpu.memory_space<vmem>>, vector<16xf32>,
      %get3A_253 = arith.index_cast %scan3A_76 : i32 to index
      %get3A_254 = arith.constant 768 : index
      %get3A_255 = tpu.vector_load %arg7[%get3A_253, %get3A_254] {strides = array<i32>} : memref<32x896xf32, #tpu.memory_space<vmem>>, vector<16xf32>,
      %pack3A_256 = tpu.pack_subelements %get3A_252, %get3A_255 {pack_format = #tpu.pack_format<interleaved>, positions = array<i32: 0, 1>} : vector<16xf32>, vector<16xf32> -> vector<32xbf16>
      %bitcast3A_257 = vector.bitcast %pack3A_256 : vector<32xbf16> to vector<16xi32>
      %swap3A_258 = arith.index_cast %scan3A_76 : i32 to index
      %swap3A_259 = arith.constant 256 : index
      %swap3A_260 = tpu.vector_load %arg9[%swap3A_258, %swap3A_259] {strides = array<i32>} : memref<32x512xi32, #tpu.memory_space<vmem>>, vector<16xi32>,
      tpu.vector_store %arg9[%swap3A_258, %swap3A_259], %bitcast3A_257 {strides = array<i32>} : memref<32x512xi32, #tpu.memory_space<vmem>>, vector<16xi32>,
      %get3A_261 = arith.index_cast %scan3A_76 : i32 to index
      %get3A_262 = arith.constant 272 : index
      %get3A_263 = tpu.vector_load %arg7[%get3A_261, %get3A_262] {strides = array<i32>} : memref<32x896xf32, #tpu.memory_space<vmem>>, vector<16xf32>,
      %get3A_264 = arith.index_cast %scan3A_76 : i32 to index
      %get3A_265 = arith.constant 784 : index
      %get3A_266 = tpu.vector_load %arg7[%get3A_264, %get3A_265] {strides = array<i32>} : memref<32x896xf32, #tpu.memory_space<vmem>>, vector<16xf32>,
      %pack3A_267 = tpu.pack_subelements %get3A_263, %get3A_266 {pack_format = #tpu.pack_format<interleaved>, positions = array<i32: 0, 1>} : vector<16xf32>, vector<16xf32> -> vector<32xbf16>
      %bitcast3A_268 = vector.bitcast %pack3A_267 : vector<32xbf16> to vector<16xi32>
      %swap3A_269 = arith.index_cast %scan3A_76 : i32 to index
      %swap3A_270 = arith.constant 272 : index
      %swap3A_271 = tpu.vector_load %arg9[%swap3A_269, %swap3A_270] {strides = array<i32>} : memref<32x512xi32, #tpu.memory_space<vmem>>, vector<16xi32>,
      tpu.vector_store %arg9[%swap3A_269, %swap3A_270], %bitcast3A_268 {strides = array<i32>} : memref<32x512xi32, #tpu.memory_space<vmem>>, vector<16xi32>,
      %get3A_272 = arith.index_cast %scan3A_76 : i32 to index
      %get3A_273 = arith.constant 288 : index
      %get3A_274 = tpu.vector_load %arg7[%get3A_272, %get3A_273] {strides = array<i32>} : memref<32x896xf32, #tpu.memory_space<vmem>>, vector<16xf32>,
      %get3A_275 = arith.index_cast %scan3A_76 : i32 to index
      %get3A_276 = arith.constant 800 : index
      %get3A_277 = tpu.vector_load %arg7[%get3A_275, %get3A_276] {strides = array<i32>} : memref<32x896xf32, #tpu.memory_space<vmem>>, vector<16xf32>,
      %pack3A_278 = tpu.pack_subelements %get3A_274, %get3A_277 {pack_format = #tpu.pack_format<interleaved>, positions = array<i32: 0, 1>} : vector<16xf32>, vector<16xf32> -> vector<32xbf16>
      %bitcast3A_279 = vector.bitcast %pack3A_278 : vector<32xbf16> to vector<16xi32>
      %swap3A_280 = arith.index_cast %scan3A_76 : i32 to index
      %swap3A_281 = arith.constant 288 : index
      %swap3A_282 = tpu.vector_load %arg9[%swap3A_280, %swap3A_281] {strides = array<i32>} : memref<32x512xi32, #tpu.memory_space<vmem>>, vector<16xi32>,
      tpu.vector_store %arg9[%swap3A_280, %swap3A_281], %bitcast3A_279 {strides = array<i32>} : memref<32x512xi32, #tpu.memory_space<vmem>>, vector<16xi32>,
      %get3A_283 = arith.index_cast %scan3A_76 : i32 to index
      %get3A_284 = arith.constant 304 : index
      %get3A_285 = tpu.vector_load %arg7[%get3A_283, %get3A_284] {strides = array<i32>} : memref<32x896xf32, #tpu.memory_space<vmem>>, vector<16xf32>,
      %get3A_286 = arith.index_cast %scan3A_76 : i32 to index
      %get3A_287 = arith.constant 816 : index
      %get3A_288 = tpu.vector_load %arg7[%get3A_286, %get3A_287] {strides = array<i32>} : memref<32x896xf32, #tpu.memory_space<vmem>>, vector<16xf32>,
      %pack3A_289 = tpu.pack_subelements %get3A_285, %get3A_288 {pack_format = #tpu.pack_format<interleaved>, positions = array<i32: 0, 1>} : vector<16xf32>, vector<16xf32> -> vector<32xbf16>
      %bitcast3A_290 = vector.bitcast %pack3A_289 : vector<32xbf16> to vector<16xi32>
      %swap3A_291 = arith.index_cast %scan3A_76 : i32 to index
      %swap3A_292 = arith.constant 304 : index
      %swap3A_293 = tpu.vector_load %arg9[%swap3A_291, %swap3A_292] {strides = array<i32>} : memref<32x512xi32, #tpu.memory_space<vmem>>, vector<16xi32>,
      tpu.vector_store %arg9[%swap3A_291, %swap3A_292], %bitcast3A_290 {strides = array<i32>} : memref<32x512xi32, #tpu.memory_space<vmem>>, vector<16xi32>,
      %get3A_294 = arith.index_cast %scan3A_76 : i32 to index
      %get3A_295 = arith.constant 320 : index
      %get3A_296 = tpu.vector_load %arg7[%get3A_294, %get3A_295] {strides = array<i32>} : memref<32x896xf32, #tpu.memory_space<vmem>>, vector<16xf32>,
      %get3A_297 = arith.index_cast %scan3A_76 : i32 to index
      %get3A_298 = arith.constant 832 : index
      %get3A_299 = tpu.vector_load %arg7[%get3A_297, %get3A_298] {strides = array<i32>} : memref<32x896xf32, #tpu.memory_space<vmem>>, vector<16xf32>,
      %pack3A_300 = tpu.pack_subelements %get3A_296, %get3A_299 {pack_format = #tpu.pack_format<interleaved>, positions = array<i32: 0, 1>} : vector<16xf32>, vector<16xf32> -> vector<32xbf16>
      %bitcast3A_301 = vector.bitcast %pack3A_300 : vector<32xbf16> to vector<16xi32>
      %swap3A_302 = arith.index_cast %scan3A_76 : i32 to index
      %swap3A_303 = arith.constant 320 : index
      %swap3A_304 = tpu.vector_load %arg9[%swap3A_302, %swap3A_303] {strides = array<i32>} : memref<32x512xi32, #tpu.memory_space<vmem>>, vector<16xi32>,
      tpu.vector_store %arg9[%swap3A_302, %swap3A_303], %bitcast3A_301 {strides = array<i32>} : memref<32x512xi32, #tpu.memory_space<vmem>>, vector<16xi32>,
      %get3A_305 = arith.index_cast %scan3A_76 : i32 to index
      %get3A_306 = arith.constant 336 : index
      %get3A_307 = tpu.vector_load %arg7[%get3A_305, %get3A_306] {strides = array<i32>} : memref<32x896xf32, #tpu.memory_space<vmem>>, vector<16xf32>,
      %get3A_308 = arith.index_cast %scan3A_76 : i32 to index
      %get3A_309 = arith.constant 848 : index
      %get3A_310 = tpu.vector_load %arg7[%get3A_308, %get3A_309] {strides = array<i32>} : memref<32x896xf32, #tpu.memory_space<vmem>>, vector<16xf32>,
      %pack3A_311 = tpu.pack_subelements %get3A_307, %get3A_310 {pack_format = #tpu.pack_format<interleaved>, positions = array<i32: 0, 1>} : vector<16xf32>, vector<16xf32> -> vector<32xbf16>
      %bitcast3A_312 = vector.bitcast %pack3A_311 : vector<32xbf16> to vector<16xi32>
      %swap3A_313 = arith.index_cast %scan3A_76 : i32 to index
      %swap3A_314 = arith.constant 336 : index
      %swap3A_315 = tpu.vector_load %arg9[%swap3A_313, %swap3A_314] {strides = array<i32>} : memref<32x512xi32, #tpu.memory_space<vmem>>, vector<16xi32>,
      tpu.vector_store %arg9[%swap3A_313, %swap3A_314], %bitcast3A_312 {strides = array<i32>} : memref<32x512xi32, #tpu.memory_space<vmem>>, vector<16xi32>,
      %get3A_316 = arith.index_cast %scan3A_76 : i32 to index
      %get3A_317 = arith.constant 352 : index
      %get3A_318 = tpu.vector_load %arg7[%get3A_316, %get3A_317] {strides = array<i32>} : memref<32x896xf32, #tpu.memory_space<vmem>>, vector<16xf32>,
      %get3A_319 = arith.index_cast %scan3A_76 : i32 to index
      %get3A_320 = arith.constant 864 : index
      %get3A_321 = tpu.vector_load %arg7[%get3A_319, %get3A_320] {strides = array<i32>} : memref<32x896xf32, #tpu.memory_space<vmem>>, vector<16xf32>,
      %pack3A_322 = tpu.pack_subelements %get3A_318, %get3A_321 {pack_format = #tpu.pack_format<interleaved>, positions = array<i32: 0, 1>} : vector<16xf32>, vector<16xf32> -> vector<32xbf16>
      %bitcast3A_323 = vector.bitcast %pack3A_322 : vector<32xbf16> to vector<16xi32>
      %swap3A_324 = arith.index_cast %scan3A_76 : i32 to index
      %swap3A_325 = arith.constant 352 : index
      %swap3A_326 = tpu.vector_load %arg9[%swap3A_324, %swap3A_325] {strides = array<i32>} : memref<32x512xi32, #tpu.memory_space<vmem>>, vector<16xi32>,
      tpu.vector_store %arg9[%swap3A_324, %swap3A_325], %bitcast3A_323 {strides = array<i32>} : memref<32x512xi32, #tpu.memory_space<vmem>>, vector<16xi32>,
      %get3A_327 = arith.index_cast %scan3A_76 : i32 to index
      %get3A_328 = arith.constant 368 : index
      %get3A_329 = tpu.vector_load %arg7[%get3A_327, %get3A_328] {strides = array<i32>} : memref<32x896xf32, #tpu.memory_space<vmem>>, vector<16xf32>,
      %get3A_330 = arith.index_cast %scan3A_76 : i32 to index
      %get3A_331 = arith.constant 880 : index
      %get3A_332 = tpu.vector_load %arg7[%get3A_330, %get3A_331] {strides = array<i32>} : memref<32x896xf32, #tpu.memory_space<vmem>>, vector<16xf32>,
      %pack3A_333 = tpu.pack_subelements %get3A_329, %get3A_332 {pack_format = #tpu.pack_format<interleaved>, positions = array<i32: 0, 1>} : vector<16xf32>, vector<16xf32> -> vector<32xbf16>
      %bitcast3A_334 = vector.bitcast %pack3A_333 : vector<32xbf16> to vector<16xi32>
      %swap3A_335 = arith.index_cast %scan3A_76 : i32 to index
      %swap3A_336 = arith.constant 368 : index
      %swap3A_337 = tpu.vector_load %arg9[%swap3A_335, %swap3A_336] {strides = array<i32>} : memref<32x512xi32, #tpu.memory_space<vmem>>, vector<16xi32>,
      tpu.vector_store %arg9[%swap3A_335, %swap3A_336], %bitcast3A_334 {strides = array<i32>} : memref<32x512xi32, #tpu.memory_space<vmem>>, vector<16xi32>,
      %get3A_338 = arith.index_cast %scan3A_76 : i32 to index
      %get3A_339 = arith.constant 384 : index
      %get3A_340 = tpu.vector_load %arg7[%get3A_338, %get3A_339] {strides = array<i32>} : memref<32x896xf32, #tpu.memory_space<vmem>>, vector<16xf32>,
      %broadcast_in_dim3A = arith.constant 0.000000e+00 : f32
      %broadcast_in_dim3A_341 = vector.broadcast %broadcast_in_dim3A : f32 to vector<16xf32>
      %pack3A_342 = tpu.pack_subelements %get3A_340, %broadcast_in_dim3A_341 {pack_format = #tpu.pack_format<interleaved>, positions = array<i32: 0, 1>} : vector<16xf32>, vector<16xf32> -> vector<32xbf16>
      %bitcast3A_343 = vector.bitcast %pack3A_342 : vector<32xbf16> to vector<16xi32>
      %swap3A_344 = arith.index_cast %scan3A_76 : i32 to index
      %swap3A_345 = arith.constant 384 : index
      %swap3A_346 = tpu.vector_load %arg9[%swap3A_344, %swap3A_345] {strides = array<i32>} : memref<32x512xi32, #tpu.memory_space<vmem>>, vector<16xi32>,
      tpu.vector_store %arg9[%swap3A_344, %swap3A_345], %bitcast3A_343 {strides = array<i32>} : memref<32x512xi32, #tpu.memory_space<vmem>>, vector<16xi32>,
      %get3A_347 = arith.index_cast %scan3A_76 : i32 to index
      %get3A_348 = arith.constant 400 : index
      %get3A_349 = tpu.vector_load %arg7[%get3A_347, %get3A_348] {strides = array<i32>} : memref<32x896xf32, #tpu.memory_space<vmem>>, vector<16xf32>,
      %broadcast_in_dim3A_350 = arith.constant 0.000000e+00 : f32
      %broadcast_in_dim3A_351 = vector.broadcast %broadcast_in_dim3A_350 : f32 to vector<16xf32>
      %pack3A_352 = tpu.pack_subelements %get3A_349, %broadcast_in_dim3A_351 {pack_format = #tpu.pack_format<interleaved>, positions = array<i32: 0, 1>} : vector<16xf32>, vector<16xf32> -> vector<32xbf16>
      %bitcast3A_353 = vector.bitcast %pack3A_352 : vector<32xbf16> to vector<16xi32>
      %swap3A_354 = arith.index_cast %scan3A_76 : i32 to index
      %swap3A_355 = arith.constant 400 : index
      %swap3A_356 = tpu.vector_load %arg9[%swap3A_354, %swap3A_355] {strides = array<i32>} : memref<32x512xi32, #tpu.memory_space<vmem>>, vector<16xi32>,
      tpu.vector_store %arg9[%swap3A_354, %swap3A_355], %bitcast3A_353 {strides = array<i32>} : memref<32x512xi32, #tpu.memory_space<vmem>>, vector<16xi32>,
      %get3A_357 = arith.index_cast %scan3A_76 : i32 to index
      %get3A_358 = arith.constant 416 : index
      %get3A_359 = tpu.vector_load %arg7[%get3A_357, %get3A_358] {strides = array<i32>} : memref<32x896xf32, #tpu.memory_space<vmem>>, vector<16xf32>,
      %broadcast_in_dim3A_360 = arith.constant 0.000000e+00 : f32
      %broadcast_in_dim3A_361 = vector.broadcast %broadcast_in_dim3A_360 : f32 to vector<16xf32>
      %pack3A_362 = tpu.pack_subelements %get3A_359, %broadcast_in_dim3A_361 {pack_format = #tpu.pack_format<interleaved>, positions = array<i32: 0, 1>} : vector<16xf32>, vector<16xf32> -> vector<32xbf16>
      %bitcast3A_363 = vector.bitcast %pack3A_362 : vector<32xbf16> to vector<16xi32>
      %swap3A_364 = arith.index_cast %scan3A_76 : i32 to index
      %swap3A_365 = arith.constant 416 : index
      %swap3A_366 = tpu.vector_load %arg9[%swap3A_364, %swap3A_365] {strides = array<i32>} : memref<32x512xi32, #tpu.memory_space<vmem>>, vector<16xi32>,
      tpu.vector_store %arg9[%swap3A_364, %swap3A_365], %bitcast3A_363 {strides = array<i32>} : memref<32x512xi32, #tpu.memory_space<vmem>>, vector<16xi32>,
      %get3A_367 = arith.index_cast %scan3A_76 : i32 to index
      %get3A_368 = arith.constant 432 : index
      %get3A_369 = tpu.vector_load %arg7[%get3A_367, %get3A_368] {strides = array<i32>} : memref<32x896xf32, #tpu.memory_space<vmem>>, vector<16xf32>,
      %broadcast_in_dim3A_370 = arith.constant 0.000000e+00 : f32
      %broadcast_in_dim3A_371 = vector.broadcast %broadcast_in_dim3A_370 : f32 to vector<16xf32>
      %pack3A_372 = tpu.pack_subelements %get3A_369, %broadcast_in_dim3A_371 {pack_format = #tpu.pack_format<interleaved>, positions = array<i32: 0, 1>} : vector<16xf32>, vector<16xf32> -> vector<32xbf16>
      %bitcast3A_373 = vector.bitcast %pack3A_372 : vector<32xbf16> to vector<16xi32>
      %swap3A_374 = arith.index_cast %scan3A_76 : i32 to index
      %swap3A_375 = arith.constant 432 : index
      %swap3A_376 = tpu.vector_load %arg9[%swap3A_374, %swap3A_375] {strides = array<i32>} : memref<32x512xi32, #tpu.memory_space<vmem>>, vector<16xi32>,
      tpu.vector_store %arg9[%swap3A_374, %swap3A_375], %bitcast3A_373 {strides = array<i32>} : memref<32x512xi32, #tpu.memory_space<vmem>>, vector<16xi32>,
      %get3A_377 = arith.index_cast %scan3A_76 : i32 to index
      %get3A_378 = arith.constant 448 : index
      %get3A_379 = tpu.vector_load %arg7[%get3A_377, %get3A_378] {strides = array<i32>} : memref<32x896xf32, #tpu.memory_space<vmem>>, vector<16xf32>,
      %broadcast_in_dim3A_380 = arith.constant 0.000000e+00 : f32
      %broadcast_in_dim3A_381 = vector.broadcast %broadcast_in_dim3A_380 : f32 to vector<16xf32>
      %pack3A_382 = tpu.pack_subelements %get3A_379, %broadcast_in_dim3A_381 {pack_format = #tpu.pack_format<interleaved>, positions = array<i32: 0, 1>} : vector<16xf32>, vector<16xf32> -> vector<32xbf16>
      %bitcast3A_383 = vector.bitcast %pack3A_382 : vector<32xbf16> to vector<16xi32>
      %swap3A_384 = arith.index_cast %scan3A_76 : i32 to index
      %swap3A_385 = arith.constant 448 : index
      %swap3A_386 = tpu.vector_load %arg9[%swap3A_384, %swap3A_385] {strides = array<i32>} : memref<32x512xi32, #tpu.memory_space<vmem>>, vector<16xi32>,
      tpu.vector_store %arg9[%swap3A_384, %swap3A_385], %bitcast3A_383 {strides = array<i32>} : memref<32x512xi32, #tpu.memory_space<vmem>>, vector<16xi32>,
      %get3A_387 = arith.index_cast %scan3A_76 : i32 to index
      %get3A_388 = arith.constant 464 : index
      %get3A_389 = tpu.vector_load %arg7[%get3A_387, %get3A_388] {strides = array<i32>} : memref<32x896xf32, #tpu.memory_space<vmem>>, vector<16xf32>,
      %broadcast_in_dim3A_390 = arith.constant 0.000000e+00 : f32
      %broadcast_in_dim3A_391 = vector.broadcast %broadcast_in_dim3A_390 : f32 to vector<16xf32>
      %pack3A_392 = tpu.pack_subelements %get3A_389, %broadcast_in_dim3A_391 {pack_format = #tpu.pack_format<interleaved>, positions = array<i32: 0, 1>} : vector<16xf32>, vector<16xf32> -> vector<32xbf16>
      %bitcast3A_393 = vector.bitcast %pack3A_392 : vector<32xbf16> to vector<16xi32>
      %swap3A_394 = arith.index_cast %scan3A_76 : i32 to index
      %swap3A_395 = arith.constant 464 : index
      %swap3A_396 = tpu.vector_load %arg9[%swap3A_394, %swap3A_395] {strides = array<i32>} : memref<32x512xi32, #tpu.memory_space<vmem>>, vector<16xi32>,
      tpu.vector_store %arg9[%swap3A_394, %swap3A_395], %bitcast3A_393 {strides = array<i32>} : memref<32x512xi32, #tpu.memory_space<vmem>>, vector<16xi32>,
      %get3A_397 = arith.index_cast %scan3A_76 : i32 to index
      %get3A_398 = arith.constant 480 : index
      %get3A_399 = tpu.vector_load %arg7[%get3A_397, %get3A_398] {strides = array<i32>} : memref<32x896xf32, #tpu.memory_space<vmem>>, vector<16xf32>,
      %broadcast_in_dim3A_400 = arith.constant 0.000000e+00 : f32
      %broadcast_in_dim3A_401 = vector.broadcast %broadcast_in_dim3A_400 : f32 to vector<16xf32>
      %pack3A_402 = tpu.pack_subelements %get3A_399, %broadcast_in_dim3A_401 {pack_format = #tpu.pack_format<interleaved>, positions = array<i32: 0, 1>} : vector<16xf32>, vector<16xf32> -> vector<32xbf16>
      %bitcast3A_403 = vector.bitcast %pack3A_402 : vector<32xbf16> to vector<16xi32>
      %swap3A_404 = arith.index_cast %scan3A_76 : i32 to index
      %swap3A_405 = arith.constant 480 : index
      %swap3A_406 = tpu.vector_load %arg9[%swap3A_404, %swap3A_405] {strides = array<i32>} : memref<32x512xi32, #tpu.memory_space<vmem>>, vector<16xi32>,
      tpu.vector_store %arg9[%swap3A_404, %swap3A_405], %bitcast3A_403 {strides = array<i32>} : memref<32x512xi32, #tpu.memory_space<vmem>>, vector<16xi32>,
      %get3A_407 = arith.index_cast %scan3A_76 : i32 to index
      %get3A_408 = arith.constant 496 : index
      %get3A_409 = tpu.vector_load %arg7[%get3A_407, %get3A_408] {strides = array<i32>} : memref<32x896xf32, #tpu.memory_space<vmem>>, vector<16xf32>,
      %broadcast_in_dim3A_410 = arith.constant 0.000000e+00 : f32
      %broadcast_in_dim3A_411 = vector.broadcast %broadcast_in_dim3A_410 : f32 to vector<16xf32>
      %pack3A_412 = tpu.pack_subelements %get3A_409, %broadcast_in_dim3A_411 {pack_format = #tpu.pack_format<interleaved>, positions = array<i32: 0, 1>} : vector<16xf32>, vector<16xf32> -> vector<32xbf16>
      %bitcast3A_413 = vector.bitcast %pack3A_412 : vector<32xbf16> to vector<16xi32>
      %swap3A_414 = arith.index_cast %scan3A_76 : i32 to index
      %swap3A_415 = arith.constant 496 : index
      %swap3A_416 = tpu.vector_load %arg9[%swap3A_414, %swap3A_415] {strides = array<i32>} : memref<32x512xi32, #tpu.memory_space<vmem>>, vector<16xi32>,
      tpu.vector_store %arg9[%swap3A_414, %swap3A_415], %bitcast3A_413 {strides = array<i32>} : memref<32x512xi32, #tpu.memory_space<vmem>>, vector<16xi32>,
      %scan3A_417 = arith.constant 0 : i32
      scf.yield %scan3A_417 : i32
    }
    %scan3A_73 = arith.constant 32 : i32
    %add3A_74 = arith.constant 96 : i32
    %add3A_75 = arith.addi %mul3A_2, %add3A_74 : i32
    "tpu.region"() ({
      %run_scoped3A = tpu.sem_alloc : memref<!tpu.dma_semaphore, #tpu.memory_space<semaphore_mem>>
      %dma_start3A_76 = arith.constant 0 : i32
      %dma_start3A_77 = tpu.memref_slice %arg4[%add3A_75, %dma_start3A_76] : memref<4096x512xi32, #tpu.memory_space<hbm>> -> memref<32x512xi32, #tpu.memory_space<hbm>>
      %dma_start3A_78 = arith.constant 0 : i32
      %dma_start3A_79 = tpu.memref_slice %arg4[%add3A_75, %dma_start3A_78] : memref<4096x512xi32, #tpu.memory_space<hbm>> -> memref<32x512xi32, #tpu.memory_space<hbm>>
      tpu.enqueue_dma source(%arg9 : memref<32x512xi32, #tpu.memory_space<vmem>>) target(%dma_start3A_79 : memref<32x512xi32, #tpu.memory_space<hbm>>) target_semaphore(%run_scoped3A : memref<!tpu.dma_semaphore, #tpu.memory_space<semaphore_mem>>)
      %dma_wait3A_80 = arith.constant 0 : i32
      %dma_wait3A_81 = tpu.memref_slice %arg4[%add3A_75, %dma_wait3A_80] : memref<4096x512xi32, #tpu.memory_space<hbm>> -> memref<32x512xi32, #tpu.memory_space<hbm>>
      %dma_wait3A_82 = arith.constant 0 : i32
      %dma_wait3A_83 = tpu.memref_slice %arg4[%add3A_75, %dma_wait3A_82] : memref<4096x512xi32, #tpu.memory_space<hbm>> -> memref<32x512xi32, #tpu.memory_space<hbm>>
      tpu.wait_dma2 semaphore(%run_scoped3A : memref<!tpu.dma_semaphore, #tpu.memory_space<semaphore_mem>>) src(%arg9 : memref<32x512xi32, #tpu.memory_space<vmem>>) dst(%dma_wait3A_83 : memref<32x512xi32, #tpu.memory_space<hbm>>)
      tpu.yield
    }) : () -> ()
    return
  }
}

module attributes {stable_mosaic.version = 14 : i64} {
  func.func @_loss_tail_body(%arg0: i32, %arg1: memref<4096xi32, #tpu.memory_space<smem>>, %arg2: memref<512x1000xf32, #tpu.memory_space<vmem>>, %arg3: memref<512x1000xf32, #tpu.memory_space<vmem>>, %arg4: memref<512x512xi32, #tpu.memory_space<vmem>>, %arg5: memref<50000x1000xf32, #tpu.memory_space<any>>, %arg6: memref<1x1xf32, #tpu.memory_space<smem>>, %arg7: memref<2x512x104xf32, #tpu.memory_space<vmem>>, %arg8: memref<2x8x!tpu.dma_semaphore, #tpu.memory_space<semaphore_mem>>) attributes {dimension_semantics = [#tpu.dimension_semantics<arbitrary>], iteration_bounds = array<i64: 8>, scalar_prefetch = 1 : i64, scratch_operands = 2 : i64, tpu.core_type = #tpu.core_type<tc>, window_params = [{transform_indices = @transform_0, window_bounds = array<i64: 512, 1000>}, {transform_indices = @transform_1, window_bounds = array<i64: 512, 1000>}, {transform_indices = @transform_2, window_bounds = array<i64: 512, 512>}, {}, {transform_indices = @transform_4, window_bounds = array<i64: 1, 1>}]} {
    %eq3A = arith.constant 0 : i32
    %eq3A_0 = arith.cmpi eq, %arg0, %eq3A : i32
    %convert_element_type3A = arith.extui %eq3A_0 : i1 to i32
    %cond3A = arith.constant 0 : i32
    %cond3A_1 = arith.cmpi ne, %convert_element_type3A, %cond3A : i32
    scf.if %cond3A_1 {
      %scan3A = arith.constant 0 : i32
      %scan3A_196 = arith.constant 64 : i32
      %scan3A_197 = arith.addi %scan3A, %scan3A_196 : i32
      %scan3A_198 = arith.constant 1 : i32
      scf.for %scan3A_200 = %scan3A to %scan3A_197 step %scan3A_198  : i32 {
        %mul3A_201 = arith.constant 8 : i32
        %mul3A_202 = arith.muli %scan3A_200, %mul3A_201 : i32
        %add3A_203 = arith.constant 0 : i32
        %add3A_204 = arith.addi %add3A_203, %mul3A_202 : i32
        %add3A_205 = arith.constant 0 : i32
        %add3A_206 = arith.addi %add3A_204, %add3A_205 : i32
        %get3A_207 = arith.index_cast %add3A_206 : i32 to index
        %get3A_208 = memref.load %arg1[%get3A_207] : memref<4096xi32, #tpu.memory_space<smem>>
        %add3A_209 = arith.constant 0 : i32
        %add3A_210 = arith.addi %mul3A_202, %add3A_209 : i32
        %dma_start3A = arith.constant 0 : i32
        %dma_start3A_211 = arith.constant 0 : i32
        %dma_start3A_212 = arith.constant 0 : i32
        %dma_start3A_213 = tpu.memref_slice %arg8[%dma_start3A_211, %dma_start3A_212] : memref<2x8x!tpu.dma_semaphore, #tpu.memory_space<semaphore_mem>> -> memref<1x1x!tpu.dma_semaphore, #tpu.memory_space<semaphore_mem>>
        %dma_start3A_214 = tpu.memref_squeeze %dma_start3A_213 : memref<1x1x!tpu.dma_semaphore, #tpu.memory_space<semaphore_mem>> -> memref<!tpu.dma_semaphore, #tpu.memory_space<semaphore_mem>>
        %dma_start3A_215 = arith.constant 0 : i32
        %dma_start3A_216 = tpu.memref_slice %arg7[%dma_start3A, %add3A_210, %dma_start3A_215] : memref<2x512x104xf32, #tpu.memory_space<vmem>> -> memref<1x1x104xf32, #tpu.memory_space<vmem>>
        %dma_start3A_217 = tpu.memref_squeeze %dma_start3A_216 : memref<1x1x104xf32, #tpu.memory_space<vmem>> -> memref<1x104xf32, #tpu.memory_space<vmem>>
        %dma_start3A_218 = arith.constant 896 : i32
        %dma_start3A_219 = tpu.memref_slice %arg5[%get3A_208, %dma_start3A_218] : memref<50000x1000xf32, #tpu.memory_space<any>> -> memref<1x104xf32, #tpu.memory_space<any>>
        tpu.enqueue_dma source(%dma_start3A_219 : memref<1x104xf32, #tpu.memory_space<any>>) target(%dma_start3A_217 : memref<1x104xf32, #tpu.memory_space<vmem>>) target_semaphore(%dma_start3A_214 : memref<!tpu.dma_semaphore, #tpu.memory_space<semaphore_mem>>)
        %add3A_220 = arith.constant 0 : i32
        %add3A_221 = arith.addi %add3A_220, %mul3A_202 : i32
        %add3A_222 = arith.constant 1 : i32
        %add3A_223 = arith.addi %add3A_221, %add3A_222 : i32
        %get3A_224 = arith.index_cast %add3A_223 : i32 to index
        %get3A_225 = memref.load %arg1[%get3A_224] : memref<4096xi32, #tpu.memory_space<smem>>
        %add3A_226 = arith.constant 1 : i32
        %add3A_227 = arith.addi %mul3A_202, %add3A_226 : i32
        %dma_start3A_228 = arith.constant 0 : i32
        %dma_start3A_229 = arith.constant 0 : i32
        %dma_start3A_230 = arith.constant 1 : i32
        %dma_start3A_231 = tpu.memref_slice %arg8[%dma_start3A_229, %dma_start3A_230] : memref<2x8x!tpu.dma_semaphore, #tpu.memory_space<semaphore_mem>> -> memref<1x1x!tpu.dma_semaphore, #tpu.memory_space<semaphore_mem>>
        %dma_start3A_232 = tpu.memref_squeeze %dma_start3A_231 : memref<1x1x!tpu.dma_semaphore, #tpu.memory_space<semaphore_mem>> -> memref<!tpu.dma_semaphore, #tpu.memory_space<semaphore_mem>>
        %dma_start3A_233 = arith.constant 0 : i32
        %dma_start3A_234 = tpu.memref_slice %arg7[%dma_start3A_228, %add3A_227, %dma_start3A_233] : memref<2x512x104xf32, #tpu.memory_space<vmem>> -> memref<1x1x104xf32, #tpu.memory_space<vmem>>
        %dma_start3A_235 = tpu.memref_squeeze %dma_start3A_234 : memref<1x1x104xf32, #tpu.memory_space<vmem>> -> memref<1x104xf32, #tpu.memory_space<vmem>>
        %dma_start3A_236 = arith.constant 896 : i32
        %dma_start3A_237 = tpu.memref_slice %arg5[%get3A_225, %dma_start3A_236] : memref<50000x1000xf32, #tpu.memory_space<any>> -> memref<1x104xf32, #tpu.memory_space<any>>
        tpu.enqueue_dma source(%dma_start3A_237 : memref<1x104xf32, #tpu.memory_space<any>>) target(%dma_start3A_235 : memref<1x104xf32, #tpu.memory_space<vmem>>) target_semaphore(%dma_start3A_232 : memref<!tpu.dma_semaphore, #tpu.memory_space<semaphore_mem>>)
        %add3A_238 = arith.constant 0 : i32
        %add3A_239 = arith.addi %add3A_238, %mul3A_202 : i32
        %add3A_240 = arith.constant 2 : i32
        %add3A_241 = arith.addi %add3A_239, %add3A_240 : i32
        %get3A_242 = arith.index_cast %add3A_241 : i32 to index
        %get3A_243 = memref.load %arg1[%get3A_242] : memref<4096xi32, #tpu.memory_space<smem>>
        %add3A_244 = arith.constant 2 : i32
        %add3A_245 = arith.addi %mul3A_202, %add3A_244 : i32
        %dma_start3A_246 = arith.constant 0 : i32
        %dma_start3A_247 = arith.constant 0 : i32
        %dma_start3A_248 = arith.constant 2 : i32
        %dma_start3A_249 = tpu.memref_slice %arg8[%dma_start3A_247, %dma_start3A_248] : memref<2x8x!tpu.dma_semaphore, #tpu.memory_space<semaphore_mem>> -> memref<1x1x!tpu.dma_semaphore, #tpu.memory_space<semaphore_mem>>
        %dma_start3A_250 = tpu.memref_squeeze %dma_start3A_249 : memref<1x1x!tpu.dma_semaphore, #tpu.memory_space<semaphore_mem>> -> memref<!tpu.dma_semaphore, #tpu.memory_space<semaphore_mem>>
        %dma_start3A_251 = arith.constant 0 : i32
        %dma_start3A_252 = tpu.memref_slice %arg7[%dma_start3A_246, %add3A_245, %dma_start3A_251] : memref<2x512x104xf32, #tpu.memory_space<vmem>> -> memref<1x1x104xf32, #tpu.memory_space<vmem>>
        %dma_start3A_253 = tpu.memref_squeeze %dma_start3A_252 : memref<1x1x104xf32, #tpu.memory_space<vmem>> -> memref<1x104xf32, #tpu.memory_space<vmem>>
        %dma_start3A_254 = arith.constant 896 : i32
        %dma_start3A_255 = tpu.memref_slice %arg5[%get3A_243, %dma_start3A_254] : memref<50000x1000xf32, #tpu.memory_space<any>> -> memref<1x104xf32, #tpu.memory_space<any>>
        tpu.enqueue_dma source(%dma_start3A_255 : memref<1x104xf32, #tpu.memory_space<any>>) target(%dma_start3A_253 : memref<1x104xf32, #tpu.memory_space<vmem>>) target_semaphore(%dma_start3A_250 : memref<!tpu.dma_semaphore, #tpu.memory_space<semaphore_mem>>)
        %add3A_256 = arith.constant 0 : i32
        %add3A_257 = arith.addi %add3A_256, %mul3A_202 : i32
        %add3A_258 = arith.constant 3 : i32
        %add3A_259 = arith.addi %add3A_257, %add3A_258 : i32
        %get3A_260 = arith.index_cast %add3A_259 : i32 to index
        %get3A_261 = memref.load %arg1[%get3A_260] : memref<4096xi32, #tpu.memory_space<smem>>
        %add3A_262 = arith.constant 3 : i32
        %add3A_263 = arith.addi %mul3A_202, %add3A_262 : i32
        %dma_start3A_264 = arith.constant 0 : i32
        %dma_start3A_265 = arith.constant 0 : i32
        %dma_start3A_266 = arith.constant 3 : i32
        %dma_start3A_267 = tpu.memref_slice %arg8[%dma_start3A_265, %dma_start3A_266] : memref<2x8x!tpu.dma_semaphore, #tpu.memory_space<semaphore_mem>> -> memref<1x1x!tpu.dma_semaphore, #tpu.memory_space<semaphore_mem>>
        %dma_start3A_268 = tpu.memref_squeeze %dma_start3A_267 : memref<1x1x!tpu.dma_semaphore, #tpu.memory_space<semaphore_mem>> -> memref<!tpu.dma_semaphore, #tpu.memory_space<semaphore_mem>>
        %dma_start3A_269 = arith.constant 0 : i32
        %dma_start3A_270 = tpu.memref_slice %arg7[%dma_start3A_264, %add3A_263, %dma_start3A_269] : memref<2x512x104xf32, #tpu.memory_space<vmem>> -> memref<1x1x104xf32, #tpu.memory_space<vmem>>
        %dma_start3A_271 = tpu.memref_squeeze %dma_start3A_270 : memref<1x1x104xf32, #tpu.memory_space<vmem>> -> memref<1x104xf32, #tpu.memory_space<vmem>>
        %dma_start3A_272 = arith.constant 896 : i32
        %dma_start3A_273 = tpu.memref_slice %arg5[%get3A_261, %dma_start3A_272] : memref<50000x1000xf32, #tpu.memory_space<any>> -> memref<1x104xf32, #tpu.memory_space<any>>
        tpu.enqueue_dma source(%dma_start3A_273 : memref<1x104xf32, #tpu.memory_space<any>>) target(%dma_start3A_271 : memref<1x104xf32, #tpu.memory_space<vmem>>) target_semaphore(%dma_start3A_268 : memref<!tpu.dma_semaphore, #tpu.memory_space<semaphore_mem>>)
        %add3A_274 = arith.constant 0 : i32
        %add3A_275 = arith.addi %add3A_274, %mul3A_202 : i32
        %add3A_276 = arith.constant 4 : i32
        %add3A_277 = arith.addi %add3A_275, %add3A_276 : i32
        %get3A_278 = arith.index_cast %add3A_277 : i32 to index
        %get3A_279 = memref.load %arg1[%get3A_278] : memref<4096xi32, #tpu.memory_space<smem>>
        %add3A_280 = arith.constant 4 : i32
        %add3A_281 = arith.addi %mul3A_202, %add3A_280 : i32
        %dma_start3A_282 = arith.constant 0 : i32
        %dma_start3A_283 = arith.constant 0 : i32
        %dma_start3A_284 = arith.constant 4 : i32
        %dma_start3A_285 = tpu.memref_slice %arg8[%dma_start3A_283, %dma_start3A_284] : memref<2x8x!tpu.dma_semaphore, #tpu.memory_space<semaphore_mem>> -> memref<1x1x!tpu.dma_semaphore, #tpu.memory_space<semaphore_mem>>
        %dma_start3A_286 = tpu.memref_squeeze %dma_start3A_285 : memref<1x1x!tpu.dma_semaphore, #tpu.memory_space<semaphore_mem>> -> memref<!tpu.dma_semaphore, #tpu.memory_space<semaphore_mem>>
        %dma_start3A_287 = arith.constant 0 : i32
        %dma_start3A_288 = tpu.memref_slice %arg7[%dma_start3A_282, %add3A_281, %dma_start3A_287] : memref<2x512x104xf32, #tpu.memory_space<vmem>> -> memref<1x1x104xf32, #tpu.memory_space<vmem>>
        %dma_start3A_289 = tpu.memref_squeeze %dma_start3A_288 : memref<1x1x104xf32, #tpu.memory_space<vmem>> -> memref<1x104xf32, #tpu.memory_space<vmem>>
        %dma_start3A_290 = arith.constant 896 : i32
        %dma_start3A_291 = tpu.memref_slice %arg5[%get3A_279, %dma_start3A_290] : memref<50000x1000xf32, #tpu.memory_space<any>> -> memref<1x104xf32, #tpu.memory_space<any>>
        tpu.enqueue_dma source(%dma_start3A_291 : memref<1x104xf32, #tpu.memory_space<any>>) target(%dma_start3A_289 : memref<1x104xf32, #tpu.memory_space<vmem>>) target_semaphore(%dma_start3A_286 : memref<!tpu.dma_semaphore, #tpu.memory_space<semaphore_mem>>)
        %add3A_292 = arith.constant 0 : i32
        %add3A_293 = arith.addi %add3A_292, %mul3A_202 : i32
        %add3A_294 = arith.constant 5 : i32
        %add3A_295 = arith.addi %add3A_293, %add3A_294 : i32
        %get3A_296 = arith.index_cast %add3A_295 : i32 to index
        %get3A_297 = memref.load %arg1[%get3A_296] : memref<4096xi32, #tpu.memory_space<smem>>
        %add3A_298 = arith.constant 5 : i32
        %add3A_299 = arith.addi %mul3A_202, %add3A_298 : i32
        %dma_start3A_300 = arith.constant 0 : i32
        %dma_start3A_301 = arith.constant 0 : i32
        %dma_start3A_302 = arith.constant 5 : i32
        %dma_start3A_303 = tpu.memref_slice %arg8[%dma_start3A_301, %dma_start3A_302] : memref<2x8x!tpu.dma_semaphore, #tpu.memory_space<semaphore_mem>> -> memref<1x1x!tpu.dma_semaphore, #tpu.memory_space<semaphore_mem>>
        %dma_start3A_304 = tpu.memref_squeeze %dma_start3A_303 : memref<1x1x!tpu.dma_semaphore, #tpu.memory_space<semaphore_mem>> -> memref<!tpu.dma_semaphore, #tpu.memory_space<semaphore_mem>>
        %dma_start3A_305 = arith.constant 0 : i32
        %dma_start3A_306 = tpu.memref_slice %arg7[%dma_start3A_300, %add3A_299, %dma_start3A_305] : memref<2x512x104xf32, #tpu.memory_space<vmem>> -> memref<1x1x104xf32, #tpu.memory_space<vmem>>
        %dma_start3A_307 = tpu.memref_squeeze %dma_start3A_306 : memref<1x1x104xf32, #tpu.memory_space<vmem>> -> memref<1x104xf32, #tpu.memory_space<vmem>>
        %dma_start3A_308 = arith.constant 896 : i32
        %dma_start3A_309 = tpu.memref_slice %arg5[%get3A_297, %dma_start3A_308] : memref<50000x1000xf32, #tpu.memory_space<any>> -> memref<1x104xf32, #tpu.memory_space<any>>
        tpu.enqueue_dma source(%dma_start3A_309 : memref<1x104xf32, #tpu.memory_space<any>>) target(%dma_start3A_307 : memref<1x104xf32, #tpu.memory_space<vmem>>) target_semaphore(%dma_start3A_304 : memref<!tpu.dma_semaphore, #tpu.memory_space<semaphore_mem>>)
        %add3A_310 = arith.constant 0 : i32
        %add3A_311 = arith.addi %add3A_310, %mul3A_202 : i32
        %add3A_312 = arith.constant 6 : i32
        %add3A_313 = arith.addi %add3A_311, %add3A_312 : i32
        %get3A_314 = arith.index_cast %add3A_313 : i32 to index
        %get3A_315 = memref.load %arg1[%get3A_314] : memref<4096xi32, #tpu.memory_space<smem>>
        %add3A_316 = arith.constant 6 : i32
        %add3A_317 = arith.addi %mul3A_202, %add3A_316 : i32
        %dma_start3A_318 = arith.constant 0 : i32
        %dma_start3A_319 = arith.constant 0 : i32
        %dma_start3A_320 = arith.constant 6 : i32
        %dma_start3A_321 = tpu.memref_slice %arg8[%dma_start3A_319, %dma_start3A_320] : memref<2x8x!tpu.dma_semaphore, #tpu.memory_space<semaphore_mem>> -> memref<1x1x!tpu.dma_semaphore, #tpu.memory_space<semaphore_mem>>
        %dma_start3A_322 = tpu.memref_squeeze %dma_start3A_321 : memref<1x1x!tpu.dma_semaphore, #tpu.memory_space<semaphore_mem>> -> memref<!tpu.dma_semaphore, #tpu.memory_space<semaphore_mem>>
        %dma_start3A_323 = arith.constant 0 : i32
        %dma_start3A_324 = tpu.memref_slice %arg7[%dma_start3A_318, %add3A_317, %dma_start3A_323] : memref<2x512x104xf32, #tpu.memory_space<vmem>> -> memref<1x1x104xf32, #tpu.memory_space<vmem>>
        %dma_start3A_325 = tpu.memref_squeeze %dma_start3A_324 : memref<1x1x104xf32, #tpu.memory_space<vmem>> -> memref<1x104xf32, #tpu.memory_space<vmem>>
        %dma_start3A_326 = arith.constant 896 : i32
        %dma_start3A_327 = tpu.memref_slice %arg5[%get3A_315, %dma_start3A_326] : memref<50000x1000xf32, #tpu.memory_space<any>> -> memref<1x104xf32, #tpu.memory_space<any>>
        tpu.enqueue_dma source(%dma_start3A_327 : memref<1x104xf32, #tpu.memory_space<any>>) target(%dma_start3A_325 : memref<1x104xf32, #tpu.memory_space<vmem>>) target_semaphore(%dma_start3A_322 : memref<!tpu.dma_semaphore, #tpu.memory_space<semaphore_mem>>)
        %add3A_328 = arith.constant 0 : i32
        %add3A_329 = arith.addi %add3A_328, %mul3A_202 : i32
        %add3A_330 = arith.constant 7 : i32
        %add3A_331 = arith.addi %add3A_329, %add3A_330 : i32
        %get3A_332 = arith.index_cast %add3A_331 : i32 to index
        %get3A_333 = memref.load %arg1[%get3A_332] : memref<4096xi32, #tpu.memory_space<smem>>
        %add3A_334 = arith.constant 7 : i32
        %add3A_335 = arith.addi %mul3A_202, %add3A_334 : i32
        %dma_start3A_336 = arith.constant 0 : i32
        %dma_start3A_337 = arith.constant 0 : i32
        %dma_start3A_338 = arith.constant 7 : i32
        %dma_start3A_339 = tpu.memref_slice %arg8[%dma_start3A_337, %dma_start3A_338] : memref<2x8x!tpu.dma_semaphore, #tpu.memory_space<semaphore_mem>> -> memref<1x1x!tpu.dma_semaphore, #tpu.memory_space<semaphore_mem>>
        %dma_start3A_340 = tpu.memref_squeeze %dma_start3A_339 : memref<1x1x!tpu.dma_semaphore, #tpu.memory_space<semaphore_mem>> -> memref<!tpu.dma_semaphore, #tpu.memory_space<semaphore_mem>>
        %dma_start3A_341 = arith.constant 0 : i32
        %dma_start3A_342 = tpu.memref_slice %arg7[%dma_start3A_336, %add3A_335, %dma_start3A_341] : memref<2x512x104xf32, #tpu.memory_space<vmem>> -> memref<1x1x104xf32, #tpu.memory_space<vmem>>
        %dma_start3A_343 = tpu.memref_squeeze %dma_start3A_342 : memref<1x1x104xf32, #tpu.memory_space<vmem>> -> memref<1x104xf32, #tpu.memory_space<vmem>>
        %dma_start3A_344 = arith.constant 896 : i32
        %dma_start3A_345 = tpu.memref_slice %arg5[%get3A_333, %dma_start3A_344] : memref<50000x1000xf32, #tpu.memory_space<any>> -> memref<1x104xf32, #tpu.memory_space<any>>
        tpu.enqueue_dma source(%dma_start3A_345 : memref<1x104xf32, #tpu.memory_space<any>>) target(%dma_start3A_343 : memref<1x104xf32, #tpu.memory_space<vmem>>) target_semaphore(%dma_start3A_340 : memref<!tpu.dma_semaphore, #tpu.memory_space<semaphore_mem>>)
      }
      %scan3A_199 = arith.constant 64 : i32
    } else {
    }
    %add3A = arith.constant 1 : i32
    %add3A_2 = arith.addi %arg0, %add3A : i32
    %lt3A = arith.constant 8 : i32
    %lt3A_3 = arith.cmpi slt, %add3A_2, %lt3A : i32
    %convert_element_type3A_4 = arith.extui %lt3A_3 : i1 to i32
    %cond3A_5 = arith.constant 0 : i32
    %cond3A_6 = arith.cmpi ne, %convert_element_type3A_4, %cond3A_5 : i32
    scf.if %cond3A_6 {
      %add3A_196 = arith.constant 1 : i32
      %add3A_197 = arith.addi %arg0, %add3A_196 : i32
      %add3A_198 = arith.constant 1 : i32
      %add3A_199 = arith.addi %arg0, %add3A_198 : i32
      %jit3A_200 = arith.constant 2 : i32
      %eq3A_201 = arith.constant 0 : i32
      %eq3A_202 = arith.cmpi eq, %jit3A_200, %eq3A_201 : i32
      %jit3A_203 = arith.constant 1 : i32
      %select_n3A_204 = arith.select %eq3A_202, %jit3A_203, %jit3A_200 : i32
      %rem3A_205 = arith.remsi %add3A_199, %select_n3A_204 : i32
      %ne3A_206 = arith.constant 0 : i32
      %ne3A_207 = arith.cmpi ne, %rem3A_205, %ne3A_206 : i32
      %lt3A_208 = arith.constant 0 : i32
      %lt3A_209 = arith.cmpi slt, %rem3A_205, %lt3A_208 : i32
      %lt3A_210 = arith.constant 0 : i32
      %lt3A_211 = arith.cmpi slt, %select_n3A_204, %lt3A_210 : i32
      %ne3A_212 = arith.xori %lt3A_209, %lt3A_211 : i1
      %and3A_213 = arith.andi %ne3A_212, %ne3A_207 : i1
      %add3A_214 = arith.addi %rem3A_205, %select_n3A_204 : i32
      %select_n3A_215 = arith.select %and3A_213, %add3A_214, %rem3A_205 : i32
      %mul3A_216 = arith.constant 512 : i32
      %mul3A_217 = arith.muli %add3A_197, %mul3A_216 : i32
      %scan3A = arith.constant 0 : i32
      %scan3A_218 = arith.constant 64 : i32
      %scan3A_219 = arith.addi %scan3A, %scan3A_218 : i32
      %scan3A_220 = arith.constant 1 : i32
      scf.for %scan3A_222 = %scan3A to %scan3A_219 step %scan3A_220  : i32 {
        %mul3A_223 = arith.constant 8 : i32
        %mul3A_224 = arith.muli %scan3A_222, %mul3A_223 : i32
        %add3A_225 = arith.addi %mul3A_217, %mul3A_224 : i32
        %add3A_226 = arith.constant 0 : i32
        %add3A_227 = arith.addi %add3A_225, %add3A_226 : i32
        %get3A_228 = arith.index_cast %add3A_227 : i32 to index
        %get3A_229 = memref.load %arg1[%get3A_228] : memref<4096xi32, #tpu.memory_space<smem>>
        %add3A_230 = arith.constant 0 : i32
        %add3A_231 = arith.addi %mul3A_224, %add3A_230 : i32
        %dma_start3A = arith.constant 0 : i32
        %dma_start3A_232 = tpu.memref_slice %arg8[%select_n3A_215, %dma_start3A] : memref<2x8x!tpu.dma_semaphore, #tpu.memory_space<semaphore_mem>> -> memref<1x1x!tpu.dma_semaphore, #tpu.memory_space<semaphore_mem>>
        %dma_start3A_233 = tpu.memref_squeeze %dma_start3A_232 : memref<1x1x!tpu.dma_semaphore, #tpu.memory_space<semaphore_mem>> -> memref<!tpu.dma_semaphore, #tpu.memory_space<semaphore_mem>>
        %dma_start3A_234 = arith.constant 0 : i32
        %dma_start3A_235 = tpu.memref_slice %arg7[%select_n3A_215, %add3A_231, %dma_start3A_234] : memref<2x512x104xf32, #tpu.memory_space<vmem>> -> memref<1x1x104xf32, #tpu.memory_space<vmem>>
        %dma_start3A_236 = tpu.memref_squeeze %dma_start3A_235 : memref<1x1x104xf32, #tpu.memory_space<vmem>> -> memref<1x104xf32, #tpu.memory_space<vmem>>
        %dma_start3A_237 = arith.constant 896 : i32
        %dma_start3A_238 = tpu.memref_slice %arg5[%get3A_229, %dma_start3A_237] : memref<50000x1000xf32, #tpu.memory_space<any>> -> memref<1x104xf32, #tpu.memory_space<any>>
        tpu.enqueue_dma source(%dma_start3A_238 : memref<1x104xf32, #tpu.memory_space<any>>) target(%dma_start3A_236 : memref<1x104xf32, #tpu.memory_space<vmem>>) target_semaphore(%dma_start3A_233 : memref<!tpu.dma_semaphore, #tpu.memory_space<semaphore_mem>>)
        %add3A_239 = arith.addi %mul3A_217, %mul3A_224 : i32
        %add3A_240 = arith.constant 1 : i32
        %add3A_241 = arith.addi %add3A_239, %add3A_240 : i32
        %get3A_242 = arith.index_cast %add3A_241 : i32 to index
        %get3A_243 = memref.load %arg1[%get3A_242] : memref<4096xi32, #tpu.memory_space<smem>>
        %add3A_244 = arith.constant 1 : i32
        %add3A_245 = arith.addi %mul3A_224, %add3A_244 : i32
        %dma_start3A_246 = arith.constant 1 : i32
        %dma_start3A_247 = tpu.memref_slice %arg8[%select_n3A_215, %dma_start3A_246] : memref<2x8x!tpu.dma_semaphore, #tpu.memory_space<semaphore_mem>> -> memref<1x1x!tpu.dma_semaphore, #tpu.memory_space<semaphore_mem>>
        %dma_start3A_248 = tpu.memref_squeeze %dma_start3A_247 : memref<1x1x!tpu.dma_semaphore, #tpu.memory_space<semaphore_mem>> -> memref<!tpu.dma_semaphore, #tpu.memory_space<semaphore_mem>>
        %dma_start3A_249 = arith.constant 0 : i32
        %dma_start3A_250 = tpu.memref_slice %arg7[%select_n3A_215, %add3A_245, %dma_start3A_249] : memref<2x512x104xf32, #tpu.memory_space<vmem>> -> memref<1x1x104xf32, #tpu.memory_space<vmem>>
        %dma_start3A_251 = tpu.memref_squeeze %dma_start3A_250 : memref<1x1x104xf32, #tpu.memory_space<vmem>> -> memref<1x104xf32, #tpu.memory_space<vmem>>
        %dma_start3A_252 = arith.constant 896 : i32
        %dma_start3A_253 = tpu.memref_slice %arg5[%get3A_243, %dma_start3A_252] : memref<50000x1000xf32, #tpu.memory_space<any>> -> memref<1x104xf32, #tpu.memory_space<any>>
        tpu.enqueue_dma source(%dma_start3A_253 : memref<1x104xf32, #tpu.memory_space<any>>) target(%dma_start3A_251 : memref<1x104xf32, #tpu.memory_space<vmem>>) target_semaphore(%dma_start3A_248 : memref<!tpu.dma_semaphore, #tpu.memory_space<semaphore_mem>>)
        %add3A_254 = arith.addi %mul3A_217, %mul3A_224 : i32
        %add3A_255 = arith.constant 2 : i32
        %add3A_256 = arith.addi %add3A_254, %add3A_255 : i32
        %get3A_257 = arith.index_cast %add3A_256 : i32 to index
        %get3A_258 = memref.load %arg1[%get3A_257] : memref<4096xi32, #tpu.memory_space<smem>>
        %add3A_259 = arith.constant 2 : i32
        %add3A_260 = arith.addi %mul3A_224, %add3A_259 : i32
        %dma_start3A_261 = arith.constant 2 : i32
        %dma_start3A_262 = tpu.memref_slice %arg8[%select_n3A_215, %dma_start3A_261] : memref<2x8x!tpu.dma_semaphore, #tpu.memory_space<semaphore_mem>> -> memref<1x1x!tpu.dma_semaphore, #tpu.memory_space<semaphore_mem>>
        %dma_start3A_263 = tpu.memref_squeeze %dma_start3A_262 : memref<1x1x!tpu.dma_semaphore, #tpu.memory_space<semaphore_mem>> -> memref<!tpu.dma_semaphore, #tpu.memory_space<semaphore_mem>>
        %dma_start3A_264 = arith.constant 0 : i32
        %dma_start3A_265 = tpu.memref_slice %arg7[%select_n3A_215, %add3A_260, %dma_start3A_264] : memref<2x512x104xf32, #tpu.memory_space<vmem>> -> memref<1x1x104xf32, #tpu.memory_space<vmem>>
        %dma_start3A_266 = tpu.memref_squeeze %dma_start3A_265 : memref<1x1x104xf32, #tpu.memory_space<vmem>> -> memref<1x104xf32, #tpu.memory_space<vmem>>
        %dma_start3A_267 = arith.constant 896 : i32
        %dma_start3A_268 = tpu.memref_slice %arg5[%get3A_258, %dma_start3A_267] : memref<50000x1000xf32, #tpu.memory_space<any>> -> memref<1x104xf32, #tpu.memory_space<any>>
        tpu.enqueue_dma source(%dma_start3A_268 : memref<1x104xf32, #tpu.memory_space<any>>) target(%dma_start3A_266 : memref<1x104xf32, #tpu.memory_space<vmem>>) target_semaphore(%dma_start3A_263 : memref<!tpu.dma_semaphore, #tpu.memory_space<semaphore_mem>>)
        %add3A_269 = arith.addi %mul3A_217, %mul3A_224 : i32
        %add3A_270 = arith.constant 3 : i32
        %add3A_271 = arith.addi %add3A_269, %add3A_270 : i32
        %get3A_272 = arith.index_cast %add3A_271 : i32 to index
        %get3A_273 = memref.load %arg1[%get3A_272] : memref<4096xi32, #tpu.memory_space<smem>>
        %add3A_274 = arith.constant 3 : i32
        %add3A_275 = arith.addi %mul3A_224, %add3A_274 : i32
        %dma_start3A_276 = arith.constant 3 : i32
        %dma_start3A_277 = tpu.memref_slice %arg8[%select_n3A_215, %dma_start3A_276] : memref<2x8x!tpu.dma_semaphore, #tpu.memory_space<semaphore_mem>> -> memref<1x1x!tpu.dma_semaphore, #tpu.memory_space<semaphore_mem>>
        %dma_start3A_278 = tpu.memref_squeeze %dma_start3A_277 : memref<1x1x!tpu.dma_semaphore, #tpu.memory_space<semaphore_mem>> -> memref<!tpu.dma_semaphore, #tpu.memory_space<semaphore_mem>>
        %dma_start3A_279 = arith.constant 0 : i32
        %dma_start3A_280 = tpu.memref_slice %arg7[%select_n3A_215, %add3A_275, %dma_start3A_279] : memref<2x512x104xf32, #tpu.memory_space<vmem>> -> memref<1x1x104xf32, #tpu.memory_space<vmem>>
        %dma_start3A_281 = tpu.memref_squeeze %dma_start3A_280 : memref<1x1x104xf32, #tpu.memory_space<vmem>> -> memref<1x104xf32, #tpu.memory_space<vmem>>
        %dma_start3A_282 = arith.constant 896 : i32
        %dma_start3A_283 = tpu.memref_slice %arg5[%get3A_273, %dma_start3A_282] : memref<50000x1000xf32, #tpu.memory_space<any>> -> memref<1x104xf32, #tpu.memory_space<any>>
        tpu.enqueue_dma source(%dma_start3A_283 : memref<1x104xf32, #tpu.memory_space<any>>) target(%dma_start3A_281 : memref<1x104xf32, #tpu.memory_space<vmem>>) target_semaphore(%dma_start3A_278 : memref<!tpu.dma_semaphore, #tpu.memory_space<semaphore_mem>>)
        %add3A_284 = arith.addi %mul3A_217, %mul3A_224 : i32
        %add3A_285 = arith.constant 4 : i32
        %add3A_286 = arith.addi %add3A_284, %add3A_285 : i32
        %get3A_287 = arith.index_cast %add3A_286 : i32 to index
        %get3A_288 = memref.load %arg1[%get3A_287] : memref<4096xi32, #tpu.memory_space<smem>>
        %add3A_289 = arith.constant 4 : i32
        %add3A_290 = arith.addi %mul3A_224, %add3A_289 : i32
        %dma_start3A_291 = arith.constant 4 : i32
        %dma_start3A_292 = tpu.memref_slice %arg8[%select_n3A_215, %dma_start3A_291] : memref<2x8x!tpu.dma_semaphore, #tpu.memory_space<semaphore_mem>> -> memref<1x1x!tpu.dma_semaphore, #tpu.memory_space<semaphore_mem>>
        %dma_start3A_293 = tpu.memref_squeeze %dma_start3A_292 : memref<1x1x!tpu.dma_semaphore, #tpu.memory_space<semaphore_mem>> -> memref<!tpu.dma_semaphore, #tpu.memory_space<semaphore_mem>>
        %dma_start3A_294 = arith.constant 0 : i32
        %dma_start3A_295 = tpu.memref_slice %arg7[%select_n3A_215, %add3A_290, %dma_start3A_294] : memref<2x512x104xf32, #tpu.memory_space<vmem>> -> memref<1x1x104xf32, #tpu.memory_space<vmem>>
        %dma_start3A_296 = tpu.memref_squeeze %dma_start3A_295 : memref<1x1x104xf32, #tpu.memory_space<vmem>> -> memref<1x104xf32, #tpu.memory_space<vmem>>
        %dma_start3A_297 = arith.constant 896 : i32
        %dma_start3A_298 = tpu.memref_slice %arg5[%get3A_288, %dma_start3A_297] : memref<50000x1000xf32, #tpu.memory_space<any>> -> memref<1x104xf32, #tpu.memory_space<any>>
        tpu.enqueue_dma source(%dma_start3A_298 : memref<1x104xf32, #tpu.memory_space<any>>) target(%dma_start3A_296 : memref<1x104xf32, #tpu.memory_space<vmem>>) target_semaphore(%dma_start3A_293 : memref<!tpu.dma_semaphore, #tpu.memory_space<semaphore_mem>>)
        %add3A_299 = arith.addi %mul3A_217, %mul3A_224 : i32
        %add3A_300 = arith.constant 5 : i32
        %add3A_301 = arith.addi %add3A_299, %add3A_300 : i32
        %get3A_302 = arith.index_cast %add3A_301 : i32 to index
        %get3A_303 = memref.load %arg1[%get3A_302] : memref<4096xi32, #tpu.memory_space<smem>>
        %add3A_304 = arith.constant 5 : i32
        %add3A_305 = arith.addi %mul3A_224, %add3A_304 : i32
        %dma_start3A_306 = arith.constant 5 : i32
        %dma_start3A_307 = tpu.memref_slice %arg8[%select_n3A_215, %dma_start3A_306] : memref<2x8x!tpu.dma_semaphore, #tpu.memory_space<semaphore_mem>> -> memref<1x1x!tpu.dma_semaphore, #tpu.memory_space<semaphore_mem>>
        %dma_start3A_308 = tpu.memref_squeeze %dma_start3A_307 : memref<1x1x!tpu.dma_semaphore, #tpu.memory_space<semaphore_mem>> -> memref<!tpu.dma_semaphore, #tpu.memory_space<semaphore_mem>>
        %dma_start3A_309 = arith.constant 0 : i32
        %dma_start3A_310 = tpu.memref_slice %arg7[%select_n3A_215, %add3A_305, %dma_start3A_309] : memref<2x512x104xf32, #tpu.memory_space<vmem>> -> memref<1x1x104xf32, #tpu.memory_space<vmem>>
        %dma_start3A_311 = tpu.memref_squeeze %dma_start3A_310 : memref<1x1x104xf32, #tpu.memory_space<vmem>> -> memref<1x104xf32, #tpu.memory_space<vmem>>
        %dma_start3A_312 = arith.constant 896 : i32
        %dma_start3A_313 = tpu.memref_slice %arg5[%get3A_303, %dma_start3A_312] : memref<50000x1000xf32, #tpu.memory_space<any>> -> memref<1x104xf32, #tpu.memory_space<any>>
        tpu.enqueue_dma source(%dma_start3A_313 : memref<1x104xf32, #tpu.memory_space<any>>) target(%dma_start3A_311 : memref<1x104xf32, #tpu.memory_space<vmem>>) target_semaphore(%dma_start3A_308 : memref<!tpu.dma_semaphore, #tpu.memory_space<semaphore_mem>>)
        %add3A_314 = arith.addi %mul3A_217, %mul3A_224 : i32
        %add3A_315 = arith.constant 6 : i32
        %add3A_316 = arith.addi %add3A_314, %add3A_315 : i32
        %get3A_317 = arith.index_cast %add3A_316 : i32 to index
        %get3A_318 = memref.load %arg1[%get3A_317] : memref<4096xi32, #tpu.memory_space<smem>>
        %add3A_319 = arith.constant 6 : i32
        %add3A_320 = arith.addi %mul3A_224, %add3A_319 : i32
        %dma_start3A_321 = arith.constant 6 : i32
        %dma_start3A_322 = tpu.memref_slice %arg8[%select_n3A_215, %dma_start3A_321] : memref<2x8x!tpu.dma_semaphore, #tpu.memory_space<semaphore_mem>> -> memref<1x1x!tpu.dma_semaphore, #tpu.memory_space<semaphore_mem>>
        %dma_start3A_323 = tpu.memref_squeeze %dma_start3A_322 : memref<1x1x!tpu.dma_semaphore, #tpu.memory_space<semaphore_mem>> -> memref<!tpu.dma_semaphore, #tpu.memory_space<semaphore_mem>>
        %dma_start3A_324 = arith.constant 0 : i32
        %dma_start3A_325 = tpu.memref_slice %arg7[%select_n3A_215, %add3A_320, %dma_start3A_324] : memref<2x512x104xf32, #tpu.memory_space<vmem>> -> memref<1x1x104xf32, #tpu.memory_space<vmem>>
        %dma_start3A_326 = tpu.memref_squeeze %dma_start3A_325 : memref<1x1x104xf32, #tpu.memory_space<vmem>> -> memref<1x104xf32, #tpu.memory_space<vmem>>
        %dma_start3A_327 = arith.constant 896 : i32
        %dma_start3A_328 = tpu.memref_slice %arg5[%get3A_318, %dma_start3A_327] : memref<50000x1000xf32, #tpu.memory_space<any>> -> memref<1x104xf32, #tpu.memory_space<any>>
        tpu.enqueue_dma source(%dma_start3A_328 : memref<1x104xf32, #tpu.memory_space<any>>) target(%dma_start3A_326 : memref<1x104xf32, #tpu.memory_space<vmem>>) target_semaphore(%dma_start3A_323 : memref<!tpu.dma_semaphore, #tpu.memory_space<semaphore_mem>>)
        %add3A_329 = arith.addi %mul3A_217, %mul3A_224 : i32
        %add3A_330 = arith.constant 7 : i32
        %add3A_331 = arith.addi %add3A_329, %add3A_330 : i32
        %get3A_332 = arith.index_cast %add3A_331 : i32 to index
        %get3A_333 = memref.load %arg1[%get3A_332] : memref<4096xi32, #tpu.memory_space<smem>>
        %add3A_334 = arith.constant 7 : i32
        %add3A_335 = arith.addi %mul3A_224, %add3A_334 : i32
        %dma_start3A_336 = arith.constant 7 : i32
        %dma_start3A_337 = tpu.memref_slice %arg8[%select_n3A_215, %dma_start3A_336] : memref<2x8x!tpu.dma_semaphore, #tpu.memory_space<semaphore_mem>> -> memref<1x1x!tpu.dma_semaphore, #tpu.memory_space<semaphore_mem>>
        %dma_start3A_338 = tpu.memref_squeeze %dma_start3A_337 : memref<1x1x!tpu.dma_semaphore, #tpu.memory_space<semaphore_mem>> -> memref<!tpu.dma_semaphore, #tpu.memory_space<semaphore_mem>>
        %dma_start3A_339 = arith.constant 0 : i32
        %dma_start3A_340 = tpu.memref_slice %arg7[%select_n3A_215, %add3A_335, %dma_start3A_339] : memref<2x512x104xf32, #tpu.memory_space<vmem>> -> memref<1x1x104xf32, #tpu.memory_space<vmem>>
        %dma_start3A_341 = tpu.memref_squeeze %dma_start3A_340 : memref<1x1x104xf32, #tpu.memory_space<vmem>> -> memref<1x104xf32, #tpu.memory_space<vmem>>
        %dma_start3A_342 = arith.constant 896 : i32
        %dma_start3A_343 = tpu.memref_slice %arg5[%get3A_333, %dma_start3A_342] : memref<50000x1000xf32, #tpu.memory_space<any>> -> memref<1x104xf32, #tpu.memory_space<any>>
        tpu.enqueue_dma source(%dma_start3A_343 : memref<1x104xf32, #tpu.memory_space<any>>) target(%dma_start3A_341 : memref<1x104xf32, #tpu.memory_space<vmem>>) target_semaphore(%dma_start3A_338 : memref<!tpu.dma_semaphore, #tpu.memory_space<semaphore_mem>>)
      }
      %scan3A_221 = arith.constant 64 : i32
    } else {
    }
    %jit3A = arith.constant 2 : i32
    %eq3A_7 = arith.constant 0 : i32
    %eq3A_8 = arith.cmpi eq, %jit3A, %eq3A_7 : i32
    %jit3A_9 = arith.constant 1 : i32
    %select_n3A = arith.select %eq3A_8, %jit3A_9, %jit3A : i32
    %rem3A = arith.remsi %arg0, %select_n3A : i32
    %ne3A = arith.constant 0 : i32
    %ne3A_10 = arith.cmpi ne, %rem3A, %ne3A : i32
    %lt3A_11 = arith.constant 0 : i32
    %lt3A_12 = arith.cmpi slt, %rem3A, %lt3A_11 : i32
    %lt3A_13 = arith.constant 0 : i32
    %lt3A_14 = arith.cmpi slt, %select_n3A, %lt3A_13 : i32
    %ne3A_15 = arith.xori %lt3A_12, %lt3A_14 : i1
    %and3A = arith.andi %ne3A_15, %ne3A_10 : i1
    %add3A_16 = arith.addi %rem3A, %select_n3A : i32
    %select_n3A_17 = arith.select %and3A, %add3A_16, %rem3A : i32
    %dma_wait3A = arith.constant 0 : i32
    %dma_wait3A_18 = tpu.memref_slice %arg8[%select_n3A_17, %dma_wait3A] : memref<2x8x!tpu.dma_semaphore, #tpu.memory_space<semaphore_mem>> -> memref<1x1x!tpu.dma_semaphore, #tpu.memory_space<semaphore_mem>>
    %dma_wait3A_19 = tpu.memref_squeeze %dma_wait3A_18 : memref<1x1x!tpu.dma_semaphore, #tpu.memory_space<semaphore_mem>> -> memref<!tpu.dma_semaphore, #tpu.memory_space<semaphore_mem>>
    %dma_wait3A_20 = arith.constant 0 : i32
    %dma_wait3A_21 = arith.constant 0 : i32
    %dma_wait3A_22 = tpu.memref_slice %arg7[%select_n3A_17, %dma_wait3A_20, %dma_wait3A_21] : memref<2x512x104xf32, #tpu.memory_space<vmem>> -> memref<1x64x104xf32, #tpu.memory_space<vmem>>
    %dma_wait3A_23 = tpu.memref_squeeze %dma_wait3A_22 : memref<1x64x104xf32, #tpu.memory_space<vmem>> -> memref<64x104xf32, #tpu.memory_space<vmem>>
    %dma_wait3A_24 = arith.constant 0 : i32
    %dma_wait3A_25 = arith.constant 896 : i32
    %dma_wait3A_26 = tpu.memref_slice %arg5[%dma_wait3A_24, %dma_wait3A_25] : memref<50000x1000xf32, #tpu.memory_space<any>> -> memref<64x104xf32, #tpu.memory_space<any>>
    tpu.wait_dma2 semaphore(%dma_wait3A_19 : memref<!tpu.dma_semaphore, #tpu.memory_space<semaphore_mem>>) src(%dma_wait3A_26 : memref<64x104xf32, #tpu.memory_space<any>>) dst(%dma_wait3A_23 : memref<64x104xf32, #tpu.memory_space<vmem>>)
    %dma_wait3A_27 = arith.constant 1 : i32
    %dma_wait3A_28 = tpu.memref_slice %arg8[%select_n3A_17, %dma_wait3A_27] : memref<2x8x!tpu.dma_semaphore, #tpu.memory_space<semaphore_mem>> -> memref<1x1x!tpu.dma_semaphore, #tpu.memory_space<semaphore_mem>>
    %dma_wait3A_29 = tpu.memref_squeeze %dma_wait3A_28 : memref<1x1x!tpu.dma_semaphore, #tpu.memory_space<semaphore_mem>> -> memref<!tpu.dma_semaphore, #tpu.memory_space<semaphore_mem>>
    %dma_wait3A_30 = arith.constant 0 : i32
    %dma_wait3A_31 = arith.constant 0 : i32
    %dma_wait3A_32 = tpu.memref_slice %arg7[%select_n3A_17, %dma_wait3A_30, %dma_wait3A_31] : memref<2x512x104xf32, #tpu.memory_space<vmem>> -> memref<1x64x104xf32, #tpu.memory_space<vmem>>
    %dma_wait3A_33 = tpu.memref_squeeze %dma_wait3A_32 : memref<1x64x104xf32, #tpu.memory_space<vmem>> -> memref<64x104xf32, #tpu.memory_space<vmem>>
    %dma_wait3A_34 = arith.constant 0 : i32
    %dma_wait3A_35 = arith.constant 896 : i32
    %dma_wait3A_36 = tpu.memref_slice %arg5[%dma_wait3A_34, %dma_wait3A_35] : memref<50000x1000xf32, #tpu.memory_space<any>> -> memref<64x104xf32, #tpu.memory_space<any>>
    tpu.wait_dma2 semaphore(%dma_wait3A_29 : memref<!tpu.dma_semaphore, #tpu.memory_space<semaphore_mem>>) src(%dma_wait3A_36 : memref<64x104xf32, #tpu.memory_space<any>>) dst(%dma_wait3A_33 : memref<64x104xf32, #tpu.memory_space<vmem>>)
    %dma_wait3A_37 = arith.constant 2 : i32
    %dma_wait3A_38 = tpu.memref_slice %arg8[%select_n3A_17, %dma_wait3A_37] : memref<2x8x!tpu.dma_semaphore, #tpu.memory_space<semaphore_mem>> -> memref<1x1x!tpu.dma_semaphore, #tpu.memory_space<semaphore_mem>>
    %dma_wait3A_39 = tpu.memref_squeeze %dma_wait3A_38 : memref<1x1x!tpu.dma_semaphore, #tpu.memory_space<semaphore_mem>> -> memref<!tpu.dma_semaphore, #tpu.memory_space<semaphore_mem>>
    %dma_wait3A_40 = arith.constant 0 : i32
    %dma_wait3A_41 = arith.constant 0 : i32
    %dma_wait3A_42 = tpu.memref_slice %arg7[%select_n3A_17, %dma_wait3A_40, %dma_wait3A_41] : memref<2x512x104xf32, #tpu.memory_space<vmem>> -> memref<1x64x104xf32, #tpu.memory_space<vmem>>
    %dma_wait3A_43 = tpu.memref_squeeze %dma_wait3A_42 : memref<1x64x104xf32, #tpu.memory_space<vmem>> -> memref<64x104xf32, #tpu.memory_space<vmem>>
    %dma_wait3A_44 = arith.constant 0 : i32
    %dma_wait3A_45 = arith.constant 896 : i32
    %dma_wait3A_46 = tpu.memref_slice %arg5[%dma_wait3A_44, %dma_wait3A_45] : memref<50000x1000xf32, #tpu.memory_space<any>> -> memref<64x104xf32, #tpu.memory_space<any>>
    tpu.wait_dma2 semaphore(%dma_wait3A_39 : memref<!tpu.dma_semaphore, #tpu.memory_space<semaphore_mem>>) src(%dma_wait3A_46 : memref<64x104xf32, #tpu.memory_space<any>>) dst(%dma_wait3A_43 : memref<64x104xf32, #tpu.memory_space<vmem>>)
    %dma_wait3A_47 = arith.constant 3 : i32
    %dma_wait3A_48 = tpu.memref_slice %arg8[%select_n3A_17, %dma_wait3A_47] : memref<2x8x!tpu.dma_semaphore, #tpu.memory_space<semaphore_mem>> -> memref<1x1x!tpu.dma_semaphore, #tpu.memory_space<semaphore_mem>>
    %dma_wait3A_49 = tpu.memref_squeeze %dma_wait3A_48 : memref<1x1x!tpu.dma_semaphore, #tpu.memory_space<semaphore_mem>> -> memref<!tpu.dma_semaphore, #tpu.memory_space<semaphore_mem>>
    %dma_wait3A_50 = arith.constant 0 : i32
    %dma_wait3A_51 = arith.constant 0 : i32
    %dma_wait3A_52 = tpu.memref_slice %arg7[%select_n3A_17, %dma_wait3A_50, %dma_wait3A_51] : memref<2x512x104xf32, #tpu.memory_space<vmem>> -> memref<1x64x104xf32, #tpu.memory_space<vmem>>
    %dma_wait3A_53 = tpu.memref_squeeze %dma_wait3A_52 : memref<1x64x104xf32, #tpu.memory_space<vmem>> -> memref<64x104xf32, #tpu.memory_space<vmem>>
    %dma_wait3A_54 = arith.constant 0 : i32
    %dma_wait3A_55 = arith.constant 896 : i32
    %dma_wait3A_56 = tpu.memref_slice %arg5[%dma_wait3A_54, %dma_wait3A_55] : memref<50000x1000xf32, #tpu.memory_space<any>> -> memref<64x104xf32, #tpu.memory_space<any>>
    tpu.wait_dma2 semaphore(%dma_wait3A_49 : memref<!tpu.dma_semaphore, #tpu.memory_space<semaphore_mem>>) src(%dma_wait3A_56 : memref<64x104xf32, #tpu.memory_space<any>>) dst(%dma_wait3A_53 : memref<64x104xf32, #tpu.memory_space<vmem>>)
    %dma_wait3A_57 = arith.constant 4 : i32
    %dma_wait3A_58 = tpu.memref_slice %arg8[%select_n3A_17, %dma_wait3A_57] : memref<2x8x!tpu.dma_semaphore, #tpu.memory_space<semaphore_mem>> -> memref<1x1x!tpu.dma_semaphore, #tpu.memory_space<semaphore_mem>>
    %dma_wait3A_59 = tpu.memref_squeeze %dma_wait3A_58 : memref<1x1x!tpu.dma_semaphore, #tpu.memory_space<semaphore_mem>> -> memref<!tpu.dma_semaphore, #tpu.memory_space<semaphore_mem>>
    %dma_wait3A_60 = arith.constant 0 : i32
    %dma_wait3A_61 = arith.constant 0 : i32
    %dma_wait3A_62 = tpu.memref_slice %arg7[%select_n3A_17, %dma_wait3A_60, %dma_wait3A_61] : memref<2x512x104xf32, #tpu.memory_space<vmem>> -> memref<1x64x104xf32, #tpu.memory_space<vmem>>
    %dma_wait3A_63 = tpu.memref_squeeze %dma_wait3A_62 : memref<1x64x104xf32, #tpu.memory_space<vmem>> -> memref<64x104xf32, #tpu.memory_space<vmem>>
    %dma_wait3A_64 = arith.constant 0 : i32
    %dma_wait3A_65 = arith.constant 896 : i32
    %dma_wait3A_66 = tpu.memref_slice %arg5[%dma_wait3A_64, %dma_wait3A_65] : memref<50000x1000xf32, #tpu.memory_space<any>> -> memref<64x104xf32, #tpu.memory_space<any>>
    tpu.wait_dma2 semaphore(%dma_wait3A_59 : memref<!tpu.dma_semaphore, #tpu.memory_space<semaphore_mem>>) src(%dma_wait3A_66 : memref<64x104xf32, #tpu.memory_space<any>>) dst(%dma_wait3A_63 : memref<64x104xf32, #tpu.memory_space<vmem>>)
    %dma_wait3A_67 = arith.constant 5 : i32
    %dma_wait3A_68 = tpu.memref_slice %arg8[%select_n3A_17, %dma_wait3A_67] : memref<2x8x!tpu.dma_semaphore, #tpu.memory_space<semaphore_mem>> -> memref<1x1x!tpu.dma_semaphore, #tpu.memory_space<semaphore_mem>>
    %dma_wait3A_69 = tpu.memref_squeeze %dma_wait3A_68 : memref<1x1x!tpu.dma_semaphore, #tpu.memory_space<semaphore_mem>> -> memref<!tpu.dma_semaphore, #tpu.memory_space<semaphore_mem>>
    %dma_wait3A_70 = arith.constant 0 : i32
    %dma_wait3A_71 = arith.constant 0 : i32
    %dma_wait3A_72 = tpu.memref_slice %arg7[%select_n3A_17, %dma_wait3A_70, %dma_wait3A_71] : memref<2x512x104xf32, #tpu.memory_space<vmem>> -> memref<1x64x104xf32, #tpu.memory_space<vmem>>
    %dma_wait3A_73 = tpu.memref_squeeze %dma_wait3A_72 : memref<1x64x104xf32, #tpu.memory_space<vmem>> -> memref<64x104xf32, #tpu.memory_space<vmem>>
    %dma_wait3A_74 = arith.constant 0 : i32
    %dma_wait3A_75 = arith.constant 896 : i32
    %dma_wait3A_76 = tpu.memref_slice %arg5[%dma_wait3A_74, %dma_wait3A_75] : memref<50000x1000xf32, #tpu.memory_space<any>> -> memref<64x104xf32, #tpu.memory_space<any>>
    tpu.wait_dma2 semaphore(%dma_wait3A_69 : memref<!tpu.dma_semaphore, #tpu.memory_space<semaphore_mem>>) src(%dma_wait3A_76 : memref<64x104xf32, #tpu.memory_space<any>>) dst(%dma_wait3A_73 : memref<64x104xf32, #tpu.memory_space<vmem>>)
    %dma_wait3A_77 = arith.constant 6 : i32
    %dma_wait3A_78 = tpu.memref_slice %arg8[%select_n3A_17, %dma_wait3A_77] : memref<2x8x!tpu.dma_semaphore, #tpu.memory_space<semaphore_mem>> -> memref<1x1x!tpu.dma_semaphore, #tpu.memory_space<semaphore_mem>>
    %dma_wait3A_79 = tpu.memref_squeeze %dma_wait3A_78 : memref<1x1x!tpu.dma_semaphore, #tpu.memory_space<semaphore_mem>> -> memref<!tpu.dma_semaphore, #tpu.memory_space<semaphore_mem>>
    %dma_wait3A_80 = arith.constant 0 : i32
    %dma_wait3A_81 = arith.constant 0 : i32
    %dma_wait3A_82 = tpu.memref_slice %arg7[%select_n3A_17, %dma_wait3A_80, %dma_wait3A_81] : memref<2x512x104xf32, #tpu.memory_space<vmem>> -> memref<1x64x104xf32, #tpu.memory_space<vmem>>
    %dma_wait3A_83 = tpu.memref_squeeze %dma_wait3A_82 : memref<1x64x104xf32, #tpu.memory_space<vmem>> -> memref<64x104xf32, #tpu.memory_space<vmem>>
    %dma_wait3A_84 = arith.constant 0 : i32
    %dma_wait3A_85 = arith.constant 896 : i32
    %dma_wait3A_86 = tpu.memref_slice %arg5[%dma_wait3A_84, %dma_wait3A_85] : memref<50000x1000xf32, #tpu.memory_space<any>> -> memref<64x104xf32, #tpu.memory_space<any>>
    tpu.wait_dma2 semaphore(%dma_wait3A_79 : memref<!tpu.dma_semaphore, #tpu.memory_space<semaphore_mem>>) src(%dma_wait3A_86 : memref<64x104xf32, #tpu.memory_space<any>>) dst(%dma_wait3A_83 : memref<64x104xf32, #tpu.memory_space<vmem>>)
    %dma_wait3A_87 = arith.constant 7 : i32
    %dma_wait3A_88 = tpu.memref_slice %arg8[%select_n3A_17, %dma_wait3A_87] : memref<2x8x!tpu.dma_semaphore, #tpu.memory_space<semaphore_mem>> -> memref<1x1x!tpu.dma_semaphore, #tpu.memory_space<semaphore_mem>>
    %dma_wait3A_89 = tpu.memref_squeeze %dma_wait3A_88 : memref<1x1x!tpu.dma_semaphore, #tpu.memory_space<semaphore_mem>> -> memref<!tpu.dma_semaphore, #tpu.memory_space<semaphore_mem>>
    %dma_wait3A_90 = arith.constant 0 : i32
    %dma_wait3A_91 = arith.constant 0 : i32
    %dma_wait3A_92 = tpu.memref_slice %arg7[%select_n3A_17, %dma_wait3A_90, %dma_wait3A_91] : memref<2x512x104xf32, #tpu.memory_space<vmem>> -> memref<1x64x104xf32, #tpu.memory_space<vmem>>
    %dma_wait3A_93 = tpu.memref_squeeze %dma_wait3A_92 : memref<1x64x104xf32, #tpu.memory_space<vmem>> -> memref<64x104xf32, #tpu.memory_space<vmem>>
    %dma_wait3A_94 = arith.constant 0 : i32
    %dma_wait3A_95 = arith.constant 896 : i32
    %dma_wait3A_96 = tpu.memref_slice %arg5[%dma_wait3A_94, %dma_wait3A_95] : memref<50000x1000xf32, #tpu.memory_space<any>> -> memref<64x104xf32, #tpu.memory_space<any>>
    tpu.wait_dma2 semaphore(%dma_wait3A_89 : memref<!tpu.dma_semaphore, #tpu.memory_space<semaphore_mem>>) src(%dma_wait3A_96 : memref<64x104xf32, #tpu.memory_space<any>>) dst(%dma_wait3A_93 : memref<64x104xf32, #tpu.memory_space<vmem>>)
    %get3A = arith.constant 0 : index
    %get3A_97 = arith.constant 0 : index
    %get3A_98 = vector.load %arg2[%get3A, %get3A_97] : memref<512x1000xf32, #tpu.memory_space<vmem>>, vector<512x1000xf32>
    %get3A_99 = arith.constant 0 : index
    %get3A_100 = arith.constant 0 : index
    %get3A_101 = vector.load %arg3[%get3A_99, %get3A_100] : memref<512x1000xf32, #tpu.memory_space<vmem>>, vector<512x1000xf32>
    %get3A_102 = arith.constant 0 : index
    %get3A_103 = arith.constant 0 : index
    %get3A_104 = vector.load %arg4[%get3A_102, %get3A_103] : memref<512x512xi32, #tpu.memory_space<vmem>>, vector<512x512xi32>
    %shift_left3A = arith.constant 16 : i32
    %shift_left3A_105 = vector.broadcast %shift_left3A : i32 to vector<512x512xi32>
    %shift_left3A_106 = arith.shli %get3A_104, %shift_left3A_105 : vector<512x512xi32>
    %bitcast_convert_type3A = tpu.bitcast %shift_left3A_106 : vector<512x512xi32> -> vector<512x512xf32>
    %and3A_107 = arith.constant -65536 : i32
    %and3A_108 = vector.broadcast %and3A_107 : i32 to vector<512x512xi32>
    %and3A_109 = arith.andi %get3A_104, %and3A_108 : vector<512x512xi32>
    %bitcast_convert_type3A_110 = tpu.bitcast %and3A_109 : vector<512x512xi32> -> vector<512x512xf32>
    %slice3A = vector.extract_strided_slice %bitcast_convert_type3A_110 {offsets = [0, 0], sizes = [512, 384], strides = [1, 1]} : vector<512x512xf32> to vector<512x384xf32>
    %get3A_111 = arith.index_cast %select_n3A_17 : i32 to index
    %get3A_112 = arith.constant 0 : index
    %get3A_113 = arith.constant 0 : index
    %get3A_114 = vector.load %arg7[%get3A_111, %get3A_112, %get3A_113] : memref<2x512x104xf32, #tpu.memory_space<vmem>>, vector<1x512x104xf32>
    %get3A_115 = vector.shape_cast %get3A_114 : vector<1x512x104xf32> to vector<512x104xf32>
    %concatenate3A = tpu.concatenate %bitcast_convert_type3A, %slice3A, %get3A_115 in 1 : vector<512x512xf32>, vector<512x384xf32>, vector<512x104xf32> -> vector<512x1000xf32>
    %reduce_max3A = arith.constant dense<0xFF800000> : vector<512xf32>
    %reduce_max3A_116 = vector.multi_reduction <maximumf>, %get3A_98, %reduce_max3A [1] : vector<512x1000xf32> to vector<512xf32>
    %broadcast_in_dim3A = vector.shape_cast %reduce_max3A_116 : vector<512xf32> to vector<512x1xf32>
    %sub3A = vector.broadcast %broadcast_in_dim3A : vector<512x1xf32> to vector<512x1000xf32>
    %sub3A_117 = arith.subf %get3A_98, %sub3A : vector<512x1000xf32>
    %exp3A = math.exp %sub3A_117 : vector<512x1000xf32>
    %reduce_sum3A = arith.constant dense<0.000000e+00> : vector<512xf32>
    %reduce_sum3A_118 = vector.multi_reduction <add>, %exp3A, %reduce_sum3A [1] : vector<512x1000xf32> to vector<512xf32>
    %broadcast_in_dim3A_119 = vector.shape_cast %reduce_sum3A_118 : vector<512xf32> to vector<512x1xf32>
    %log3A = math.log %broadcast_in_dim3A_119 : vector<512x1xf32>
    %add3A_120 = arith.addf %broadcast_in_dim3A, %log3A : vector<512x1xf32>
    %reduce_max3A_121 = arith.constant dense<0xFF800000> : vector<512xf32>
    %reduce_max3A_122 = vector.multi_reduction <maximumf>, %get3A_101, %reduce_max3A_121 [1] : vector<512x1000xf32> to vector<512xf32>
    %broadcast_in_dim3A_123 = vector.shape_cast %reduce_max3A_122 : vector<512xf32> to vector<512x1xf32>
    %sub3A_124 = vector.broadcast %broadcast_in_dim3A_123 : vector<512x1xf32> to vector<512x1000xf32>
    %sub3A_125 = arith.subf %get3A_101, %sub3A_124 : vector<512x1000xf32>
    %exp3A_126 = math.exp %sub3A_125 : vector<512x1000xf32>
    %reduce_sum3A_127 = arith.constant dense<0.000000e+00> : vector<512xf32>
    %reduce_sum3A_128 = vector.multi_reduction <add>, %exp3A_126, %reduce_sum3A_127 [1] : vector<512x1000xf32> to vector<512xf32>
    %broadcast_in_dim3A_129 = vector.shape_cast %reduce_sum3A_128 : vector<512xf32> to vector<512x1xf32>
    %log3A_130 = math.log %broadcast_in_dim3A_129 : vector<512x1xf32>
    %add3A_131 = arith.addf %broadcast_in_dim3A_123, %log3A_130 : vector<512x1xf32>
    %gt3A = arith.constant 0.000000e+00 : f32
    %gt3A_132 = vector.broadcast %gt3A : f32 to vector<512x1000xf32>
    %gt3A_133 = arith.cmpf ogt, %concatenate3A, %gt3A_132 : vector<512x1000xf32>
    %jit3A_134 = arith.constant 1.000000e+00 : f32
    %broadcast_in_dim3A_135 = vector.broadcast %jit3A_134 : f32 to vector<512x1000xf32>
    %select_n3A_136 = arith.select %gt3A_133, %concatenate3A, %broadcast_in_dim3A_135 : vector<512x1000xi1>, vector<512x1000xf32>
    %log3A_137 = math.log %select_n3A_136 : vector<512x1000xf32>
    %mul3A = arith.mulf %concatenate3A, %log3A_137 : vector<512x1000xf32>
    %reduce_sum3A_138 = arith.constant dense<0.000000e+00> : vector<512xf32>
    %reduce_sum3A_139 = vector.multi_reduction <add>, %concatenate3A, %reduce_sum3A_138 [1] : vector<512x1000xf32> to vector<512xf32>
    %broadcast_in_dim3A_140 = vector.shape_cast %reduce_sum3A_139 : vector<512xf32> to vector<512x1xf32>
    %reduce_sum3A_141 = vector.shape_cast %mul3A : vector<512x1000xf32> to vector<1x512x1000xf32>
    %reduce_sum3A_142 = arith.constant dense<0.000000e+00> : vector<1xf32>
    %reduce_sum3A_143 = vector.multi_reduction <add>, %reduce_sum3A_141, %reduce_sum3A_142 [1, 2] : vector<1x512x1000xf32> to vector<1xf32>
    %reduce_sum3A_144 = vector.shape_cast %reduce_sum3A_143 : vector<1xf32> to vector<1x1x1xf32>
    %reduce_sum3A_145 = vector.extract %reduce_sum3A_144[0, 0, 0] : f32 from vector<1x1x1xf32>
    %mul3A_146 = arith.constant 2.000000e+00 : f32
    %mul3A_147 = arith.mulf %mul3A_146, %reduce_sum3A_145 : f32
    %mul3A_148 = arith.mulf %concatenate3A, %get3A_98 : vector<512x1000xf32>
    %reduce_sum3A_149 = vector.shape_cast %mul3A_148 : vector<512x1000xf32> to vector<1x512x1000xf32>
    %reduce_sum3A_150 = arith.constant dense<0.000000e+00> : vector<1xf32>
    %reduce_sum3A_151 = vector.multi_reduction <add>, %reduce_sum3A_149, %reduce_sum3A_150 [1, 2] : vector<1x512x1000xf32> to vector<1xf32>
    %reduce_sum3A_152 = vector.shape_cast %reduce_sum3A_151 : vector<1xf32> to vector<1x1x1xf32>
    %reduce_sum3A_153 = vector.extract %reduce_sum3A_152[0, 0, 0] : f32 from vector<1x1x1xf32>
    %sub3A_154 = arith.subf %mul3A_147, %reduce_sum3A_153 : f32
    %mul3A_155 = arith.mulf %concatenate3A, %get3A_101 : vector<512x1000xf32>
    %reduce_sum3A_156 = vector.shape_cast %mul3A_155 : vector<512x1000xf32> to vector<1x512x1000xf32>
    %reduce_sum3A_157 = arith.constant dense<0.000000e+00> : vector<1xf32>
    %reduce_sum3A_158 = vector.multi_reduction <add>, %reduce_sum3A_156, %reduce_sum3A_157 [1, 2] : vector<1x512x1000xf32> to vector<1xf32>
    %reduce_sum3A_159 = vector.shape_cast %reduce_sum3A_158 : vector<1xf32> to vector<1x1x1xf32>
    %reduce_sum3A_160 = vector.extract %reduce_sum3A_159[0, 0, 0] : f32 from vector<1x1x1xf32>
    %sub3A_161 = arith.subf %sub3A_154, %reduce_sum3A_160 : f32
    %add3A_162 = arith.addf %add3A_120, %add3A_131 : vector<512x1xf32>
    %mul3A_163 = arith.mulf %broadcast_in_dim3A_140, %add3A_162 : vector<512x1xf32>
    %reduce_sum3A_164 = vector.shape_cast %mul3A_163 : vector<512x1xf32> to vector<1x512x1xf32>
    %reduce_sum3A_165 = arith.constant dense<0.000000e+00> : vector<1xf32>
    %reduce_sum3A_166 = vector.multi_reduction <add>, %reduce_sum3A_164, %reduce_sum3A_165 [1, 2] : vector<1x512x1xf32> to vector<1xf32>
    %reduce_sum3A_167 = vector.shape_cast %reduce_sum3A_166 : vector<1xf32> to vector<1x1x1xf32>
    %reduce_sum3A_168 = vector.extract %reduce_sum3A_167[0, 0, 0] : f32 from vector<1x1x1xf32>
    %add3A_169 = arith.addf %sub3A_161, %reduce_sum3A_168 : f32
    %eq3A_170 = arith.constant 0 : i32
    %eq3A_171 = arith.cmpi eq, %arg0, %eq3A_170 : i32
    %convert_element_type3A_172 = arith.extui %eq3A_171 : i1 to i32
    %cond3A_173 = arith.constant 0 : i32
    %cond3A_174 = arith.cmpi ne, %convert_element_type3A_172, %cond3A_173 : i32
    scf.if %cond3A_174 {
      %swap3A_196 = arith.constant 0.000000e+00 : f32
      %swap3A_197 = arith.constant 0 : index
      %swap3A_198 = arith.constant 0 : index
      %swap3A_199 = memref.load %arg6[%swap3A_197, %swap3A_198] : memref<1x1xf32, #tpu.memory_space<smem>>
      memref.store %swap3A_196, %arg6[%swap3A_197, %swap3A_198] : memref<1x1xf32, #tpu.memory_space<smem>>
    } else {
    }
    %get3A_175 = arith.constant 0 : index
    %get3A_176 = arith.constant 0 : index
    %get3A_177 = memref.load %arg6[%get3A_175, %get3A_176] : memref<1x1xf32, #tpu.memory_space<smem>>
    %add3A_178 = arith.addf %get3A_177, %add3A_169 : f32
    %swap3A = arith.constant 0 : index
    %swap3A_179 = arith.constant 0 : index
    %swap3A_180 = memref.load %arg6[%swap3A, %swap3A_179] : memref<1x1xf32, #tpu.memory_space<smem>>
    memref.store %add3A_178, %arg6[%swap3A, %swap3A_179] : memref<1x1xf32, #tpu.memory_space<smem>>
    %eq3A_181 = arith.constant 0.000000e+00 : f32
    %eq3A_182 = vector.broadcast %eq3A_181 : f32 to vector<512x1000xf32>
    %eq3A_183 = arith.cmpf oeq, %concatenate3A, %eq3A_182 : vector<512x1000xf32>
    %convert_element_type3A_184 = arith.extui %eq3A_183 : vector<512x1000xi1> to vector<512x1000xi32>
    %convert_element_type3A_185 = arith.sitofp %convert_element_type3A_184 : vector<512x1000xi32> to vector<512x1000xf32>
    %reduce_sum3A_186 = vector.shape_cast %convert_element_type3A_185 : vector<512x1000xf32> to vector<1x512x1000xf32>
    %reduce_sum3A_187 = arith.constant dense<0.000000e+00> : vector<1xf32>
    %reduce_sum3A_188 = vector.multi_reduction <add>, %reduce_sum3A_186, %reduce_sum3A_187 [1, 2] : vector<1x512x1000xf32> to vector<1xf32>
    %reduce_sum3A_189 = vector.shape_cast %reduce_sum3A_188 : vector<1xf32> to vector<1x1x1xf32>
    %reduce_sum3A_190 = vector.extract %reduce_sum3A_189[0, 0, 0] : f32 from vector<1x1x1xf32>
    %gt3A_191 = arith.constant 0.000000e+00 : f32
    %gt3A_192 = arith.cmpf ogt, %reduce_sum3A_190, %gt3A_191 : f32
    %convert_element_type3A_193 = arith.extui %gt3A_192 : i1 to i32
    %cond3A_194 = arith.constant 0 : i32
    %cond3A_195 = arith.cmpi ne, %convert_element_type3A_193, %cond3A_194 : i32
    scf.if %cond3A_195 {
      %div3A = vector.broadcast %broadcast_in_dim3A_119 : vector<512x1xf32> to vector<512x1000xf32>
      %div3A_196 = arith.divf %exp3A, %div3A : vector<512x1000xf32>
      %div3A_197 = vector.broadcast %broadcast_in_dim3A_129 : vector<512x1xf32> to vector<512x1000xf32>
      %div3A_198 = arith.divf %exp3A_126, %div3A_197 : vector<512x1000xf32>
      %eq3A_199 = arith.constant 0.000000e+00 : f32
      %eq3A_200 = vector.broadcast %eq3A_199 : f32 to vector<512x1000xf32>
      %eq3A_201 = arith.cmpf oeq, %concatenate3A, %eq3A_200 : vector<512x1000xf32>
      %convert_element_type3A_202 = arith.extui %eq3A_201 : vector<512x1000xi1> to vector<512x1000xi32>
      %convert_element_type3A_203 = arith.sitofp %convert_element_type3A_202 : vector<512x1000xi32> to vector<512x1000xf32>
      %sub3A_204 = arith.constant 1.000000e+00 : f32
      %sub3A_205 = vector.broadcast %sub3A_204 : f32 to vector<512x1000xf32>
      %sub3A_206 = arith.subf %sub3A_205, %div3A_196 : vector<512x1000xf32>
      %abs3A = math.absf %sub3A_206 : vector<512x1000xf32>
      %add3A_207 = arith.constant 9.99999971E-10 : f32
      %add3A_208 = vector.broadcast %add3A_207 : f32 to vector<512x1000xf32>
      %add3A_209 = arith.addf %abs3A, %add3A_208 : vector<512x1000xf32>
      %log3A_210 = math.log %add3A_209 : vector<512x1000xf32>
      %neg3A = arith.constant 0.000000e+00 : f32
      %neg3A_211 = vector.broadcast %neg3A : f32 to vector<512x1000xf32>
      %neg3A_212 = arith.subf %neg3A_211, %log3A_210 : vector<512x1000xf32>
      %sub3A_213 = arith.constant 1.000000e+00 : f32
      %sub3A_214 = vector.broadcast %sub3A_213 : f32 to vector<512x1000xf32>
      %sub3A_215 = arith.subf %sub3A_214, %div3A_198 : vector<512x1000xf32>
      %abs3A_216 = math.absf %sub3A_215 : vector<512x1000xf32>
      %add3A_217 = arith.constant 9.99999971E-10 : f32
      %add3A_218 = vector.broadcast %add3A_217 : f32 to vector<512x1000xf32>
      %add3A_219 = arith.addf %abs3A_216, %add3A_218 : vector<512x1000xf32>
      %log3A_220 = math.log %add3A_219 : vector<512x1000xf32>
      %sub3A_221 = arith.subf %neg3A_212, %log3A_220 : vector<512x1000xf32>
      %mul3A_222 = arith.mulf %convert_element_type3A_203, %sub3A_221 : vector<512x1000xf32>
      %get3A_223 = arith.constant 0 : index
      %get3A_224 = arith.constant 0 : index
      %get3A_225 = memref.load %arg6[%get3A_223, %get3A_224] : memref<1x1xf32, #tpu.memory_space<smem>>
      %reduce_sum3A_226 = vector.shape_cast %mul3A_222 : vector<512x1000xf32> to vector<1x512x1000xf32>
      %reduce_sum3A_227 = arith.constant dense<0.000000e+00> : vector<1xf32>
      %reduce_sum3A_228 = vector.multi_reduction <add>, %reduce_sum3A_226, %reduce_sum3A_227 [1, 2] : vector<1x512x1000xf32> to vector<1xf32>
      %reduce_sum3A_229 = vector.shape_cast %reduce_sum3A_228 : vector<1xf32> to vector<1x1x1xf32>
      %reduce_sum3A_230 = vector.extract %reduce_sum3A_229[0, 0, 0] : f32 from vector<1x1x1xf32>
      %add3A_231 = arith.addf %get3A_225, %reduce_sum3A_230 : f32
      %swap3A_232 = arith.constant 0 : index
      %swap3A_233 = arith.constant 0 : index
      %swap3A_234 = memref.load %arg6[%swap3A_232, %swap3A_233] : memref<1x1xf32, #tpu.memory_space<smem>>
      memref.store %add3A_231, %arg6[%swap3A_232, %swap3A_233] : memref<1x1xf32, #tpu.memory_space<smem>>
    } else {
    }
    return
  }
  func.func @transform_0(%arg0: i32, %arg1: memref<4096xi32, #tpu.memory_space<smem>>) -> (i32, i32) {
    %c0_i32 = arith.constant 0 : i32
    %c0_i32_0 = arith.constant 0 : i32
    return %arg0, %c0_i32 : i32, i32
  }
  func.func @transform_1(%arg0: i32, %arg1: memref<4096xi32, #tpu.memory_space<smem>>) -> (i32, i32) {
    %c0_i32 = arith.constant 0 : i32
    %c0_i32_0 = arith.constant 0 : i32
    return %arg0, %c0_i32 : i32, i32
  }
  func.func @transform_2(%arg0: i32, %arg1: memref<4096xi32, #tpu.memory_space<smem>>) -> (i32, i32) {
    %c0_i32 = arith.constant 0 : i32
    %c0_i32_0 = arith.constant 0 : i32
    return %arg0, %c0_i32 : i32, i32
  }
  func.func @transform_4(%arg0: i32, %arg1: memref<4096xi32, #tpu.memory_space<smem>>) -> (i32, i32) {
    %c0_i32 = arith.constant 0 : i32
    %c0_i32_0 = arith.constant 0 : i32
    %c0_i32_1 = arith.constant 0 : i32
    return %c0_i32, %c0_i32_0 : i32, i32
  }
}

</mosaic_0001>

<sc_bundles>
// kernel: kernel.4.cloned.1.call-start
scs
__scs_entry_jumppad:
0x0: {  	(pc) =	sbr.rel $0x88, $3  }
0x1: {  	(tag) =	ssettag $0x0;
	lr =	simm.s32 $0x1  }
0x2: {  	[smem:$0x3F9D] =	sst lr;
	_ =	strace $0xD0000000  }
0x3: {  	_ = 	snop  }
0x4: {  	_ = 	snop  }
0x5: {  	_ = 	snop  }
0x6: {  	_ = 	snop  }
0x7: {  	_ = 	snop  }
__scs_overlays_trampoline_lowered:
0x8: {  	[smem:$0x3FAC] =	sst s0  }
0x9: {  	[smem:$0x3FAD] =	sst s1  }
0xa: {  	[smem:$0x3FAE] =	sst s2  }
0xb: {  	[smem:$0x3FAF] =	sst s3  }
0xc: {  	[smem:$0x3FB0] =	sst s4  }
0xd: {  	[smem:$0x3FB1] =	sst s5  }
0xe: {  	[smem:$0x3FB2] =	sst s6  }
0xf: {  	[smem:$0x3FB3] =	sst s7  }
0x10: {  	[smem:$0x3FB4] =	sst s8  }
0x11: {  	[smem:$0x3FB5] =	sst s9;
	s0 =	simm.s32 @!p0 $0x0  }
0x12: {  	s1 =	sld [smem:$0x3F9B];
	s0 =	simm.s32 @p0 $0x1  }
0x13: {  	[smem:$0x3FB6] =	sst s0;
	s0 =	simm.s32 @!p1 $0x0  }
0x14: {  	s2 =	sld [smem:$0x3F9A];
	s0 =	simm.s32 @p1 $0x1  }
0x15: {  	[smem:$0x3FB7] =	sst s0;
	s0 =	simm.s32 @!p2 $0x0  }
0x16: {  	s3 =	sld [smem:$0x3FDB];
	s0 =	simm.s32 @p2 $0x1  }
0x17: {  	s4 =	simm.s32 $0x1BF5;
	[smem:$0x3FB9] =	sst s0  }
0x18: {  	s0 =	sld [smem:$0x3F9C];
	_ =	swait.ge [sflag:s4], $0x0  }
0x19: {  	s7 =	sld [smem:$0x3F9D]  }
0x1a: {  	s8 =	sadd.s32 $0xFFFFE003, lr  }
0x1b: {  	s9 =	sadd.s32 $0xFFFFFEF7, lr;
	s5 =	simm.s32 $0xFFFFFFFF;
	p2 =	slt.u32 s8, $0xFFFFF086  }
0x1c: {  	p1 =	slt.u32 s9, $0xF7A;
	s5 =	simm.s32 @!p2 $0x0  }
0x1d: {  	s5 =	simm.s32 @p1 $0x1;
	p0 =	seq.s32 s7, s2  }
0x1e: {  	s7 =	smul.u32 @!p0 $0xF7A, s2;
	p2 =	seq.s32 @!p0 s5, $0x0  }
0x1f: {  	s9 =	smul.u32 $0xF7A, s1;
	s8 =	simm.s32 @!p0 $0x1BF5;
	p2 =	por !p2, p0  }
0x20: {  	[sflag:s8] =	ssyncset.s32 @!p0 $0xFFFFF086;
	s6 =	sadd.s32 @!p0 s3, s7;
	s7 =	simm.s32 @!p0 $0x108  }
0x21: {  	s3 =	sadd.s32 s3, s9;
	s6 =	sadd.s32 @!p0 $0x88, s6;
	s7 =	simm.s32 @p2 $0x1082  }
0x22: {  	[simem:s7], [sflag:s8] =	dma.local @!p0 [hbm:s6], $0xF7A  }
0x23: {  	s9 =	sor.u32 $0xD0000000, s2;
	s6 =	simm.s32 $0x108;
	_ =	swait.ge @!p0 [sflag:s8], $0x0  }
0x24: {  	s3 =	sadd.s32 $0x88, s3;
	s6 =	simm.s32 @!p1 $0x1082;
	[sflag:s4] =	ssyncset.s32 $0xFFFFF086  }
0x25: {  	[simem:s6], [sflag:s4] =	dma.local [hbm:s3], $0xF7A  }
0x26: {  	[smem:$0x3F9D] =	sst s1;
	(tag) =	ssettag s2;
	_ =	strace s9  }
0x27: {  	s1 =	sld [smem:$0x3FAD]  }
0x28: {  	s2 =	sld [smem:$0x3FAE]  }
0x29: {  	s4 =	sld [smem:$0x3FB0]  }
0x2a: {  	p0 =	seq.s32 s5, $0x0;
	s5 =	sld [smem:$0x3FB1]  }
0x2b: {  	s6 =	sld [smem:$0x3FB2]  }
0x2c: {  	s7 =	sld [smem:$0x3FB3]  }
0x2d: {  	s3 =	simm.s32 $0x108;
	s8 =	sld [smem:$0x3FB4]  }
0x2e: {  	s3 =	simm.s32 @!p0 $0x1082;
	s9 =	sld [smem:$0x3FB5]  }
0x2f: {  	lr =	sadd.s32 s0, s3;
	s0 =	sld [smem:$0x3FAC]  }
0x30: {  	s3 =	sld [smem:$0x3FAF]  }
0x31: {  	[smem:$0x3FB8] =	sst s10  }
0x32: {  	s10 =	sld [smem:$0x3FB6];
	_ =	sdelay $0x3  }
0x33: {  	p0 =	seq.s32 s10, $0x1;
	s10 =	sld [smem:$0x3FB8];
	_ =	sdelay $0x3  }
0x34: {  	[smem:$0x3FB8] =	sst s10  }
0x35: {  	s10 =	sld [smem:$0x3FB7];
	_ =	sdelay $0x3  }
0x36: {  	p1 =	seq.s32 s10, $0x1;
	s10 =	sld [smem:$0x3FB8];
	_ =	sdelay $0x3  }
0x37: {  	[smem:$0x3FB8] =	sst s10  }
0x38: {  	s10 =	sld [smem:$0x3FB9]  }
0x39: {  	_ = 	snop;
	(pc) =	sbr.ind lr, $3  }
0x3a: {  	_ = 	snop  }
0x3b: {  	_ = 	snop  }
0x3c: {  	p2 =	seq.s32 s10, $0x1;
	s10 =	sld [smem:$0x3FB8]  }
0x3d: {  	_ =	shalt  }
0x3e: {  	_ =	shalt  }
0x3f: {  	_ =	shalt  }
0x40: {  	_ =	shalt  }
0x41: {  	_ =	shalt  }
0x42: {  	_ =	shalt  }
0x43: {  	_ =	shalt  }
0x44: {  	_ =	shalt  }
0x45: {  	_ =	shalt  }
0x46: {  	_ =	shalt  }
0x47: {  	_ =	shalt  }
0x48: {  	_ =	shalt  }
0x49: {  	_ =	shalt  }
0x4a: {  	_ =	shalt  }
0x4b: {  	_ =	shalt  }
0x4c: {  	_ =	shalt  }
0x4d: {  	_ =	shalt  }
0x4e: {  	_ =	shalt  }
0x4f: {  	_ =	shalt  }
0x50: {  	_ =	shalt  }
0x51: {  	_ =	shalt  }
0x52: {  	_ =	shalt  }
0x53: {  	_ =	shalt  }
0x54: {  	_ =	shalt  }
0x55: {  	_ =	shalt  }
0x56: {  	_ =	shalt  }
0x57: {  	_ =	shalt  }
0x58: {  	_ =	shalt  }
0x59: {  	_ =	shalt  }
0x5a: {  	_ =	shalt  }
0x5b: {  	_ =	shalt  }
0x5c: {  	_ =	shalt  }
0x5d: {  	_ =	shalt  }
0x5e: {  	_ =	shalt  }
0x5f: {  	_ =	shalt  }
0x60: {  	_ =	shalt  }
0x61: {  	_ =	shalt  }
0x62: {  	_ =	shalt  }
0x63: {  	_ =	shalt  }
0x64: {  	_ =	shalt  }
0x65: {  	_ =	shalt  }
0x66: {  	_ =	shalt  }
0x67: {  	_ =	shalt  }
0x68: {  	_ =	shalt  }
0x69: {  	_ =	shalt  }
0x6a: {  	_ =	shalt  }
0x6b: {  	_ =	shalt  }
0x6c: {  	_ =	shalt  }
0x6d: {  	_ =	shalt  }
0x6e: {  	_ =	shalt  }
0x6f: {  	_ =	shalt  }
0x70: {  	_ =	shalt  }
0x71: {  	_ =	shalt  }
0x72: {  	_ =	shalt  }
0x73: {  	_ =	shalt  }
0x74: {  	_ =	shalt  }
0x75: {  	_ =	shalt  }
0x76: {  	_ =	shalt  }
0x77: {  	_ =	shalt  }
0x78: {  	_ =	shalt  }
0x79: {  	_ =	shalt  }
0x7a: {  	_ =	shalt  }
0x7b: {  	_ =	shalt  }
0x7c: {  	_ =	shalt  }
0x7d: {  	_ =	shalt  }
0x7e: {  	_ =	shalt  }
0x7f: {  	_ =	shalt  }
0x80: {  	_ =	shalt  }
0x81: {  	_ =	shalt  }
0x82: {  	_ =	shalt  }
0x83: {  	_ =	shalt  }
0x84: {  	_ =	shalt  }
0x85: {  	_ =	shalt  }
0x86: {  	_ =	shalt  }
0x87: {  	_ =	shalt  }
.Lfunc_end0:
.L_simem_size_0:
called_computation_lowered:
.L_overlay_start_0:
0x88: {  	s2 =	sld [smem:$0x3FD9]  }
0x89: {  	s3 =	sld [smem:$0x3FFE];
	_ =	sdelay $0x1  }
0x8a: {  	s1 =	srdreg.scid  }
0x8b: {  	s0 =	sand.u32 $0x1, s1  }
0x8c: {  	s17 =	sshll.u32 s0, $0xA;
	s2 =	sadd.s32 s3, s2  }
0x8d: {  	s2 =	sadd.s32 s2, s17  }
0x8e: {  	[smem:$0x3FC4] =	sst s2  }
0x8f: {  	_ = 	snop  }
0x90: {  	s2 =	sld [smem:$0x3FC6];
	(tm) =	ssettm $0x1  }
0x91: {  	s18 =	sld [smem:$0x3FFB];
	_ =	sdelay $0x3  }
0x92: {  	_ =	strace s18  }
0x93: {  	s3 =	sld [smem:$0x3FFC];
	_ =	sdelay $0x3  }
0x94: {  	_ =	strace s3  }
0x95: {  	s3 =	sld [smem:$0x3FFD];
	_ =	sdelay $0x3  }
0x96: {  	_ =	strace s3  }
0x97: {  	_ =	strace $0x8FFFFFFF  }
0x98: {  	s19 =	sld [smem:$0x3FDB];
	_ =	sdelay $0x1  }
0x99: {  	s4 =	simm.s32 $_scs_section_size  }
0x9a: {  	s5 =	simm.s32 $_size__tile_overlayer_lowered;
	s6 =	simm.s32 $_tile_overlayer_lowered  }
0x9b: {  	s22 =	simm.s32 $0x1BFF;
	s21 =	sshll.u32 s6, $0x1;
	s3 =	sadd.s32 s4, s19  }
0x9c: {  	s7 =	simm.s32 $0x0;
	s20 =	sshll.u32 s5, $0x1;
	s5 =	sadd.s32 s21, s3  }
0x9d: {  	[timem:s7], [sflag:s22] =	dma.local [hbm:s5], s20  }
0x9e: {  	_ =	swait.ge [sflag:s22], s20  }
0x9f: {  	s4 =	ssub.s32 $0x0, s20;
	[sflag:s22] =	ssyncset.done $0x0  }
0xa0: {  	[sflag:s22] =	ssyncadd.s32 s4;
	_ =	sdelay $0x1  }
0xa1: {  	s23 =	simm.s32 $0x1B8B  }
0xa2: {  	_ =	swait.ge [sflag:s23], $0x1  }
0xa3: {  	[sflag:s23] =	ssyncset.done $0x0  }
0xa4: {  	s25 =	simm.s32 $0x1B8E;
	s24 =	sld [smem:$0x3FFE];
	[sflag:s23] =	ssyncadd.s32 $0xFFFFFFFF  }
0xa5: {  	s26 =	simm.s32 $execute0_lowered;
	[smem:$0x3FD2] =	sst s25  }
0xa6: {  	s5 =	sshll.u32 s26, $0x1;
	_ =	strace $0x80000046;
	[dreg:$0x1] =	wrdreg $0xFFFFFFFF  }
0xa7: {  	s28 =	simm.s32 $_size_execute0_lowered;
	s3 =	sadd.s32 s3, s5;
	[dreg:$0x0] =	wrdreg $0x0  }
0xa8: {  	s5 =	sshll.u32 s28, $0x1;
	[dreg:$0x2] =	wrdreg s3  }
0xa9: {  	[dreg:$0x3] =	wrdreg s5  }
0xaa: {  	[dreg:$0x4] =	wrdreg $0xC0  }
0xab: {  	_ =	task [dreg:s7], $0x5FFFF  }
0xac: {  	[dreg:$0x1] =	wrdreg $0xFFFFFFFF  }
0xad: {  	[dreg:$0x0] =	wrdreg $0x60  }
0xae: {  	[dreg:$0x2] =	wrdreg s24  }
0xaf: {  	[dreg:$0x3] =	wrdreg s2  }
0xb0: {  	[dreg:$0x4] =	wrdreg $0x9  }
0xb1: {  	_ =	task.clear_ibuf [dreg:s7], $0x5FFFF;
	_ =	strace $0x90000046  }
0xb2: {  	s29 =	simm.s32 $0x9;
	_ =	strace $0x80000048  }
0xb3: {  	_ =	swait.ge [sflag:s29], $0x1  }
0xb4: {  	[sflag:s29] =	ssyncadd.s32 $0xFFFFFFFF  }
0xb5: {  	_ =	strace $0x90000048  }
0xb6: {  	_ =	sfence  }
0xb7: {  	s30 =	sld [smem:$0x0];
	_ =	sdelay $0x2  }
0xb8: {  	s31 =	sshll.u32 s1, $0xD;
	s1 =	sshrl.u32 s1, $0x2  }
0xb9: {  	s3 =	sand.u32 $0x4000, s31;
	s1 =	sadd.s32 s1, s30  }
0xba: {  	s0 =	sor.u32 s3, s0;
	s1 =	sshll.u32 s1, $0x11  }
0xbb: {  	s0 =	sor.u32 s1, s0  }
0xbc: {  	s0 =	sadd.s32 $0x8F2B, s0  }
0xbd: {  	[sflag:s0] =	ssyncadd.remote.s32 $0x1  }
0xbe: {  	_ =	sfence.sel $0xFFFF  }
0xbf: {  	[dreg:$0x0] =	wrdreg $0xFFFFFFFF;
	(pc) =	sbr.abs _section_cstart, $3  }
0xc0: {  	[dreg:$0x1] =	wrdreg $0xFFFFFFFF  }
0xc1: {  	_ =	task.clear_ibuf [dreg:s7], $0x2FFFF;
	_ =	strace $0x9FFFFFFF  }
0xc2: {  	(tm) =	ssettm $0x7FFFFFFF  }
0xc3: {  	_ =	shalt  }
tec
execute0_lowered:
.L_overlay_start_1:
0x0: {  	(tag) =	ssettag $0x1  }
0x1: {  	s0 =	rddreg [dreg:$0x0]  }
0x2: {  	s1 =	rddreg [dreg:$0x1]  }
0x3: {  	s2 =	srdreg.scid;
	s4 =	stileid.u32;
	s13 =	simm.s32 $0x3  }
0x4: {  	s31 =	simm.s32 $0x1;
	s20 =	simm.s32 $0xA880;
	s21 =	simm.s32 $0xB080  }
0x5: {  	s22 =	simm.s32 $0xB880;
	s23 =	simm.s32 $0xC080;
	s24 =	simm.s32 $0xC480  }
0x6: {  	s28 =	simm.s32 $0xDC80;
	s29 =	simm.s32 $0xE080;
	s30 =	simm.s32 $0x2  }
0x7: {  	s3 =	sand.u32 $0x1, s2;
	s2 =	simm.s32 $0x0;
	s4 =	sshll.u32 s4, $0x8  }
0x8: {  	s5 =	sshll.u32 s3, $0x7;
	[smem:$0x7FF] =	sst s2;
	s25 =	ssub.s32 $0x2, s3  }
0x9: {  	s3 =	sadd.s32 $0xC00, s0;
	s7 =	sor.u32 s5, s4;
	_ =	strace $0x80000047  }
0xa: {  	s6 =	sshrl.u32 s25, $0x1;
	s4 =	sadd.s32 $0xD00, s0;
	s5 =	sshll.u32 s7, $0x6  }
0xb: {  	s12 =	ssub.s32 s25, s6;
	s6 =	sadd.s32 $0xF00, s0;
	s26 =	sshrl.u32 s7, $0x3  }
0xc: {  	s25 =	simm.s32 $0xCC80;
	s11 =	sadd.s32 s5, s0;
	s5 =	sadd.s32 $0xE00, s0  }
0xd: {  	v2 =	vlaneseq.u32;
	vm0 =	vmmov $0xffff;
	s9 =	sadd.s32 s1, s26;
	s26 =	simm.s32 $0xD480;
	s0 =	simm.s32 $0x12080  }
0xe: {  	vm1 =	vmmov $0xff;
	v3 =	vimm.f32 $0.0e+00;
	v1 =	vshrl.u32 v2, $0x3;
	s12 =	smax.u32 s12, $0x1;
	s7 =	sadd.s32 $0x61B400, s11;
	s8 =	sadd.s32 $0x61BC00, s11  }
0xf: {  	v0 =	vand.u32 $0x7, v2;
	v2 =	vor.u32 $0x8, v2;
	v1 =	vmul.u32 $0x8, v1;
	s1 =	simm.s32 $0x0;
	s10 =	sadd.s32 $0x61C400, s11;
	s11 =	sadd.s32 $0x61CC00, s11  }
.LBB2_1:
0x10: {  	[tilespmem:s2], [sflag:$0x3] =	stream.linear.gather [hbm4b:s9+s2], $0x80, $0x38;
	[tilespmem:$0x16080] =	vst v63  }
0x11: {  	_ =	swait.ge [sflag:s13], $0x80  }
0x12: {  	[sflag:s13] =	ssyncset.done $0x0  }
0x13: {  	[sflag:s13] =	ssyncadd.s32 $0xFFFFFF80  }
0x14: {  	v4 =	vld [tilespmem:$0x0];
	_ =	sdelay $0x4  }
0x15: {  	v5 =	vshll.u32 v4, $0x3  }
0x16: {  	v4 =	vand.u32 $0x7, v4;
	v5 =	vand.u32 $0xFFFFFFC0, v5  }
0x17: {  	v4 =	vor.u32 v4, v5  }
0x18: {  	v5 =	vperm.xlane v4, v0;
	_ =	sdelay $0x1  }
0x19: {  	v5 =	vadd.s32 v1, v5;
	_ =	sdelay $0x3  }
0x1a: {  	s14 =	simm.s32 $0x80  }
0x1b: {  	[tilespmem:s14], [sflag:$0x1] =	stream.indirect_vreg.gather [hbm4b:s3+s2], $0x80, v5, vm0, $0xb8;
	[tilespmem:$0x16080] =	vst v63  }
0x1c: {  	s16 =	simm.s32 $0x880;
	v4 =	vperm.xlane v4, v2  }
0x1d: {  	[tilespmem:s16], [sflag:$0x1] =	stream.indirect_vreg.gather [hbm4b:s4+s2], $0x80, v5, vm0, $0xb8;
	[tilespmem:$0x16080] =	vst v63  }
0x1e: {  	s17 =	simm.s32 $0x1080;
	v4 =	vadd.s32 v1, v4  }
0x1f: {  	[tilespmem:s17], [sflag:$0x1] =	stream.indirect_vreg.gather [hbm4b:s5+s2], $0x80, v5, vm0, $0xb8;
	[tilespmem:$0x16080] =	vst v63  }
0x20: {  	s18 =	simm.s32 $0x1880  }
0x21: {  	[tilespmem:s18], [sflag:$0x1] =	stream.indirect_vreg.gather [hbm4b:s6+s2], $0x80, v5, vm1, $0xb8;
	[tilespmem:$0x16080] =	vst v63  }
0x22: {  	s19 =	simm.s32 $0x1C80  }
0x23: {  	[tilespmem:s19], [sflag:$0x1] =	stream.indirect_vreg.gather [hbm4b:s3+s2], $0x80, v4, vm0, $0xb8;
	[tilespmem:$0x16080] =	vst v63  }
0x24: {  	s15 =	simm.s32 $0x2480  }
0x25: {  	[tilespmem:s15], [sflag:$0x1] =	stream.indirect_vreg.gather [hbm4b:s4+s2], $0x80, v4, vm0, $0xb8;
	[tilespmem:$0x16080] =	vst v63  }
0x26: {  	s16 =	simm.s32 $0x2C80  }
0x27: {  	[tilespmem:s16], [sflag:$0x1] =	stream.indirect_vreg.gather [hbm4b:s5+s2], $0x80, v4, vm0, $0xb8;
	[tilespmem:$0x16080] =	vst v63  }
0x28: {  	s17 =	simm.s32 $0x3480  }
0x29: {  	[tilespmem:s17], [sflag:$0x1] =	stream.indirect_vreg.gather [hbm4b:s6+s2], $0x80, v4, vm1, $0xb8;
	[tilespmem:$0x16080] =	vst v63  }
0x2a: {  	v4 =	vld [tilespmem:$0x10];
	_ =	sdelay $0x4  }
0x2b: {  	v5 =	vshll.u32 v4, $0x3  }
0x2c: {  	v4 =	vand.u32 $0x7, v4;
	v5 =	vand.u32 $0xFFFFFFC0, v5  }
0x2d: {  	v4 =	vor.u32 v4, v5  }
0x2e: {  	v5 =	vperm.xlane v4, v0;
	_ =	sdelay $0x1  }
0x2f: {  	v5 =	vadd.s32 v1, v5;
	_ =	sdelay $0x3  }
0x30: {  	s18 =	simm.s32 $0x3880  }
0x31: {  	[tilespmem:s18], [sflag:$0x1] =	stream.indirect_vreg.gather [hbm4b:s3+s2], $0x80, v5, vm0, $0xb8;
	[tilespmem:$0x16080] =	vst v63  }
0x32: {  	s19 =	simm.s32 $0x4080;
	v4 =	vperm.xlane v4, v2  }
0x33: {  	[tilespmem:s19], [sflag:$0x1] =	stream.indirect_vreg.gather [hbm4b:s4+s2], $0x80, v5, vm0, $0xb8;
	[tilespmem:$0x16080] =	vst v63  }
0x34: {  	s15 =	simm.s32 $0x4880;
	v4 =	vadd.s32 v1, v4  }
0x35: {  	[tilespmem:s15], [sflag:$0x1] =	stream.indirect_vreg.gather [hbm4b:s5+s2], $0x80, v5, vm0, $0xb8;
	[tilespmem:$0x16080] =	vst v63  }
0x36: {  	s16 =	simm.s32 $0x5080  }
0x37: {  	[tilespmem:s16], [sflag:$0x1] =	stream.indirect_vreg.gather [hbm4b:s6+s2], $0x80, v5, vm1, $0xb8;
	[tilespmem:$0x16080] =	vst v63  }
0x38: {  	s17 =	simm.s32 $0x5480  }
0x39: {  	[tilespmem:s17], [sflag:$0x1] =	stream.indirect_vreg.gather [hbm4b:s3+s2], $0x80, v4, vm0, $0xb8;
	[tilespmem:$0x16080] =	vst v63  }
0x3a: {  	s18 =	simm.s32 $0x5C80  }
0x3b: {  	[tilespmem:s18], [sflag:$0x1] =	stream.indirect_vreg.gather [hbm4b:s4+s2], $0x80, v4, vm0, $0xb8;
	[tilespmem:$0x16080] =	vst v63  }
0x3c: {  	s19 =	simm.s32 $0x6480  }
0x3d: {  	[tilespmem:s19], [sflag:$0x1] =	stream.indirect_vreg.gather [hbm4b:s5+s2], $0x80, v4, vm0, $0xb8;
	[tilespmem:$0x16080] =	vst v63  }
0x3e: {  	s15 =	simm.s32 $0x6C80  }
0x3f: {  	[tilespmem:s15], [sflag:$0x1] =	stream.indirect_vreg.gather [hbm4b:s6+s2], $0x80, v4, vm1, $0xb8;
	[tilespmem:$0x16080] =	vst v63  }
0x40: {  	_ =	swait.ge [sflag:s31], $0x7000  }
0x41: {  	[sflag:s31] =	ssyncset.done $0x0  }
0x42: {  	[sflag:s31] =	ssyncadd.s32 $0xFFFF9000  }
0x43: {  	v4 =	vld [tilespmem:$0x20];
	_ =	sdelay $0x4  }
0x44: {  	v5 =	vshll.u32 v4, $0x3  }
0x45: {  	v4 =	vand.u32 $0x7, v4;
	v5 =	vand.u32 $0xFFFFFFC0, v5  }
0x46: {  	v4 =	vor.u32 v4, v5  }
0x47: {  	v5 =	vperm.xlane v4, v0;
	_ =	sdelay $0x1  }
0x48: {  	v5 =	vadd.s32 v1, v5;
	_ =	sdelay $0x3  }
0x49: {  	s16 =	simm.s32 $0x7080  }
0x4a: {  	[tilespmem:s16], [sflag:$0x2] =	stream.indirect_vreg.gather [hbm4b:s3+s2], $0x80, v5, vm0, $0xb8;
	[tilespmem:$0x16080] =	vst v63  }
0x4b: {  	s17 =	simm.s32 $0x7880;
	v4 =	vperm.xlane v4, v2  }
0x4c: {  	[tilespmem:s17], [sflag:$0x2] =	stream.indirect_vreg.gather [hbm4b:s4+s2], $0x80, v5, vm0, $0xb8;
	[tilespmem:$0x16080] =	vst v63  }
0x4d: {  	s18 =	simm.s32 $0x8080;
	v4 =	vadd.s32 v1, v4  }
0x4e: {  	[tilespmem:s18], [sflag:$0x2] =	stream.indirect_vreg.gather [hbm4b:s5+s2], $0x80, v5, vm0, $0xb8;
	[tilespmem:$0x16080] =	vst v63  }
0x4f: {  	s19 =	simm.s32 $0x8880  }
0x50: {  	[tilespmem:s19], [sflag:$0x2] =	stream.indirect_vreg.gather [hbm4b:s6+s2], $0x80, v5, vm1, $0xb8;
	[tilespmem:$0x16080] =	vst v63  }
0x51: {  	s15 =	simm.s32 $0x8C80  }
0x52: {  	[tilespmem:s15], [sflag:$0x2] =	stream.indirect_vreg.gather [hbm4b:s3+s2], $0x80, v4, vm0, $0xb8;
	[tilespmem:$0x16080] =	vst v63  }
0x53: {  	s16 =	simm.s32 $0x9480  }
0x54: {  	[tilespmem:s16], [sflag:$0x2] =	stream.indirect_vreg.gather [hbm4b:s4+s2], $0x80, v4, vm0, $0xb8;
	[tilespmem:$0x16080] =	vst v63  }
0x55: {  	s17 =	simm.s32 $0x9C80  }
0x56: {  	[tilespmem:s17], [sflag:$0x2] =	stream.indirect_vreg.gather [hbm4b:s5+s2], $0x80, v4, vm0, $0xb8;
	[tilespmem:$0x16080] =	vst v63  }
0x57: {  	s18 =	simm.s32 $0xA480  }
0x58: {  	[tilespmem:s18], [sflag:$0x2] =	stream.indirect_vreg.gather [hbm4b:s6+s2], $0x80, v4, vm1, $0xb8;
	[tilespmem:$0x16080] =	vst v63  }
0x59: {  	v4 =	vld [tilespmem:$0x30];
	_ =	sdelay $0x4  }
0x5a: {  	v5 =	vshll.u32 v4, $0x3  }
0x5b: {  	v4 =	vand.u32 $0x7, v4;
	v5 =	vand.u32 $0xFFFFFFC0, v5  }
0x5c: {  	v4 =	vor.u32 v4, v5  }
0x5d: {  	v5 =	vperm.xlane v4, v0;
	_ =	sdelay $0x1  }
0x5e: {  	v5 =	vadd.s32 v1, v5;
	_ =	sdelay $0x4  }
0x5f: {  	[tilespmem:s20], [sflag:$0x2] =	stream.indirect_vreg.gather [hbm4b:s3+s2], $0x80, v5, vm0, $0xb8;
	[tilespmem:$0x16080] =	vst v63  }
0x60: {  	v4 =	vperm.xlane v4, v2  }
0x61: {  	[tilespmem:s21], [sflag:$0x2] =	stream.indirect_vreg.gather [hbm4b:s4+s2], $0x80, v5, vm0, $0xb8;
	[tilespmem:$0x16080] =	vst v63  }
0x62: {  	v4 =	vadd.s32 v1, v4  }
0x63: {  	[tilespmem:s22], [sflag:$0x2] =	stream.indirect_vreg.gather [hbm4b:s5+s2], $0x80, v5, vm0, $0xb8;
	[tilespmem:$0x16080] =	vst v63  }
0x64: {  	_ = 	snop  }
0x65: {  	[tilespmem:s23], [sflag:$0x2] =	stream.indirect_vreg.gather [hbm4b:s6+s2], $0x80, v5, vm1, $0xb8;
	[tilespmem:$0x16080] =	vst v63  }
0x66: {  	s19 =	simm.s32 $0x0  }
0x67: {  	[tilespmem:s24], [sflag:$0x2] =	stream.indirect_vreg.gather [hbm4b:s3+s2], $0x80, v4, vm0, $0xb8;
	[tilespmem:$0x16080] =	vst v63  }
0x68: {  	s14 =	smul.u32 $0x7000, s19  }
0x69: {  	[tilespmem:s25], [sflag:$0x2] =	stream.indirect_vreg.gather [hbm4b:s4+s2], $0x80, v4, vm0, $0xb8;
	[tilespmem:$0x16080] =	vst v63  }
0x6a: {  	s15 =	sand.u32 $0x380, s2;
	s14 =	sshra.s32 s14, $0x2  }
0x6b: {  	[tilespmem:s26], [sflag:$0x2] =	stream.indirect_vreg.gather [hbm4b:s5+s2], $0x80, v4, vm0, $0xb8;
	[tilespmem:$0x16080] =	vst v63  }
0x6c: {  	s14 =	sor.u32 s15, s14  }
0x6d: {  	[tilespmem:s28], [sflag:$0x2] =	stream.indirect_vreg.gather [hbm4b:s6+s2], $0x80, v4, vm1, $0xb8;
	[tilespmem:$0x16080] =	vst v63  }
0x6e: {  	v4 =	vld [tilespmem:s14+$0x80]  }
0x6f: {  	v5 =	vld [tilespmem:s14+$0x1080];
	_ =	sdelay $0x2  }
0x70: {  	s16 =	simm.s32 $0x0  }
0x71: {  	s16 =	sand.u32 $0x3FFFF000, s16  }
0x72: {  	s15 =	sor.u32 s15, s16;
	v4 =	vpack.i.f32.bf16 v5, v4  }
0x73: {  	[tilespmem:s15+$0xE080] =	vst v4  }
0x74: {  	v4 =	vld [tilespmem:s14+$0x90]  }
0x75: {  	v5 =	vld [tilespmem:s14+$0x1090];
	_ =	sdelay $0x4  }
0x76: {  	v4 =	vpack.i.f32.bf16 v5, v4  }
0x77: {  	[tilespmem:s15+$0xE090] =	vst v4  }
0x78: {  	v4 =	vld [tilespmem:s14+$0xA0]  }
0x79: {  	v5 =	vld [tilespmem:s14+$0x10A0];
	_ =	sdelay $0x4  }
0x7a: {  	v4 =	vpack.i.f32.bf16 v5, v4  }
0x7b: {  	[tilespmem:s15+$0xE0A0] =	vst v4  }
0x7c: {  	v4 =	vld [tilespmem:s14+$0xB0]  }
0x7d: {  	v5 =	vld [tilespmem:s14+$0x10B0];
	_ =	sdelay $0x4  }
0x7e: {  	v4 =	vpack.i.f32.bf16 v5, v4  }
0x7f: {  	[tilespmem:s15+$0xE0B0] =	vst v4  }
0x80: {  	v4 =	vld [tilespmem:s14+$0xC0]  }
0x81: {  	v5 =	vld [tilespmem:s14+$0x10C0];
	_ =	sdelay $0x4  }
0x82: {  	v4 =	vpack.i.f32.bf16 v5, v4  }
0x83: {  	[tilespmem:s15+$0xE0C0] =	vst v4  }
0x84: {  	v4 =	vld [tilespmem:s14+$0xD0]  }
0x85: {  	v5 =	vld [tilespmem:s14+$0x10D0];
	_ =	sdelay $0x4  }
0x86: {  	v4 =	vpack.i.f32.bf16 v5, v4  }
0x87: {  	[tilespmem:s15+$0xE0D0] =	vst v4  }
0x88: {  	v4 =	vld [tilespmem:s14+$0xE0]  }
0x89: {  	v5 =	vld [tilespmem:s14+$0x10E0];
	_ =	sdelay $0x4  }
0x8a: {  	v4 =	vpack.i.f32.bf16 v5, v4  }
0x8b: {  	[tilespmem:s15+$0xE0E0] =	vst v4  }
0x8c: {  	v4 =	vld [tilespmem:s14+$0xF0]  }
0x8d: {  	v5 =	vld [tilespmem:s14+$0x10F0];
	_ =	sdelay $0x4  }
0x8e: {  	v4 =	vpack.i.f32.bf16 v5, v4  }
0x8f: {  	[tilespmem:s15+$0xE0F0] =	vst v4  }
0x90: {  	v4 =	vld [tilespmem:s14+$0x480]  }
0x91: {  	v5 =	vld [tilespmem:s14+$0x1480];
	_ =	sdelay $0x4  }
0x92: {  	v4 =	vpack.i.f32.bf16 v5, v4  }
0x93: {  	[tilespmem:s15+$0xE480] =	vst v4  }
0x94: {  	v4 =	vld [tilespmem:s14+$0x490]  }
0x95: {  	v5 =	vld [tilespmem:s14+$0x1490];
	_ =	sdelay $0x4  }
0x96: {  	v4 =	vpack.i.f32.bf16 v5, v4  }
0x97: {  	[tilespmem:s15+$0xE490] =	vst v4  }
0x98: {  	v4 =	vld [tilespmem:s14+$0x4A0]  }
0x99: {  	v5 =	vld [tilespmem:s14+$0x14A0];
	_ =	sdelay $0x4  }
0x9a: {  	v4 =	vpack.i.f32.bf16 v5, v4  }
0x9b: {  	[tilespmem:s15+$0xE4A0] =	vst v4  }
0x9c: {  	v4 =	vld [tilespmem:s14+$0x4B0]  }
0x9d: {  	v5 =	vld [tilespmem:s14+$0x14B0];
	_ =	sdelay $0x4  }
0x9e: {  	v4 =	vpack.i.f32.bf16 v5, v4  }
0x9f: {  	[tilespmem:s15+$0xE4B0] =	vst v4  }
0xa0: {  	v4 =	vld [tilespmem:s14+$0x4C0]  }
0xa1: {  	v5 =	vld [tilespmem:s14+$0x14C0];
	_ =	sdelay $0x4  }
0xa2: {  	v4 =	vpack.i.f32.bf16 v5, v4  }
0xa3: {  	[tilespmem:s15+$0xE4C0] =	vst v4  }
0xa4: {  	v4 =	vld [tilespmem:s14+$0x4D0]  }
0xa5: {  	v5 =	vld [tilespmem:s14+$0x14D0];
	_ =	sdelay $0x4  }
0xa6: {  	v4 =	vpack.i.f32.bf16 v5, v4  }
0xa7: {  	[tilespmem:s15+$0xE4D0] =	vst v4  }
0xa8: {  	v4 =	vld [tilespmem:s14+$0x4E0]  }
0xa9: {  	v5 =	vld [tilespmem:s14+$0x14E0];
	_ =	sdelay $0x4  }
0xaa: {  	v4 =	vpack.i.f32.bf16 v5, v4  }
0xab: {  	[tilespmem:s15+$0xE4E0] =	vst v4  }
0xac: {  	v4 =	vld [tilespmem:s14+$0x4F0]  }
0xad: {  	v5 =	vld [tilespmem:s14+$0x14F0];
	_ =	sdelay $0x4  }
0xae: {  	v4 =	vpack.i.f32.bf16 v5, v4  }
0xaf: {  	[tilespmem:s15+$0xE4F0] =	vst v4  }
0xb0: {  	v4 =	vld [tilespmem:s14+$0x880]  }
0xb1: {  	v5 =	vld [tilespmem:s14+$0x1880];
	_ =	sdelay $0x4  }
0xb2: {  	v4 =	vpack.i.f32.bf16 v5, v4  }
0xb3: {  	[tilespmem:s15+$0xE880] =	vst v4  }
0xb4: {  	v4 =	vld [tilespmem:s14+$0x890]  }
0xb5: {  	v5 =	vld [tilespmem:s14+$0x1890];
	_ =	sdelay $0x4  }
0xb6: {  	v4 =	vpack.i.f32.bf16 v5, v4  }
0xb7: {  	[tilespmem:s15+$0xE890] =	vst v4  }
0xb8: {  	v4 =	vld [tilespmem:s14+$0x8A0]  }
0xb9: {  	v5 =	vld [tilespmem:s14+$0x18A0];
	_ =	sdelay $0x4  }
0xba: {  	v4 =	vpack.i.f32.bf16 v5, v4  }
0xbb: {  	[tilespmem:s15+$0xE8A0] =	vst v4  }
0xbc: {  	v4 =	vld [tilespmem:s14+$0x8B0]  }
0xbd: {  	v5 =	vld [tilespmem:s14+$0x18B0];
	_ =	sdelay $0x4  }
0xbe: {  	v4 =	vpack.i.f32.bf16 v5, v4  }
0xbf: {  	[tilespmem:s15+$0xE8B0] =	vst v4  }
0xc0: {  	v4 =	vld [tilespmem:s14+$0x8C0]  }
0xc1: {  	v5 =	vld [tilespmem:s14+$0x18C0];
	_ =	sdelay $0x4  }
0xc2: {  	v4 =	vpack.i.f32.bf16 v5, v4  }
0xc3: {  	[tilespmem:s15+$0xE8C0] =	vst v4  }
0xc4: {  	v4 =	vld [tilespmem:s14+$0x8D0]  }
0xc5: {  	v5 =	vld [tilespmem:s14+$0x18D0];
	_ =	sdelay $0x4  }
0xc6: {  	v4 =	vpack.i.f32.bf16 v5, v4  }
0xc7: {  	[tilespmem:s15+$0xE8D0] =	vst v4  }
0xc8: {  	v4 =	vld [tilespmem:s14+$0x8E0]  }
0xc9: {  	v5 =	vld [tilespmem:s14+$0x18E0];
	_ =	sdelay $0x4  }
0xca: {  	v4 =	vpack.i.f32.bf16 v5, v4  }
0xcb: {  	[tilespmem:s15+$0xE8E0] =	vst v4  }
0xcc: {  	v4 =	vld [tilespmem:s14+$0x8F0]  }
0xcd: {  	v5 =	vld [tilespmem:s14+$0x18F0];
	_ =	sdelay $0x4  }
0xce: {  	v4 =	vpack.i.f32.bf16 v5, v4  }
0xcf: {  	[tilespmem:s15+$0xE8F0] =	vst v4  }
0xd0: {  	v4 =	vld [tilespmem:s14+$0xC80];
	_ =	sdelay $0x4  }
0xd1: {  	v4 =	vpack.i.f32.bf16 v3, v4  }
0xd2: {  	[tilespmem:s15+$0xEC80] =	vst v4  }
0xd3: {  	v4 =	vld [tilespmem:s14+$0xC90];
	_ =	sdelay $0x4  }
0xd4: {  	v4 =	vpack.i.f32.bf16 v3, v4  }
0xd5: {  	[tilespmem:s15+$0xEC90] =	vst v4  }
0xd6: {  	v4 =	vld [tilespmem:s14+$0xCA0];
	_ =	sdelay $0x4  }
0xd7: {  	v4 =	vpack.i.f32.bf16 v3, v4  }
0xd8: {  	[tilespmem:s15+$0xECA0] =	vst v4  }
0xd9: {  	v4 =	vld [tilespmem:s14+$0xCB0];
	_ =	sdelay $0x4  }
0xda: {  	v4 =	vpack.i.f32.bf16 v3, v4  }
0xdb: {  	[tilespmem:s15+$0xECB0] =	vst v4  }
0xdc: {  	s16 =	simm.s32 $0x1;
	s17 =	simm.s32 $0x0;
	v4 =	vld [tilespmem:s14+$0xCC0]  }
.LBB2_2:
0xdd: {  	_ = 	snop  }
0xde: {  	p0 =	sne.s32 s16, $0x1F  }
0xdf: {  	s17 =	sadd.s32 $0x80, s17;
	s18 =	smov.u32 s16;
	s16 =	sadd.s32 $0x1, s16  }
0xe0: {  	_ = 	snop  }
0xe1: {  	v4 =	vpack.i.f32.bf16 v3, v4  }
0xe2: {  	[tilespmem:s15+$0xECC0] =	vst v4  }
0xe3: {  	v4 =	vld [tilespmem:s14+$0xCD0];
	_ =	sdelay $0x4  }
0xe4: {  	v4 =	vpack.i.f32.bf16 v3, v4  }
0xe5: {  	[tilespmem:s15+$0xECD0] =	vst v4  }
0xe6: {  	v4 =	vld [tilespmem:s14+$0xCE0];
	_ =	sdelay $0x4  }
0xe7: {  	v4 =	vpack.i.f32.bf16 v3, v4  }
0xe8: {  	[tilespmem:s15+$0xECE0] =	vst v4  }
0xe9: {  	v4 =	vld [tilespmem:s14+$0xCF0];
	_ =	sdelay $0x1  }
0xea: {  	s14 =	sshrl.u32 s18, $0x3  }
0xeb: {  	s14 =	smul.u32 $0x7000, s14;
	_ =	sdelay $0x1  }
0xec: {  	s19 =	sand.u32 $0x380, s17;
	s14 =	sshra.s32 s14, $0x2;
	v4 =	vpack.i.f32.bf16 v3, v4  }
0xed: {  	s14 =	sor.u32 s19, s14;
	[tilespmem:s15+$0xECF0] =	vst v4  }
0xee: {  	v4 =	vld [tilespmem:s14+$0x80]  }
0xef: {  	v5 =	vld [tilespmem:s14+$0x1080];
	_ =	sdelay $0x1  }
0xf0: {  	s15 =	sshll.u32 s18, $0x9  }
0xf1: {  	s15 =	sand.u32 $0x3FFFF000, s15  }
0xf2: {  	s15 =	sor.u32 s19, s15  }
0xf3: {  	v4 =	vpack.i.f32.bf16 v5, v4  }
0xf4: {  	[tilespmem:s15+$0xE080] =	vst v4  }
0xf5: {  	v4 =	vld [tilespmem:s14+$0x90]  }
0xf6: {  	v5 =	vld [tilespmem:s14+$0x1090];
	_ =	sdelay $0x4  }
0xf7: {  	v4 =	vpack.i.f32.bf16 v5, v4  }
0xf8: {  	[tilespmem:s15+$0xE090] =	vst v4  }
0xf9: {  	v4 =	vld [tilespmem:s14+$0xA0]  }
0xfa: {  	v5 =	vld [tilespmem:s14+$0x10A0];
	_ =	sdelay $0x4  }
0xfb: {  	v4 =	vpack.i.f32.bf16 v5, v4  }
0xfc: {  	[tilespmem:s15+$0xE0A0] =	vst v4  }
0xfd: {  	v4 =	vld [tilespmem:s14+$0xB0]  }
0xfe: {  	v5 =	vld [tilespmem:s14+$0x10B0];
	_ =	sdelay $0x4  }
0xff: {  	v4 =	vpack.i.f32.bf16 v5, v4  }
0x100: {  	[tilespmem:s15+$0xE0B0] =	vst v4  }
0x101: {  	v4 =	vld [tilespmem:s14+$0xC0]  }
0x102: {  	v5 =	vld [tilespmem:s14+$0x10C0];
	_ =	sdelay $0x4  }
0x103: {  	v4 =	vpack.i.f32.bf16 v5, v4  }
0x104: {  	[tilespmem:s15+$0xE0C0] =	vst v4  }
0x105: {  	v4 =	vld [tilespmem:s14+$0xD0]  }
0x106: {  	v5 =	vld [tilespmem:s14+$0x10D0];
	_ =	sdelay $0x4  }
0x107: {  	v4 =	vpack.i.f32.bf16 v5, v4  }
0x108: {  	[tilespmem:s15+$0xE0D0] =	vst v4  }
0x109: {  	v4 =	vld [tilespmem:s14+$0xE0]  }
0x10a: {  	v5 =	vld [tilespmem:s14+$0x10E0];
	_ =	sdelay $0x4  }
0x10b: {  	v4 =	vpack.i.f32.bf16 v5, v4  }
0x10c: {  	[tilespmem:s15+$0xE0E0] =	vst v4  }
0x10d: {  	v4 =	vld [tilespmem:s14+$0xF0]  }
0x10e: {  	v5 =	vld [tilespmem:s14+$0x10F0];
	_ =	sdelay $0x4  }
0x10f: {  	v4 =	vpack.i.f32.bf16 v5, v4  }
0x110: {  	[tilespmem:s15+$0xE0F0] =	vst v4  }
0x111: {  	v4 =	vld [tilespmem:s14+$0x480]  }
0x112: {  	v5 =	vld [tilespmem:s14+$0x1480];
	_ =	sdelay $0x4  }
0x113: {  	v4 =	vpack.i.f32.bf16 v5, v4  }
0x114: {  	[tilespmem:s15+$0xE480] =	vst v4  }
0x115: {  	v4 =	vld [tilespmem:s14+$0x490]  }
0x116: {  	v5 =	vld [tilespmem:s14+$0x1490];
	_ =	sdelay $0x4  }
0x117: {  	v4 =	vpack.i.f32.bf16 v5, v4  }
0x118: {  	[tilespmem:s15+$0xE490] =	vst v4  }
0x119: {  	v4 =	vld [tilespmem:s14+$0x4A0]  }
0x11a: {  	v5 =	vld [tilespmem:s14+$0x14A0];
	_ =	sdelay $0x4  }
0x11b: {  	v4 =	vpack.i.f32.bf16 v5, v4  }
0x11c: {  	[tilespmem:s15+$0xE4A0] =	vst v4  }
0x11d: {  	v4 =	vld [tilespmem:s14+$0x4B0]  }
0x11e: {  	v5 =	vld [tilespmem:s14+$0x14B0];
	_ =	sdelay $0x4  }
0x11f: {  	v4 =	vpack.i.f32.bf16 v5, v4  }
0x120: {  	[tilespmem:s15+$0xE4B0] =	vst v4  }
0x121: {  	v4 =	vld [tilespmem:s14+$0x4C0]  }
0x122: {  	v5 =	vld [tilespmem:s14+$0x14C0];
	_ =	sdelay $0x4  }
0x123: {  	v4 =	vpack.i.f32.bf16 v5, v4  }
0x124: {  	[tilespmem:s15+$0xE4C0] =	vst v4  }
0x125: {  	v4 =	vld [tilespmem:s14+$0x4D0]  }
0x126: {  	v5 =	vld [tilespmem:s14+$0x14D0];
	_ =	sdelay $0x4  }
0x127: {  	v4 =	vpack.i.f32.bf16 v5, v4  }
0x128: {  	[tilespmem:s15+$0xE4D0] =	vst v4  }
0x129: {  	v4 =	vld [tilespmem:s14+$0x4E0]  }
0x12a: {  	v5 =	vld [tilespmem:s14+$0x14E0];
	_ =	sdelay $0x4  }
0x12b: {  	v4 =	vpack.i.f32.bf16 v5, v4  }
0x12c: {  	[tilespmem:s15+$0xE4E0] =	vst v4  }
0x12d: {  	v4 =	vld [tilespmem:s14+$0x4F0]  }
0x12e: {  	v5 =	vld [tilespmem:s14+$0x14F0];
	_ =	sdelay $0x4  }
0x12f: {  	v4 =	vpack.i.f32.bf16 v5, v4  }
0x130: {  	[tilespmem:s15+$0xE4F0] =	vst v4  }
0x131: {  	v4 =	vld [tilespmem:s14+$0x880]  }
0x132: {  	v5 =	vld [tilespmem:s14+$0x1880];
	_ =	sdelay $0x4  }
0x133: {  	v4 =	vpack.i.f32.bf16 v5, v4  }
0x134: {  	[tilespmem:s15+$0xE880] =	vst v4  }
0x135: {  	v4 =	vld [tilespmem:s14+$0x890]  }
0x136: {  	v5 =	vld [tilespmem:s14+$0x1890];
	_ =	sdelay $0x4  }
0x137: {  	v4 =	vpack.i.f32.bf16 v5, v4  }
0x138: {  	[tilespmem:s15+$0xE890] =	vst v4  }
0x139: {  	v4 =	vld [tilespmem:s14+$0x8A0]  }
0x13a: {  	v5 =	vld [tilespmem:s14+$0x18A0];
	_ =	sdelay $0x4  }
0x13b: {  	v4 =	vpack.i.f32.bf16 v5, v4  }
0x13c: {  	[tilespmem:s15+$0xE8A0] =	vst v4  }
0x13d: {  	v4 =	vld [tilespmem:s14+$0x8B0]  }
0x13e: {  	v5 =	vld [tilespmem:s14+$0x18B0];
	_ =	sdelay $0x4  }
0x13f: {  	v4 =	vpack.i.f32.bf16 v5, v4  }
0x140: {  	[tilespmem:s15+$0xE8B0] =	vst v4  }
0x141: {  	v4 =	vld [tilespmem:s14+$0x8C0]  }
0x142: {  	v5 =	vld [tilespmem:s14+$0x18C0];
	_ =	sdelay $0x4  }
0x143: {  	v4 =	vpack.i.f32.bf16 v5, v4  }
0x144: {  	[tilespmem:s15+$0xE8C0] =	vst v4  }
0x145: {  	v4 =	vld [tilespmem:s14+$0x8D0]  }
0x146: {  	v5 =	vld [tilespmem:s14+$0x18D0];
	_ =	sdelay $0x4  }
0x147: {  	v4 =	vpack.i.f32.bf16 v5, v4  }
0x148: {  	[tilespmem:s15+$0xE8D0] =	vst v4  }
0x149: {  	v4 =	vld [tilespmem:s14+$0x8E0]  }
0x14a: {  	v5 =	vld [tilespmem:s14+$0x18E0];
	_ =	sdelay $0x4  }
0x14b: {  	v4 =	vpack.i.f32.bf16 v5, v4  }
0x14c: {  	[tilespmem:s15+$0xE8E0] =	vst v4  }
0x14d: {  	v4 =	vld [tilespmem:s14+$0x8F0]  }
0x14e: {  	v5 =	vld [tilespmem:s14+$0x18F0];
	_ =	sdelay $0x4  }
0x14f: {  	v4 =	vpack.i.f32.bf16 v5, v4  }
0x150: {  	[tilespmem:s15+$0xE8F0] =	vst v4  }
0x151: {  	v4 =	vld [tilespmem:s14+$0xC80];
	_ =	sdelay $0x4  }
0x152: {  	v4 =	vpack.i.f32.bf16 v3, v4  }
0x153: {  	[tilespmem:s15+$0xEC80] =	vst v4  }
0x154: {  	v4 =	vld [tilespmem:s14+$0xC90];
	_ =	sdelay $0x4  }
0x155: {  	v4 =	vpack.i.f32.bf16 v3, v4  }
0x156: {  	[tilespmem:s15+$0xEC90] =	vst v4  }
0x157: {  	v4 =	vld [tilespmem:s14+$0xCA0];
	_ =	sdelay $0x4  }
0x158: {  	v4 =	vpack.i.f32.bf16 v3, v4  }
0x159: {  	[tilespmem:s15+$0xECA0] =	vst v4  }
0x15a: {  	v4 =	vld [tilespmem:s14+$0xCB0];
	_ =	sdelay $0x2  }
.Ltmp0:
0x15b: {  	(pc) =	sbr.rel @p0 .LBB2_2-.Ltmp0, $4  }
0x15c: {  	_ = 	snop  }
0x15d: {  	v4 =	vpack.i.f32.bf16 v3, v4  }
0x15e: {  	[tilespmem:s15+$0xECB0] =	vst v4  }
0x15f: {  	v4 =	vld [tilespmem:s14+$0xCC0]  }
0x160: {  	_ =	sdelay $0x3  }
0x161: {  	v4 =	vpack.i.f32.bf16 v3, v4  }
0x162: {  	[tilespmem:s15+$0xECC0] =	vst v4  }
0x163: {  	v4 =	vld [tilespmem:s14+$0xCD0];
	_ =	sdelay $0x4  }
0x164: {  	v4 =	vpack.i.f32.bf16 v3, v4  }
0x165: {  	[tilespmem:s15+$0xECD0] =	vst v4  }
0x166: {  	v4 =	vld [tilespmem:s14+$0xCE0];
	_ =	sdelay $0x4  }
0x167: {  	v4 =	vpack.i.f32.bf16 v3, v4  }
0x168: {  	[tilespmem:s15+$0xECE0] =	vst v4  }
0x169: {  	v4 =	vld [tilespmem:s14+$0xCF0];
	_ =	sdelay $0x4  }
0x16a: {  	v4 =	vpack.i.f32.bf16 v3, v4  }
0x16b: {  	s14 =	simm.s32 $0x0;
	[tilespmem:s15+$0xECF0] =	vst v4  }
0x16c: {  	[hbm4b:s7+s14] =	stream.linear.scatter [tilespmem:s29], [sflag:$0x3], $0x4000, $0x38;
	[tilespmem:$0x16080] =	vst v63  }
0x16d: {  	_ =	swait.ge [sflag:s13], $0x4000  }
0x16e: {  	[sflag:s13] =	ssyncset.done $0x0  }
0x16f: {  	[sflag:s13] =	ssyncadd.s32 $0xFFFFC000  }
0x170: {  	_ =	swait.ge [sflag:s30], $0x7000  }
0x171: {  	[sflag:s30] =	ssyncset.done $0x0  }
0x172: {  	[sflag:s30] =	ssyncadd.s32 $0xFFFF9000  }
0x173: {  	v4 =	vld [tilespmem:$0x40];
	_ =	sdelay $0x4  }
0x174: {  	v5 =	vshll.u32 v4, $0x3  }
0x175: {  	v4 =	vand.u32 $0x7, v4;
	v5 =	vand.u32 $0xFFFFFFC0, v5  }
0x176: {  	v4 =	vor.u32 v4, v5  }
0x177: {  	v5 =	vperm.xlane v4, v0;
	_ =	sdelay $0x1  }
0x178: {  	v5 =	vadd.s32 v1, v5;
	_ =	sdelay $0x3  }
0x179: {  	s19 =	simm.s32 $0x80  }
0x17a: {  	[tilespmem:s19], [sflag:$0x1] =	stream.indirect_vreg.gather [hbm4b:s3+s14], $0x80, v5, vm0, $0xb8;
	[tilespmem:$0x16080] =	vst v63  }
0x17b: {  	s16 =	simm.s32 $0x880;
	v4 =	vperm.xlane v4, v2  }
0x17c: {  	[tilespmem:s16], [sflag:$0x1] =	stream.indirect_vreg.gather [hbm4b:s4+s14], $0x80, v5, vm0, $0xb8;
	[tilespmem:$0x16080] =	vst v63  }
0x17d: {  	s17 =	simm.s32 $0x1080;
	v4 =	vadd.s32 v1, v4  }
0x17e: {  	[tilespmem:s17], [sflag:$0x1] =	stream.indirect_vreg.gather [hbm4b:s5+s14], $0x80, v5, vm0, $0xb8;
	[tilespmem:$0x16080] =	vst v63  }
0x17f: {  	s18 =	simm.s32 $0x1880  }
0x180: {  	[tilespmem:s18], [sflag:$0x1] =	stream.indirect_vreg.gather [hbm4b:s6+s14], $0x80, v5, vm1, $0xb8;
	[tilespmem:$0x16080] =	vst v63  }
0x181: {  	s19 =	simm.s32 $0x1C80  }
0x182: {  	[tilespmem:s19], [sflag:$0x1] =	stream.indirect_vreg.gather [hbm4b:s3+s14], $0x80, v4, vm0, $0xb8;
	[tilespmem:$0x16080] =	vst v63  }
0x183: {  	s16 =	simm.s32 $0x2480  }
0x184: {  	[tilespmem:s16], [sflag:$0x1] =	stream.indirect_vreg.gather [hbm4b:s4+s14], $0x80, v4, vm0, $0xb8;
	[tilespmem:$0x16080] =	vst v63  }
0x185: {  	s17 =	simm.s32 $0x2C80  }
0x186: {  	[tilespmem:s17], [sflag:$0x1] =	stream.indirect_vreg.gather [hbm4b:s5+s14], $0x80, v4, vm0, $0xb8;
	[tilespmem:$0x16080] =	vst v63  }
0x187: {  	s18 =	simm.s32 $0x3480  }
0x188: {  	[tilespmem:s18], [sflag:$0x1] =	stream.indirect_vreg.gather [hbm4b:s6+s14], $0x80, v4, vm1, $0xb8;
	[tilespmem:$0x16080] =	vst v63  }
0x189: {  	v4 =	vld [tilespmem:$0x50];
	_ =	sdelay $0x4  }
0x18a: {  	v5 =	vshll.u32 v4, $0x3  }
0x18b: {  	v4 =	vand.u32 $0x7, v4;
	v5 =	vand.u32 $0xFFFFFFC0, v5  }
0x18c: {  	v4 =	vor.u32 v4, v5  }
0x18d: {  	v5 =	vperm.xlane v4, v0;
	_ =	sdelay $0x1  }
0x18e: {  	v5 =	vadd.s32 v1, v5;
	_ =	sdelay $0x3  }
0x18f: {  	s19 =	simm.s32 $0x3880  }
0x190: {  	[tilespmem:s19], [sflag:$0x1] =	stream.indirect_vreg.gather [hbm4b:s3+s14], $0x80, v5, vm0, $0xb8;
	[tilespmem:$0x16080] =	vst v63  }
0x191: {  	s16 =	simm.s32 $0x4080;
	v4 =	vperm.xlane v4, v2  }
0x192: {  	[tilespmem:s16], [sflag:$0x1] =	stream.indirect_vreg.gather [hbm4b:s4+s14], $0x80, v5, vm0, $0xb8;
	[tilespmem:$0x16080] =	vst v63  }
0x193: {  	s17 =	simm.s32 $0x4880;
	v4 =	vadd.s32 v1, v4  }
0x194: {  	[tilespmem:s17], [sflag:$0x1] =	stream.indirect_vreg.gather [hbm4b:s5+s14], $0x80, v5, vm0, $0xb8;
	[tilespmem:$0x16080] =	vst v63  }
0x195: {  	s18 =	simm.s32 $0x5080  }
0x196: {  	[tilespmem:s18], [sflag:$0x1] =	stream.indirect_vreg.gather [hbm4b:s6+s14], $0x80, v5, vm1, $0xb8;
	[tilespmem:$0x16080] =	vst v63  }
0x197: {  	s19 =	simm.s32 $0x5480;
	s18 =	simm.s32 $0x0  }
0x198: {  	[tilespmem:s19], [sflag:$0x1] =	stream.indirect_vreg.gather [hbm4b:s3+s14], $0x80, v4, vm0, $0xb8;
	[tilespmem:$0x16080] =	vst v63  }
0x199: {  	s16 =	simm.s32 $0x5C80;
	s15 =	smul.u32 $0x7000, s18  }
0x19a: {  	[tilespmem:s16], [sflag:$0x1] =	stream.indirect_vreg.gather [hbm4b:s4+s14], $0x80, v4, vm0, $0xb8;
	[tilespmem:$0x16080] =	vst v63  }
0x19b: {  	s17 =	simm.s32 $0x6480;
	s19 =	sand.u32 $0x380, s14;
	s15 =	sshra.s32 s15, $0x2  }
0x19c: {  	[tilespmem:s17], [sflag:$0x1] =	stream.indirect_vreg.gather [hbm4b:s5+s14], $0x80, v4, vm0, $0xb8;
	[tilespmem:$0x16080] =	vst v63  }
0x19d: {  	s16 =	simm.s32 $0x6C80;
	s15 =	sor.u32 s19, s15  }
0x19e: {  	[tilespmem:s16], [sflag:$0x1] =	stream.indirect_vreg.gather [hbm4b:s6+s14], $0x80, v4, vm1, $0xb8;
	[tilespmem:$0x16080] =	vst v63  }
0x19f: {  	v4 =	vld [tilespmem:s15+$0x7080]  }
0x1a0: {  	v5 =	vld [tilespmem:s15+$0x8080];
	_ =	sdelay $0x2  }
0x1a1: {  	s17 =	simm.s32 $0x0  }
0x1a2: {  	s17 =	sand.u32 $0x3FFFF000, s17  }
0x1a3: {  	s16 =	sor.u32 s19, s17;
	v4 =	vpack.i.f32.bf16 v5, v4  }
0x1a4: {  	[tilespmem:s16+$0x12080] =	vst v4  }
0x1a5: {  	v4 =	vld [tilespmem:s15+$0x7090]  }
0x1a6: {  	v5 =	vld [tilespmem:s15+$0x8090];
	_ =	sdelay $0x4  }
0x1a7: {  	s16 =	sadd.s32 $0x12080, s16;
	v4 =	vpack.i.f32.bf16 v5, v4  }
0x1a8: {  	[tilespmem:s16+$0x10] =	vst v4  }
0x1a9: {  	v4 =	vld [tilespmem:s15+$0x70A0]  }
0x1aa: {  	v5 =	vld [tilespmem:s15+$0x80A0];
	_ =	sdelay $0x4  }
0x1ab: {  	v4 =	vpack.i.f32.bf16 v5, v4  }
0x1ac: {  	[tilespmem:s16+$0x20] =	vst v4  }
0x1ad: {  	v4 =	vld [tilespmem:s15+$0x70B0]  }
0x1ae: {  	v5 =	vld [tilespmem:s15+$0x80B0];
	_ =	sdelay $0x4  }
0x1af: {  	v4 =	vpack.i.f32.bf16 v5, v4  }
0x1b0: {  	[tilespmem:s16+$0x30] =	vst v4  }
0x1b1: {  	v4 =	vld [tilespmem:s15+$0x70C0]  }
0x1b2: {  	v5 =	vld [tilespmem:s15+$0x80C0];
	_ =	sdelay $0x4  }
0x1b3: {  	v4 =	vpack.i.f32.bf16 v5, v4  }
0x1b4: {  	[tilespmem:s16+$0x40] =	vst v4  }
0x1b5: {  	v4 =	vld [tilespmem:s15+$0x70D0]  }
0x1b6: {  	v5 =	vld [tilespmem:s15+$0x80D0];
	_ =	sdelay $0x4  }
0x1b7: {  	v4 =	vpack.i.f32.bf16 v5, v4  }
0x1b8: {  	[tilespmem:s16+$0x50] =	vst v4  }
0x1b9: {  	v4 =	vld [tilespmem:s15+$0x70E0]  }
0x1ba: {  	v5 =	vld [tilespmem:s15+$0x80E0];
	_ =	sdelay $0x4  }
0x1bb: {  	v4 =	vpack.i.f32.bf16 v5, v4  }
0x1bc: {  	[tilespmem:s16+$0x60] =	vst v4  }
0x1bd: {  	v4 =	vld [tilespmem:s15+$0x70F0]  }
0x1be: {  	v5 =	vld [tilespmem:s15+$0x80F0];
	_ =	sdelay $0x4  }
0x1bf: {  	v4 =	vpack.i.f32.bf16 v5, v4  }
0x1c0: {  	[tilespmem:s16+$0x70] =	vst v4  }
0x1c1: {  	v4 =	vld [tilespmem:s15+$0x7480]  }
0x1c2: {  	v5 =	vld [tilespmem:s15+$0x8480];
	_ =	sdelay $0x4  }
0x1c3: {  	v4 =	vpack.i.f32.bf16 v5, v4  }
0x1c4: {  	[tilespmem:s16+$0x400] =	vst v4  }
0x1c5: {  	v4 =	vld [tilespmem:s15+$0x7490]  }
0x1c6: {  	v5 =	vld [tilespmem:s15+$0x8490];
	_ =	sdelay $0x4  }
0x1c7: {  	v4 =	vpack.i.f32.bf16 v5, v4  }
0x1c8: {  	[tilespmem:s16+$0x410] =	vst v4  }
0x1c9: {  	v4 =	vld [tilespmem:s15+$0x74A0]  }
0x1ca: {  	v5 =	vld [tilespmem:s15+$0x84A0];
	_ =	sdelay $0x4  }
0x1cb: {  	v4 =	vpack.i.f32.bf16 v5, v4  }
0x1cc: {  	[tilespmem:s16+$0x420] =	vst v4  }
0x1cd: {  	v4 =	vld [tilespmem:s15+$0x74B0]  }
0x1ce: {  	v5 =	vld [tilespmem:s15+$0x84B0];
	_ =	sdelay $0x4  }
0x1cf: {  	v4 =	vpack.i.f32.bf16 v5, v4  }
0x1d0: {  	[tilespmem:s16+$0x430] =	vst v4  }
0x1d1: {  	v4 =	vld [tilespmem:s15+$0x74C0]  }
0x1d2: {  	v5 =	vld [tilespmem:s15+$0x84C0];
	_ =	sdelay $0x4  }
0x1d3: {  	v4 =	vpack.i.f32.bf16 v5, v4  }
0x1d4: {  	[tilespmem:s16+$0x440] =	vst v4  }
0x1d5: {  	v4 =	vld [tilespmem:s15+$0x74D0]  }
0x1d6: {  	v5 =	vld [tilespmem:s15+$0x84D0];
	_ =	sdelay $0x4  }
0x1d7: {  	v4 =	vpack.i.f32.bf16 v5, v4  }
0x1d8: {  	[tilespmem:s16+$0x450] =	vst v4  }
0x1d9: {  	v4 =	vld [tilespmem:s15+$0x74E0]  }
0x1da: {  	v5 =	vld [tilespmem:s15+$0x84E0];
	_ =	sdelay $0x4  }
0x1db: {  	v4 =	vpack.i.f32.bf16 v5, v4  }
0x1dc: {  	[tilespmem:s16+$0x460] =	vst v4  }
0x1dd: {  	v4 =	vld [tilespmem:s15+$0x74F0]  }
0x1de: {  	v5 =	vld [tilespmem:s15+$0x84F0];
	_ =	sdelay $0x4  }
0x1df: {  	v4 =	vpack.i.f32.bf16 v5, v4  }
0x1e0: {  	[tilespmem:s16+$0x470] =	vst v4  }
0x1e1: {  	v4 =	vld [tilespmem:s15+$0x7880]  }
0x1e2: {  	v5 =	vld [tilespmem:s15+$0x8880];
	_ =	sdelay $0x4  }
0x1e3: {  	v4 =	vpack.i.f32.bf16 v5, v4  }
0x1e4: {  	[tilespmem:s16+$0x800] =	vst v4  }
0x1e5: {  	v4 =	vld [tilespmem:s15+$0x7890]  }
0x1e6: {  	v5 =	vld [tilespmem:s15+$0x8890];
	_ =	sdelay $0x4  }
0x1e7: {  	v4 =	vpack.i.f32.bf16 v5, v4  }
0x1e8: {  	[tilespmem:s16+$0x810] =	vst v4  }
0x1e9: {  	v4 =	vld [tilespmem:s15+$0x78A0]  }
0x1ea: {  	v5 =	vld [tilespmem:s15+$0x88A0];
	_ =	sdelay $0x4  }
0x1eb: {  	v4 =	vpack.i.f32.bf16 v5, v4  }
0x1ec: {  	[tilespmem:s16+$0x820] =	vst v4  }
0x1ed: {  	v4 =	vld [tilespmem:s15+$0x78B0]  }
0x1ee: {  	v5 =	vld [tilespmem:s15+$0x88B0];
	_ =	sdelay $0x4  }
0x1ef: {  	v4 =	vpack.i.f32.bf16 v5, v4  }
0x1f0: {  	[tilespmem:s16+$0x830] =	vst v4  }
0x1f1: {  	v4 =	vld [tilespmem:s15+$0x78C0]  }
0x1f2: {  	v5 =	vld [tilespmem:s15+$0x88C0];
	_ =	sdelay $0x4  }
0x1f3: {  	v4 =	vpack.i.f32.bf16 v5, v4  }
0x1f4: {  	[tilespmem:s16+$0x840] =	vst v4  }
0x1f5: {  	v4 =	vld [tilespmem:s15+$0x78D0]  }
0x1f6: {  	v5 =	vld [tilespmem:s15+$0x88D0];
	_ =	sdelay $0x4  }
0x1f7: {  	v4 =	vpack.i.f32.bf16 v5, v4  }
0x1f8: {  	[tilespmem:s16+$0x850] =	vst v4  }
0x1f9: {  	v4 =	vld [tilespmem:s15+$0x78E0]  }
0x1fa: {  	v5 =	vld [tilespmem:s15+$0x88E0];
	_ =	sdelay $0x4  }
0x1fb: {  	v4 =	vpack.i.f32.bf16 v5, v4  }
0x1fc: {  	[tilespmem:s16+$0x860] =	vst v4  }
0x1fd: {  	v4 =	vld [tilespmem:s15+$0x78F0]  }
0x1fe: {  	v5 =	vld [tilespmem:s15+$0x88F0];
	_ =	sdelay $0x4  }
0x1ff: {  	v4 =	vpack.i.f32.bf16 v5, v4  }
0x200: {  	[tilespmem:s16+$0x870] =	vst v4  }
0x201: {  	v4 =	vld [tilespmem:s15+$0x7C80];
	_ =	sdelay $0x4  }
0x202: {  	v4 =	vpack.i.f32.bf16 v3, v4  }
0x203: {  	[tilespmem:s16+$0xC00] =	vst v4  }
0x204: {  	v4 =	vld [tilespmem:s15+$0x7C90];
	_ =	sdelay $0x4  }
0x205: {  	v4 =	vpack.i.f32.bf16 v3, v4  }
0x206: {  	[tilespmem:s16+$0xC10] =	vst v4  }
0x207: {  	v4 =	vld [tilespmem:s15+$0x7CA0];
	_ =	sdelay $0x4  }
0x208: {  	v4 =	vpack.i.f32.bf16 v3, v4  }
0x209: {  	[tilespmem:s16+$0xC20] =	vst v4  }
0x20a: {  	v4 =	vld [tilespmem:s15+$0x7CB0];
	_ =	sdelay $0x4  }
0x20b: {  	v4 =	vpack.i.f32.bf16 v3, v4  }
0x20c: {  	[tilespmem:s16+$0xC30] =	vst v4  }
0x20d: {  	s17 =	simm.s32 $0x1;
	v4 =	vld [tilespmem:s15+$0x7CC0]  }
.LBB2_4:
0x20e: {  	_ = 	snop  }
0x20f: {  	p0 =	sne.s32 s17, $0x1F  }
0x210: {  	s14 =	sadd.s32 $0x80, s14;
	s18 =	smov.u32 s17;
	s17 =	sadd.s32 $0x1, s17  }
0x211: {  	_ = 	snop  }
0x212: {  	v4 =	vpack.i.f32.bf16 v3, v4  }
0x213: {  	[tilespmem:s16+$0xC40] =	vst v4  }
0x214: {  	v4 =	vld [tilespmem:s15+$0x7CD0];
	_ =	sdelay $0x4  }
0x215: {  	v4 =	vpack.i.f32.bf16 v3, v4  }
0x216: {  	[tilespmem:s16+$0xC50] =	vst v4  }
0x217: {  	v4 =	vld [tilespmem:s15+$0x7CE0];
	_ =	sdelay $0x4  }
0x218: {  	v4 =	vpack.i.f32.bf16 v3, v4  }
0x219: {  	[tilespmem:s16+$0xC60] =	vst v4  }
0x21a: {  	v4 =	vld [tilespmem:s15+$0x7CF0];
	_ =	sdelay $0x1  }
0x21b: {  	s15 =	sshrl.u32 s18, $0x3  }
0x21c: {  	s15 =	smul.u32 $0x7000, s15;
	_ =	sdelay $0x1  }
0x21d: {  	s19 =	sand.u32 $0x380, s14;
	s15 =	sshra.s32 s15, $0x2;
	v4 =	vpack.i.f32.bf16 v3, v4  }
0x21e: {  	s15 =	sor.u32 s19, s15;
	[tilespmem:s16+$0xC70] =	vst v4  }
0x21f: {  	v4 =	vld [tilespmem:s15+$0x7080]  }
0x220: {  	v5 =	vld [tilespmem:s15+$0x8080];
	_ =	sdelay $0x1  }
0x221: {  	s16 =	sshll.u32 s18, $0x9  }
0x222: {  	s16 =	sand.u32 $0x3FFFF000, s16  }
0x223: {  	s16 =	sor.u32 s19, s16  }
0x224: {  	v4 =	vpack.i.f32.bf16 v5, v4  }
0x225: {  	[tilespmem:s16+$0x12080] =	vst v4  }
0x226: {  	v4 =	vld [tilespmem:s15+$0x7090]  }
0x227: {  	v5 =	vld [tilespmem:s15+$0x8090];
	_ =	sdelay $0x2  }
0x228: {  	s16 =	sadd.s32 $0x12080, s16;
	_ =	sdelay $0x1  }
0x229: {  	v4 =	vpack.i.f32.bf16 v5, v4  }
0x22a: {  	[tilespmem:s16+$0x10] =	vst v4  }
0x22b: {  	v4 =	vld [tilespmem:s15+$0x70A0]  }
0x22c: {  	v5 =	vld [tilespmem:s15+$0x80A0];
	_ =	sdelay $0x4  }
0x22d: {  	v4 =	vpack.i.f32.bf16 v5, v4  }
0x22e: {  	[tilespmem:s16+$0x20] =	vst v4  }
0x22f: {  	v4 =	vld [tilespmem:s15+$0x70B0]  }
0x230: {  	v5 =	vld [tilespmem:s15+$0x80B0];
	_ =	sdelay $0x4  }
0x231: {  	v4 =	vpack.i.f32.bf16 v5, v4  }
0x232: {  	[tilespmem:s16+$0x30] =	vst v4  }
0x233: {  	v4 =	vld [tilespmem:s15+$0x70C0]  }
0x234: {  	v5 =	vld [tilespmem:s15+$0x80C0];
	_ =	sdelay $0x4  }
0x235: {  	v4 =	vpack.i.f32.bf16 v5, v4  }
0x236: {  	[tilespmem:s16+$0x40] =	vst v4  }
0x237: {  	v4 =	vld [tilespmem:s15+$0x70D0]  }
0x238: {  	v5 =	vld [tilespmem:s15+$0x80D0];
	_ =	sdelay $0x4  }
0x239: {  	v4 =	vpack.i.f32.bf16 v5, v4  }
0x23a: {  	[tilespmem:s16+$0x50] =	vst v4  }
0x23b: {  	v4 =	vld [tilespmem:s15+$0x70E0]  }
0x23c: {  	v5 =	vld [tilespmem:s15+$0x80E0];
	_ =	sdelay $0x4  }
0x23d: {  	v4 =	vpack.i.f32.bf16 v5, v4  }
0x23e: {  	[tilespmem:s16+$0x60] =	vst v4  }
0x23f: {  	v4 =	vld [tilespmem:s15+$0x70F0]  }
0x240: {  	v5 =	vld [tilespmem:s15+$0x80F0];
	_ =	sdelay $0x4  }
0x241: {  	v4 =	vpack.i.f32.bf16 v5, v4  }
0x242: {  	[tilespmem:s16+$0x70] =	vst v4  }
0x243: {  	v4 =	vld [tilespmem:s15+$0x7480]  }
0x244: {  	v5 =	vld [tilespmem:s15+$0x8480];
	_ =	sdelay $0x4  }
0x245: {  	v4 =	vpack.i.f32.bf16 v5, v4  }
0x246: {  	[tilespmem:s16+$0x400] =	vst v4  }
0x247: {  	v4 =	vld [tilespmem:s15+$0x7490]  }
0x248: {  	v5 =	vld [tilespmem:s15+$0x8490];
	_ =	sdelay $0x4  }
0x249: {  	v4 =	vpack.i.f32.bf16 v5, v4  }
0x24a: {  	[tilespmem:s16+$0x410] =	vst v4  }
0x24b: {  	v4 =	vld [tilespmem:s15+$0x74A0]  }
0x24c: {  	v5 =	vld [tilespmem:s15+$0x84A0];
	_ =	sdelay $0x4  }
0x24d: {  	v4 =	vpack.i.f32.bf16 v5, v4  }
0x24e: {  	[tilespmem:s16+$0x420] =	vst v4  }
0x24f: {  	v4 =	vld [tilespmem:s15+$0x74B0]  }
0x250: {  	v5 =	vld [tilespmem:s15+$0x84B0];
	_ =	sdelay $0x4  }
0x251: {  	v4 =	vpack.i.f32.bf16 v5, v4  }
0x252: {  	[tilespmem:s16+$0x430] =	vst v4  }
0x253: {  	v4 =	vld [tilespmem:s15+$0x74C0]  }
0x254: {  	v5 =	vld [tilespmem:s15+$0x84C0];
	_ =	sdelay $0x4  }
0x255: {  	v4 =	vpack.i.f32.bf16 v5, v4  }
0x256: {  	[tilespmem:s16+$0x440] =	vst v4  }
0x257: {  	v4 =	vld [tilespmem:s15+$0x74D0]  }
0x258: {  	v5 =	vld [tilespmem:s15+$0x84D0];
	_ =	sdelay $0x4  }
0x259: {  	v4 =	vpack.i.f32.bf16 v5, v4  }
0x25a: {  	[tilespmem:s16+$0x450] =	vst v4  }
0x25b: {  	v4 =	vld [tilespmem:s15+$0x74E0]  }
0x25c: {  	v5 =	vld [tilespmem:s15+$0x84E0];
	_ =	sdelay $0x4  }
0x25d: {  	v4 =	vpack.i.f32.bf16 v5, v4  }
0x25e: {  	[tilespmem:s16+$0x460] =	vst v4  }
0x25f: {  	v4 =	vld [tilespmem:s15+$0x74F0]  }
0x260: {  	v5 =	vld [tilespmem:s15+$0x84F0];
	_ =	sdelay $0x4  }
0x261: {  	v4 =	vpack.i.f32.bf16 v5, v4  }
0x262: {  	[tilespmem:s16+$0x470] =	vst v4  }
0x263: {  	v4 =	vld [tilespmem:s15+$0x7880]  }
0x264: {  	v5 =	vld [tilespmem:s15+$0x8880];
	_ =	sdelay $0x4  }
0x265: {  	v4 =	vpack.i.f32.bf16 v5, v4  }
0x266: {  	[tilespmem:s16+$0x800] =	vst v4  }
0x267: {  	v4 =	vld [tilespmem:s15+$0x7890]  }
0x268: {  	v5 =	vld [tilespmem:s15+$0x8890];
	_ =	sdelay $0x4  }
0x269: {  	v4 =	vpack.i.f32.bf16 v5, v4  }
0x26a: {  	[tilespmem:s16+$0x810] =	vst v4  }
0x26b: {  	v4 =	vld [tilespmem:s15+$0x78A0]  }
0x26c: {  	v5 =	vld [tilespmem:s15+$0x88A0];
	_ =	sdelay $0x4  }
0x26d: {  	v4 =	vpack.i.f32.bf16 v5, v4  }
0x26e: {  	[tilespmem:s16+$0x820] =	vst v4  }
0x26f: {  	v4 =	vld [tilespmem:s15+$0x78B0]  }
0x270: {  	v5 =	vld [tilespmem:s15+$0x88B0];
	_ =	sdelay $0x4  }
0x271: {  	v4 =	vpack.i.f32.bf16 v5, v4  }
0x272: {  	[tilespmem:s16+$0x830] =	vst v4  }
0x273: {  	v4 =	vld [tilespmem:s15+$0x78C0]  }
0x274: {  	v5 =	vld [tilespmem:s15+$0x88C0];
	_ =	sdelay $0x4  }
0x275: {  	v4 =	vpack.i.f32.bf16 v5, v4  }
0x276: {  	[tilespmem:s16+$0x840] =	vst v4  }
0x277: {  	v4 =	vld [tilespmem:s15+$0x78D0]  }
0x278: {  	v5 =	vld [tilespmem:s15+$0x88D0];
	_ =	sdelay $0x4  }
0x279: {  	v4 =	vpack.i.f32.bf16 v5, v4  }
0x27a: {  	[tilespmem:s16+$0x850] =	vst v4  }
0x27b: {  	v4 =	vld [tilespmem:s15+$0x78E0]  }
0x27c: {  	v5 =	vld [tilespmem:s15+$0x88E0];
	_ =	sdelay $0x4  }
0x27d: {  	v4 =	vpack.i.f32.bf16 v5, v4  }
0x27e: {  	[tilespmem:s16+$0x860] =	vst v4  }
0x27f: {  	v4 =	vld [tilespmem:s15+$0x78F0]  }
0x280: {  	v5 =	vld [tilespmem:s15+$0x88F0];
	_ =	sdelay $0x4  }
0x281: {  	v4 =	vpack.i.f32.bf16 v5, v4  }
0x282: {  	[tilespmem:s16+$0x870] =	vst v4  }
0x283: {  	v4 =	vld [tilespmem:s15+$0x7C80];
	_ =	sdelay $0x4  }
0x284: {  	v4 =	vpack.i.f32.bf16 v3, v4  }
0x285: {  	[tilespmem:s16+$0xC00] =	vst v4  }
0x286: {  	v4 =	vld [tilespmem:s15+$0x7C90];
	_ =	sdelay $0x4  }
0x287: {  	v4 =	vpack.i.f32.bf16 v3, v4  }
0x288: {  	[tilespmem:s16+$0xC10] =	vst v4  }
0x289: {  	v4 =	vld [tilespmem:s15+$0x7CA0];
	_ =	sdelay $0x4  }
0x28a: {  	v4 =	vpack.i.f32.bf16 v3, v4  }
0x28b: {  	[tilespmem:s16+$0xC20] =	vst v4  }
0x28c: {  	v4 =	vld [tilespmem:s15+$0x7CB0];
	_ =	sdelay $0x2  }
.Ltmp1:
0x28d: {  	(pc) =	sbr.rel @p0 .LBB2_4-.Ltmp1, $4  }
0x28e: {  	_ = 	snop  }
0x28f: {  	v4 =	vpack.i.f32.bf16 v3, v4  }
0x290: {  	[tilespmem:s16+$0xC30] =	vst v4  }
0x291: {  	v4 =	vld [tilespmem:s15+$0x7CC0]  }
0x292: {  	_ =	sdelay $0x3  }
0x293: {  	v4 =	vpack.i.f32.bf16 v3, v4  }
0x294: {  	[tilespmem:s16+$0xC40] =	vst v4  }
0x295: {  	v4 =	vld [tilespmem:s15+$0x7CD0];
	_ =	sdelay $0x4  }
0x296: {  	v4 =	vpack.i.f32.bf16 v3, v4  }
0x297: {  	[tilespmem:s16+$0xC50] =	vst v4  }
0x298: {  	v4 =	vld [tilespmem:s15+$0x7CE0];
	_ =	sdelay $0x4  }
0x299: {  	v4 =	vpack.i.f32.bf16 v3, v4  }
0x29a: {  	[tilespmem:s16+$0xC60] =	vst v4  }
0x29b: {  	v4 =	vld [tilespmem:s15+$0x7CF0];
	_ =	sdelay $0x4  }
0x29c: {  	v4 =	vpack.i.f32.bf16 v3, v4  }
0x29d: {  	s14 =	simm.s32 $0x0;
	[tilespmem:s16+$0xC70] =	vst v4  }
0x29e: {  	[hbm4b:s8+s14] =	stream.linear.scatter [tilespmem:s0], [sflag:$0x3], $0x4000, $0x38;
	[tilespmem:$0x16080] =	vst v63  }
0x29f: {  	_ =	swait.ge [sflag:s13], $0x4000  }
0x2a0: {  	[sflag:s13] =	ssyncset.done $0x0  }
0x2a1: {  	[sflag:s13] =	ssyncadd.s32 $0xFFFFC000  }
0x2a2: {  	_ =	swait.ge [sflag:s31], $0x7000  }
0x2a3: {  	[sflag:s31] =	ssyncset.done $0x0  }
0x2a4: {  	[sflag:s31] =	ssyncadd.s32 $0xFFFF9000  }
0x2a5: {  	v4 =	vld [tilespmem:$0x60];
	_ =	sdelay $0x4  }
0x2a6: {  	v5 =	vshll.u32 v4, $0x3  }
0x2a7: {  	v4 =	vand.u32 $0x7, v4;
	v5 =	vand.u32 $0xFFFFFFC0, v5  }
0x2a8: {  	v4 =	vor.u32 v4, v5  }
0x2a9: {  	v5 =	vperm.xlane v4, v0;
	_ =	sdelay $0x1  }
0x2aa: {  	v5 =	vadd.s32 v1, v5;
	_ =	sdelay $0x3  }
0x2ab: {  	s18 =	simm.s32 $0x7080  }
0x2ac: {  	[tilespmem:s18], [sflag:$0x2] =	stream.indirect_vreg.gather [hbm4b:s3+s14], $0x80, v5, vm0, $0xb8;
	[tilespmem:$0x16080] =	vst v63  }
0x2ad: {  	s19 =	simm.s32 $0x7880;
	v4 =	vperm.xlane v4, v2  }
0x2ae: {  	[tilespmem:s19], [sflag:$0x2] =	stream.indirect_vreg.gather [hbm4b:s4+s14], $0x80, v5, vm0, $0xb8;
	[tilespmem:$0x16080] =	vst v63  }
0x2af: {  	s16 =	simm.s32 $0x8080;
	v4 =	vadd.s32 v1, v4  }
0x2b0: {  	[tilespmem:s16], [sflag:$0x2] =	stream.indirect_vreg.gather [hbm4b:s5+s14], $0x80, v5, vm0, $0xb8;
	[tilespmem:$0x16080] =	vst v63  }
0x2b1: {  	s17 =	simm.s32 $0x8880  }
0x2b2: {  	[tilespmem:s17], [sflag:$0x2] =	stream.indirect_vreg.gather [hbm4b:s6+s14], $0x80, v5, vm1, $0xb8;
	[tilespmem:$0x16080] =	vst v63  }
0x2b3: {  	s18 =	simm.s32 $0x8C80  }
0x2b4: {  	[tilespmem:s18], [sflag:$0x2] =	stream.indirect_vreg.gather [hbm4b:s3+s14], $0x80, v4, vm0, $0xb8;
	[tilespmem:$0x16080] =	vst v63  }
0x2b5: {  	s19 =	simm.s32 $0x9480  }
0x2b6: {  	[tilespmem:s19], [sflag:$0x2] =	stream.indirect_vreg.gather [hbm4b:s4+s14], $0x80, v4, vm0, $0xb8;
	[tilespmem:$0x16080] =	vst v63  }
0x2b7: {  	s16 =	simm.s32 $0x9C80  }
0x2b8: {  	[tilespmem:s16], [sflag:$0x2] =	stream.indirect_vreg.gather [hbm4b:s5+s14], $0x80, v4, vm0, $0xb8;
	[tilespmem:$0x16080] =	vst v63  }
0x2b9: {  	s17 =	simm.s32 $0xA480  }
0x2ba: {  	[tilespmem:s17], [sflag:$0x2] =	stream.indirect_vreg.gather [hbm4b:s6+s14], $0x80, v4, vm1, $0xb8;
	[tilespmem:$0x16080] =	vst v63  }
0x2bb: {  	v4 =	vld [tilespmem:$0x70];
	_ =	sdelay $0x4  }
0x2bc: {  	v5 =	vshll.u32 v4, $0x3  }
0x2bd: {  	v4 =	vand.u32 $0x7, v4;
	v5 =	vand.u32 $0xFFFFFFC0, v5  }
0x2be: {  	v4 =	vor.u32 v4, v5  }
0x2bf: {  	v5 =	vperm.xlane v4, v0;
	_ =	sdelay $0x1  }
0x2c0: {  	v5 =	vadd.s32 v1, v5;
	_ =	sdelay $0x4  }
0x2c1: {  	[tilespmem:s20], [sflag:$0x2] =	stream.indirect_vreg.gather [hbm4b:s3+s14], $0x80, v5, vm0, $0xb8;
	[tilespmem:$0x16080] =	vst v63  }
0x2c2: {  	v4 =	vperm.xlane v4, v2  }
0x2c3: {  	[tilespmem:s21], [sflag:$0x2] =	stream.indirect_vreg.gather [hbm4b:s4+s14], $0x80, v5, vm0, $0xb8;
	[tilespmem:$0x16080] =	vst v63  }
0x2c4: {  	v4 =	vadd.s32 v1, v4  }
0x2c5: {  	[tilespmem:s22], [sflag:$0x2] =	stream.indirect_vreg.gather [hbm4b:s5+s14], $0x80, v5, vm0, $0xb8;
	[tilespmem:$0x16080] =	vst v63  }
0x2c6: {  	_ = 	snop  }
0x2c7: {  	[tilespmem:s23], [sflag:$0x2] =	stream.indirect_vreg.gather [hbm4b:s6+s14], $0x80, v5, vm1, $0xb8;
	[tilespmem:$0x16080] =	vst v63  }
0x2c8: {  	s18 =	simm.s32 $0x0  }
0x2c9: {  	[tilespmem:s24], [sflag:$0x2] =	stream.indirect_vreg.gather [hbm4b:s3+s14], $0x80, v4, vm0, $0xb8;
	[tilespmem:$0x16080] =	vst v63  }
0x2ca: {  	s15 =	smul.u32 $0x7000, s18  }
0x2cb: {  	[tilespmem:s25], [sflag:$0x2] =	stream.indirect_vreg.gather [hbm4b:s4+s14], $0x80, v4, vm0, $0xb8;
	[tilespmem:$0x16080] =	vst v63  }
0x2cc: {  	s19 =	sand.u32 $0x380, s14;
	s15 =	sshra.s32 s15, $0x2  }
0x2cd: {  	[tilespmem:s26], [sflag:$0x2] =	stream.indirect_vreg.gather [hbm4b:s5+s14], $0x80, v4, vm0, $0xb8;
	[tilespmem:$0x16080] =	vst v63  }
0x2ce: {  	s15 =	sor.u32 s19, s15  }
0x2cf: {  	[tilespmem:s28], [sflag:$0x2] =	stream.indirect_vreg.gather [hbm4b:s6+s14], $0x80, v4, vm1, $0xb8;
	[tilespmem:$0x16080] =	vst v63  }
0x2d0: {  	v4 =	vld [tilespmem:s15+$0x80]  }
0x2d1: {  	v5 =	vld [tilespmem:s15+$0x1080];
	_ =	sdelay $0x2  }
0x2d2: {  	s17 =	simm.s32 $0x0  }
0x2d3: {  	s17 =	sand.u32 $0x3FFFF000, s17  }
0x2d4: {  	s16 =	sor.u32 s19, s17;
	v4 =	vpack.i.f32.bf16 v5, v4  }
0x2d5: {  	[tilespmem:s16+$0xE080] =	vst v4  }
0x2d6: {  	v4 =	vld [tilespmem:s15+$0x90]  }
0x2d7: {  	v5 =	vld [tilespmem:s15+$0x1090];
	_ =	sdelay $0x4  }
0x2d8: {  	v4 =	vpack.i.f32.bf16 v5, v4  }
0x2d9: {  	[tilespmem:s16+$0xE090] =	vst v4  }
0x2da: {  	v4 =	vld [tilespmem:s15+$0xA0]  }
0x2db: {  	v5 =	vld [tilespmem:s15+$0x10A0];
	_ =	sdelay $0x4  }
0x2dc: {  	v4 =	vpack.i.f32.bf16 v5, v4  }
0x2dd: {  	[tilespmem:s16+$0xE0A0] =	vst v4  }
0x2de: {  	v4 =	vld [tilespmem:s15+$0xB0]  }
0x2df: {  	v5 =	vld [tilespmem:s15+$0x10B0];
	_ =	sdelay $0x4  }
0x2e0: {  	v4 =	vpack.i.f32.bf16 v5, v4  }
0x2e1: {  	[tilespmem:s16+$0xE0B0] =	vst v4  }
0x2e2: {  	v4 =	vld [tilespmem:s15+$0xC0]  }
0x2e3: {  	v5 =	vld [tilespmem:s15+$0x10C0];
	_ =	sdelay $0x4  }
0x2e4: {  	v4 =	vpack.i.f32.bf16 v5, v4  }
0x2e5: {  	[tilespmem:s16+$0xE0C0] =	vst v4  }
0x2e6: {  	v4 =	vld [tilespmem:s15+$0xD0]  }
0x2e7: {  	v5 =	vld [tilespmem:s15+$0x10D0];
	_ =	sdelay $0x4  }
0x2e8: {  	v4 =	vpack.i.f32.bf16 v5, v4  }
0x2e9: {  	[tilespmem:s16+$0xE0D0] =	vst v4  }
0x2ea: {  	v4 =	vld [tilespmem:s15+$0xE0]  }
0x2eb: {  	v5 =	vld [tilespmem:s15+$0x10E0];
	_ =	sdelay $0x4  }
0x2ec: {  	v4 =	vpack.i.f32.bf16 v5, v4  }
0x2ed: {  	[tilespmem:s16+$0xE0E0] =	vst v4  }
0x2ee: {  	v4 =	vld [tilespmem:s15+$0xF0]  }
0x2ef: {  	v5 =	vld [tilespmem:s15+$0x10F0];
	_ =	sdelay $0x4  }
0x2f0: {  	v4 =	vpack.i.f32.bf16 v5, v4  }
0x2f1: {  	[tilespmem:s16+$0xE0F0] =	vst v4  }
0x2f2: {  	v4 =	vld [tilespmem:s15+$0x480]  }
0x2f3: {  	v5 =	vld [tilespmem:s15+$0x1480];
	_ =	sdelay $0x4  }
0x2f4: {  	v4 =	vpack.i.f32.bf16 v5, v4  }
0x2f5: {  	[tilespmem:s16+$0xE480] =	vst v4  }
0x2f6: {  	v4 =	vld [tilespmem:s15+$0x490]  }
0x2f7: {  	v5 =	vld [tilespmem:s15+$0x1490];
	_ =	sdelay $0x4  }
0x2f8: {  	v4 =	vpack.i.f32.bf16 v5, v4  }
0x2f9: {  	[tilespmem:s16+$0xE490] =	vst v4  }
0x2fa: {  	v4 =	vld [tilespmem:s15+$0x4A0]  }
0x2fb: {  	v5 =	vld [tilespmem:s15+$0x14A0];
	_ =	sdelay $0x4  }
0x2fc: {  	v4 =	vpack.i.f32.bf16 v5, v4  }
0x2fd: {  	[tilespmem:s16+$0xE4A0] =	vst v4  }
0x2fe: {  	v4 =	vld [tilespmem:s15+$0x4B0]  }
0x2ff: {  	v5 =	vld [tilespmem:s15+$0x14B0];
	_ =	sdelay $0x4  }
0x300: {  	v4 =	vpack.i.f32.bf16 v5, v4  }
0x301: {  	[tilespmem:s16+$0xE4B0] =	vst v4  }
0x302: {  	v4 =	vld [tilespmem:s15+$0x4C0]  }
0x303: {  	v5 =	vld [tilespmem:s15+$0x14C0];
	_ =	sdelay $0x4  }
0x304: {  	v4 =	vpack.i.f32.bf16 v5, v4  }
0x305: {  	[tilespmem:s16+$0xE4C0] =	vst v4  }
0x306: {  	v4 =	vld [tilespmem:s15+$0x4D0]  }
0x307: {  	v5 =	vld [tilespmem:s15+$0x14D0];
	_ =	sdelay $0x4  }
0x308: {  	v4 =	vpack.i.f32.bf16 v5, v4  }
0x309: {  	[tilespmem:s16+$0xE4D0] =	vst v4  }
0x30a: {  	v4 =	vld [tilespmem:s15+$0x4E0]  }
0x30b: {  	v5 =	vld [tilespmem:s15+$0x14E0];
	_ =	sdelay $0x4  }
0x30c: {  	v4 =	vpack.i.f32.bf16 v5, v4  }
0x30d: {  	[tilespmem:s16+$0xE4E0] =	vst v4  }
0x30e: {  	v4 =	vld [tilespmem:s15+$0x4F0]  }
0x30f: {  	v5 =	vld [tilespmem:s15+$0x14F0];
	_ =	sdelay $0x4  }
0x310: {  	v4 =	vpack.i.f32.bf16 v5, v4  }
0x311: {  	[tilespmem:s16+$0xE4F0] =	vst v4  }
0x312: {  	v4 =	vld [tilespmem:s15+$0x880]  }
0x313: {  	v5 =	vld [tilespmem:s15+$0x1880];
	_ =	sdelay $0x4  }
0x314: {  	v4 =	vpack.i.f32.bf16 v5, v4  }
0x315: {  	[tilespmem:s16+$0xE880] =	vst v4  }
0x316: {  	v4 =	vld [tilespmem:s15+$0x890]  }
0x317: {  	v5 =	vld [tilespmem:s15+$0x1890];
	_ =	sdelay $0x4  }
0x318: {  	v4 =	vpack.i.f32.bf16 v5, v4  }
0x319: {  	[tilespmem:s16+$0xE890] =	vst v4  }
0x31a: {  	v4 =	vld [tilespmem:s15+$0x8A0]  }
0x31b: {  	v5 =	vld [tilespmem:s15+$0x18A0];
	_ =	sdelay $0x4  }
0x31c: {  	v4 =	vpack.i.f32.bf16 v5, v4  }
0x31d: {  	[tilespmem:s16+$0xE8A0] =	vst v4  }
0x31e: {  	v4 =	vld [tilespmem:s15+$0x8B0]  }
0x31f: {  	v5 =	vld [tilespmem:s15+$0x18B0];
	_ =	sdelay $0x4  }
0x320: {  	v4 =	vpack.i.f32.bf16 v5, v4  }
0x321: {  	[tilespmem:s16+$0xE8B0] =	vst v4  }
0x322: {  	v4 =	vld [tilespmem:s15+$0x8C0]  }
0x323: {  	v5 =	vld [tilespmem:s15+$0x18C0];
	_ =	sdelay $0x4  }
0x324: {  	v4 =	vpack.i.f32.bf16 v5, v4  }
0x325: {  	[tilespmem:s16+$0xE8C0] =	vst v4  }
0x326: {  	v4 =	vld [tilespmem:s15+$0x8D0]  }
0x327: {  	v5 =	vld [tilespmem:s15+$0x18D0];
	_ =	sdelay $0x4  }
0x328: {  	v4 =	vpack.i.f32.bf16 v5, v4  }
0x329: {  	[tilespmem:s16+$0xE8D0] =	vst v4  }
0x32a: {  	v4 =	vld [tilespmem:s15+$0x8E0]  }
0x32b: {  	v5 =	vld [tilespmem:s15+$0x18E0];
	_ =	sdelay $0x4  }
0x32c: {  	v4 =	vpack.i.f32.bf16 v5, v4  }
0x32d: {  	[tilespmem:s16+$0xE8E0] =	vst v4  }
0x32e: {  	v4 =	vld [tilespmem:s15+$0x8F0]  }
0x32f: {  	v5 =	vld [tilespmem:s15+$0x18F0];
	_ =	sdelay $0x4  }
0x330: {  	v4 =	vpack.i.f32.bf16 v5, v4  }
0x331: {  	[tilespmem:s16+$0xE8F0] =	vst v4  }
0x332: {  	v4 =	vld [tilespmem:s15+$0xC80];
	_ =	sdelay $0x4  }
0x333: {  	v4 =	vpack.i.f32.bf16 v3, v4  }
0x334: {  	[tilespmem:s16+$0xEC80] =	vst v4  }
0x335: {  	v4 =	vld [tilespmem:s15+$0xC90];
	_ =	sdelay $0x4  }
0x336: {  	v4 =	vpack.i.f32.bf16 v3, v4  }
0x337: {  	[tilespmem:s16+$0xEC90] =	vst v4  }
0x338: {  	v4 =	vld [tilespmem:s15+$0xCA0];
	_ =	sdelay $0x4  }
0x339: {  	v4 =	vpack.i.f32.bf16 v3, v4  }
0x33a: {  	[tilespmem:s16+$0xECA0] =	vst v4  }
0x33b: {  	v4 =	vld [tilespmem:s15+$0xCB0];
	_ =	sdelay $0x4  }
0x33c: {  	v4 =	vpack.i.f32.bf16 v3, v4  }
0x33d: {  	[tilespmem:s16+$0xECB0] =	vst v4  }
0x33e: {  	s17 =	simm.s32 $0x1;
	v4 =	vld [tilespmem:s15+$0xCC0]  }
.LBB2_6:
0x33f: {  	_ = 	snop  }
0x340: {  	p0 =	sne.s32 s17, $0x1F  }
0x341: {  	s14 =	sadd.s32 $0x80, s14;
	s18 =	smov.u32 s17;
	s17 =	sadd.s32 $0x1, s17  }
0x342: {  	_ = 	snop  }
0x343: {  	v4 =	vpack.i.f32.bf16 v3, v4  }
0x344: {  	[tilespmem:s16+$0xECC0] =	vst v4  }
0x345: {  	v4 =	vld [tilespmem:s15+$0xCD0];
	_ =	sdelay $0x4  }
0x346: {  	v4 =	vpack.i.f32.bf16 v3, v4  }
0x347: {  	[tilespmem:s16+$0xECD0] =	vst v4  }
0x348: {  	v4 =	vld [tilespmem:s15+$0xCE0];
	_ =	sdelay $0x4  }
0x349: {  	v4 =	vpack.i.f32.bf16 v3, v4  }
0x34a: {  	[tilespmem:s16+$0xECE0] =	vst v4  }
0x34b: {  	v4 =	vld [tilespmem:s15+$0xCF0];
	_ =	sdelay $0x1  }
0x34c: {  	s15 =	sshrl.u32 s18, $0x3  }
0x34d: {  	s15 =	smul.u32 $0x7000, s15;
	_ =	sdelay $0x1  }
0x34e: {  	s19 =	sand.u32 $0x380, s14;
	s15 =	sshra.s32 s15, $0x2;
	v4 =	vpack.i.f32.bf16 v3, v4  }
0x34f: {  	s15 =	sor.u32 s19, s15;
	[tilespmem:s16+$0xECF0] =	vst v4  }
0x350: {  	v4 =	vld [tilespmem:s15+$0x80]  }
0x351: {  	v5 =	vld [tilespmem:s15+$0x1080];
	_ =	sdelay $0x1  }
0x352: {  	s16 =	sshll.u32 s18, $0x9  }
0x353: {  	s16 =	sand.u32 $0x3FFFF000, s16  }
0x354: {  	s16 =	sor.u32 s19, s16  }
0x355: {  	v4 =	vpack.i.f32.bf16 v5, v4  }
0x356: {  	[tilespmem:s16+$0xE080] =	vst v4  }
0x357: {  	v4 =	vld [tilespmem:s15+$0x90]  }
0x358: {  	v5 =	vld [tilespmem:s15+$0x1090];
	_ =	sdelay $0x4  }
0x359: {  	v4 =	vpack.i.f32.bf16 v5, v4  }
0x35a: {  	[tilespmem:s16+$0xE090] =	vst v4  }
0x35b: {  	v4 =	vld [tilespmem:s15+$0xA0]  }
0x35c: {  	v5 =	vld [tilespmem:s15+$0x10A0];
	_ =	sdelay $0x4  }
0x35d: {  	v4 =	vpack.i.f32.bf16 v5, v4  }
0x35e: {  	[tilespmem:s16+$0xE0A0] =	vst v4  }
0x35f: {  	v4 =	vld [tilespmem:s15+$0xB0]  }
0x360: {  	v5 =	vld [tilespmem:s15+$0x10B0];
	_ =	sdelay $0x4  }
0x361: {  	v4 =	vpack.i.f32.bf16 v5, v4  }
0x362: {  	[tilespmem:s16+$0xE0B0] =	vst v4  }
0x363: {  	v4 =	vld [tilespmem:s15+$0xC0]  }
0x364: {  	v5 =	vld [tilespmem:s15+$0x10C0];
	_ =	sdelay $0x4  }
0x365: {  	v4 =	vpack.i.f32.bf16 v5, v4  }
0x366: {  	[tilespmem:s16+$0xE0C0] =	vst v4  }
0x367: {  	v4 =	vld [tilespmem:s15+$0xD0]  }
0x368: {  	v5 =	vld [tilespmem:s15+$0x10D0];
	_ =	sdelay $0x4  }
0x369: {  	v4 =	vpack.i.f32.bf16 v5, v4  }
0x36a: {  	[tilespmem:s16+$0xE0D0] =	vst v4  }
0x36b: {  	v4 =	vld [tilespmem:s15+$0xE0]  }
0x36c: {  	v5 =	vld [tilespmem:s15+$0x10E0];
	_ =	sdelay $0x4  }
0x36d: {  	v4 =	vpack.i.f32.bf16 v5, v4  }
0x36e: {  	[tilespmem:s16+$0xE0E0] =	vst v4  }
0x36f: {  	v4 =	vld [tilespmem:s15+$0xF0]  }
0x370: {  	v5 =	vld [tilespmem:s15+$0x10F0];
	_ =	sdelay $0x4  }
0x371: {  	v4 =	vpack.i.f32.bf16 v5, v4  }
0x372: {  	[tilespmem:s16+$0xE0F0] =	vst v4  }
0x373: {  	v4 =	vld [tilespmem:s15+$0x480]  }
0x374: {  	v5 =	vld [tilespmem:s15+$0x1480];
	_ =	sdelay $0x4  }
0x375: {  	v4 =	vpack.i.f32.bf16 v5, v4  }
0x376: {  	[tilespmem:s16+$0xE480] =	vst v4  }
0x377: {  	v4 =	vld [tilespmem:s15+$0x490]  }
0x378: {  	v5 =	vld [tilespmem:s15+$0x1490];
	_ =	sdelay $0x4  }
0x379: {  	v4 =	vpack.i.f32.bf16 v5, v4  }
0x37a: {  	[tilespmem:s16+$0xE490] =	vst v4  }
0x37b: {  	v4 =	vld [tilespmem:s15+$0x4A0]  }
0x37c: {  	v5 =	vld [tilespmem:s15+$0x14A0];
	_ =	sdelay $0x4  }
0x37d: {  	v4 =	vpack.i.f32.bf16 v5, v4  }
0x37e: {  	[tilespmem:s16+$0xE4A0] =	vst v4  }
0x37f: {  	v4 =	vld [tilespmem:s15+$0x4B0]  }
0x380: {  	v5 =	vld [tilespmem:s15+$0x14B0];
	_ =	sdelay $0x4  }
0x381: {  	v4 =	vpack.i.f32.bf16 v5, v4  }
0x382: {  	[tilespmem:s16+$0xE4B0] =	vst v4  }
0x383: {  	v4 =	vld [tilespmem:s15+$0x4C0]  }
0x384: {  	v5 =	vld [tilespmem:s15+$0x14C0];
	_ =	sdelay $0x4  }
0x385: {  	v4 =	vpack.i.f32.bf16 v5, v4  }
0x386: {  	[tilespmem:s16+$0xE4C0] =	vst v4  }
0x387: {  	v4 =	vld [tilespmem:s15+$0x4D0]  }
0x388: {  	v5 =	vld [tilespmem:s15+$0x14D0];
	_ =	sdelay $0x4  }
0x389: {  	v4 =	vpack.i.f32.bf16 v5, v4  }
0x38a: {  	[tilespmem:s16+$0xE4D0] =	vst v4  }
0x38b: {  	v4 =	vld [tilespmem:s15+$0x4E0]  }
0x38c: {  	v5 =	vld [tilespmem:s15+$0x14E0];
	_ =	sdelay $0x4  }
0x38d: {  	v4 =	vpack.i.f32.bf16 v5, v4  }
0x38e: {  	[tilespmem:s16+$0xE4E0] =	vst v4  }
0x38f: {  	v4 =	vld [tilespmem:s15+$0x4F0]  }
0x390: {  	v5 =	vld [tilespmem:s15+$0x14F0];
	_ =	sdelay $0x4  }
0x391: {  	v4 =	vpack.i.f32.bf16 v5, v4  }
0x392: {  	[tilespmem:s16+$0xE4F0] =	vst v4  }
0x393: {  	v4 =	vld [tilespmem:s15+$0x880]  }
0x394: {  	v5 =	vld [tilespmem:s15+$0x1880];
	_ =	sdelay $0x4  }
0x395: {  	v4 =	vpack.i.f32.bf16 v5, v4  }
0x396: {  	[tilespmem:s16+$0xE880] =	vst v4  }
0x397: {  	v4 =	vld [tilespmem:s15+$0x890]  }
0x398: {  	v5 =	vld [tilespmem:s15+$0x1890];
	_ =	sdelay $0x4  }
0x399: {  	v4 =	vpack.i.f32.bf16 v5, v4  }
0x39a: {  	[tilespmem:s16+$0xE890] =	vst v4  }
0x39b: {  	v4 =	vld [tilespmem:s15+$0x8A0]  }
0x39c: {  	v5 =	vld [tilespmem:s15+$0x18A0];
	_ =	sdelay $0x4  }
0x39d: {  	v4 =	vpack.i.f32.bf16 v5, v4  }
0x39e: {  	[tilespmem:s16+$0xE8A0] =	vst v4  }
0x39f: {  	v4 =	vld [tilespmem:s15+$0x8B0]  }
0x3a0: {  	v5 =	vld [tilespmem:s15+$0x18B0];
	_ =	sdelay $0x4  }
0x3a1: {  	v4 =	vpack.i.f32.bf16 v5, v4  }
0x3a2: {  	[tilespmem:s16+$0xE8B0] =	vst v4  }
0x3a3: {  	v4 =	vld [tilespmem:s15+$0x8C0]  }
0x3a4: {  	v5 =	vld [tilespmem:s15+$0x18C0];
	_ =	sdelay $0x4  }
0x3a5: {  	v4 =	vpack.i.f32.bf16 v5, v4  }
0x3a6: {  	[tilespmem:s16+$0xE8C0] =	vst v4  }
0x3a7: {  	v4 =	vld [tilespmem:s15+$0x8D0]  }
0x3a8: {  	v5 =	vld [tilespmem:s15+$0x18D0];
	_ =	sdelay $0x4  }
0x3a9: {  	v4 =	vpack.i.f32.bf16 v5, v4  }
0x3aa: {  	[tilespmem:s16+$0xE8D0] =	vst v4  }
0x3ab: {  	v4 =	vld [tilespmem:s15+$0x8E0]  }
0x3ac: {  	v5 =	vld [tilespmem:s15+$0x18E0];
	_ =	sdelay $0x4  }
0x3ad: {  	v4 =	vpack.i.f32.bf16 v5, v4  }
0x3ae: {  	[tilespmem:s16+$0xE8E0] =	vst v4  }
0x3af: {  	v4 =	vld [tilespmem:s15+$0x8F0]  }
0x3b0: {  	v5 =	vld [tilespmem:s15+$0x18F0];
	_ =	sdelay $0x4  }
0x3b1: {  	v4 =	vpack.i.f32.bf16 v5, v4  }
0x3b2: {  	[tilespmem:s16+$0xE8F0] =	vst v4  }
0x3b3: {  	v4 =	vld [tilespmem:s15+$0xC80];
	_ =	sdelay $0x4  }
0x3b4: {  	v4 =	vpack.i.f32.bf16 v3, v4  }
0x3b5: {  	[tilespmem:s16+$0xEC80] =	vst v4  }
0x3b6: {  	v4 =	vld [tilespmem:s15+$0xC90];
	_ =	sdelay $0x4  }
0x3b7: {  	v4 =	vpack.i.f32.bf16 v3, v4  }
0x3b8: {  	[tilespmem:s16+$0xEC90] =	vst v4  }
0x3b9: {  	v4 =	vld [tilespmem:s15+$0xCA0];
	_ =	sdelay $0x4  }
0x3ba: {  	v4 =	vpack.i.f32.bf16 v3, v4  }
0x3bb: {  	[tilespmem:s16+$0xECA0] =	vst v4  }
0x3bc: {  	v4 =	vld [tilespmem:s15+$0xCB0];
	_ =	sdelay $0x2  }
.Ltmp2:
0x3bd: {  	(pc) =	sbr.rel @p0 .LBB2_6-.Ltmp2, $4  }
0x3be: {  	_ = 	snop  }
0x3bf: {  	v4 =	vpack.i.f32.bf16 v3, v4  }
0x3c0: {  	[tilespmem:s16+$0xECB0] =	vst v4  }
0x3c1: {  	v4 =	vld [tilespmem:s15+$0xCC0]  }
0x3c2: {  	_ =	sdelay $0x3  }
0x3c3: {  	v4 =	vpack.i.f32.bf16 v3, v4  }
0x3c4: {  	[tilespmem:s16+$0xECC0] =	vst v4  }
0x3c5: {  	v4 =	vld [tilespmem:s15+$0xCD0];
	_ =	sdelay $0x4  }
0x3c6: {  	v4 =	vpack.i.f32.bf16 v3, v4  }
0x3c7: {  	[tilespmem:s16+$0xECD0] =	vst v4  }
0x3c8: {  	v4 =	vld [tilespmem:s15+$0xCE0];
	_ =	sdelay $0x4  }
0x3c9: {  	v4 =	vpack.i.f32.bf16 v3, v4  }
0x3ca: {  	[tilespmem:s16+$0xECE0] =	vst v4  }
0x3cb: {  	v4 =	vld [tilespmem:s15+$0xCF0];
	_ =	sdelay $0x4  }
0x3cc: {  	v4 =	vpack.i.f32.bf16 v3, v4  }
0x3cd: {  	s14 =	simm.s32 $0x0;
	[tilespmem:s16+$0xECF0] =	vst v4  }
0x3ce: {  	[hbm4b:s10+s14] =	stream.linear.scatter [tilespmem:s29], [sflag:$0x3], $0x4000, $0x38;
	[tilespmem:$0x16080] =	vst v63  }
0x3cf: {  	_ =	swait.ge [sflag:s13], $0x4000  }
0x3d0: {  	s18 =	simm.s32 $0x0;
	[sflag:s13] =	ssyncset.done $0x0  }
0x3d1: {  	s15 =	smul.u32 $0x7000, s18;
	[sflag:s13] =	ssyncadd.s32 $0xFFFFC000  }
0x3d2: {  	_ =	swait.ge [sflag:s30], $0x7000  }
0x3d3: {  	s19 =	sand.u32 $0x380, s14;
	s15 =	sshra.s32 s15, $0x2;
	[sflag:s30] =	ssyncset.done $0x0  }
0x3d4: {  	s15 =	sor.u32 s19, s15;
	[sflag:s30] =	ssyncadd.s32 $0xFFFF9000  }
0x3d5: {  	v4 =	vld [tilespmem:s15+$0x7080]  }
0x3d6: {  	v5 =	vld [tilespmem:s15+$0x8080];
	_ =	sdelay $0x2  }
0x3d7: {  	s17 =	simm.s32 $0x0  }
0x3d8: {  	s17 =	sand.u32 $0x3FFFF000, s17  }
0x3d9: {  	s16 =	sor.u32 s19, s17;
	v4 =	vpack.i.f32.bf16 v5, v4  }
0x3da: {  	[tilespmem:s16+$0x12080] =	vst v4  }
0x3db: {  	v4 =	vld [tilespmem:s15+$0x7090]  }
0x3dc: {  	v5 =	vld [tilespmem:s15+$0x8090];
	_ =	sdelay $0x4  }
0x3dd: {  	s16 =	sadd.s32 $0x12080, s16;
	v4 =	vpack.i.f32.bf16 v5, v4  }
0x3de: {  	[tilespmem:s16+$0x10] =	vst v4  }
0x3df: {  	v4 =	vld [tilespmem:s15+$0x70A0]  }
0x3e0: {  	v5 =	vld [tilespmem:s15+$0x80A0];
	_ =	sdelay $0x4  }
0x3e1: {  	v4 =	vpack.i.f32.bf16 v5, v4  }
0x3e2: {  	[tilespmem:s16+$0x20] =	vst v4  }
0x3e3: {  	v4 =	vld [tilespmem:s15+$0x70B0]  }
0x3e4: {  	v5 =	vld [tilespmem:s15+$0x80B0];
	_ =	sdelay $0x4  }
0x3e5: {  	v4 =	vpack.i.f32.bf16 v5, v4  }
0x3e6: {  	[tilespmem:s16+$0x30] =	vst v4  }
0x3e7: {  	v4 =	vld [tilespmem:s15+$0x70C0]  }
0x3e8: {  	v5 =	vld [tilespmem:s15+$0x80C0];
	_ =	sdelay $0x4  }
0x3e9: {  	v4 =	vpack.i.f32.bf16 v5, v4  }
0x3ea: {  	[tilespmem:s16+$0x40] =	vst v4  }
0x3eb: {  	v4 =	vld [tilespmem:s15+$0x70D0]  }
0x3ec: {  	v5 =	vld [tilespmem:s15+$0x80D0];
	_ =	sdelay $0x4  }
0x3ed: {  	v4 =	vpack.i.f32.bf16 v5, v4  }
0x3ee: {  	[tilespmem:s16+$0x50] =	vst v4  }
0x3ef: {  	v4 =	vld [tilespmem:s15+$0x70E0]  }
0x3f0: {  	v5 =	vld [tilespmem:s15+$0x80E0];
	_ =	sdelay $0x4  }
0x3f1: {  	v4 =	vpack.i.f32.bf16 v5, v4  }
0x3f2: {  	[tilespmem:s16+$0x60] =	vst v4  }
0x3f3: {  	v4 =	vld [tilespmem:s15+$0x70F0]  }
0x3f4: {  	v5 =	vld [tilespmem:s15+$0x80F0];
	_ =	sdelay $0x4  }
0x3f5: {  	v4 =	vpack.i.f32.bf16 v5, v4  }
0x3f6: {  	[tilespmem:s16+$0x70] =	vst v4  }
0x3f7: {  	v4 =	vld [tilespmem:s15+$0x7480]  }
0x3f8: {  	v5 =	vld [tilespmem:s15+$0x8480];
	_ =	sdelay $0x4  }
0x3f9: {  	v4 =	vpack.i.f32.bf16 v5, v4  }
0x3fa: {  	[tilespmem:s16+$0x400] =	vst v4  }
0x3fb: {  	v4 =	vld [tilespmem:s15+$0x7490]  }
0x3fc: {  	v5 =	vld [tilespmem:s15+$0x8490];
	_ =	sdelay $0x4  }
0x3fd: {  	v4 =	vpack.i.f32.bf16 v5, v4  }
0x3fe: {  	[tilespmem:s16+$0x410] =	vst v4  }
0x3ff: {  	v4 =	vld [tilespmem:s15+$0x74A0]  }
0x400: {  	v5 =	vld [tilespmem:s15+$0x84A0];
	_ =	sdelay $0x4  }
0x401: {  	v4 =	vpack.i.f32.bf16 v5, v4  }
0x402: {  	[tilespmem:s16+$0x420] =	vst v4  }
0x403: {  	v4 =	vld [tilespmem:s15+$0x74B0]  }
0x404: {  	v5 =	vld [tilespmem:s15+$0x84B0];
	_ =	sdelay $0x4  }
0x405: {  	v4 =	vpack.i.f32.bf16 v5, v4  }
0x406: {  	[tilespmem:s16+$0x430] =	vst v4  }
0x407: {  	v4 =	vld [tilespmem:s15+$0x74C0]  }
0x408: {  	v5 =	vld [tilespmem:s15+$0x84C0];
	_ =	sdelay $0x4  }
0x409: {  	v4 =	vpack.i.f32.bf16 v5, v4  }
0x40a: {  	[tilespmem:s16+$0x440] =	vst v4  }
0x40b: {  	v4 =	vld [tilespmem:s15+$0x74D0]  }
0x40c: {  	v5 =	vld [tilespmem:s15+$0x84D0];
	_ =	sdelay $0x4  }
0x40d: {  	v4 =	vpack.i.f32.bf16 v5, v4  }
0x40e: {  	[tilespmem:s16+$0x450] =	vst v4  }
0x40f: {  	v4 =	vld [tilespmem:s15+$0x74E0]  }
0x410: {  	v5 =	vld [tilespmem:s15+$0x84E0];
	_ =	sdelay $0x4  }
0x411: {  	v4 =	vpack.i.f32.bf16 v5, v4  }
0x412: {  	[tilespmem:s16+$0x460] =	vst v4  }
0x413: {  	v4 =	vld [tilespmem:s15+$0x74F0]  }
0x414: {  	v5 =	vld [tilespmem:s15+$0x84F0];
	_ =	sdelay $0x4  }
0x415: {  	v4 =	vpack.i.f32.bf16 v5, v4  }
0x416: {  	[tilespmem:s16+$0x470] =	vst v4  }
0x417: {  	v4 =	vld [tilespmem:s15+$0x7880]  }
0x418: {  	v5 =	vld [tilespmem:s15+$0x8880];
	_ =	sdelay $0x4  }
0x419: {  	v4 =	vpack.i.f32.bf16 v5, v4  }
0x41a: {  	[tilespmem:s16+$0x800] =	vst v4  }
0x41b: {  	v4 =	vld [tilespmem:s15+$0x7890]  }
0x41c: {  	v5 =	vld [tilespmem:s15+$0x8890];
	_ =	sdelay $0x4  }
0x41d: {  	v4 =	vpack.i.f32.bf16 v5, v4  }
0x41e: {  	[tilespmem:s16+$0x810] =	vst v4  }
0x41f: {  	v4 =	vld [tilespmem:s15+$0x78A0]  }
0x420: {  	v5 =	vld [tilespmem:s15+$0x88A0];
	_ =	sdelay $0x4  }
0x421: {  	v4 =	vpack.i.f32.bf16 v5, v4  }
0x422: {  	[tilespmem:s16+$0x820] =	vst v4  }
0x423: {  	v4 =	vld [tilespmem:s15+$0x78B0]  }
0x424: {  	v5 =	vld [tilespmem:s15+$0x88B0];
	_ =	sdelay $0x4  }
0x425: {  	v4 =	vpack.i.f32.bf16 v5, v4  }
0x426: {  	[tilespmem:s16+$0x830] =	vst v4  }
0x427: {  	v4 =	vld [tilespmem:s15+$0x78C0]  }
0x428: {  	v5 =	vld [tilespmem:s15+$0x88C0];
	_ =	sdelay $0x4  }
0x429: {  	v4 =	vpack.i.f32.bf16 v5, v4  }
0x42a: {  	[tilespmem:s16+$0x840] =	vst v4  }
0x42b: {  	v4 =	vld [tilespmem:s15+$0x78D0]  }
0x42c: {  	v5 =	vld [tilespmem:s15+$0x88D0];
	_ =	sdelay $0x4  }
0x42d: {  	v4 =	vpack.i.f32.bf16 v5, v4  }
0x42e: {  	[tilespmem:s16+$0x850] =	vst v4  }
0x42f: {  	v4 =	vld [tilespmem:s15+$0x78E0]  }
0x430: {  	v5 =	vld [tilespmem:s15+$0x88E0];
	_ =	sdelay $0x4  }
0x431: {  	v4 =	vpack.i.f32.bf16 v5, v4  }
0x432: {  	[tilespmem:s16+$0x860] =	vst v4  }
0x433: {  	v4 =	vld [tilespmem:s15+$0x78F0]  }
0x434: {  	v5 =	vld [tilespmem:s15+$0x88F0];
	_ =	sdelay $0x4  }
0x435: {  	v4 =	vpack.i.f32.bf16 v5, v4  }
0x436: {  	[tilespmem:s16+$0x870] =	vst v4  }
0x437: {  	v4 =	vld [tilespmem:s15+$0x7C80];
	_ =	sdelay $0x4  }
0x438: {  	v4 =	vpack.i.f32.bf16 v3, v4  }
0x439: {  	[tilespmem:s16+$0xC00] =	vst v4  }
0x43a: {  	v4 =	vld [tilespmem:s15+$0x7C90];
	_ =	sdelay $0x4  }
0x43b: {  	v4 =	vpack.i.f32.bf16 v3, v4  }
0x43c: {  	[tilespmem:s16+$0xC10] =	vst v4  }
0x43d: {  	v4 =	vld [tilespmem:s15+$0x7CA0];
	_ =	sdelay $0x4  }
0x43e: {  	v4 =	vpack.i.f32.bf16 v3, v4  }
0x43f: {  	[tilespmem:s16+$0xC20] =	vst v4  }
0x440: {  	v4 =	vld [tilespmem:s15+$0x7CB0];
	_ =	sdelay $0x4  }
0x441: {  	v4 =	vpack.i.f32.bf16 v3, v4  }
0x442: {  	[tilespmem:s16+$0xC30] =	vst v4  }
0x443: {  	s17 =	simm.s32 $0x1;
	v4 =	vld [tilespmem:s15+$0x7CC0]  }
.LBB2_8:
0x444: {  	_ = 	snop  }
0x445: {  	p0 =	sne.s32 s17, $0x1F  }
0x446: {  	s14 =	sadd.s32 $0x80, s14;
	s18 =	smov.u32 s17;
	s17 =	sadd.s32 $0x1, s17  }
0x447: {  	_ = 	snop  }
0x448: {  	v4 =	vpack.i.f32.bf16 v3, v4  }
0x449: {  	[tilespmem:s16+$0xC40] =	vst v4  }
0x44a: {  	v4 =	vld [tilespmem:s15+$0x7CD0];
	_ =	sdelay $0x4  }
0x44b: {  	v4 =	vpack.i.f32.bf16 v3, v4  }
0x44c: {  	[tilespmem:s16+$0xC50] =	vst v4  }
0x44d: {  	v4 =	vld [tilespmem:s15+$0x7CE0];
	_ =	sdelay $0x4  }
0x44e: {  	v4 =	vpack.i.f32.bf16 v3, v4  }
0x44f: {  	[tilespmem:s16+$0xC60] =	vst v4  }
0x450: {  	v4 =	vld [tilespmem:s15+$0x7CF0];
	_ =	sdelay $0x1  }
0x451: {  	s15 =	sshrl.u32 s18, $0x3  }
0x452: {  	s15 =	smul.u32 $0x7000, s15;
	_ =	sdelay $0x1  }
0x453: {  	s19 =	sand.u32 $0x380, s14;
	s15 =	sshra.s32 s15, $0x2;
	v4 =	vpack.i.f32.bf16 v3, v4  }
0x454: {  	s15 =	sor.u32 s19, s15;
	[tilespmem:s16+$0xC70] =	vst v4  }
0x455: {  	v4 =	vld [tilespmem:s15+$0x7080]  }
0x456: {  	v5 =	vld [tilespmem:s15+$0x8080];
	_ =	sdelay $0x1  }
0x457: {  	s16 =	sshll.u32 s18, $0x9  }
0x458: {  	s16 =	sand.u32 $0x3FFFF000, s16  }
0x459: {  	s16 =	sor.u32 s19, s16  }
0x45a: {  	v4 =	vpack.i.f32.bf16 v5, v4  }
0x45b: {  	[tilespmem:s16+$0x12080] =	vst v4  }
0x45c: {  	v4 =	vld [tilespmem:s15+$0x7090]  }
0x45d: {  	v5 =	vld [tilespmem:s15+$0x8090];
	_ =	sdelay $0x2  }
0x45e: {  	s16 =	sadd.s32 $0x12080, s16;
	_ =	sdelay $0x1  }
0x45f: {  	v4 =	vpack.i.f32.bf16 v5, v4  }
0x460: {  	[tilespmem:s16+$0x10] =	vst v4  }
0x461: {  	v4 =	vld [tilespmem:s15+$0x70A0]  }
0x462: {  	v5 =	vld [tilespmem:s15+$0x80A0];
	_ =	sdelay $0x4  }
0x463: {  	v4 =	vpack.i.f32.bf16 v5, v4  }
0x464: {  	[tilespmem:s16+$0x20] =	vst v4  }
0x465: {  	v4 =	vld [tilespmem:s15+$0x70B0]  }
0x466: {  	v5 =	vld [tilespmem:s15+$0x80B0];
	_ =	sdelay $0x4  }
0x467: {  	v4 =	vpack.i.f32.bf16 v5, v4  }
0x468: {  	[tilespmem:s16+$0x30] =	vst v4  }
0x469: {  	v4 =	vld [tilespmem:s15+$0x70C0]  }
0x46a: {  	v5 =	vld [tilespmem:s15+$0x80C0];
	_ =	sdelay $0x4  }
0x46b: {  	v4 =	vpack.i.f32.bf16 v5, v4  }
0x46c: {  	[tilespmem:s16+$0x40] =	vst v4  }
0x46d: {  	v4 =	vld [tilespmem:s15+$0x70D0]  }
0x46e: {  	v5 =	vld [tilespmem:s15+$0x80D0];
	_ =	sdelay $0x4  }
0x46f: {  	v4 =	vpack.i.f32.bf16 v5, v4  }
0x470: {  	[tilespmem:s16+$0x50] =	vst v4  }
0x471: {  	v4 =	vld [tilespmem:s15+$0x70E0]  }
0x472: {  	v5 =	vld [tilespmem:s15+$0x80E0];
	_ =	sdelay $0x4  }
0x473: {  	v4 =	vpack.i.f32.bf16 v5, v4  }
0x474: {  	[tilespmem:s16+$0x60] =	vst v4  }
0x475: {  	v4 =	vld [tilespmem:s15+$0x70F0]  }
0x476: {  	v5 =	vld [tilespmem:s15+$0x80F0];
	_ =	sdelay $0x4  }
0x477: {  	v4 =	vpack.i.f32.bf16 v5, v4  }
0x478: {  	[tilespmem:s16+$0x70] =	vst v4  }
0x479: {  	v4 =	vld [tilespmem:s15+$0x7480]  }
0x47a: {  	v5 =	vld [tilespmem:s15+$0x8480];
	_ =	sdelay $0x4  }
0x47b: {  	v4 =	vpack.i.f32.bf16 v5, v4  }
0x47c: {  	[tilespmem:s16+$0x400] =	vst v4  }
0x47d: {  	v4 =	vld [tilespmem:s15+$0x7490]  }
0x47e: {  	v5 =	vld [tilespmem:s15+$0x8490];
	_ =	sdelay $0x4  }
0x47f: {  	v4 =	vpack.i.f32.bf16 v5, v4  }
0x480: {  	[tilespmem:s16+$0x410] =	vst v4  }
0x481: {  	v4 =	vld [tilespmem:s15+$0x74A0]  }
0x482: {  	v5 =	vld [tilespmem:s15+$0x84A0];
	_ =	sdelay $0x4  }
0x483: {  	v4 =	vpack.i.f32.bf16 v5, v4  }
0x484: {  	[tilespmem:s16+$0x420] =	vst v4  }
0x485: {  	v4 =	vld [tilespmem:s15+$0x74B0]  }
0x486: {  	v5 =	vld [tilespmem:s15+$0x84B0];
	_ =	sdelay $0x4  }
0x487: {  	v4 =	vpack.i.f32.bf16 v5, v4  }
0x488: {  	[tilespmem:s16+$0x430] =	vst v4  }
0x489: {  	v4 =	vld [tilespmem:s15+$0x74C0]  }
0x48a: {  	v5 =	vld [tilespmem:s15+$0x84C0];
	_ =	sdelay $0x4  }
0x48b: {  	v4 =	vpack.i.f32.bf16 v5, v4  }
0x48c: {  	[tilespmem:s16+$0x440] =	vst v4  }
0x48d: {  	v4 =	vld [tilespmem:s15+$0x74D0]  }
0x48e: {  	v5 =	vld [tilespmem:s15+$0x84D0];
	_ =	sdelay $0x4  }
0x48f: {  	v4 =	vpack.i.f32.bf16 v5, v4  }
0x490: {  	[tilespmem:s16+$0x450] =	vst v4  }
0x491: {  	v4 =	vld [tilespmem:s15+$0x74E0]  }
0x492: {  	v5 =	vld [tilespmem:s15+$0x84E0];
	_ =	sdelay $0x4  }
0x493: {  	v4 =	vpack.i.f32.bf16 v5, v4  }
0x494: {  	[tilespmem:s16+$0x460] =	vst v4  }
0x495: {  	v4 =	vld [tilespmem:s15+$0x74F0]  }
0x496: {  	v5 =	vld [tilespmem:s15+$0x84F0];
	_ =	sdelay $0x4  }
0x497: {  	v4 =	vpack.i.f32.bf16 v5, v4  }
0x498: {  	[tilespmem:s16+$0x470] =	vst v4  }
0x499: {  	v4 =	vld [tilespmem:s15+$0x7880]  }
0x49a: {  	v5 =	vld [tilespmem:s15+$0x8880];
	_ =	sdelay $0x4  }
0x49b: {  	v4 =	vpack.i.f32.bf16 v5, v4  }
0x49c: {  	[tilespmem:s16+$0x800] =	vst v4  }
0x49d: {  	v4 =	vld [tilespmem:s15+$0x7890]  }
0x49e: {  	v5 =	vld [tilespmem:s15+$0x8890];
	_ =	sdelay $0x4  }
0x49f: {  	v4 =	vpack.i.f32.bf16 v5, v4  }
0x4a0: {  	[tilespmem:s16+$0x810] =	vst v4  }
0x4a1: {  	v4 =	vld [tilespmem:s15+$0x78A0]  }
0x4a2: {  	v5 =	vld [tilespmem:s15+$0x88A0];
	_ =	sdelay $0x4  }
0x4a3: {  	v4 =	vpack.i.f32.bf16 v5, v4  }
0x4a4: {  	[tilespmem:s16+$0x820] =	vst v4  }
0x4a5: {  	v4 =	vld [tilespmem:s15+$0x78B0]  }
0x4a6: {  	v5 =	vld [tilespmem:s15+$0x88B0];
	_ =	sdelay $0x4  }
0x4a7: {  	v4 =	vpack.i.f32.bf16 v5, v4  }
0x4a8: {  	[tilespmem:s16+$0x830] =	vst v4  }
0x4a9: {  	v4 =	vld [tilespmem:s15+$0x78C0]  }
0x4aa: {  	v5 =	vld [tilespmem:s15+$0x88C0];
	_ =	sdelay $0x4  }
0x4ab: {  	v4 =	vpack.i.f32.bf16 v5, v4  }
0x4ac: {  	[tilespmem:s16+$0x840] =	vst v4  }
0x4ad: {  	v4 =	vld [tilespmem:s15+$0x78D0]  }
0x4ae: {  	v5 =	vld [tilespmem:s15+$0x88D0];
	_ =	sdelay $0x4  }
0x4af: {  	v4 =	vpack.i.f32.bf16 v5, v4  }
0x4b0: {  	[tilespmem:s16+$0x850] =	vst v4  }
0x4b1: {  	v4 =	vld [tilespmem:s15+$0x78E0]  }
0x4b2: {  	v5 =	vld [tilespmem:s15+$0x88E0];
	_ =	sdelay $0x4  }
0x4b3: {  	v4 =	vpack.i.f32.bf16 v5, v4  }
0x4b4: {  	[tilespmem:s16+$0x860] =	vst v4  }
0x4b5: {  	v4 =	vld [tilespmem:s15+$0x78F0]  }
0x4b6: {  	v5 =	vld [tilespmem:s15+$0x88F0];
	_ =	sdelay $0x4  }
0x4b7: {  	v4 =	vpack.i.f32.bf16 v5, v4  }
0x4b8: {  	[tilespmem:s16+$0x870] =	vst v4  }
0x4b9: {  	v4 =	vld [tilespmem:s15+$0x7C80];
	_ =	sdelay $0x4  }
0x4ba: {  	v4 =	vpack.i.f32.bf16 v3, v4  }
0x4bb: {  	[tilespmem:s16+$0xC00] =	vst v4  }
0x4bc: {  	v4 =	vld [tilespmem:s15+$0x7C90];
	_ =	sdelay $0x4  }
0x4bd: {  	v4 =	vpack.i.f32.bf16 v3, v4  }
0x4be: {  	[tilespmem:s16+$0xC10] =	vst v4  }
0x4bf: {  	v4 =	vld [tilespmem:s15+$0x7CA0];
	_ =	sdelay $0x4  }
0x4c0: {  	v4 =	vpack.i.f32.bf16 v3, v4  }
0x4c1: {  	[tilespmem:s16+$0xC20] =	vst v4  }
0x4c2: {  	v4 =	vld [tilespmem:s15+$0x7CB0];
	_ =	sdelay $0x2  }
.Ltmp3:
0x4c3: {  	(pc) =	sbr.rel @p0 .LBB2_8-.Ltmp3, $4  }
0x4c4: {  	_ = 	snop  }
0x4c5: {  	v4 =	vpack.i.f32.bf16 v3, v4  }
0x4c6: {  	[tilespmem:s16+$0xC30] =	vst v4  }
0x4c7: {  	v4 =	vld [tilespmem:s15+$0x7CC0]  }
0x4c8: {  	_ =	sdelay $0x3  }
0x4c9: {  	v4 =	vpack.i.f32.bf16 v3, v4  }
0x4ca: {  	[tilespmem:s16+$0xC40] =	vst v4  }
0x4cb: {  	v4 =	vld [tilespmem:s15+$0x7CD0];
	_ =	sdelay $0x4  }
0x4cc: {  	v4 =	vpack.i.f32.bf16 v3, v4  }
0x4cd: {  	[tilespmem:s16+$0xC50] =	vst v4  }
0x4ce: {  	v4 =	vld [tilespmem:s15+$0x7CE0];
	_ =	sdelay $0x4  }
0x4cf: {  	v4 =	vpack.i.f32.bf16 v3, v4  }
0x4d0: {  	[tilespmem:s16+$0xC60] =	vst v4  }
0x4d1: {  	v4 =	vld [tilespmem:s15+$0x7CF0];
	_ =	sdelay $0x3  }
0x4d2: {  	s1 =	sadd.s32 $0x1, s1  }
0x4d3: {  	p0 =	sne.s32 s1, s12;
	v4 =	vpack.i.f32.bf16 v3, v4  }
.Ltmp4:
0x4d4: {  	[tilespmem:s16+$0xC70] =	vst v4;
	(pc) =	sbr.rel @p0 .LBB2_1-.Ltmp4, $4  }
0x4d5: {  	[hbm4b:s11+s2] =	stream.linear.scatter [tilespmem:s0], [sflag:$0x3], $0x4000, $0x38;
	[tilespmem:$0x16080] =	vst v63  }
0x4d6: {  	_ =	swait.ge [sflag:s13], $0x4000  }
0x4d7: {  	[sflag:s13] =	ssyncset.done $0x0  }
0x4d8: {  	[sflag:s13] =	ssyncadd.s32 $0xFFFFC000  }
0x4d9: {  	_ =	sfence.sel $0x180000  }
0x4da: {  	[bflag:$0x0] =	sbarrier.arrive $0xFFFF  }
0x4db: {  	_ =	strace $0x90000047  }
0x4dc: {  	s0 =	stileid.u32;
	[bflag:$0x2] =	sbarrier.arrive $0xFFFF  }
0x4dd: {  	p0 =	sne.s32 s0, $0x0;
	s0 =	rddreg [dreg:$0x2]  }
0x4de: {  	s0 =	sadd.s32 @!p0 $0x100000, s0  }
0x4df: {  	[sflag:s0] =	ssyncadd.tile.s32 @!p0 $0x1;
	_ =	shalt  }
.Lfunc_end2:
_tile_overlayer_lowered:
.L_overlay_start_2:
0x4e0: {  	(tag) =	ssettag $0x2  }
0x4e1: {  	s0 =	rddreg [dreg:$0x0];
	s2 =	stileid.u32  }
0x4e2: {  	s1 =	rddreg [dreg:$0x1];
	p0 =	sne.s32 s2, $0x0  }
0x4e3: {  	s3 =	rddreg [dreg:$0x2];
	[bflag:$0x3] =	sbarrier.arrive $0xFFFF;
	s2 =	simm.s32 @!p0 $0x1C03  }
0x4e4: {  	[timem:s3], [sflag:s2] =	dma.local @!p0 [hbm:s0], s1  }
0x4e5: {  	s0 =	simm.s32 @!p0 $0x3  }
0x4e6: {  	_ =	swait.ge @!p0 [sflag:s0], s1  }
0x4e7: {  	s1 =	ssub.s32 @!p0 $0x0, s1;
	[sflag:s0] =	ssyncset.done @!p0 $0x0  }
0x4e8: {  	[sflag:s0] =	ssyncadd.s32 @!p0 s1  }
0x4e9: {  	[bflag:$0x3] =	sbarrier.arrive $0xFFFF  }
0x4ea: {  	_ =	shalt  }

</sc_bundles>
